<compile_context>
chip_gen: v7x
topology: tpu7x:2x2x1
jax: 0.10.2.dev20260603
libtpu: 0.0.44.dev20260713+nightly
codegen_flags: <defaults>
</compile_context>

<pallas_src>
import functools

import jax
import jax.numpy as jnp
from jax import lax
from jax.experimental import pallas as pl
from jax.experimental.pallas import tpu as pltpu
from jax.experimental.pallas import tpu_sc as plsc

_N = 10000
_E = 320000
_NP = 10240
_RPT = 640
_EB = 80

_MESH = plsc.VectorSubcoreMesh(core_axis_name="c", subcore_axis_name="s")


def _fill(ref, value):
    if ref.ndim == 1:
        @pl.loop(0, ref.shape[0] // 16)
        def _(j):
            ref[pl.ds(j * 16, 16)] = jnp.full((16,), value, jnp.float32)
    else:
        rows, cols = ref.shape
        @pl.loop(0, rows)
        def _(i):
            @pl.loop(0, cols // 16)
            def _(j):
                ref[i, pl.ds(j * 16, 16)] = jnp.full((16,), value, jnp.float32)


def _make_deg_kernel():
    epw = _E // 32

    @functools.partial(
        pl.kernel,
        mesh=_MESH,
        out_type=jax.ShapeDtypeStruct((2, _NP), jnp.float32),
        scratch_types=[
            pltpu.VMEM((_EB,), jnp.int32),
            pltpu.VMEM((_EB,), jnp.int32),
            pltpu.VMEM((_EB,), jnp.float32),
            pltpu.VMEM((_RPT,), jnp.float32),
            pltpu.VMEM_SHARED((_NP,), jnp.float32),
            pltpu.SemaphoreType.DMA,
            pltpu.SemaphoreType.DMA,
        ],
    )
    def deg_kernel(dst_hbm, out_hbm, dst0, dst1, ones_v, zbuf_v, acc_sh,
                   si0, si1):
        cid = lax.axis_index("c")
        sid = lax.axis_index("s")
        dsts, sis = (dst0, dst1), (si0, si1)
        _fill(ones_v, 1.0)
        _fill(zbuf_v, 0.0)
        pltpu.sync_copy(zbuf_v, acc_sh.at[pl.ds(sid * _RPT, _RPT)])
        plsc.subcore_barrier()
        base = (cid * 16 + sid) * epw
        nb = epw // _EB

        def issue_idx(b, s):
            pltpu.async_copy(dst_hbm.at[pl.ds(base + b * _EB, _EB)],
                             dsts[s], sis[s])

        def step(b, s):
            issue_idx(b + 1, 1 - s)
            pltpu.make_async_copy(dst_hbm.at[pl.ds(base, _EB)],
                                  dsts[s], sis[s]).wait()
            pltpu.sync_copy(ones_v, acc_sh.at[dsts[s]], add=True)

        issue_idx(0, 0)

        @pl.loop(0, (nb - 1) // 2)
        def _(g):
            step(2 * g, 0)
            step(2 * g + 1, 1)

        if (nb - 1) % 2:
            step(nb - 2, (nb - 2) % 2)
        s_last = (nb - 1) % 2
        pltpu.make_async_copy(dst_hbm.at[pl.ds(base, _EB)],
                              dsts[s_last], sis[s_last]).wait()
        pltpu.sync_copy(ones_v, acc_sh.at[dsts[s_last]], add=True)

        plsc.subcore_barrier()
        pltpu.sync_copy(acc_sh.at[pl.ds(sid * _RPT, _RPT)],
                        out_hbm.at[cid, pl.ds(sid * _RPT, _RPT)])

    return deg_kernel


def _make_agg_kernel(num_chunks, edge_split, kb):
    epw = _E // 32 if edge_split else _E // 16
    out_planes = 2 if edge_split else num_chunks
    per_core = 1 if edge_split else num_chunks // 2
    eb = kb * _EB
    nb = epw // eb
    zr = _RPT // 16 if kb > 1 else _EB

    @functools.partial(
        pl.kernel,
        mesh=_MESH,
        out_type=jax.ShapeDtypeStruct((out_planes, _NP, 128), jnp.float32),
        scratch_types=[
            pltpu.VMEM((eb,), jnp.int32),
            pltpu.VMEM((eb,), jnp.int32),
        ] + [pltpu.VMEM((_EB,), jnp.int32) for _ in range(2 * kb)] + [
            pltpu.VMEM((eb, 128), jnp.float32),
            pltpu.VMEM((eb, 128), jnp.float32),
            pltpu.VMEM((zr, 128), jnp.float32),
            pltpu.VMEM_SHARED((_NP, 128), jnp.float32),
            pltpu.SemaphoreType.DMA,
            pltpu.SemaphoreType.DMA,
            pltpu.SemaphoreType.DMA,
            pltpu.SemaphoreType.DMA,
        ],
    )
    def agg_kernel(src_hbm, dst_hbm, table_hbm, out_hbm, src0, src1,
                   *rest):
        dsts = (rest[:kb], rest[kb:2 * kb])
        (rows0, rows1, zero_v, acc_sh, si0, si1, sg0, sg1) = rest[2 * kb:]
        cid = lax.axis_index("c")
        sid = lax.axis_index("s")
        srcs = (src0, src1)
        rows, sis, sgs = (rows0, rows1), (si0, si1), (sg0, sg1)
        _fill(zero_v, 0.0)

        for t in range(per_core):
            if edge_split:
                plane = cid
                table = table_hbm.at[0]
                base = (cid * 16 + sid) * epw
            else:
                plane = cid * per_core + t
                table = table_hbm.at[plane]
                base = sid * epw

            def issue_idx(b, s):
                off = base + b * eb
                pltpu.async_copy(src_hbm.at[pl.ds(off, eb)], srcs[s],
                                 sis[s])
                for j in range(kb):
                    pltpu.async_copy(
                        dst_hbm.at[pl.ds(off + j * _EB, _EB)],
                        dsts[s][j], sis[s])

            def wait_idx(s):
                pltpu.make_async_copy(src_hbm.at[pl.ds(base, eb)],
                                      srcs[s], sis[s]).wait()
                for j in range(kb):
                    pltpu.make_async_copy(dst_hbm.at[pl.ds(base, _EB)],
                                          dsts[s][j], sis[s]).wait()

            def issue_gather(s):
                for j in range(kb):
                    pltpu.async_copy(
                        table.at[srcs[s].at[pl.ds(j * _EB, _EB)]],
                        rows[s].at[pl.ds(j * _EB, _EB)], sgs[s])

            def wait_gather(s):
                for j in range(kb):
                    pltpu.make_async_copy(
                        table.at[srcs[s].at[pl.ds(j * _EB, _EB)]],
                        rows[s].at[pl.ds(j * _EB, _EB)], sgs[s]).wait()

            def scatter(s):
                for j in range(kb):
                    pltpu.sync_copy(rows[s].at[pl.ds(j * _EB, _EB)],
                                    acc_sh.at[dsts[s][j]], add=True)

            def full_iter(b, s):
                o = 1 - s
                wait_idx(s)
                issue_gather(s)
                wait_gather(o)
                scatter(o)
                issue_idx(b + 1, o)

            @pl.loop(0, _RPT // zr)
            def _(k):
                pltpu.sync_copy(zero_v,
                                acc_sh.at[pl.ds(sid * _RPT + k * zr, zr)])

            plsc.subcore_barrier()

            issue_idx(0, 0)
            issue_idx(1, 1)
            wait_idx(0)
            issue_gather(0)

            pairs = (nb - 2) // 2

            @pl.loop(0, pairs)
            def _(g):
                b = 1 + 2 * g
                full_iter(b, 1)
                full_iter(b + 1, 0)

            if (nb - 2) % 2:
                full_iter(nb - 2, (nb - 2) % 2)

            s_last = (nb - 1) % 2
            o_last = 1 - s_last
            wait_idx(s_last)
            issue_gather(s_last)
            wait_gather(o_last)
            scatter(o_last)
            wait_gather(s_last)
            scatter(s_last)

            if epw - nb * eb:
                off = base + nb * eb
                tsrc = srcs[0].at[pl.ds(0, _EB)]
                trows = rows[0].at[pl.ds(0, _EB)]
                pltpu.sync_copy(src_hbm.at[pl.ds(off, _EB)], tsrc)
                pltpu.sync_copy(dst_hbm.at[pl.ds(off, _EB)], dsts[0][0])
                pltpu.sync_copy(table.at[tsrc], trows)
                pltpu.sync_copy(trows, acc_sh.at[dsts[0][0]], add=True)

            plsc.subcore_barrier()
            pltpu.sync_copy(acc_sh.at[pl.ds(sid * _RPT, _RPT)],
                            out_hbm.at[plane, pl.ds(sid * _RPT, _RPT)])

    return agg_kernel


_BLK = 1024
_GRID = _NP // _BLK


def _lrelu(v):
    return jnp.where(v >= 0, v, 0.15 * v)


def _dot(a, b):
    return jnp.dot(a, b, preferred_element_type=jnp.float32)


def _row_spec(shape):
    if len(shape) == 2:
        return pl.BlockSpec((_BLK, shape[1]), lambda i: (i, 0))
    return pl.BlockSpec((shape[0], _BLK, shape[2]), lambda i: (0, i, 0))


def _full_spec(shape):
    rank = len(shape)
    return pl.BlockSpec(shape, lambda i, _r=rank: (0,) * _r)


def _tc_call(body, row_ins, full_ins, out_shapes):
    in_specs = ([_row_spec(a.shape) for a in row_ins]
                + [_full_spec(a.shape) for a in full_ins])
    out_specs = [_row_spec(s) for s in out_shapes]
    return pl.pallas_call(
        body,
        grid=(_GRID,),
        in_specs=in_specs,
        out_specs=out_specs if len(out_shapes) > 1 else out_specs[0],
        out_shape=([jax.ShapeDtypeStruct(s, jnp.float32) for s in out_shapes]
                   if len(out_shapes) > 1
                   else jax.ShapeDtypeStruct(out_shapes[0], jnp.float32)),
    )(*row_ins, *full_ins)


def _prep_body(d0, d1, x_ref, w1t, q1_ref, dv_ref):
    deg = d0[...] + d1[...] + 1.0
    dis = lax.rsqrt(deg)
    dvb = jnp.broadcast_to(dis, (_BLK, 128))
    dv_ref[...] = dvb
    m1 = _dot(x_ref[...], w1t[...])
    for c in range(4):
        q1_ref[c] = dvb * m1[:, c * 128:(c + 1) * 128]


def _tc2_body(acc1, q1, dv, b1, w2ct, q2_ref):
    dvb = dv[...]
    h1 = jnp.concatenate([dvb * (acc1[c] + q1[c]) for c in range(4)], axis=1)
    h1 = _lrelu(h1 + b1[...])
    q2_ref[0] = dvb * _dot(h1, w2ct[0])
    q2_ref[1] = dvb * _dot(h1, w2ct[1])


def _tc3_body(acc2, q2, dv, b2, w3t, q3_ref):
    dvb = dv[...]
    a = jnp.concatenate([dvb * (acc2[0] + q2[0]), dvb * (acc2[1] + q2[1])],
                        axis=1)
    h2 = _lrelu(a + b2[...])
    q3_ref[...] = dvb * _dot(h2, w3t[...])


def _tc4_body(acc3, q3, dv, b3, wpt, bp, wf1t, bf1, wf2t, bf2, out_ref):
    h3 = _lrelu(dv[...] * (acc3[0] + acc3[1] + q3[...]) + b3[...])
    u1 = _dot(h3, wpt[...]) + bp[...]
    u2 = _lrelu(_dot(u1, wf1t[...]) + bf1[...])
    out_ref[...] = _dot(u2, wf2t[...]) + bf2[...]


def kernel(x, edge_index, edge_attr, W1, b1, W2, b2, W3, b3, Wp, bp,
           Wf1, bf1, Wf2, bf2):
    del edge_attr
    f32 = jnp.float32
    xp = jnp.pad(x, ((0, _NP - _N), (0, 0)))

    w1t = W1.T
    w2ct = W2.T.reshape(512, 2, 128).transpose(1, 0, 2)
    w3t = W3.T
    wf2p = jnp.zeros((128, 32), f32).at[:2].set(Wf2)
    bf2p = jnp.zeros((1, 128), f32).at[0, :2].set(bf2)

    deg_k = _make_deg_kernel()
    agg_split = _make_agg_kernel(1, True, 2)
    agg_c2 = _make_agg_kernel(2, False, 2)
    agg_c4 = _make_agg_kernel(4, False, 2)

    e_src = edge_index[0]
    e_dst = edge_index[1]
    deg_parts = deg_k(e_dst)
    d0 = deg_parts[0].reshape(_NP, 1)
    d1 = deg_parts[1].reshape(_NP, 1)

    q1, dv = _tc_call(_prep_body, [d0, d1, xp], [w1t],
                      [(4, _NP, 128), (_NP, 128)])

    acc1 = agg_c4(e_src, e_dst, q1)
    q2 = _tc_call(_tc2_body, [acc1, q1, dv],
                  [b1.reshape(1, 512), w2ct], [(2, _NP, 128)])

    acc2 = agg_c2(e_src, e_dst, q2)
    q3 = _tc_call(_tc3_body, [acc2, q2, dv],
                  [b2.reshape(1, 256), w3t], [(_NP, 128)])

    acc3 = agg_split(e_src, e_dst, q3.reshape(1, _NP, 128))
    outp = _tc_call(_tc4_body, [acc3, q3, dv],
                    [b3.reshape(1, 128), Wp.T, bp.reshape(1, 16),
                     Wf1.T, bf1.reshape(1, 32), wf2p.T, bf2p],
                    [(_NP, 128)])
    return outp[:_N, :2]

# --- scband reference (transcript-rebuilt; emitter-appended) ---
"""Pipeline reference for scband-binding-site-gcn-49735721288423 (READ-ONLY COPY).

The authoritative reference and input builder live on the scoring server;
editing this copy changes nothing except your own understanding.
"""

import jax, jax.numpy as jnp
import numpy as np

N = 10000
E = 320000
D = 128
H = 512


def setup_inputs(seed: int = 0) -> dict:
    key = jax.random.key(seed)
    ks = jax.random.split(key, 16)
    x = jax.random.normal(ks[0], (N, D), dtype=jnp.float32)
    edge_index = jax.random.randint(ks[1], (2, E), 0, N, dtype=jnp.int32)
    edge_attr = jax.random.normal(ks[2], (E, 4), dtype=jnp.float32)
    # GCNConv weights (PyG convention: out = A_norm @ (x W^T) + b)
    W1 = jax.random.normal(ks[3], (H, D), dtype=jnp.float32) / np.sqrt(D)
    b1 = jnp.zeros((H,), dtype=jnp.float32)
    W2 = jax.random.normal(ks[4], (256, H), dtype=jnp.float32) / np.sqrt(H)
    b2 = jnp.zeros((256,), dtype=jnp.float32)
    W3 = jax.random.normal(ks[5], (128, 256), dtype=jnp.float32) / np.sqrt(256)
    b3 = jnp.zeros((128,), dtype=jnp.float32)
    Wp = jax.random.normal(ks[6], (16, 128), dtype=jnp.float32) / np.sqrt(128)
    bp = jnp.zeros((16,), dtype=jnp.float32)
    Wf1 = jax.random.normal(ks[7], (32, 16), dtype=jnp.float32) / np.sqrt(16)
    bf1 = jnp.zeros((32,), dtype=jnp.float32)
    Wf2 = jax.random.normal(ks[8], (2, 32), dtype=jnp.float32) / np.sqrt(32)
    bf2 = jnp.zeros((2,), dtype=jnp.float32)
    return {"x": x, "edge_index": edge_index, "edge_attr": edge_attr,
            "W1": W1, "b1": b1, "W2": W2, "b2": b2, "W3": W3, "b3": b3,
            "Wp": Wp, "bp": bp, "Wf1": Wf1, "bf1": bf1, "Wf2": Wf2, "bf2": bf2}


def _lrelu(x):
    return jnp.where(x >= 0, x, 0.15 * x)


def _gcn_conv(x, edge_index, W, b):
    # PyG GCNConv with add_self_loops=True, symmetric normalization
    n = x.shape[0]
    h = x @ W.T
    loop = jnp.arange(n, dtype=edge_index.dtype)
    src = jnp.concatenate([edge_index[0], loop])
    dst = jnp.concatenate([edge_index[1], loop])
    deg = jax.ops.segment_sum(jnp.ones(src.shape[0], dtype=h.dtype), dst, num_segments=n)
    dis = jnp.where(deg > 0, jax.lax.rsqrt(jnp.maximum(deg, 1e-12)), 0.0)
    norm = dis[src] * dis[dst]
    msg = h[src] * norm[:, None]
    out = jax.ops.segment_sum(msg, dst, num_segments=n)
    return out + b


def reference(x, edge_index, edge_attr, W1, b1, W2, b2, W3, b3, Wp, bp, Wf1, bf1, Wf2, bf2):
    # edge_attr is unpacked by the original forward but never used; dropout is identity in eval.
    h = _lrelu(_gcn_conv(x, edge_index, W1, b1))
    h = _lrelu(_gcn_conv(h, edge_index, W2, b2))
    h = _lrelu(_gcn_conv(h, edge_index, W3, b3))
    # pre_fc projection (128 -> 16) so the KAN-fallback classifier (in_dim=16) is shape-consistent
    h = h @ Wp.T + bp
    # fc: Linear(16,32) -> LeakyReLU(0.15) -> Linear(32,2)
    h = _lrelu(h @ Wf1.T + bf1)
    out = h @ Wf2.T + bf2
    return out

if __name__ == "__main__":
    import jax
    _d = setup_inputs()
    print(jax.jit(kernel)(*tuple(_d.values())))

</pallas_src>

<mosaic_0001>
#map = affine_map<(d0, d1) -> (0)>
#map1 = affine_map<(d0, d1) -> (0, 0, 0)>
module attributes {stable_mosaic.version = 14 : i64} {
  func.func @agg_kernel(%arg0: i32, %arg1: i32, %arg2: memref<320000xi32, #tpu.memory_space<hbm>>, %arg3: memref<320000xi32, #tpu.memory_space<hbm>>, %arg4: memref<4x10240x128xf32, #tpu.memory_space<hbm>>, %arg5: memref<4x10240x128xf32, #tpu.memory_space<hbm>>, %arg6: memref<160xi32, #tpu.memory_space<vmem>>, %arg7: memref<160xi32, #tpu.memory_space<vmem>>, %arg8: memref<80xi32, #tpu.memory_space<vmem>>, %arg9: memref<80xi32, #tpu.memory_space<vmem>>, %arg10: memref<80xi32, #tpu.memory_space<vmem>>, %arg11: memref<80xi32, #tpu.memory_space<vmem>>, %arg12: memref<160x128xf32, #tpu.memory_space<vmem>>, %arg13: memref<160x128xf32, #tpu.memory_space<vmem>>, %arg14: memref<40x128xf32, #tpu.memory_space<vmem>>, %arg15: memref<10240x128xf32, #tpu.memory_space<vmem_shared>>, %arg16: memref<!tpu.dma_semaphore, #tpu.memory_space<semaphore_mem>>, %arg17: memref<!tpu.dma_semaphore, #tpu.memory_space<semaphore_mem>>, %arg18: memref<!tpu.dma_semaphore, #tpu.memory_space<semaphore_mem>>, %arg19: memref<!tpu.dma_semaphore, #tpu.memory_space<semaphore_mem>>) attributes {dimension_semantics = [#tpu.dimension_semantics<core_parallel>, #tpu.dimension_semantics<subcore_parallel>], iteration_bounds = array<i64: 2, 16>, scalar_prefetch = 0 : i64, scratch_operands = 14 : i64, tpu.core_type = #tpu.core_type<sc_vector_subcore>, window_params = [{transform_indices = #map}, {transform_indices = #map}, {transform_indices = #map1}, {transform_indices = #map1}]} {
    %scan3A = arith.constant 0 : i32
    %scan3A_0 = arith.constant 40 : i32
    %scan3A_1 = arith.addi %scan3A, %scan3A_0 : i32
    %scan3A_2 = arith.constant 1 : i32
    scf.for %scan3A_439 = %scan3A to %scan3A_1 step %scan3A_2  : i32 {
      %mul3A_440 = arith.constant 1 : i32
      %mul3A_441 = arith.muli %scan3A_439, %mul3A_440 : i32
      %add3A_442 = arith.constant 0 : i32
      %add3A_443 = arith.addi %add3A_442, %mul3A_441 : i32
      %scan3A_444 = arith.constant 0 : i32
      %scan3A_445 = arith.constant 8 : i32
      %scan3A_446 = arith.addi %scan3A_444, %scan3A_445 : i32
      %scan3A_447 = arith.constant 1 : i32
      scf.for %scan3A_449 = %scan3A_444 to %scan3A_446 step %scan3A_447  : i32 {
        %mul3A_450 = arith.constant 1 : i32
        %mul3A_451 = arith.muli %scan3A_449, %mul3A_450 : i32
        %add3A_452 = arith.constant 0 : i32
        %add3A_453 = arith.addi %add3A_452, %mul3A_451 : i32
        %broadcast_in_dim3A = arith.constant 0.000000e+00 : f32
        %broadcast_in_dim3A_454 = vector.broadcast %broadcast_in_dim3A : f32 to vector<16xf32>
        %mul3A_455 = arith.constant 16 : i32
        %mul3A_456 = arith.muli %add3A_453, %mul3A_455 : i32
        %swap3A = arith.index_cast %add3A_443 : i32 to index
        %swap3A_457 = arith.index_cast %mul3A_456 : i32 to index
        %swap3A_458 = tpu.vector_load %arg14[%swap3A, %swap3A_457] {strides = array<i32>} : memref<40x128xf32, #tpu.memory_space<vmem>>, vector<1x16xf32>,
        %swap3A_459 = vector.shape_cast %swap3A_458 : vector<1x16xf32> to vector<16xf32>
        %swap3A_460 = vector.shape_cast %broadcast_in_dim3A_454 : vector<16xf32> to vector<1x16xf32>
        tpu.vector_store %arg14[%swap3A, %swap3A_457], %swap3A_460 {strides = array<i32>} : memref<40x128xf32, #tpu.memory_space<vmem>>, vector<1x16xf32>,
      }
      %scan3A_448 = arith.constant 8 : i32
    }
    %scan3A_3 = arith.constant 40 : i32
    %mul3A = arith.constant 2 : i32
    %mul3A_4 = arith.muli %arg0, %mul3A : i32
    %add3A = arith.constant 0 : i32
    %add3A_5 = arith.addi %mul3A_4, %add3A : i32
    %mul3A_6 = arith.constant 20000 : i32
    %mul3A_7 = arith.muli %arg1, %mul3A_6 : i32
    %scan3A_8 = arith.constant 0 : i32
    %scan3A_9 = arith.constant 16 : i32
    %scan3A_10 = arith.addi %scan3A_8, %scan3A_9 : i32
    %scan3A_11 = arith.constant 1 : i32
    scf.for %scan3A_439 = %scan3A_8 to %scan3A_10 step %scan3A_11  : i32 {
      %mul3A_440 = arith.constant 1 : i32
      %mul3A_441 = arith.muli %scan3A_439, %mul3A_440 : i32
      %add3A_442 = arith.constant 0 : i32
      %add3A_443 = arith.addi %add3A_442, %mul3A_441 : i32
      %mul3A_444 = arith.constant 640 : i32
      %mul3A_445 = arith.muli %arg1, %mul3A_444 : i32
      %mul3A_446 = arith.constant 40 : i32
      %mul3A_447 = arith.muli %add3A_443, %mul3A_446 : i32
      %add3A_448 = arith.addi %mul3A_445, %mul3A_447 : i32
      "tpu.region"() ({
        %run_scoped3A = tpu.sem_alloc : memref<!tpu.dma_semaphore, #tpu.memory_space<semaphore_mem>>
        %dma_start3A_449 = arith.constant 0 : i32
        %dma_start3A_450 = tpu.memref_slice %arg15[%add3A_448, %dma_start3A_449] : memref<10240x128xf32, #tpu.memory_space<vmem_shared>> -> memref<40x128xf32, #tpu.memory_space<vmem_shared>>
        %dma_start3A_451 = arith.constant 0 : i32
        %dma_start3A_452 = tpu.memref_slice %arg15[%add3A_448, %dma_start3A_451] : memref<10240x128xf32, #tpu.memory_space<vmem_shared>> -> memref<40x128xf32, #tpu.memory_space<vmem_shared>>
        tpu.enqueue_dma source(%arg14 : memref<40x128xf32, #tpu.memory_space<vmem>>) target(%dma_start3A_452 : memref<40x128xf32, #tpu.memory_space<vmem_shared>>) target_semaphore(%run_scoped3A : memref<!tpu.dma_semaphore, #tpu.memory_space<semaphore_mem>>)
        %dma_wait3A_453 = arith.constant 0 : i32
        %dma_wait3A_454 = tpu.memref_slice %arg15[%add3A_448, %dma_wait3A_453] : memref<10240x128xf32, #tpu.memory_space<vmem_shared>> -> memref<40x128xf32, #tpu.memory_space<vmem_shared>>
        %dma_wait3A_455 = arith.constant 0 : i32
        %dma_wait3A_456 = tpu.memref_slice %arg15[%add3A_448, %dma_wait3A_455] : memref<10240x128xf32, #tpu.memory_space<vmem_shared>> -> memref<40x128xf32, #tpu.memory_space<vmem_shared>>
        tpu.wait_dma2 semaphore(%run_scoped3A : memref<!tpu.dma_semaphore, #tpu.memory_space<semaphore_mem>>) src(%arg14 : memref<40x128xf32, #tpu.memory_space<vmem>>) dst(%dma_wait3A_456 : memref<40x128xf32, #tpu.memory_space<vmem_shared>>)
        tpu.yield
      }) : () -> ()
    }
    %scan3A_12 = arith.constant 16 : i32
    %barrier3A = arith.constant 0 : index
    tpu.barrier barrier_id(%barrier3A)
    %add3A_13 = arith.constant 0 : i32
    %add3A_14 = arith.addi %mul3A_7, %add3A_13 : i32
    %dma_start3A = tpu.memref_slice %arg2[%add3A_14] : memref<320000xi32, #tpu.memory_space<hbm>> -> memref<160xi32, #tpu.memory_space<hbm>>
    %dma_start3A_15 = tpu.memref_slice %arg2[%add3A_14] : memref<320000xi32, #tpu.memory_space<hbm>> -> memref<160xi32, #tpu.memory_space<hbm>>
    tpu.enqueue_dma source(%dma_start3A_15 : memref<160xi32, #tpu.memory_space<hbm>>) target(%arg6 : memref<160xi32, #tpu.memory_space<vmem>>) target_semaphore(%arg16 : memref<!tpu.dma_semaphore, #tpu.memory_space<semaphore_mem>>)
    %add3A_16 = arith.constant 0 : i32
    %add3A_17 = arith.addi %add3A_14, %add3A_16 : i32
    %dma_start3A_18 = tpu.memref_slice %arg3[%add3A_17] : memref<320000xi32, #tpu.memory_space<hbm>> -> memref<80xi32, #tpu.memory_space<hbm>>
    %dma_start3A_19 = tpu.memref_slice %arg3[%add3A_17] : memref<320000xi32, #tpu.memory_space<hbm>> -> memref<80xi32, #tpu.memory_space<hbm>>
    tpu.enqueue_dma source(%dma_start3A_19 : memref<80xi32, #tpu.memory_space<hbm>>) target(%arg8 : memref<80xi32, #tpu.memory_space<vmem>>) target_semaphore(%arg16 : memref<!tpu.dma_semaphore, #tpu.memory_space<semaphore_mem>>)
    %add3A_20 = arith.constant 80 : i32
    %add3A_21 = arith.addi %add3A_14, %add3A_20 : i32
    %dma_start3A_22 = tpu.memref_slice %arg3[%add3A_21] : memref<320000xi32, #tpu.memory_space<hbm>> -> memref<80xi32, #tpu.memory_space<hbm>>
    %dma_start3A_23 = tpu.memref_slice %arg3[%add3A_21] : memref<320000xi32, #tpu.memory_space<hbm>> -> memref<80xi32, #tpu.memory_space<hbm>>
    tpu.enqueue_dma source(%dma_start3A_23 : memref<80xi32, #tpu.memory_space<hbm>>) target(%arg9 : memref<80xi32, #tpu.memory_space<vmem>>) target_semaphore(%arg16 : memref<!tpu.dma_semaphore, #tpu.memory_space<semaphore_mem>>)
    %add3A_24 = arith.constant 160 : i32
    %add3A_25 = arith.addi %mul3A_7, %add3A_24 : i32
    %dma_start3A_26 = tpu.memref_slice %arg2[%add3A_25] : memref<320000xi32, #tpu.memory_space<hbm>> -> memref<160xi32, #tpu.memory_space<hbm>>
    %dma_start3A_27 = tpu.memref_slice %arg2[%add3A_25] : memref<320000xi32, #tpu.memory_space<hbm>> -> memref<160xi32, #tpu.memory_space<hbm>>
    tpu.enqueue_dma source(%dma_start3A_27 : memref<160xi32, #tpu.memory_space<hbm>>) target(%arg7 : memref<160xi32, #tpu.memory_space<vmem>>) target_semaphore(%arg17 : memref<!tpu.dma_semaphore, #tpu.memory_space<semaphore_mem>>)
    %add3A_28 = arith.constant 0 : i32
    %add3A_29 = arith.addi %add3A_25, %add3A_28 : i32
    %dma_start3A_30 = tpu.memref_slice %arg3[%add3A_29] : memref<320000xi32, #tpu.memory_space<hbm>> -> memref<80xi32, #tpu.memory_space<hbm>>
    %dma_start3A_31 = tpu.memref_slice %arg3[%add3A_29] : memref<320000xi32, #tpu.memory_space<hbm>> -> memref<80xi32, #tpu.memory_space<hbm>>
    tpu.enqueue_dma source(%dma_start3A_31 : memref<80xi32, #tpu.memory_space<hbm>>) target(%arg10 : memref<80xi32, #tpu.memory_space<vmem>>) target_semaphore(%arg17 : memref<!tpu.dma_semaphore, #tpu.memory_space<semaphore_mem>>)
    %add3A_32 = arith.constant 80 : i32
    %add3A_33 = arith.addi %add3A_25, %add3A_32 : i32
    %dma_start3A_34 = tpu.memref_slice %arg3[%add3A_33] : memref<320000xi32, #tpu.memory_space<hbm>> -> memref<80xi32, #tpu.memory_space<hbm>>
    %dma_start3A_35 = tpu.memref_slice %arg3[%add3A_33] : memref<320000xi32, #tpu.memory_space<hbm>> -> memref<80xi32, #tpu.memory_space<hbm>>
    tpu.enqueue_dma source(%dma_start3A_35 : memref<80xi32, #tpu.memory_space<hbm>>) target(%arg11 : memref<80xi32, #tpu.memory_space<vmem>>) target_semaphore(%arg17 : memref<!tpu.dma_semaphore, #tpu.memory_space<semaphore_mem>>)
    %dma_wait3A = tpu.memref_slice %arg2[%mul3A_7] : memref<320000xi32, #tpu.memory_space<hbm>> -> memref<160xi32, #tpu.memory_space<hbm>>
    %dma_wait3A_36 = tpu.memref_slice %arg2[%mul3A_7] : memref<320000xi32, #tpu.memory_space<hbm>> -> memref<160xi32, #tpu.memory_space<hbm>>
    tpu.wait_dma2 semaphore(%arg16 : memref<!tpu.dma_semaphore, #tpu.memory_space<semaphore_mem>>) src(%dma_wait3A_36 : memref<160xi32, #tpu.memory_space<hbm>>) dst(%arg6 : memref<160xi32, #tpu.memory_space<vmem>>)
    %dma_wait3A_37 = tpu.memref_slice %arg3[%mul3A_7] : memref<320000xi32, #tpu.memory_space<hbm>> -> memref<80xi32, #tpu.memory_space<hbm>>
    %dma_wait3A_38 = tpu.memref_slice %arg3[%mul3A_7] : memref<320000xi32, #tpu.memory_space<hbm>> -> memref<80xi32, #tpu.memory_space<hbm>>
    tpu.wait_dma2 semaphore(%arg16 : memref<!tpu.dma_semaphore, #tpu.memory_space<semaphore_mem>>) src(%dma_wait3A_38 : memref<80xi32, #tpu.memory_space<hbm>>) dst(%arg8 : memref<80xi32, #tpu.memory_space<vmem>>)
    %dma_wait3A_39 = tpu.memref_slice %arg3[%mul3A_7] : memref<320000xi32, #tpu.memory_space<hbm>> -> memref<80xi32, #tpu.memory_space<hbm>>
    %dma_wait3A_40 = tpu.memref_slice %arg3[%mul3A_7] : memref<320000xi32, #tpu.memory_space<hbm>> -> memref<80xi32, #tpu.memory_space<hbm>>
    tpu.wait_dma2 semaphore(%arg16 : memref<!tpu.dma_semaphore, #tpu.memory_space<semaphore_mem>>) src(%dma_wait3A_40 : memref<80xi32, #tpu.memory_space<hbm>>) dst(%arg9 : memref<80xi32, #tpu.memory_space<vmem>>)
    %dma_start3A_41 = arith.constant 0 : i32
    %dma_start3A_42 = arith.constant 0 : i32
    %dma_start3A_43 = tpu.memref_slice %arg12[%dma_start3A_41, %dma_start3A_42] : memref<160x128xf32, #tpu.memory_space<vmem>> -> memref<80x128xf32, #tpu.memory_space<vmem>>
    %dma_start3A_44 = arith.constant 0 : i32
    %dma_start3A_45 = tpu.memref_slice %arg6[%dma_start3A_44] : memref<160xi32, #tpu.memory_space<vmem>> -> memref<80xi32, #tpu.memory_space<vmem>>
    %dma_start3A_46 = arith.constant 0 : i32
    %dma_start3A_47 = arith.constant 0 : i32
    %dma_start3A_48 = tpu.memref_slice %arg4[%add3A_5, %dma_start3A_46, %dma_start3A_47] : memref<4x10240x128xf32, #tpu.memory_space<hbm>> -> memref<1x10240x128xf32, #tpu.memory_space<hbm>>
    %dma_start3A_49 = tpu.memref_squeeze %dma_start3A_48 : memref<1x10240x128xf32, #tpu.memory_space<hbm>> -> memref<10240x128xf32, #tpu.memory_space<hbm>>
    %dma_start3A_50 = arith.constant 0 : i32
    %dma_start3A_51 = arith.constant 0 : i32
    %dma_start3A_52 = tpu.memref_slice %dma_start3A_49[%dma_start3A_50, %dma_start3A_51] : memref<10240x128xf32, #tpu.memory_space<hbm>> -> memref<10240x128xf32, #tpu.memory_space<hbm>>
    tpu.enqueue_indirect_dma source(%dma_start3A_52 : memref<10240x128xf32, #tpu.memory_space<hbm>>) target(%dma_start3A_43 : memref<80x128xf32, #tpu.memory_space<vmem>>) offsets(%dma_start3A_45 : memref<80xi32, #tpu.memory_space<vmem>>) semaphore(%arg18 : memref<!tpu.dma_semaphore, #tpu.memory_space<semaphore_mem>>)
    %dma_start3A_53 = arith.constant 80 : i32
    %dma_start3A_54 = arith.constant 0 : i32
    %dma_start3A_55 = tpu.memref_slice %arg12[%dma_start3A_53, %dma_start3A_54] : memref<160x128xf32, #tpu.memory_space<vmem>> -> memref<80x128xf32, #tpu.memory_space<vmem>>
    %dma_start3A_56 = arith.constant 80 : i32
    %dma_start3A_57 = tpu.memref_slice %arg6[%dma_start3A_56] : memref<160xi32, #tpu.memory_space<vmem>> -> memref<80xi32, #tpu.memory_space<vmem>>
    %dma_start3A_58 = arith.constant 0 : i32
    %dma_start3A_59 = arith.constant 0 : i32
    %dma_start3A_60 = tpu.memref_slice %arg4[%add3A_5, %dma_start3A_58, %dma_start3A_59] : memref<4x10240x128xf32, #tpu.memory_space<hbm>> -> memref<1x10240x128xf32, #tpu.memory_space<hbm>>
    %dma_start3A_61 = tpu.memref_squeeze %dma_start3A_60 : memref<1x10240x128xf32, #tpu.memory_space<hbm>> -> memref<10240x128xf32, #tpu.memory_space<hbm>>
    %dma_start3A_62 = arith.constant 0 : i32
    %dma_start3A_63 = arith.constant 0 : i32
    %dma_start3A_64 = tpu.memref_slice %dma_start3A_61[%dma_start3A_62, %dma_start3A_63] : memref<10240x128xf32, #tpu.memory_space<hbm>> -> memref<10240x128xf32, #tpu.memory_space<hbm>>
    tpu.enqueue_indirect_dma source(%dma_start3A_64 : memref<10240x128xf32, #tpu.memory_space<hbm>>) target(%dma_start3A_55 : memref<80x128xf32, #tpu.memory_space<vmem>>) offsets(%dma_start3A_57 : memref<80xi32, #tpu.memory_space<vmem>>) semaphore(%arg18 : memref<!tpu.dma_semaphore, #tpu.memory_space<semaphore_mem>>)
    %scan3A_65 = arith.constant 0 : i32
    %scan3A_66 = arith.constant 61 : i32
    %scan3A_67 = arith.addi %scan3A_65, %scan3A_66 : i32
    %scan3A_68 = arith.constant 1 : i32
    scf.for %scan3A_439 = %scan3A_65 to %scan3A_67 step %scan3A_68  : i32 {
      %mul3A_440 = arith.constant 1 : i32
      %mul3A_441 = arith.muli %scan3A_439, %mul3A_440 : i32
      %add3A_442 = arith.constant 0 : i32
      %add3A_443 = arith.addi %add3A_442, %mul3A_441 : i32
      %mul3A_444 = arith.constant 2 : i32
      %mul3A_445 = arith.muli %mul3A_444, %add3A_443 : i32
      %add3A_446 = arith.constant 1 : i32
      %add3A_447 = arith.addi %add3A_446, %mul3A_445 : i32
      %dma_wait3A_448 = tpu.memref_slice %arg2[%mul3A_7] : memref<320000xi32, #tpu.memory_space<hbm>> -> memref<160xi32, #tpu.memory_space<hbm>>
      %dma_wait3A_449 = tpu.memref_slice %arg2[%mul3A_7] : memref<320000xi32, #tpu.memory_space<hbm>> -> memref<160xi32, #tpu.memory_space<hbm>>
      tpu.wait_dma2 semaphore(%arg17 : memref<!tpu.dma_semaphore, #tpu.memory_space<semaphore_mem>>) src(%dma_wait3A_449 : memref<160xi32, #tpu.memory_space<hbm>>) dst(%arg7 : memref<160xi32, #tpu.memory_space<vmem>>)
      %dma_wait3A_450 = tpu.memref_slice %arg3[%mul3A_7] : memref<320000xi32, #tpu.memory_space<hbm>> -> memref<80xi32, #tpu.memory_space<hbm>>
      %dma_wait3A_451 = tpu.memref_slice %arg3[%mul3A_7] : memref<320000xi32, #tpu.memory_space<hbm>> -> memref<80xi32, #tpu.memory_space<hbm>>
      tpu.wait_dma2 semaphore(%arg17 : memref<!tpu.dma_semaphore, #tpu.memory_space<semaphore_mem>>) src(%dma_wait3A_451 : memref<80xi32, #tpu.memory_space<hbm>>) dst(%arg10 : memref<80xi32, #tpu.memory_space<vmem>>)
      %dma_wait3A_452 = tpu.memref_slice %arg3[%mul3A_7] : memref<320000xi32, #tpu.memory_space<hbm>> -> memref<80xi32, #tpu.memory_space<hbm>>
      %dma_wait3A_453 = tpu.memref_slice %arg3[%mul3A_7] : memref<320000xi32, #tpu.memory_space<hbm>> -> memref<80xi32, #tpu.memory_space<hbm>>
      tpu.wait_dma2 semaphore(%arg17 : memref<!tpu.dma_semaphore, #tpu.memory_space<semaphore_mem>>) src(%dma_wait3A_453 : memref<80xi32, #tpu.memory_space<hbm>>) dst(%arg11 : memref<80xi32, #tpu.memory_space<vmem>>)
      %dma_start3A_454 = arith.constant 0 : i32
      %dma_start3A_455 = arith.constant 0 : i32
      %dma_start3A_456 = tpu.memref_slice %arg13[%dma_start3A_454, %dma_start3A_455] : memref<160x128xf32, #tpu.memory_space<vmem>> -> memref<80x128xf32, #tpu.memory_space<vmem>>
      %dma_start3A_457 = arith.constant 0 : i32
      %dma_start3A_458 = tpu.memref_slice %arg7[%dma_start3A_457] : memref<160xi32, #tpu.memory_space<vmem>> -> memref<80xi32, #tpu.memory_space<vmem>>
      %dma_start3A_459 = arith.constant 0 : i32
      %dma_start3A_460 = arith.constant 0 : i32
      %dma_start3A_461 = tpu.memref_slice %arg4[%add3A_5, %dma_start3A_459, %dma_start3A_460] : memref<4x10240x128xf32, #tpu.memory_space<hbm>> -> memref<1x10240x128xf32, #tpu.memory_space<hbm>>
      %dma_start3A_462 = tpu.memref_squeeze %dma_start3A_461 : memref<1x10240x128xf32, #tpu.memory_space<hbm>> -> memref<10240x128xf32, #tpu.memory_space<hbm>>
      %dma_start3A_463 = arith.constant 0 : i32
      %dma_start3A_464 = arith.constant 0 : i32
      %dma_start3A_465 = tpu.memref_slice %dma_start3A_462[%dma_start3A_463, %dma_start3A_464] : memref<10240x128xf32, #tpu.memory_space<hbm>> -> memref<10240x128xf32, #tpu.memory_space<hbm>>
      tpu.enqueue_indirect_dma source(%dma_start3A_465 : memref<10240x128xf32, #tpu.memory_space<hbm>>) target(%dma_start3A_456 : memref<80x128xf32, #tpu.memory_space<vmem>>) offsets(%dma_start3A_458 : memref<80xi32, #tpu.memory_space<vmem>>) semaphore(%arg19 : memref<!tpu.dma_semaphore, #tpu.memory_space<semaphore_mem>>)
      %dma_start3A_466 = arith.constant 80 : i32
      %dma_start3A_467 = arith.constant 0 : i32
      %dma_start3A_468 = tpu.memref_slice %arg13[%dma_start3A_466, %dma_start3A_467] : memref<160x128xf32, #tpu.memory_space<vmem>> -> memref<80x128xf32, #tpu.memory_space<vmem>>
      %dma_start3A_469 = arith.constant 80 : i32
      %dma_start3A_470 = tpu.memref_slice %arg7[%dma_start3A_469] : memref<160xi32, #tpu.memory_space<vmem>> -> memref<80xi32, #tpu.memory_space<vmem>>
      %dma_start3A_471 = arith.constant 0 : i32
      %dma_start3A_472 = arith.constant 0 : i32
      %dma_start3A_473 = tpu.memref_slice %arg4[%add3A_5, %dma_start3A_471, %dma_start3A_472] : memref<4x10240x128xf32, #tpu.memory_space<hbm>> -> memref<1x10240x128xf32, #tpu.memory_space<hbm>>
      %dma_start3A_474 = tpu.memref_squeeze %dma_start3A_473 : memref<1x10240x128xf32, #tpu.memory_space<hbm>> -> memref<10240x128xf32, #tpu.memory_space<hbm>>
      %dma_start3A_475 = arith.constant 0 : i32
      %dma_start3A_476 = arith.constant 0 : i32
      %dma_start3A_477 = tpu.memref_slice %dma_start3A_474[%dma_start3A_475, %dma_start3A_476] : memref<10240x128xf32, #tpu.memory_space<hbm>> -> memref<10240x128xf32, #tpu.memory_space<hbm>>
      tpu.enqueue_indirect_dma source(%dma_start3A_477 : memref<10240x128xf32, #tpu.memory_space<hbm>>) target(%dma_start3A_468 : memref<80x128xf32, #tpu.memory_space<vmem>>) offsets(%dma_start3A_470 : memref<80xi32, #tpu.memory_space<vmem>>) semaphore(%arg19 : memref<!tpu.dma_semaphore, #tpu.memory_space<semaphore_mem>>)
      %dma_wait3A_478 = arith.constant 0 : i32
      %dma_wait3A_479 = arith.constant 0 : i32
      %dma_wait3A_480 = tpu.memref_slice %arg12[%dma_wait3A_478, %dma_wait3A_479] : memref<160x128xf32, #tpu.memory_space<vmem>> -> memref<80x128xf32, #tpu.memory_space<vmem>>
      %dma_wait3A_481 = arith.constant 0 : i32
      %dma_wait3A_482 = tpu.memref_slice %arg6[%dma_wait3A_481] : memref<160xi32, #tpu.memory_space<vmem>> -> memref<80xi32, #tpu.memory_space<vmem>>
      %dma_wait3A_483 = arith.constant 0 : i32
      %dma_wait3A_484 = arith.constant 0 : i32
      %dma_wait3A_485 = tpu.memref_slice %arg4[%add3A_5, %dma_wait3A_483, %dma_wait3A_484] : memref<4x10240x128xf32, #tpu.memory_space<hbm>> -> memref<1x10240x128xf32, #tpu.memory_space<hbm>>
      %dma_wait3A_486 = tpu.memref_squeeze %dma_wait3A_485 : memref<1x10240x128xf32, #tpu.memory_space<hbm>> -> memref<10240x128xf32, #tpu.memory_space<hbm>>
      %dma_wait3A_487 = arith.constant 0 : i32
      %dma_wait3A_488 = arith.constant 0 : i32
      %dma_wait3A_489 = tpu.memref_slice %dma_wait3A_486[%dma_wait3A_487, %dma_wait3A_488] : memref<10240x128xf32, #tpu.memory_space<hbm>> -> memref<10240x128xf32, #tpu.memory_space<hbm>>
      tpu.wait_indirect_dma semaphore(%arg18 : memref<!tpu.dma_semaphore, #tpu.memory_space<semaphore_mem>>) src(%dma_wait3A_489 : memref<10240x128xf32, #tpu.memory_space<hbm>>) dst(%dma_wait3A_480 : memref<80x128xf32, #tpu.memory_space<vmem>>)
      %dma_wait3A_490 = arith.constant 80 : i32
      %dma_wait3A_491 = arith.constant 0 : i32
      %dma_wait3A_492 = tpu.memref_slice %arg12[%dma_wait3A_490, %dma_wait3A_491] : memref<160x128xf32, #tpu.memory_space<vmem>> -> memref<80x128xf32, #tpu.memory_space<vmem>>
      %dma_wait3A_493 = arith.constant 80 : i32
      %dma_wait3A_494 = tpu.memref_slice %arg6[%dma_wait3A_493] : memref<160xi32, #tpu.memory_space<vmem>> -> memref<80xi32, #tpu.memory_space<vmem>>
      %dma_wait3A_495 = arith.constant 0 : i32
      %dma_wait3A_496 = arith.constant 0 : i32
      %dma_wait3A_497 = tpu.memref_slice %arg4[%add3A_5, %dma_wait3A_495, %dma_wait3A_496] : memref<4x10240x128xf32, #tpu.memory_space<hbm>> -> memref<1x10240x128xf32, #tpu.memory_space<hbm>>
      %dma_wait3A_498 = tpu.memref_squeeze %dma_wait3A_497 : memref<1x10240x128xf32, #tpu.memory_space<hbm>> -> memref<10240x128xf32, #tpu.memory_space<hbm>>
      %dma_wait3A_499 = arith.constant 0 : i32
      %dma_wait3A_500 = arith.constant 0 : i32
      %dma_wait3A_501 = tpu.memref_slice %dma_wait3A_498[%dma_wait3A_499, %dma_wait3A_500] : memref<10240x128xf32, #tpu.memory_space<hbm>> -> memref<10240x128xf32, #tpu.memory_space<hbm>>
      tpu.wait_indirect_dma semaphore(%arg18 : memref<!tpu.dma_semaphore, #tpu.memory_space<semaphore_mem>>) src(%dma_wait3A_501 : memref<10240x128xf32, #tpu.memory_space<hbm>>) dst(%dma_wait3A_492 : memref<80x128xf32, #tpu.memory_space<vmem>>)
      "tpu.region"() ({
        %run_scoped3A = tpu.sem_alloc : memref<!tpu.dma_semaphore, #tpu.memory_space<semaphore_mem>>
        %dma_start3A_588 = arith.constant 0 : i32
        %dma_start3A_589 = arith.constant 0 : i32
        %dma_start3A_590 = tpu.memref_slice %arg12[%dma_start3A_588, %dma_start3A_589] : memref<160x128xf32, #tpu.memory_space<vmem>> -> memref<80x128xf32, #tpu.memory_space<vmem>>
        %dma_start3A_591 = arith.constant 0 : i32
        %dma_start3A_592 = arith.constant 0 : i32
        %dma_start3A_593 = tpu.memref_slice %arg15[%dma_start3A_591, %dma_start3A_592] : memref<10240x128xf32, #tpu.memory_space<vmem_shared>> -> memref<10240x128xf32, #tpu.memory_space<vmem_shared>>
        tpu.enqueue_indirect_dma source(%dma_start3A_590 : memref<80x128xf32, #tpu.memory_space<vmem>>) target(%dma_start3A_593 : memref<10240x128xf32, #tpu.memory_space<vmem_shared>>) offsets(%arg8 : memref<80xi32, #tpu.memory_space<vmem>>) semaphore(%run_scoped3A : memref<!tpu.dma_semaphore, #tpu.memory_space<semaphore_mem>>) {add = true}
        %dma_wait3A_594 = arith.constant 0 : i32
        %dma_wait3A_595 = arith.constant 0 : i32
        %dma_wait3A_596 = tpu.memref_slice %arg12[%dma_wait3A_594, %dma_wait3A_595] : memref<160x128xf32, #tpu.memory_space<vmem>> -> memref<80x128xf32, #tpu.memory_space<vmem>>
        %dma_wait3A_597 = arith.constant 0 : i32
        %dma_wait3A_598 = arith.constant 0 : i32
        %dma_wait3A_599 = tpu.memref_slice %arg15[%dma_wait3A_597, %dma_wait3A_598] : memref<10240x128xf32, #tpu.memory_space<vmem_shared>> -> memref<10240x128xf32, #tpu.memory_space<vmem_shared>>
        tpu.wait_indirect_dma semaphore(%run_scoped3A : memref<!tpu.dma_semaphore, #tpu.memory_space<semaphore_mem>>) src(%dma_wait3A_596 : memref<80x128xf32, #tpu.memory_space<vmem>>) dst(%dma_wait3A_599 : memref<10240x128xf32, #tpu.memory_space<vmem_shared>>)
        tpu.yield
      }) : () -> ()
      "tpu.region"() ({
        %run_scoped3A = tpu.sem_alloc : memref<!tpu.dma_semaphore, #tpu.memory_space<semaphore_mem>>
        %dma_start3A_588 = arith.constant 80 : i32
        %dma_start3A_589 = arith.constant 0 : i32
        %dma_start3A_590 = tpu.memref_slice %arg12[%dma_start3A_588, %dma_start3A_589] : memref<160x128xf32, #tpu.memory_space<vmem>> -> memref<80x128xf32, #tpu.memory_space<vmem>>
        %dma_start3A_591 = arith.constant 0 : i32
        %dma_start3A_592 = arith.constant 0 : i32
        %dma_start3A_593 = tpu.memref_slice %arg15[%dma_start3A_591, %dma_start3A_592] : memref<10240x128xf32, #tpu.memory_space<vmem_shared>> -> memref<10240x128xf32, #tpu.memory_space<vmem_shared>>
        tpu.enqueue_indirect_dma source(%dma_start3A_590 : memref<80x128xf32, #tpu.memory_space<vmem>>) target(%dma_start3A_593 : memref<10240x128xf32, #tpu.memory_space<vmem_shared>>) offsets(%arg9 : memref<80xi32, #tpu.memory_space<vmem>>) semaphore(%run_scoped3A : memref<!tpu.dma_semaphore, #tpu.memory_space<semaphore_mem>>) {add = true}
        %dma_wait3A_594 = arith.constant 80 : i32
        %dma_wait3A_595 = arith.constant 0 : i32
        %dma_wait3A_596 = tpu.memref_slice %arg12[%dma_wait3A_594, %dma_wait3A_595] : memref<160x128xf32, #tpu.memory_space<vmem>> -> memref<80x128xf32, #tpu.memory_space<vmem>>
        %dma_wait3A_597 = arith.constant 0 : i32
        %dma_wait3A_598 = arith.constant 0 : i32
        %dma_wait3A_599 = tpu.memref_slice %arg15[%dma_wait3A_597, %dma_wait3A_598] : memref<10240x128xf32, #tpu.memory_space<vmem_shared>> -> memref<10240x128xf32, #tpu.memory_space<vmem_shared>>
        tpu.wait_indirect_dma semaphore(%run_scoped3A : memref<!tpu.dma_semaphore, #tpu.memory_space<semaphore_mem>>) src(%dma_wait3A_596 : memref<80x128xf32, #tpu.memory_space<vmem>>) dst(%dma_wait3A_599 : memref<10240x128xf32, #tpu.memory_space<vmem_shared>>)
        tpu.yield
      }) : () -> ()
      %add3A_502 = arith.constant 1 : i32
      %add3A_503 = arith.addi %add3A_447, %add3A_502 : i32
      %mul3A_504 = arith.constant 160 : i32
      %mul3A_505 = arith.muli %add3A_503, %mul3A_504 : i32
      %add3A_506 = arith.addi %mul3A_7, %mul3A_505 : i32
      %dma_start3A_507 = tpu.memref_slice %arg2[%add3A_506] : memref<320000xi32, #tpu.memory_space<hbm>> -> memref<160xi32, #tpu.memory_space<hbm>>
      %dma_start3A_508 = tpu.memref_slice %arg2[%add3A_506] : memref<320000xi32, #tpu.memory_space<hbm>> -> memref<160xi32, #tpu.memory_space<hbm>>
      tpu.enqueue_dma source(%dma_start3A_508 : memref<160xi32, #tpu.memory_space<hbm>>) target(%arg6 : memref<160xi32, #tpu.memory_space<vmem>>) target_semaphore(%arg16 : memref<!tpu.dma_semaphore, #tpu.memory_space<semaphore_mem>>)
      %add3A_509 = arith.constant 0 : i32
      %add3A_510 = arith.addi %add3A_506, %add3A_509 : i32
      %dma_start3A_511 = tpu.memref_slice %arg3[%add3A_510] : memref<320000xi32, #tpu.memory_space<hbm>> -> memref<80xi32, #tpu.memory_space<hbm>>
      %dma_start3A_512 = tpu.memref_slice %arg3[%add3A_510] : memref<320000xi32, #tpu.memory_space<hbm>> -> memref<80xi32, #tpu.memory_space<hbm>>
      tpu.enqueue_dma source(%dma_start3A_512 : memref<80xi32, #tpu.memory_space<hbm>>) target(%arg8 : memref<80xi32, #tpu.memory_space<vmem>>) target_semaphore(%arg16 : memref<!tpu.dma_semaphore, #tpu.memory_space<semaphore_mem>>)
      %add3A_513 = arith.constant 80 : i32
      %add3A_514 = arith.addi %add3A_506, %add3A_513 : i32
      %dma_start3A_515 = tpu.memref_slice %arg3[%add3A_514] : memref<320000xi32, #tpu.memory_space<hbm>> -> memref<80xi32, #tpu.memory_space<hbm>>
      %dma_start3A_516 = tpu.memref_slice %arg3[%add3A_514] : memref<320000xi32, #tpu.memory_space<hbm>> -> memref<80xi32, #tpu.memory_space<hbm>>
      tpu.enqueue_dma source(%dma_start3A_516 : memref<80xi32, #tpu.memory_space<hbm>>) target(%arg9 : memref<80xi32, #tpu.memory_space<vmem>>) target_semaphore(%arg16 : memref<!tpu.dma_semaphore, #tpu.memory_space<semaphore_mem>>)
      %add3A_517 = arith.constant 1 : i32
      %add3A_518 = arith.addi %add3A_447, %add3A_517 : i32
      %dma_wait3A_519 = tpu.memref_slice %arg2[%mul3A_7] : memref<320000xi32, #tpu.memory_space<hbm>> -> memref<160xi32, #tpu.memory_space<hbm>>
      %dma_wait3A_520 = tpu.memref_slice %arg2[%mul3A_7] : memref<320000xi32, #tpu.memory_space<hbm>> -> memref<160xi32, #tpu.memory_space<hbm>>
      tpu.wait_dma2 semaphore(%arg16 : memref<!tpu.dma_semaphore, #tpu.memory_space<semaphore_mem>>) src(%dma_wait3A_520 : memref<160xi32, #tpu.memory_space<hbm>>) dst(%arg6 : memref<160xi32, #tpu.memory_space<vmem>>)
      %dma_wait3A_521 = tpu.memref_slice %arg3[%mul3A_7] : memref<320000xi32, #tpu.memory_space<hbm>> -> memref<80xi32, #tpu.memory_space<hbm>>
      %dma_wait3A_522 = tpu.memref_slice %arg3[%mul3A_7] : memref<320000xi32, #tpu.memory_space<hbm>> -> memref<80xi32, #tpu.memory_space<hbm>>
      tpu.wait_dma2 semaphore(%arg16 : memref<!tpu.dma_semaphore, #tpu.memory_space<semaphore_mem>>) src(%dma_wait3A_522 : memref<80xi32, #tpu.memory_space<hbm>>) dst(%arg8 : memref<80xi32, #tpu.memory_space<vmem>>)
      %dma_wait3A_523 = tpu.memref_slice %arg3[%mul3A_7] : memref<320000xi32, #tpu.memory_space<hbm>> -> memref<80xi32, #tpu.memory_space<hbm>>
      %dma_wait3A_524 = tpu.memref_slice %arg3[%mul3A_7] : memref<320000xi32, #tpu.memory_space<hbm>> -> memref<80xi32, #tpu.memory_space<hbm>>
      tpu.wait_dma2 semaphore(%arg16 : memref<!tpu.dma_semaphore, #tpu.memory_space<semaphore_mem>>) src(%dma_wait3A_524 : memref<80xi32, #tpu.memory_space<hbm>>) dst(%arg9 : memref<80xi32, #tpu.memory_space<vmem>>)
      %dma_start3A_525 = arith.constant 0 : i32
      %dma_start3A_526 = arith.constant 0 : i32
      %dma_start3A_527 = tpu.memref_slice %arg12[%dma_start3A_525, %dma_start3A_526] : memref<160x128xf32, #tpu.memory_space<vmem>> -> memref<80x128xf32, #tpu.memory_space<vmem>>
      %dma_start3A_528 = arith.constant 0 : i32
      %dma_start3A_529 = tpu.memref_slice %arg6[%dma_start3A_528] : memref<160xi32, #tpu.memory_space<vmem>> -> memref<80xi32, #tpu.memory_space<vmem>>
      %dma_start3A_530 = arith.constant 0 : i32
      %dma_start3A_531 = arith.constant 0 : i32
      %dma_start3A_532 = tpu.memref_slice %arg4[%add3A_5, %dma_start3A_530, %dma_start3A_531] : memref<4x10240x128xf32, #tpu.memory_space<hbm>> -> memref<1x10240x128xf32, #tpu.memory_space<hbm>>
      %dma_start3A_533 = tpu.memref_squeeze %dma_start3A_532 : memref<1x10240x128xf32, #tpu.memory_space<hbm>> -> memref<10240x128xf32, #tpu.memory_space<hbm>>
      %dma_start3A_534 = arith.constant 0 : i32
      %dma_start3A_535 = arith.constant 0 : i32
      %dma_start3A_536 = tpu.memref_slice %dma_start3A_533[%dma_start3A_534, %dma_start3A_535] : memref<10240x128xf32, #tpu.memory_space<hbm>> -> memref<10240x128xf32, #tpu.memory_space<hbm>>
      tpu.enqueue_indirect_dma source(%dma_start3A_536 : memref<10240x128xf32, #tpu.memory_space<hbm>>) target(%dma_start3A_527 : memref<80x128xf32, #tpu.memory_space<vmem>>) offsets(%dma_start3A_529 : memref<80xi32, #tpu.memory_space<vmem>>) semaphore(%arg18 : memref<!tpu.dma_semaphore, #tpu.memory_space<semaphore_mem>>)
      %dma_start3A_537 = arith.constant 80 : i32
      %dma_start3A_538 = arith.constant 0 : i32
      %dma_start3A_539 = tpu.memref_slice %arg12[%dma_start3A_537, %dma_start3A_538] : memref<160x128xf32, #tpu.memory_space<vmem>> -> memref<80x128xf32, #tpu.memory_space<vmem>>
      %dma_start3A_540 = arith.constant 80 : i32
      %dma_start3A_541 = tpu.memref_slice %arg6[%dma_start3A_540] : memref<160xi32, #tpu.memory_space<vmem>> -> memref<80xi32, #tpu.memory_space<vmem>>
      %dma_start3A_542 = arith.constant 0 : i32
      %dma_start3A_543 = arith.constant 0 : i32
      %dma_start3A_544 = tpu.memref_slice %arg4[%add3A_5, %dma_start3A_542, %dma_start3A_543] : memref<4x10240x128xf32, #tpu.memory_space<hbm>> -> memref<1x10240x128xf32, #tpu.memory_space<hbm>>
      %dma_start3A_545 = tpu.memref_squeeze %dma_start3A_544 : memref<1x10240x128xf32, #tpu.memory_space<hbm>> -> memref<10240x128xf32, #tpu.memory_space<hbm>>
      %dma_start3A_546 = arith.constant 0 : i32
      %dma_start3A_547 = arith.constant 0 : i32
      %dma_start3A_548 = tpu.memref_slice %dma_start3A_545[%dma_start3A_546, %dma_start3A_547] : memref<10240x128xf32, #tpu.memory_space<hbm>> -> memref<10240x128xf32, #tpu.memory_space<hbm>>
      tpu.enqueue_indirect_dma source(%dma_start3A_548 : memref<10240x128xf32, #tpu.memory_space<hbm>>) target(%dma_start3A_539 : memref<80x128xf32, #tpu.memory_space<vmem>>) offsets(%dma_start3A_541 : memref<80xi32, #tpu.memory_space<vmem>>) semaphore(%arg18 : memref<!tpu.dma_semaphore, #tpu.memory_space<semaphore_mem>>)
      %dma_wait3A_549 = arith.constant 0 : i32
      %dma_wait3A_550 = arith.constant 0 : i32
      %dma_wait3A_551 = tpu.memref_slice %arg13[%dma_wait3A_549, %dma_wait3A_550] : memref<160x128xf32, #tpu.memory_space<vmem>> -> memref<80x128xf32, #tpu.memory_space<vmem>>
      %dma_wait3A_552 = arith.constant 0 : i32
      %dma_wait3A_553 = tpu.memref_slice %arg7[%dma_wait3A_552] : memref<160xi32, #tpu.memory_space<vmem>> -> memref<80xi32, #tpu.memory_space<vmem>>
      %dma_wait3A_554 = arith.constant 0 : i32
      %dma_wait3A_555 = arith.constant 0 : i32
      %dma_wait3A_556 = tpu.memref_slice %arg4[%add3A_5, %dma_wait3A_554, %dma_wait3A_555] : memref<4x10240x128xf32, #tpu.memory_space<hbm>> -> memref<1x10240x128xf32, #tpu.memory_space<hbm>>
      %dma_wait3A_557 = tpu.memref_squeeze %dma_wait3A_556 : memref<1x10240x128xf32, #tpu.memory_space<hbm>> -> memref<10240x128xf32, #tpu.memory_space<hbm>>
      %dma_wait3A_558 = arith.constant 0 : i32
      %dma_wait3A_559 = arith.constant 0 : i32
      %dma_wait3A_560 = tpu.memref_slice %dma_wait3A_557[%dma_wait3A_558, %dma_wait3A_559] : memref<10240x128xf32, #tpu.memory_space<hbm>> -> memref<10240x128xf32, #tpu.memory_space<hbm>>
      tpu.wait_indirect_dma semaphore(%arg19 : memref<!tpu.dma_semaphore, #tpu.memory_space<semaphore_mem>>) src(%dma_wait3A_560 : memref<10240x128xf32, #tpu.memory_space<hbm>>) dst(%dma_wait3A_551 : memref<80x128xf32, #tpu.memory_space<vmem>>)
      %dma_wait3A_561 = arith.constant 80 : i32
      %dma_wait3A_562 = arith.constant 0 : i32
      %dma_wait3A_563 = tpu.memref_slice %arg13[%dma_wait3A_561, %dma_wait3A_562] : memref<160x128xf32, #tpu.memory_space<vmem>> -> memref<80x128xf32, #tpu.memory_space<vmem>>
      %dma_wait3A_564 = arith.constant 80 : i32
      %dma_wait3A_565 = tpu.memref_slice %arg7[%dma_wait3A_564] : memref<160xi32, #tpu.memory_space<vmem>> -> memref<80xi32, #tpu.memory_space<vmem>>
      %dma_wait3A_566 = arith.constant 0 : i32
      %dma_wait3A_567 = arith.constant 0 : i32
      %dma_wait3A_568 = tpu.memref_slice %arg4[%add3A_5, %dma_wait3A_566, %dma_wait3A_567] : memref<4x10240x128xf32, #tpu.memory_space<hbm>> -> memref<1x10240x128xf32, #tpu.memory_space<hbm>>
      %dma_wait3A_569 = tpu.memref_squeeze %dma_wait3A_568 : memref<1x10240x128xf32, #tpu.memory_space<hbm>> -> memref<10240x128xf32, #tpu.memory_space<hbm>>
      %dma_wait3A_570 = arith.constant 0 : i32
      %dma_wait3A_571 = arith.constant 0 : i32
      %dma_wait3A_572 = tpu.memref_slice %dma_wait3A_569[%dma_wait3A_570, %dma_wait3A_571] : memref<10240x128xf32, #tpu.memory_space<hbm>> -> memref<10240x128xf32, #tpu.memory_space<hbm>>
      tpu.wait_indirect_dma semaphore(%arg19 : memref<!tpu.dma_semaphore, #tpu.memory_space<semaphore_mem>>) src(%dma_wait3A_572 : memref<10240x128xf32, #tpu.memory_space<hbm>>) dst(%dma_wait3A_563 : memref<80x128xf32, #tpu.memory_space<vmem>>)
      "tpu.region"() ({
        %run_scoped3A = tpu.sem_alloc : memref<!tpu.dma_semaphore, #tpu.memory_space<semaphore_mem>>
        %dma_start3A_588 = arith.constant 0 : i32
        %dma_start3A_589 = arith.constant 0 : i32
        %dma_start3A_590 = tpu.memref_slice %arg13[%dma_start3A_588, %dma_start3A_589] : memref<160x128xf32, #tpu.memory_space<vmem>> -> memref<80x128xf32, #tpu.memory_space<vmem>>
        %dma_start3A_591 = arith.constant 0 : i32
        %dma_start3A_592 = arith.constant 0 : i32
        %dma_start3A_593 = tpu.memref_slice %arg15[%dma_start3A_591, %dma_start3A_592] : memref<10240x128xf32, #tpu.memory_space<vmem_shared>> -> memref<10240x128xf32, #tpu.memory_space<vmem_shared>>
        tpu.enqueue_indirect_dma source(%dma_start3A_590 : memref<80x128xf32, #tpu.memory_space<vmem>>) target(%dma_start3A_593 : memref<10240x128xf32, #tpu.memory_space<vmem_shared>>) offsets(%arg10 : memref<80xi32, #tpu.memory_space<vmem>>) semaphore(%run_scoped3A : memref<!tpu.dma_semaphore, #tpu.memory_space<semaphore_mem>>) {add = true}
        %dma_wait3A_594 = arith.constant 0 : i32
        %dma_wait3A_595 = arith.constant 0 : i32
        %dma_wait3A_596 = tpu.memref_slice %arg13[%dma_wait3A_594, %dma_wait3A_595] : memref<160x128xf32, #tpu.memory_space<vmem>> -> memref<80x128xf32, #tpu.memory_space<vmem>>
        %dma_wait3A_597 = arith.constant 0 : i32
        %dma_wait3A_598 = arith.constant 0 : i32
        %dma_wait3A_599 = tpu.memref_slice %arg15[%dma_wait3A_597, %dma_wait3A_598] : memref<10240x128xf32, #tpu.memory_space<vmem_shared>> -> memref<10240x128xf32, #tpu.memory_space<vmem_shared>>
        tpu.wait_indirect_dma semaphore(%run_scoped3A : memref<!tpu.dma_semaphore, #tpu.memory_space<semaphore_mem>>) src(%dma_wait3A_596 : memref<80x128xf32, #tpu.memory_space<vmem>>) dst(%dma_wait3A_599 : memref<10240x128xf32, #tpu.memory_space<vmem_shared>>)
        tpu.yield
      }) : () -> ()
      "tpu.region"() ({
        %run_scoped3A = tpu.sem_alloc : memref<!tpu.dma_semaphore, #tpu.memory_space<semaphore_mem>>
        %dma_start3A_588 = arith.constant 80 : i32
        %dma_start3A_589 = arith.constant 0 : i32
        %dma_start3A_590 = tpu.memref_slice %arg13[%dma_start3A_588, %dma_start3A_589] : memref<160x128xf32, #tpu.memory_space<vmem>> -> memref<80x128xf32, #tpu.memory_space<vmem>>
        %dma_start3A_591 = arith.constant 0 : i32
        %dma_start3A_592 = arith.constant 0 : i32
        %dma_start3A_593 = tpu.memref_slice %arg15[%dma_start3A_591, %dma_start3A_592] : memref<10240x128xf32, #tpu.memory_space<vmem_shared>> -> memref<10240x128xf32, #tpu.memory_space<vmem_shared>>
        tpu.enqueue_indirect_dma source(%dma_start3A_590 : memref<80x128xf32, #tpu.memory_space<vmem>>) target(%dma_start3A_593 : memref<10240x128xf32, #tpu.memory_space<vmem_shared>>) offsets(%arg11 : memref<80xi32, #tpu.memory_space<vmem>>) semaphore(%run_scoped3A : memref<!tpu.dma_semaphore, #tpu.memory_space<semaphore_mem>>) {add = true}
        %dma_wait3A_594 = arith.constant 80 : i32
        %dma_wait3A_595 = arith.constant 0 : i32
        %dma_wait3A_596 = tpu.memref_slice %arg13[%dma_wait3A_594, %dma_wait3A_595] : memref<160x128xf32, #tpu.memory_space<vmem>> -> memref<80x128xf32, #tpu.memory_space<vmem>>
        %dma_wait3A_597 = arith.constant 0 : i32
        %dma_wait3A_598 = arith.constant 0 : i32
        %dma_wait3A_599 = tpu.memref_slice %arg15[%dma_wait3A_597, %dma_wait3A_598] : memref<10240x128xf32, #tpu.memory_space<vmem_shared>> -> memref<10240x128xf32, #tpu.memory_space<vmem_shared>>
        tpu.wait_indirect_dma semaphore(%run_scoped3A : memref<!tpu.dma_semaphore, #tpu.memory_space<semaphore_mem>>) src(%dma_wait3A_596 : memref<80x128xf32, #tpu.memory_space<vmem>>) dst(%dma_wait3A_599 : memref<10240x128xf32, #tpu.memory_space<vmem_shared>>)
        tpu.yield
      }) : () -> ()
      %add3A_573 = arith.constant 1 : i32
      %add3A_574 = arith.addi %add3A_518, %add3A_573 : i32
      %mul3A_575 = arith.constant 160 : i32
      %mul3A_576 = arith.muli %add3A_574, %mul3A_575 : i32
      %add3A_577 = arith.addi %mul3A_7, %mul3A_576 : i32
      %dma_start3A_578 = tpu.memref_slice %arg2[%add3A_577] : memref<320000xi32, #tpu.memory_space<hbm>> -> memref<160xi32, #tpu.memory_space<hbm>>
      %dma_start3A_579 = tpu.memref_slice %arg2[%add3A_577] : memref<320000xi32, #tpu.memory_space<hbm>> -> memref<160xi32, #tpu.memory_space<hbm>>
      tpu.enqueue_dma source(%dma_start3A_579 : memref<160xi32, #tpu.memory_space<hbm>>) target(%arg7 : memref<160xi32, #tpu.memory_space<vmem>>) target_semaphore(%arg17 : memref<!tpu.dma_semaphore, #tpu.memory_space<semaphore_mem>>)
      %add3A_580 = arith.constant 0 : i32
      %add3A_581 = arith.addi %add3A_577, %add3A_580 : i32
      %dma_start3A_582 = tpu.memref_slice %arg3[%add3A_581] : memref<320000xi32, #tpu.memory_space<hbm>> -> memref<80xi32, #tpu.memory_space<hbm>>
      %dma_start3A_583 = tpu.memref_slice %arg3[%add3A_581] : memref<320000xi32, #tpu.memory_space<hbm>> -> memref<80xi32, #tpu.memory_space<hbm>>
      tpu.enqueue_dma source(%dma_start3A_583 : memref<80xi32, #tpu.memory_space<hbm>>) target(%arg10 : memref<80xi32, #tpu.memory_space<vmem>>) target_semaphore(%arg17 : memref<!tpu.dma_semaphore, #tpu.memory_space<semaphore_mem>>)
      %add3A_584 = arith.constant 80 : i32
      %add3A_585 = arith.addi %add3A_577, %add3A_584 : i32
      %dma_start3A_586 = tpu.memref_slice %arg3[%add3A_585] : memref<320000xi32, #tpu.memory_space<hbm>> -> memref<80xi32, #tpu.memory_space<hbm>>
      %dma_start3A_587 = tpu.memref_slice %arg3[%add3A_585] : memref<320000xi32, #tpu.memory_space<hbm>> -> memref<80xi32, #tpu.memory_space<hbm>>
      tpu.enqueue_dma source(%dma_start3A_587 : memref<80xi32, #tpu.memory_space<hbm>>) target(%arg11 : memref<80xi32, #tpu.memory_space<vmem>>) target_semaphore(%arg17 : memref<!tpu.dma_semaphore, #tpu.memory_space<semaphore_mem>>)
    }
    %scan3A_69 = arith.constant 61 : i32
    %dma_wait3A_70 = tpu.memref_slice %arg2[%mul3A_7] : memref<320000xi32, #tpu.memory_space<hbm>> -> memref<160xi32, #tpu.memory_space<hbm>>
    %dma_wait3A_71 = tpu.memref_slice %arg2[%mul3A_7] : memref<320000xi32, #tpu.memory_space<hbm>> -> memref<160xi32, #tpu.memory_space<hbm>>
    tpu.wait_dma2 semaphore(%arg17 : memref<!tpu.dma_semaphore, #tpu.memory_space<semaphore_mem>>) src(%dma_wait3A_71 : memref<160xi32, #tpu.memory_space<hbm>>) dst(%arg7 : memref<160xi32, #tpu.memory_space<vmem>>)
    %dma_wait3A_72 = tpu.memref_slice %arg3[%mul3A_7] : memref<320000xi32, #tpu.memory_space<hbm>> -> memref<80xi32, #tpu.memory_space<hbm>>
    %dma_wait3A_73 = tpu.memref_slice %arg3[%mul3A_7] : memref<320000xi32, #tpu.memory_space<hbm>> -> memref<80xi32, #tpu.memory_space<hbm>>
    tpu.wait_dma2 semaphore(%arg17 : memref<!tpu.dma_semaphore, #tpu.memory_space<semaphore_mem>>) src(%dma_wait3A_73 : memref<80xi32, #tpu.memory_space<hbm>>) dst(%arg10 : memref<80xi32, #tpu.memory_space<vmem>>)
    %dma_wait3A_74 = tpu.memref_slice %arg3[%mul3A_7] : memref<320000xi32, #tpu.memory_space<hbm>> -> memref<80xi32, #tpu.memory_space<hbm>>
    %dma_wait3A_75 = tpu.memref_slice %arg3[%mul3A_7] : memref<320000xi32, #tpu.memory_space<hbm>> -> memref<80xi32, #tpu.memory_space<hbm>>
    tpu.wait_dma2 semaphore(%arg17 : memref<!tpu.dma_semaphore, #tpu.memory_space<semaphore_mem>>) src(%dma_wait3A_75 : memref<80xi32, #tpu.memory_space<hbm>>) dst(%arg11 : memref<80xi32, #tpu.memory_space<vmem>>)
    %dma_start3A_76 = arith.constant 0 : i32
    %dma_start3A_77 = arith.constant 0 : i32
    %dma_start3A_78 = tpu.memref_slice %arg13[%dma_start3A_76, %dma_start3A_77] : memref<160x128xf32, #tpu.memory_space<vmem>> -> memref<80x128xf32, #tpu.memory_space<vmem>>
    %dma_start3A_79 = arith.constant 0 : i32
    %dma_start3A_80 = tpu.memref_slice %arg7[%dma_start3A_79] : memref<160xi32, #tpu.memory_space<vmem>> -> memref<80xi32, #tpu.memory_space<vmem>>
    %dma_start3A_81 = arith.constant 0 : i32
    %dma_start3A_82 = arith.constant 0 : i32
    %dma_start3A_83 = tpu.memref_slice %arg4[%add3A_5, %dma_start3A_81, %dma_start3A_82] : memref<4x10240x128xf32, #tpu.memory_space<hbm>> -> memref<1x10240x128xf32, #tpu.memory_space<hbm>>
    %dma_start3A_84 = tpu.memref_squeeze %dma_start3A_83 : memref<1x10240x128xf32, #tpu.memory_space<hbm>> -> memref<10240x128xf32, #tpu.memory_space<hbm>>
    %dma_start3A_85 = arith.constant 0 : i32
    %dma_start3A_86 = arith.constant 0 : i32
    %dma_start3A_87 = tpu.memref_slice %dma_start3A_84[%dma_start3A_85, %dma_start3A_86] : memref<10240x128xf32, #tpu.memory_space<hbm>> -> memref<10240x128xf32, #tpu.memory_space<hbm>>
    tpu.enqueue_indirect_dma source(%dma_start3A_87 : memref<10240x128xf32, #tpu.memory_space<hbm>>) target(%dma_start3A_78 : memref<80x128xf32, #tpu.memory_space<vmem>>) offsets(%dma_start3A_80 : memref<80xi32, #tpu.memory_space<vmem>>) semaphore(%arg19 : memref<!tpu.dma_semaphore, #tpu.memory_space<semaphore_mem>>)
    %dma_start3A_88 = arith.constant 80 : i32
    %dma_start3A_89 = arith.constant 0 : i32
    %dma_start3A_90 = tpu.memref_slice %arg13[%dma_start3A_88, %dma_start3A_89] : memref<160x128xf32, #tpu.memory_space<vmem>> -> memref<80x128xf32, #tpu.memory_space<vmem>>
    %dma_start3A_91 = arith.constant 80 : i32
    %dma_start3A_92 = tpu.memref_slice %arg7[%dma_start3A_91] : memref<160xi32, #tpu.memory_space<vmem>> -> memref<80xi32, #tpu.memory_space<vmem>>
    %dma_start3A_93 = arith.constant 0 : i32
    %dma_start3A_94 = arith.constant 0 : i32
    %dma_start3A_95 = tpu.memref_slice %arg4[%add3A_5, %dma_start3A_93, %dma_start3A_94] : memref<4x10240x128xf32, #tpu.memory_space<hbm>> -> memref<1x10240x128xf32, #tpu.memory_space<hbm>>
    %dma_start3A_96 = tpu.memref_squeeze %dma_start3A_95 : memref<1x10240x128xf32, #tpu.memory_space<hbm>> -> memref<10240x128xf32, #tpu.memory_space<hbm>>
    %dma_start3A_97 = arith.constant 0 : i32
    %dma_start3A_98 = arith.constant 0 : i32
    %dma_start3A_99 = tpu.memref_slice %dma_start3A_96[%dma_start3A_97, %dma_start3A_98] : memref<10240x128xf32, #tpu.memory_space<hbm>> -> memref<10240x128xf32, #tpu.memory_space<hbm>>
    tpu.enqueue_indirect_dma source(%dma_start3A_99 : memref<10240x128xf32, #tpu.memory_space<hbm>>) target(%dma_start3A_90 : memref<80x128xf32, #tpu.memory_space<vmem>>) offsets(%dma_start3A_92 : memref<80xi32, #tpu.memory_space<vmem>>) semaphore(%arg19 : memref<!tpu.dma_semaphore, #tpu.memory_space<semaphore_mem>>)
    %dma_wait3A_100 = arith.constant 0 : i32
    %dma_wait3A_101 = arith.constant 0 : i32
    %dma_wait3A_102 = tpu.memref_slice %arg12[%dma_wait3A_100, %dma_wait3A_101] : memref<160x128xf32, #tpu.memory_space<vmem>> -> memref<80x128xf32, #tpu.memory_space<vmem>>
    %dma_wait3A_103 = arith.constant 0 : i32
    %dma_wait3A_104 = tpu.memref_slice %arg6[%dma_wait3A_103] : memref<160xi32, #tpu.memory_space<vmem>> -> memref<80xi32, #tpu.memory_space<vmem>>
    %dma_wait3A_105 = arith.constant 0 : i32
    %dma_wait3A_106 = arith.constant 0 : i32
    %dma_wait3A_107 = tpu.memref_slice %arg4[%add3A_5, %dma_wait3A_105, %dma_wait3A_106] : memref<4x10240x128xf32, #tpu.memory_space<hbm>> -> memref<1x10240x128xf32, #tpu.memory_space<hbm>>
    %dma_wait3A_108 = tpu.memref_squeeze %dma_wait3A_107 : memref<1x10240x128xf32, #tpu.memory_space<hbm>> -> memref<10240x128xf32, #tpu.memory_space<hbm>>
    %dma_wait3A_109 = arith.constant 0 : i32
    %dma_wait3A_110 = arith.constant 0 : i32
    %dma_wait3A_111 = tpu.memref_slice %dma_wait3A_108[%dma_wait3A_109, %dma_wait3A_110] : memref<10240x128xf32, #tpu.memory_space<hbm>> -> memref<10240x128xf32, #tpu.memory_space<hbm>>
    tpu.wait_indirect_dma semaphore(%arg18 : memref<!tpu.dma_semaphore, #tpu.memory_space<semaphore_mem>>) src(%dma_wait3A_111 : memref<10240x128xf32, #tpu.memory_space<hbm>>) dst(%dma_wait3A_102 : memref<80x128xf32, #tpu.memory_space<vmem>>)
    %dma_wait3A_112 = arith.constant 80 : i32
    %dma_wait3A_113 = arith.constant 0 : i32
    %dma_wait3A_114 = tpu.memref_slice %arg12[%dma_wait3A_112, %dma_wait3A_113] : memref<160x128xf32, #tpu.memory_space<vmem>> -> memref<80x128xf32, #tpu.memory_space<vmem>>
    %dma_wait3A_115 = arith.constant 80 : i32
    %dma_wait3A_116 = tpu.memref_slice %arg6[%dma_wait3A_115] : memref<160xi32, #tpu.memory_space<vmem>> -> memref<80xi32, #tpu.memory_space<vmem>>
    %dma_wait3A_117 = arith.constant 0 : i32
    %dma_wait3A_118 = arith.constant 0 : i32
    %dma_wait3A_119 = tpu.memref_slice %arg4[%add3A_5, %dma_wait3A_117, %dma_wait3A_118] : memref<4x10240x128xf32, #tpu.memory_space<hbm>> -> memref<1x10240x128xf32, #tpu.memory_space<hbm>>
    %dma_wait3A_120 = tpu.memref_squeeze %dma_wait3A_119 : memref<1x10240x128xf32, #tpu.memory_space<hbm>> -> memref<10240x128xf32, #tpu.memory_space<hbm>>
    %dma_wait3A_121 = arith.constant 0 : i32
    %dma_wait3A_122 = arith.constant 0 : i32
    %dma_wait3A_123 = tpu.memref_slice %dma_wait3A_120[%dma_wait3A_121, %dma_wait3A_122] : memref<10240x128xf32, #tpu.memory_space<hbm>> -> memref<10240x128xf32, #tpu.memory_space<hbm>>
    tpu.wait_indirect_dma semaphore(%arg18 : memref<!tpu.dma_semaphore, #tpu.memory_space<semaphore_mem>>) src(%dma_wait3A_123 : memref<10240x128xf32, #tpu.memory_space<hbm>>) dst(%dma_wait3A_114 : memref<80x128xf32, #tpu.memory_space<vmem>>)
    "tpu.region"() ({
      %run_scoped3A = tpu.sem_alloc : memref<!tpu.dma_semaphore, #tpu.memory_space<semaphore_mem>>
      %dma_start3A_439 = arith.constant 0 : i32
      %dma_start3A_440 = arith.constant 0 : i32
      %dma_start3A_441 = tpu.memref_slice %arg12[%dma_start3A_439, %dma_start3A_440] : memref<160x128xf32, #tpu.memory_space<vmem>> -> memref<80x128xf32, #tpu.memory_space<vmem>>
      %dma_start3A_442 = arith.constant 0 : i32
      %dma_start3A_443 = arith.constant 0 : i32
      %dma_start3A_444 = tpu.memref_slice %arg15[%dma_start3A_442, %dma_start3A_443] : memref<10240x128xf32, #tpu.memory_space<vmem_shared>> -> memref<10240x128xf32, #tpu.memory_space<vmem_shared>>
      tpu.enqueue_indirect_dma source(%dma_start3A_441 : memref<80x128xf32, #tpu.memory_space<vmem>>) target(%dma_start3A_444 : memref<10240x128xf32, #tpu.memory_space<vmem_shared>>) offsets(%arg8 : memref<80xi32, #tpu.memory_space<vmem>>) semaphore(%run_scoped3A : memref<!tpu.dma_semaphore, #tpu.memory_space<semaphore_mem>>) {add = true}
      %dma_wait3A_445 = arith.constant 0 : i32
      %dma_wait3A_446 = arith.constant 0 : i32
      %dma_wait3A_447 = tpu.memref_slice %arg12[%dma_wait3A_445, %dma_wait3A_446] : memref<160x128xf32, #tpu.memory_space<vmem>> -> memref<80x128xf32, #tpu.memory_space<vmem>>
      %dma_wait3A_448 = arith.constant 0 : i32
      %dma_wait3A_449 = arith.constant 0 : i32
      %dma_wait3A_450 = tpu.memref_slice %arg15[%dma_wait3A_448, %dma_wait3A_449] : memref<10240x128xf32, #tpu.memory_space<vmem_shared>> -> memref<10240x128xf32, #tpu.memory_space<vmem_shared>>
      tpu.wait_indirect_dma semaphore(%run_scoped3A : memref<!tpu.dma_semaphore, #tpu.memory_space<semaphore_mem>>) src(%dma_wait3A_447 : memref<80x128xf32, #tpu.memory_space<vmem>>) dst(%dma_wait3A_450 : memref<10240x128xf32, #tpu.memory_space<vmem_shared>>)
      tpu.yield
    }) : () -> ()
    "tpu.region"() ({
      %run_scoped3A = tpu.sem_alloc : memref<!tpu.dma_semaphore, #tpu.memory_space<semaphore_mem>>
      %dma_start3A_439 = arith.constant 80 : i32
      %dma_start3A_440 = arith.constant 0 : i32
      %dma_start3A_441 = tpu.memref_slice %arg12[%dma_start3A_439, %dma_start3A_440] : memref<160x128xf32, #tpu.memory_space<vmem>> -> memref<80x128xf32, #tpu.memory_space<vmem>>
      %dma_start3A_442 = arith.constant 0 : i32
      %dma_start3A_443 = arith.constant 0 : i32
      %dma_start3A_444 = tpu.memref_slice %arg15[%dma_start3A_442, %dma_start3A_443] : memref<10240x128xf32, #tpu.memory_space<vmem_shared>> -> memref<10240x128xf32, #tpu.memory_space<vmem_shared>>
      tpu.enqueue_indirect_dma source(%dma_start3A_441 : memref<80x128xf32, #tpu.memory_space<vmem>>) target(%dma_start3A_444 : memref<10240x128xf32, #tpu.memory_space<vmem_shared>>) offsets(%arg9 : memref<80xi32, #tpu.memory_space<vmem>>) semaphore(%run_scoped3A : memref<!tpu.dma_semaphore, #tpu.memory_space<semaphore_mem>>) {add = true}
      %dma_wait3A_445 = arith.constant 80 : i32
      %dma_wait3A_446 = arith.constant 0 : i32
      %dma_wait3A_447 = tpu.memref_slice %arg12[%dma_wait3A_445, %dma_wait3A_446] : memref<160x128xf32, #tpu.memory_space<vmem>> -> memref<80x128xf32, #tpu.memory_space<vmem>>
      %dma_wait3A_448 = arith.constant 0 : i32
      %dma_wait3A_449 = arith.constant 0 : i32
      %dma_wait3A_450 = tpu.memref_slice %arg15[%dma_wait3A_448, %dma_wait3A_449] : memref<10240x128xf32, #tpu.memory_space<vmem_shared>> -> memref<10240x128xf32, #tpu.memory_space<vmem_shared>>
      tpu.wait_indirect_dma semaphore(%run_scoped3A : memref<!tpu.dma_semaphore, #tpu.memory_space<semaphore_mem>>) src(%dma_wait3A_447 : memref<80x128xf32, #tpu.memory_space<vmem>>) dst(%dma_wait3A_450 : memref<10240x128xf32, #tpu.memory_space<vmem_shared>>)
      tpu.yield
    }) : () -> ()
    %add3A_124 = arith.constant 19840 : i32
    %add3A_125 = arith.addi %mul3A_7, %add3A_124 : i32
    %dma_start3A_126 = tpu.memref_slice %arg2[%add3A_125] : memref<320000xi32, #tpu.memory_space<hbm>> -> memref<160xi32, #tpu.memory_space<hbm>>
    %dma_start3A_127 = tpu.memref_slice %arg2[%add3A_125] : memref<320000xi32, #tpu.memory_space<hbm>> -> memref<160xi32, #tpu.memory_space<hbm>>
    tpu.enqueue_dma source(%dma_start3A_127 : memref<160xi32, #tpu.memory_space<hbm>>) target(%arg6 : memref<160xi32, #tpu.memory_space<vmem>>) target_semaphore(%arg16 : memref<!tpu.dma_semaphore, #tpu.memory_space<semaphore_mem>>)
    %add3A_128 = arith.constant 0 : i32
    %add3A_129 = arith.addi %add3A_125, %add3A_128 : i32
    %dma_start3A_130 = tpu.memref_slice %arg3[%add3A_129] : memref<320000xi32, #tpu.memory_space<hbm>> -> memref<80xi32, #tpu.memory_space<hbm>>
    %dma_start3A_131 = tpu.memref_slice %arg3[%add3A_129] : memref<320000xi32, #tpu.memory_space<hbm>> -> memref<80xi32, #tpu.memory_space<hbm>>
    tpu.enqueue_dma source(%dma_start3A_131 : memref<80xi32, #tpu.memory_space<hbm>>) target(%arg8 : memref<80xi32, #tpu.memory_space<vmem>>) target_semaphore(%arg16 : memref<!tpu.dma_semaphore, #tpu.memory_space<semaphore_mem>>)
    %add3A_132 = arith.constant 80 : i32
    %add3A_133 = arith.addi %add3A_125, %add3A_132 : i32
    %dma_start3A_134 = tpu.memref_slice %arg3[%add3A_133] : memref<320000xi32, #tpu.memory_space<hbm>> -> memref<80xi32, #tpu.memory_space<hbm>>
    %dma_start3A_135 = tpu.memref_slice %arg3[%add3A_133] : memref<320000xi32, #tpu.memory_space<hbm>> -> memref<80xi32, #tpu.memory_space<hbm>>
    tpu.enqueue_dma source(%dma_start3A_135 : memref<80xi32, #tpu.memory_space<hbm>>) target(%arg9 : memref<80xi32, #tpu.memory_space<vmem>>) target_semaphore(%arg16 : memref<!tpu.dma_semaphore, #tpu.memory_space<semaphore_mem>>)
    %dma_wait3A_136 = tpu.memref_slice %arg2[%mul3A_7] : memref<320000xi32, #tpu.memory_space<hbm>> -> memref<160xi32, #tpu.memory_space<hbm>>
    %dma_wait3A_137 = tpu.memref_slice %arg2[%mul3A_7] : memref<320000xi32, #tpu.memory_space<hbm>> -> memref<160xi32, #tpu.memory_space<hbm>>
    tpu.wait_dma2 semaphore(%arg16 : memref<!tpu.dma_semaphore, #tpu.memory_space<semaphore_mem>>) src(%dma_wait3A_137 : memref<160xi32, #tpu.memory_space<hbm>>) dst(%arg6 : memref<160xi32, #tpu.memory_space<vmem>>)
    %dma_wait3A_138 = tpu.memref_slice %arg3[%mul3A_7] : memref<320000xi32, #tpu.memory_space<hbm>> -> memref<80xi32, #tpu.memory_space<hbm>>
    %dma_wait3A_139 = tpu.memref_slice %arg3[%mul3A_7] : memref<320000xi32, #tpu.memory_space<hbm>> -> memref<80xi32, #tpu.memory_space<hbm>>
    tpu.wait_dma2 semaphore(%arg16 : memref<!tpu.dma_semaphore, #tpu.memory_space<semaphore_mem>>) src(%dma_wait3A_139 : memref<80xi32, #tpu.memory_space<hbm>>) dst(%arg8 : memref<80xi32, #tpu.memory_space<vmem>>)
    %dma_wait3A_140 = tpu.memref_slice %arg3[%mul3A_7] : memref<320000xi32, #tpu.memory_space<hbm>> -> memref<80xi32, #tpu.memory_space<hbm>>
    %dma_wait3A_141 = tpu.memref_slice %arg3[%mul3A_7] : memref<320000xi32, #tpu.memory_space<hbm>> -> memref<80xi32, #tpu.memory_space<hbm>>
    tpu.wait_dma2 semaphore(%arg16 : memref<!tpu.dma_semaphore, #tpu.memory_space<semaphore_mem>>) src(%dma_wait3A_141 : memref<80xi32, #tpu.memory_space<hbm>>) dst(%arg9 : memref<80xi32, #tpu.memory_space<vmem>>)
    %dma_start3A_142 = arith.constant 0 : i32
    %dma_start3A_143 = arith.constant 0 : i32
    %dma_start3A_144 = tpu.memref_slice %arg12[%dma_start3A_142, %dma_start3A_143] : memref<160x128xf32, #tpu.memory_space<vmem>> -> memref<80x128xf32, #tpu.memory_space<vmem>>
    %dma_start3A_145 = arith.constant 0 : i32
    %dma_start3A_146 = tpu.memref_slice %arg6[%dma_start3A_145] : memref<160xi32, #tpu.memory_space<vmem>> -> memref<80xi32, #tpu.memory_space<vmem>>
    %dma_start3A_147 = arith.constant 0 : i32
    %dma_start3A_148 = arith.constant 0 : i32
    %dma_start3A_149 = tpu.memref_slice %arg4[%add3A_5, %dma_start3A_147, %dma_start3A_148] : memref<4x10240x128xf32, #tpu.memory_space<hbm>> -> memref<1x10240x128xf32, #tpu.memory_space<hbm>>
    %dma_start3A_150 = tpu.memref_squeeze %dma_start3A_149 : memref<1x10240x128xf32, #tpu.memory_space<hbm>> -> memref<10240x128xf32, #tpu.memory_space<hbm>>
    %dma_start3A_151 = arith.constant 0 : i32
    %dma_start3A_152 = arith.constant 0 : i32
    %dma_start3A_153 = tpu.memref_slice %dma_start3A_150[%dma_start3A_151, %dma_start3A_152] : memref<10240x128xf32, #tpu.memory_space<hbm>> -> memref<10240x128xf32, #tpu.memory_space<hbm>>
    tpu.enqueue_indirect_dma source(%dma_start3A_153 : memref<10240x128xf32, #tpu.memory_space<hbm>>) target(%dma_start3A_144 : memref<80x128xf32, #tpu.memory_space<vmem>>) offsets(%dma_start3A_146 : memref<80xi32, #tpu.memory_space<vmem>>) semaphore(%arg18 : memref<!tpu.dma_semaphore, #tpu.memory_space<semaphore_mem>>)
    %dma_start3A_154 = arith.constant 80 : i32
    %dma_start3A_155 = arith.constant 0 : i32
    %dma_start3A_156 = tpu.memref_slice %arg12[%dma_start3A_154, %dma_start3A_155] : memref<160x128xf32, #tpu.memory_space<vmem>> -> memref<80x128xf32, #tpu.memory_space<vmem>>
    %dma_start3A_157 = arith.constant 80 : i32
    %dma_start3A_158 = tpu.memref_slice %arg6[%dma_start3A_157] : memref<160xi32, #tpu.memory_space<vmem>> -> memref<80xi32, #tpu.memory_space<vmem>>
    %dma_start3A_159 = arith.constant 0 : i32
    %dma_start3A_160 = arith.constant 0 : i32
    %dma_start3A_161 = tpu.memref_slice %arg4[%add3A_5, %dma_start3A_159, %dma_start3A_160] : memref<4x10240x128xf32, #tpu.memory_space<hbm>> -> memref<1x10240x128xf32, #tpu.memory_space<hbm>>
    %dma_start3A_162 = tpu.memref_squeeze %dma_start3A_161 : memref<1x10240x128xf32, #tpu.memory_space<hbm>> -> memref<10240x128xf32, #tpu.memory_space<hbm>>
    %dma_start3A_163 = arith.constant 0 : i32
    %dma_start3A_164 = arith.constant 0 : i32
    %dma_start3A_165 = tpu.memref_slice %dma_start3A_162[%dma_start3A_163, %dma_start3A_164] : memref<10240x128xf32, #tpu.memory_space<hbm>> -> memref<10240x128xf32, #tpu.memory_space<hbm>>
    tpu.enqueue_indirect_dma source(%dma_start3A_165 : memref<10240x128xf32, #tpu.memory_space<hbm>>) target(%dma_start3A_156 : memref<80x128xf32, #tpu.memory_space<vmem>>) offsets(%dma_start3A_158 : memref<80xi32, #tpu.memory_space<vmem>>) semaphore(%arg18 : memref<!tpu.dma_semaphore, #tpu.memory_space<semaphore_mem>>)
    %dma_wait3A_166 = arith.constant 0 : i32
    %dma_wait3A_167 = arith.constant 0 : i32
    %dma_wait3A_168 = tpu.memref_slice %arg13[%dma_wait3A_166, %dma_wait3A_167] : memref<160x128xf32, #tpu.memory_space<vmem>> -> memref<80x128xf32, #tpu.memory_space<vmem>>
    %dma_wait3A_169 = arith.constant 0 : i32
    %dma_wait3A_170 = tpu.memref_slice %arg7[%dma_wait3A_169] : memref<160xi32, #tpu.memory_space<vmem>> -> memref<80xi32, #tpu.memory_space<vmem>>
    %dma_wait3A_171 = arith.constant 0 : i32
    %dma_wait3A_172 = arith.constant 0 : i32
    %dma_wait3A_173 = tpu.memref_slice %arg4[%add3A_5, %dma_wait3A_171, %dma_wait3A_172] : memref<4x10240x128xf32, #tpu.memory_space<hbm>> -> memref<1x10240x128xf32, #tpu.memory_space<hbm>>
    %dma_wait3A_174 = tpu.memref_squeeze %dma_wait3A_173 : memref<1x10240x128xf32, #tpu.memory_space<hbm>> -> memref<10240x128xf32, #tpu.memory_space<hbm>>
    %dma_wait3A_175 = arith.constant 0 : i32
    %dma_wait3A_176 = arith.constant 0 : i32
    %dma_wait3A_177 = tpu.memref_slice %dma_wait3A_174[%dma_wait3A_175, %dma_wait3A_176] : memref<10240x128xf32, #tpu.memory_space<hbm>> -> memref<10240x128xf32, #tpu.memory_space<hbm>>
    tpu.wait_indirect_dma semaphore(%arg19 : memref<!tpu.dma_semaphore, #tpu.memory_space<semaphore_mem>>) src(%dma_wait3A_177 : memref<10240x128xf32, #tpu.memory_space<hbm>>) dst(%dma_wait3A_168 : memref<80x128xf32, #tpu.memory_space<vmem>>)
    %dma_wait3A_178 = arith.constant 80 : i32
    %dma_wait3A_179 = arith.constant 0 : i32
    %dma_wait3A_180 = tpu.memref_slice %arg13[%dma_wait3A_178, %dma_wait3A_179] : memref<160x128xf32, #tpu.memory_space<vmem>> -> memref<80x128xf32, #tpu.memory_space<vmem>>
    %dma_wait3A_181 = arith.constant 80 : i32
    %dma_wait3A_182 = tpu.memref_slice %arg7[%dma_wait3A_181] : memref<160xi32, #tpu.memory_space<vmem>> -> memref<80xi32, #tpu.memory_space<vmem>>
    %dma_wait3A_183 = arith.constant 0 : i32
    %dma_wait3A_184 = arith.constant 0 : i32
    %dma_wait3A_185 = tpu.memref_slice %arg4[%add3A_5, %dma_wait3A_183, %dma_wait3A_184] : memref<4x10240x128xf32, #tpu.memory_space<hbm>> -> memref<1x10240x128xf32, #tpu.memory_space<hbm>>
    %dma_wait3A_186 = tpu.memref_squeeze %dma_wait3A_185 : memref<1x10240x128xf32, #tpu.memory_space<hbm>> -> memref<10240x128xf32, #tpu.memory_space<hbm>>
    %dma_wait3A_187 = arith.constant 0 : i32
    %dma_wait3A_188 = arith.constant 0 : i32
    %dma_wait3A_189 = tpu.memref_slice %dma_wait3A_186[%dma_wait3A_187, %dma_wait3A_188] : memref<10240x128xf32, #tpu.memory_space<hbm>> -> memref<10240x128xf32, #tpu.memory_space<hbm>>
    tpu.wait_indirect_dma semaphore(%arg19 : memref<!tpu.dma_semaphore, #tpu.memory_space<semaphore_mem>>) src(%dma_wait3A_189 : memref<10240x128xf32, #tpu.memory_space<hbm>>) dst(%dma_wait3A_180 : memref<80x128xf32, #tpu.memory_space<vmem>>)
    "tpu.region"() ({
      %run_scoped3A = tpu.sem_alloc : memref<!tpu.dma_semaphore, #tpu.memory_space<semaphore_mem>>
      %dma_start3A_439 = arith.constant 0 : i32
      %dma_start3A_440 = arith.constant 0 : i32
      %dma_start3A_441 = tpu.memref_slice %arg13[%dma_start3A_439, %dma_start3A_440] : memref<160x128xf32, #tpu.memory_space<vmem>> -> memref<80x128xf32, #tpu.memory_space<vmem>>
      %dma_start3A_442 = arith.constant 0 : i32
      %dma_start3A_443 = arith.constant 0 : i32
      %dma_start3A_444 = tpu.memref_slice %arg15[%dma_start3A_442, %dma_start3A_443] : memref<10240x128xf32, #tpu.memory_space<vmem_shared>> -> memref<10240x128xf32, #tpu.memory_space<vmem_shared>>
      tpu.enqueue_indirect_dma source(%dma_start3A_441 : memref<80x128xf32, #tpu.memory_space<vmem>>) target(%dma_start3A_444 : memref<10240x128xf32, #tpu.memory_space<vmem_shared>>) offsets(%arg10 : memref<80xi32, #tpu.memory_space<vmem>>) semaphore(%run_scoped3A : memref<!tpu.dma_semaphore, #tpu.memory_space<semaphore_mem>>) {add = true}
      %dma_wait3A_445 = arith.constant 0 : i32
      %dma_wait3A_446 = arith.constant 0 : i32
      %dma_wait3A_447 = tpu.memref_slice %arg13[%dma_wait3A_445, %dma_wait3A_446] : memref<160x128xf32, #tpu.memory_space<vmem>> -> memref<80x128xf32, #tpu.memory_space<vmem>>
      %dma_wait3A_448 = arith.constant 0 : i32
      %dma_wait3A_449 = arith.constant 0 : i32
      %dma_wait3A_450 = tpu.memref_slice %arg15[%dma_wait3A_448, %dma_wait3A_449] : memref<10240x128xf32, #tpu.memory_space<vmem_shared>> -> memref<10240x128xf32, #tpu.memory_space<vmem_shared>>
      tpu.wait_indirect_dma semaphore(%run_scoped3A : memref<!tpu.dma_semaphore, #tpu.memory_space<semaphore_mem>>) src(%dma_wait3A_447 : memref<80x128xf32, #tpu.memory_space<vmem>>) dst(%dma_wait3A_450 : memref<10240x128xf32, #tpu.memory_space<vmem_shared>>)
      tpu.yield
    }) : () -> ()
    "tpu.region"() ({
      %run_scoped3A = tpu.sem_alloc : memref<!tpu.dma_semaphore, #tpu.memory_space<semaphore_mem>>
      %dma_start3A_439 = arith.constant 80 : i32
      %dma_start3A_440 = arith.constant 0 : i32
      %dma_start3A_441 = tpu.memref_slice %arg13[%dma_start3A_439, %dma_start3A_440] : memref<160x128xf32, #tpu.memory_space<vmem>> -> memref<80x128xf32, #tpu.memory_space<vmem>>
      %dma_start3A_442 = arith.constant 0 : i32
      %dma_start3A_443 = arith.constant 0 : i32
      %dma_start3A_444 = tpu.memref_slice %arg15[%dma_start3A_442, %dma_start3A_443] : memref<10240x128xf32, #tpu.memory_space<vmem_shared>> -> memref<10240x128xf32, #tpu.memory_space<vmem_shared>>
      tpu.enqueue_indirect_dma source(%dma_start3A_441 : memref<80x128xf32, #tpu.memory_space<vmem>>) target(%dma_start3A_444 : memref<10240x128xf32, #tpu.memory_space<vmem_shared>>) offsets(%arg11 : memref<80xi32, #tpu.memory_space<vmem>>) semaphore(%run_scoped3A : memref<!tpu.dma_semaphore, #tpu.memory_space<semaphore_mem>>) {add = true}
      %dma_wait3A_445 = arith.constant 80 : i32
      %dma_wait3A_446 = arith.constant 0 : i32
      %dma_wait3A_447 = tpu.memref_slice %arg13[%dma_wait3A_445, %dma_wait3A_446] : memref<160x128xf32, #tpu.memory_space<vmem>> -> memref<80x128xf32, #tpu.memory_space<vmem>>
      %dma_wait3A_448 = arith.constant 0 : i32
      %dma_wait3A_449 = arith.constant 0 : i32
      %dma_wait3A_450 = tpu.memref_slice %arg15[%dma_wait3A_448, %dma_wait3A_449] : memref<10240x128xf32, #tpu.memory_space<vmem_shared>> -> memref<10240x128xf32, #tpu.memory_space<vmem_shared>>
      tpu.wait_indirect_dma semaphore(%run_scoped3A : memref<!tpu.dma_semaphore, #tpu.memory_space<semaphore_mem>>) src(%dma_wait3A_447 : memref<80x128xf32, #tpu.memory_space<vmem>>) dst(%dma_wait3A_450 : memref<10240x128xf32, #tpu.memory_space<vmem_shared>>)
      tpu.yield
    }) : () -> ()
    %dma_wait3A_190 = arith.constant 0 : i32
    %dma_wait3A_191 = arith.constant 0 : i32
    %dma_wait3A_192 = tpu.memref_slice %arg12[%dma_wait3A_190, %dma_wait3A_191] : memref<160x128xf32, #tpu.memory_space<vmem>> -> memref<80x128xf32, #tpu.memory_space<vmem>>
    %dma_wait3A_193 = arith.constant 0 : i32
    %dma_wait3A_194 = tpu.memref_slice %arg6[%dma_wait3A_193] : memref<160xi32, #tpu.memory_space<vmem>> -> memref<80xi32, #tpu.memory_space<vmem>>
    %dma_wait3A_195 = arith.constant 0 : i32
    %dma_wait3A_196 = arith.constant 0 : i32
    %dma_wait3A_197 = tpu.memref_slice %arg4[%add3A_5, %dma_wait3A_195, %dma_wait3A_196] : memref<4x10240x128xf32, #tpu.memory_space<hbm>> -> memref<1x10240x128xf32, #tpu.memory_space<hbm>>
    %dma_wait3A_198 = tpu.memref_squeeze %dma_wait3A_197 : memref<1x10240x128xf32, #tpu.memory_space<hbm>> -> memref<10240x128xf32, #tpu.memory_space<hbm>>
    %dma_wait3A_199 = arith.constant 0 : i32
    %dma_wait3A_200 = arith.constant 0 : i32
    %dma_wait3A_201 = tpu.memref_slice %dma_wait3A_198[%dma_wait3A_199, %dma_wait3A_200] : memref<10240x128xf32, #tpu.memory_space<hbm>> -> memref<10240x128xf32, #tpu.memory_space<hbm>>
    tpu.wait_indirect_dma semaphore(%arg18 : memref<!tpu.dma_semaphore, #tpu.memory_space<semaphore_mem>>) src(%dma_wait3A_201 : memref<10240x128xf32, #tpu.memory_space<hbm>>) dst(%dma_wait3A_192 : memref<80x128xf32, #tpu.memory_space<vmem>>)
    %dma_wait3A_202 = arith.constant 80 : i32
    %dma_wait3A_203 = arith.constant 0 : i32
    %dma_wait3A_204 = tpu.memref_slice %arg12[%dma_wait3A_202, %dma_wait3A_203] : memref<160x128xf32, #tpu.memory_space<vmem>> -> memref<80x128xf32, #tpu.memory_space<vmem>>
    %dma_wait3A_205 = arith.constant 80 : i32
    %dma_wait3A_206 = tpu.memref_slice %arg6[%dma_wait3A_205] : memref<160xi32, #tpu.memory_space<vmem>> -> memref<80xi32, #tpu.memory_space<vmem>>
    %dma_wait3A_207 = arith.constant 0 : i32
    %dma_wait3A_208 = arith.constant 0 : i32
    %dma_wait3A_209 = tpu.memref_slice %arg4[%add3A_5, %dma_wait3A_207, %dma_wait3A_208] : memref<4x10240x128xf32, #tpu.memory_space<hbm>> -> memref<1x10240x128xf32, #tpu.memory_space<hbm>>
    %dma_wait3A_210 = tpu.memref_squeeze %dma_wait3A_209 : memref<1x10240x128xf32, #tpu.memory_space<hbm>> -> memref<10240x128xf32, #tpu.memory_space<hbm>>
    %dma_wait3A_211 = arith.constant 0 : i32
    %dma_wait3A_212 = arith.constant 0 : i32
    %dma_wait3A_213 = tpu.memref_slice %dma_wait3A_210[%dma_wait3A_211, %dma_wait3A_212] : memref<10240x128xf32, #tpu.memory_space<hbm>> -> memref<10240x128xf32, #tpu.memory_space<hbm>>
    tpu.wait_indirect_dma semaphore(%arg18 : memref<!tpu.dma_semaphore, #tpu.memory_space<semaphore_mem>>) src(%dma_wait3A_213 : memref<10240x128xf32, #tpu.memory_space<hbm>>) dst(%dma_wait3A_204 : memref<80x128xf32, #tpu.memory_space<vmem>>)
    "tpu.region"() ({
      %run_scoped3A = tpu.sem_alloc : memref<!tpu.dma_semaphore, #tpu.memory_space<semaphore_mem>>
      %dma_start3A_439 = arith.constant 0 : i32
      %dma_start3A_440 = arith.constant 0 : i32
      %dma_start3A_441 = tpu.memref_slice %arg12[%dma_start3A_439, %dma_start3A_440] : memref<160x128xf32, #tpu.memory_space<vmem>> -> memref<80x128xf32, #tpu.memory_space<vmem>>
      %dma_start3A_442 = arith.constant 0 : i32
      %dma_start3A_443 = arith.constant 0 : i32
      %dma_start3A_444 = tpu.memref_slice %arg15[%dma_start3A_442, %dma_start3A_443] : memref<10240x128xf32, #tpu.memory_space<vmem_shared>> -> memref<10240x128xf32, #tpu.memory_space<vmem_shared>>
      tpu.enqueue_indirect_dma source(%dma_start3A_441 : memref<80x128xf32, #tpu.memory_space<vmem>>) target(%dma_start3A_444 : memref<10240x128xf32, #tpu.memory_space<vmem_shared>>) offsets(%arg8 : memref<80xi32, #tpu.memory_space<vmem>>) semaphore(%run_scoped3A : memref<!tpu.dma_semaphore, #tpu.memory_space<semaphore_mem>>) {add = true}
      %dma_wait3A_445 = arith.constant 0 : i32
      %dma_wait3A_446 = arith.constant 0 : i32
      %dma_wait3A_447 = tpu.memref_slice %arg12[%dma_wait3A_445, %dma_wait3A_446] : memref<160x128xf32, #tpu.memory_space<vmem>> -> memref<80x128xf32, #tpu.memory_space<vmem>>
      %dma_wait3A_448 = arith.constant 0 : i32
      %dma_wait3A_449 = arith.constant 0 : i32
      %dma_wait3A_450 = tpu.memref_slice %arg15[%dma_wait3A_448, %dma_wait3A_449] : memref<10240x128xf32, #tpu.memory_space<vmem_shared>> -> memref<10240x128xf32, #tpu.memory_space<vmem_shared>>
      tpu.wait_indirect_dma semaphore(%run_scoped3A : memref<!tpu.dma_semaphore, #tpu.memory_space<semaphore_mem>>) src(%dma_wait3A_447 : memref<80x128xf32, #tpu.memory_space<vmem>>) dst(%dma_wait3A_450 : memref<10240x128xf32, #tpu.memory_space<vmem_shared>>)
      tpu.yield
    }) : () -> ()
    "tpu.region"() ({
      %run_scoped3A = tpu.sem_alloc : memref<!tpu.dma_semaphore, #tpu.memory_space<semaphore_mem>>
      %dma_start3A_439 = arith.constant 80 : i32
      %dma_start3A_440 = arith.constant 0 : i32
      %dma_start3A_441 = tpu.memref_slice %arg12[%dma_start3A_439, %dma_start3A_440] : memref<160x128xf32, #tpu.memory_space<vmem>> -> memref<80x128xf32, #tpu.memory_space<vmem>>
      %dma_start3A_442 = arith.constant 0 : i32
      %dma_start3A_443 = arith.constant 0 : i32
      %dma_start3A_444 = tpu.memref_slice %arg15[%dma_start3A_442, %dma_start3A_443] : memref<10240x128xf32, #tpu.memory_space<vmem_shared>> -> memref<10240x128xf32, #tpu.memory_space<vmem_shared>>
      tpu.enqueue_indirect_dma source(%dma_start3A_441 : memref<80x128xf32, #tpu.memory_space<vmem>>) target(%dma_start3A_444 : memref<10240x128xf32, #tpu.memory_space<vmem_shared>>) offsets(%arg9 : memref<80xi32, #tpu.memory_space<vmem>>) semaphore(%run_scoped3A : memref<!tpu.dma_semaphore, #tpu.memory_space<semaphore_mem>>) {add = true}
      %dma_wait3A_445 = arith.constant 80 : i32
      %dma_wait3A_446 = arith.constant 0 : i32
      %dma_wait3A_447 = tpu.memref_slice %arg12[%dma_wait3A_445, %dma_wait3A_446] : memref<160x128xf32, #tpu.memory_space<vmem>> -> memref<80x128xf32, #tpu.memory_space<vmem>>
      %dma_wait3A_448 = arith.constant 0 : i32
      %dma_wait3A_449 = arith.constant 0 : i32
      %dma_wait3A_450 = tpu.memref_slice %arg15[%dma_wait3A_448, %dma_wait3A_449] : memref<10240x128xf32, #tpu.memory_space<vmem_shared>> -> memref<10240x128xf32, #tpu.memory_space<vmem_shared>>
      tpu.wait_indirect_dma semaphore(%run_scoped3A : memref<!tpu.dma_semaphore, #tpu.memory_space<semaphore_mem>>) src(%dma_wait3A_447 : memref<80x128xf32, #tpu.memory_space<vmem>>) dst(%dma_wait3A_450 : memref<10240x128xf32, #tpu.memory_space<vmem_shared>>)
      tpu.yield
    }) : () -> ()
    %barrier3A_214 = arith.constant 0 : index
    tpu.barrier barrier_id(%barrier3A_214)
    %mul3A_215 = arith.constant 640 : i32
    %mul3A_216 = arith.muli %arg1, %mul3A_215 : i32
    %mul3A_217 = arith.constant 640 : i32
    %mul3A_218 = arith.muli %arg1, %mul3A_217 : i32
    "tpu.region"() ({
      %run_scoped3A = tpu.sem_alloc : memref<!tpu.dma_semaphore, #tpu.memory_space<semaphore_mem>>
      %dma_start3A_439 = arith.constant 0 : i32
      %dma_start3A_440 = tpu.memref_slice %arg5[%add3A_5, %mul3A_218, %dma_start3A_439] : memref<4x10240x128xf32, #tpu.memory_space<hbm>> -> memref<1x640x128xf32, #tpu.memory_space<hbm>>
      %dma_start3A_441 = tpu.memref_squeeze %dma_start3A_440 : memref<1x640x128xf32, #tpu.memory_space<hbm>> -> memref<640x128xf32, #tpu.memory_space<hbm>>
      %dma_start3A_442 = arith.constant 0 : i32
      %dma_start3A_443 = tpu.memref_slice %arg15[%mul3A_216, %dma_start3A_442] : memref<10240x128xf32, #tpu.memory_space<vmem_shared>> -> memref<640x128xf32, #tpu.memory_space<vmem_shared>>
      tpu.enqueue_dma source(%dma_start3A_443 : memref<640x128xf32, #tpu.memory_space<vmem_shared>>) target(%dma_start3A_441 : memref<640x128xf32, #tpu.memory_space<hbm>>) target_semaphore(%run_scoped3A : memref<!tpu.dma_semaphore, #tpu.memory_space<semaphore_mem>>)
      %dma_wait3A_444 = arith.constant 0 : i32
      %dma_wait3A_445 = tpu.memref_slice %arg5[%add3A_5, %mul3A_218, %dma_wait3A_444] : memref<4x10240x128xf32, #tpu.memory_space<hbm>> -> memref<1x640x128xf32, #tpu.memory_space<hbm>>
      %dma_wait3A_446 = tpu.memref_squeeze %dma_wait3A_445 : memref<1x640x128xf32, #tpu.memory_space<hbm>> -> memref<640x128xf32, #tpu.memory_space<hbm>>
      %dma_wait3A_447 = arith.constant 0 : i32
      %dma_wait3A_448 = tpu.memref_slice %arg15[%mul3A_216, %dma_wait3A_447] : memref<10240x128xf32, #tpu.memory_space<vmem_shared>> -> memref<640x128xf32, #tpu.memory_space<vmem_shared>>
      tpu.wait_dma2 semaphore(%run_scoped3A : memref<!tpu.dma_semaphore, #tpu.memory_space<semaphore_mem>>) src(%dma_wait3A_448 : memref<640x128xf32, #tpu.memory_space<vmem_shared>>) dst(%dma_wait3A_446 : memref<640x128xf32, #tpu.memory_space<hbm>>)
      tpu.yield
    }) : () -> ()
    %mul3A_219 = arith.constant 2 : i32
    %mul3A_220 = arith.muli %arg0, %mul3A_219 : i32
    %add3A_221 = arith.constant 1 : i32
    %add3A_222 = arith.addi %mul3A_220, %add3A_221 : i32
    %mul3A_223 = arith.constant 20000 : i32
    %mul3A_224 = arith.muli %arg1, %mul3A_223 : i32
    %scan3A_225 = arith.constant 0 : i32
    %scan3A_226 = arith.constant 16 : i32
    %scan3A_227 = arith.addi %scan3A_225, %scan3A_226 : i32
    %scan3A_228 = arith.constant 1 : i32
    scf.for %scan3A_439 = %scan3A_225 to %scan3A_227 step %scan3A_228  : i32 {
      %mul3A_440 = arith.constant 1 : i32
      %mul3A_441 = arith.muli %scan3A_439, %mul3A_440 : i32
      %add3A_442 = arith.constant 0 : i32
      %add3A_443 = arith.addi %add3A_442, %mul3A_441 : i32
      %mul3A_444 = arith.constant 640 : i32
      %mul3A_445 = arith.muli %arg1, %mul3A_444 : i32
      %mul3A_446 = arith.constant 40 : i32
      %mul3A_447 = arith.muli %add3A_443, %mul3A_446 : i32
      %add3A_448 = arith.addi %mul3A_445, %mul3A_447 : i32
      "tpu.region"() ({
        %run_scoped3A = tpu.sem_alloc : memref<!tpu.dma_semaphore, #tpu.memory_space<semaphore_mem>>
        %dma_start3A_449 = arith.constant 0 : i32
        %dma_start3A_450 = tpu.memref_slice %arg15[%add3A_448, %dma_start3A_449] : memref<10240x128xf32, #tpu.memory_space<vmem_shared>> -> memref<40x128xf32, #tpu.memory_space<vmem_shared>>
        %dma_start3A_451 = arith.constant 0 : i32
        %dma_start3A_452 = tpu.memref_slice %arg15[%add3A_448, %dma_start3A_451] : memref<10240x128xf32, #tpu.memory_space<vmem_shared>> -> memref<40x128xf32, #tpu.memory_space<vmem_shared>>
        tpu.enqueue_dma source(%arg14 : memref<40x128xf32, #tpu.memory_space<vmem>>) target(%dma_start3A_452 : memref<40x128xf32, #tpu.memory_space<vmem_shared>>) target_semaphore(%run_scoped3A : memref<!tpu.dma_semaphore, #tpu.memory_space<semaphore_mem>>)
        %dma_wait3A_453 = arith.constant 0 : i32
        %dma_wait3A_454 = tpu.memref_slice %arg15[%add3A_448, %dma_wait3A_453] : memref<10240x128xf32, #tpu.memory_space<vmem_shared>> -> memref<40x128xf32, #tpu.memory_space<vmem_shared>>
        %dma_wait3A_455 = arith.constant 0 : i32
        %dma_wait3A_456 = tpu.memref_slice %arg15[%add3A_448, %dma_wait3A_455] : memref<10240x128xf32, #tpu.memory_space<vmem_shared>> -> memref<40x128xf32, #tpu.memory_space<vmem_shared>>
        tpu.wait_dma2 semaphore(%run_scoped3A : memref<!tpu.dma_semaphore, #tpu.memory_space<semaphore_mem>>) src(%arg14 : memref<40x128xf32, #tpu.memory_space<vmem>>) dst(%dma_wait3A_456 : memref<40x128xf32, #tpu.memory_space<vmem_shared>>)
        tpu.yield
      }) : () -> ()
    }
    %scan3A_229 = arith.constant 16 : i32
    %barrier3A_230 = arith.constant 0 : index
    tpu.barrier barrier_id(%barrier3A_230)
    %add3A_231 = arith.constant 0 : i32
    %add3A_232 = arith.addi %mul3A_224, %add3A_231 : i32
    %dma_start3A_233 = tpu.memref_slice %arg2[%add3A_232] : memref<320000xi32, #tpu.memory_space<hbm>> -> memref<160xi32, #tpu.memory_space<hbm>>
    %dma_start3A_234 = tpu.memref_slice %arg2[%add3A_232] : memref<320000xi32, #tpu.memory_space<hbm>> -> memref<160xi32, #tpu.memory_space<hbm>>
    tpu.enqueue_dma source(%dma_start3A_234 : memref<160xi32, #tpu.memory_space<hbm>>) target(%arg6 : memref<160xi32, #tpu.memory_space<vmem>>) target_semaphore(%arg16 : memref<!tpu.dma_semaphore, #tpu.memory_space<semaphore_mem>>)
    %add3A_235 = arith.constant 0 : i32
    %add3A_236 = arith.addi %add3A_232, %add3A_235 : i32
    %dma_start3A_237 = tpu.memref_slice %arg3[%add3A_236] : memref<320000xi32, #tpu.memory_space<hbm>> -> memref<80xi32, #tpu.memory_space<hbm>>
    %dma_start3A_238 = tpu.memref_slice %arg3[%add3A_236] : memref<320000xi32, #tpu.memory_space<hbm>> -> memref<80xi32, #tpu.memory_space<hbm>>
    tpu.enqueue_dma source(%dma_start3A_238 : memref<80xi32, #tpu.memory_space<hbm>>) target(%arg8 : memref<80xi32, #tpu.memory_space<vmem>>) target_semaphore(%arg16 : memref<!tpu.dma_semaphore, #tpu.memory_space<semaphore_mem>>)
    %add3A_239 = arith.constant 80 : i32
    %add3A_240 = arith.addi %add3A_232, %add3A_239 : i32
    %dma_start3A_241 = tpu.memref_slice %arg3[%add3A_240] : memref<320000xi32, #tpu.memory_space<hbm>> -> memref<80xi32, #tpu.memory_space<hbm>>
    %dma_start3A_242 = tpu.memref_slice %arg3[%add3A_240] : memref<320000xi32, #tpu.memory_space<hbm>> -> memref<80xi32, #tpu.memory_space<hbm>>
    tpu.enqueue_dma source(%dma_start3A_242 : memref<80xi32, #tpu.memory_space<hbm>>) target(%arg9 : memref<80xi32, #tpu.memory_space<vmem>>) target_semaphore(%arg16 : memref<!tpu.dma_semaphore, #tpu.memory_space<semaphore_mem>>)
    %add3A_243 = arith.constant 160 : i32
    %add3A_244 = arith.addi %mul3A_224, %add3A_243 : i32
    %dma_start3A_245 = tpu.memref_slice %arg2[%add3A_244] : memref<320000xi32, #tpu.memory_space<hbm>> -> memref<160xi32, #tpu.memory_space<hbm>>
    %dma_start3A_246 = tpu.memref_slice %arg2[%add3A_244] : memref<320000xi32, #tpu.memory_space<hbm>> -> memref<160xi32, #tpu.memory_space<hbm>>
    tpu.enqueue_dma source(%dma_start3A_246 : memref<160xi32, #tpu.memory_space<hbm>>) target(%arg7 : memref<160xi32, #tpu.memory_space<vmem>>) target_semaphore(%arg17 : memref<!tpu.dma_semaphore, #tpu.memory_space<semaphore_mem>>)
    %add3A_247 = arith.constant 0 : i32
    %add3A_248 = arith.addi %add3A_244, %add3A_247 : i32
    %dma_start3A_249 = tpu.memref_slice %arg3[%add3A_248] : memref<320000xi32, #tpu.memory_space<hbm>> -> memref<80xi32, #tpu.memory_space<hbm>>
    %dma_start3A_250 = tpu.memref_slice %arg3[%add3A_248] : memref<320000xi32, #tpu.memory_space<hbm>> -> memref<80xi32, #tpu.memory_space<hbm>>
    tpu.enqueue_dma source(%dma_start3A_250 : memref<80xi32, #tpu.memory_space<hbm>>) target(%arg10 : memref<80xi32, #tpu.memory_space<vmem>>) target_semaphore(%arg17 : memref<!tpu.dma_semaphore, #tpu.memory_space<semaphore_mem>>)
    %add3A_251 = arith.constant 80 : i32
    %add3A_252 = arith.addi %add3A_244, %add3A_251 : i32
    %dma_start3A_253 = tpu.memref_slice %arg3[%add3A_252] : memref<320000xi32, #tpu.memory_space<hbm>> -> memref<80xi32, #tpu.memory_space<hbm>>
    %dma_start3A_254 = tpu.memref_slice %arg3[%add3A_252] : memref<320000xi32, #tpu.memory_space<hbm>> -> memref<80xi32, #tpu.memory_space<hbm>>
    tpu.enqueue_dma source(%dma_start3A_254 : memref<80xi32, #tpu.memory_space<hbm>>) target(%arg11 : memref<80xi32, #tpu.memory_space<vmem>>) target_semaphore(%arg17 : memref<!tpu.dma_semaphore, #tpu.memory_space<semaphore_mem>>)
    %dma_wait3A_255 = tpu.memref_slice %arg2[%mul3A_224] : memref<320000xi32, #tpu.memory_space<hbm>> -> memref<160xi32, #tpu.memory_space<hbm>>
    %dma_wait3A_256 = tpu.memref_slice %arg2[%mul3A_224] : memref<320000xi32, #tpu.memory_space<hbm>> -> memref<160xi32, #tpu.memory_space<hbm>>
    tpu.wait_dma2 semaphore(%arg16 : memref<!tpu.dma_semaphore, #tpu.memory_space<semaphore_mem>>) src(%dma_wait3A_256 : memref<160xi32, #tpu.memory_space<hbm>>) dst(%arg6 : memref<160xi32, #tpu.memory_space<vmem>>)
    %dma_wait3A_257 = tpu.memref_slice %arg3[%mul3A_224] : memref<320000xi32, #tpu.memory_space<hbm>> -> memref<80xi32, #tpu.memory_space<hbm>>
    %dma_wait3A_258 = tpu.memref_slice %arg3[%mul3A_224] : memref<320000xi32, #tpu.memory_space<hbm>> -> memref<80xi32, #tpu.memory_space<hbm>>
    tpu.wait_dma2 semaphore(%arg16 : memref<!tpu.dma_semaphore, #tpu.memory_space<semaphore_mem>>) src(%dma_wait3A_258 : memref<80xi32, #tpu.memory_space<hbm>>) dst(%arg8 : memref<80xi32, #tpu.memory_space<vmem>>)
    %dma_wait3A_259 = tpu.memref_slice %arg3[%mul3A_224] : memref<320000xi32, #tpu.memory_space<hbm>> -> memref<80xi32, #tpu.memory_space<hbm>>
    %dma_wait3A_260 = tpu.memref_slice %arg3[%mul3A_224] : memref<320000xi32, #tpu.memory_space<hbm>> -> memref<80xi32, #tpu.memory_space<hbm>>
    tpu.wait_dma2 semaphore(%arg16 : memref<!tpu.dma_semaphore, #tpu.memory_space<semaphore_mem>>) src(%dma_wait3A_260 : memref<80xi32, #tpu.memory_space<hbm>>) dst(%arg9 : memref<80xi32, #tpu.memory_space<vmem>>)
    %dma_start3A_261 = arith.constant 0 : i32
    %dma_start3A_262 = arith.constant 0 : i32
    %dma_start3A_263 = tpu.memref_slice %arg12[%dma_start3A_261, %dma_start3A_262] : memref<160x128xf32, #tpu.memory_space<vmem>> -> memref<80x128xf32, #tpu.memory_space<vmem>>
    %dma_start3A_264 = arith.constant 0 : i32
    %dma_start3A_265 = tpu.memref_slice %arg6[%dma_start3A_264] : memref<160xi32, #tpu.memory_space<vmem>> -> memref<80xi32, #tpu.memory_space<vmem>>
    %dma_start3A_266 = arith.constant 0 : i32
    %dma_start3A_267 = arith.constant 0 : i32
    %dma_start3A_268 = tpu.memref_slice %arg4[%add3A_222, %dma_start3A_266, %dma_start3A_267] : memref<4x10240x128xf32, #tpu.memory_space<hbm>> -> memref<1x10240x128xf32, #tpu.memory_space<hbm>>
    %dma_start3A_269 = tpu.memref_squeeze %dma_start3A_268 : memref<1x10240x128xf32, #tpu.memory_space<hbm>> -> memref<10240x128xf32, #tpu.memory_space<hbm>>
    %dma_start3A_270 = arith.constant 0 : i32
    %dma_start3A_271 = arith.constant 0 : i32
    %dma_start3A_272 = tpu.memref_slice %dma_start3A_269[%dma_start3A_270, %dma_start3A_271] : memref<10240x128xf32, #tpu.memory_space<hbm>> -> memref<10240x128xf32, #tpu.memory_space<hbm>>
    tpu.enqueue_indirect_dma source(%dma_start3A_272 : memref<10240x128xf32, #tpu.memory_space<hbm>>) target(%dma_start3A_263 : memref<80x128xf32, #tpu.memory_space<vmem>>) offsets(%dma_start3A_265 : memref<80xi32, #tpu.memory_space<vmem>>) semaphore(%arg18 : memref<!tpu.dma_semaphore, #tpu.memory_space<semaphore_mem>>)
    %dma_start3A_273 = arith.constant 80 : i32
    %dma_start3A_274 = arith.constant 0 : i32
    %dma_start3A_275 = tpu.memref_slice %arg12[%dma_start3A_273, %dma_start3A_274] : memref<160x128xf32, #tpu.memory_space<vmem>> -> memref<80x128xf32, #tpu.memory_space<vmem>>
    %dma_start3A_276 = arith.constant 80 : i32
    %dma_start3A_277 = tpu.memref_slice %arg6[%dma_start3A_276] : memref<160xi32, #tpu.memory_space<vmem>> -> memref<80xi32, #tpu.memory_space<vmem>>
    %dma_start3A_278 = arith.constant 0 : i32
    %dma_start3A_279 = arith.constant 0 : i32
    %dma_start3A_280 = tpu.memref_slice %arg4[%add3A_222, %dma_start3A_278, %dma_start3A_279] : memref<4x10240x128xf32, #tpu.memory_space<hbm>> -> memref<1x10240x128xf32, #tpu.memory_space<hbm>>
    %dma_start3A_281 = tpu.memref_squeeze %dma_start3A_280 : memref<1x10240x128xf32, #tpu.memory_space<hbm>> -> memref<10240x128xf32, #tpu.memory_space<hbm>>
    %dma_start3A_282 = arith.constant 0 : i32
    %dma_start3A_283 = arith.constant 0 : i32
    %dma_start3A_284 = tpu.memref_slice %dma_start3A_281[%dma_start3A_282, %dma_start3A_283] : memref<10240x128xf32, #tpu.memory_space<hbm>> -> memref<10240x128xf32, #tpu.memory_space<hbm>>
    tpu.enqueue_indirect_dma source(%dma_start3A_284 : memref<10240x128xf32, #tpu.memory_space<hbm>>) target(%dma_start3A_275 : memref<80x128xf32, #tpu.memory_space<vmem>>) offsets(%dma_start3A_277 : memref<80xi32, #tpu.memory_space<vmem>>) semaphore(%arg18 : memref<!tpu.dma_semaphore, #tpu.memory_space<semaphore_mem>>)
    %scan3A_285 = arith.constant 0 : i32
    %scan3A_286 = arith.constant 61 : i32
    %scan3A_287 = arith.addi %scan3A_285, %scan3A_286 : i32
    %scan3A_288 = arith.constant 1 : i32
    scf.for %scan3A_439 = %scan3A_285 to %scan3A_287 step %scan3A_288  : i32 {
      %mul3A_440 = arith.constant 1 : i32
      %mul3A_441 = arith.muli %scan3A_439, %mul3A_440 : i32
      %add3A_442 = arith.constant 0 : i32
      %add3A_443 = arith.addi %add3A_442, %mul3A_441 : i32
      %mul3A_444 = arith.constant 2 : i32
      %mul3A_445 = arith.muli %mul3A_444, %add3A_443 : i32
      %add3A_446 = arith.constant 1 : i32
      %add3A_447 = arith.addi %add3A_446, %mul3A_445 : i32
      %dma_wait3A_448 = tpu.memref_slice %arg2[%mul3A_224] : memref<320000xi32, #tpu.memory_space<hbm>> -> memref<160xi32, #tpu.memory_space<hbm>>
      %dma_wait3A_449 = tpu.memref_slice %arg2[%mul3A_224] : memref<320000xi32, #tpu.memory_space<hbm>> -> memref<160xi32, #tpu.memory_space<hbm>>
      tpu.wait_dma2 semaphore(%arg17 : memref<!tpu.dma_semaphore, #tpu.memory_space<semaphore_mem>>) src(%dma_wait3A_449 : memref<160xi32, #tpu.memory_space<hbm>>) dst(%arg7 : memref<160xi32, #tpu.memory_space<vmem>>)
      %dma_wait3A_450 = tpu.memref_slice %arg3[%mul3A_224] : memref<320000xi32, #tpu.memory_space<hbm>> -> memref<80xi32, #tpu.memory_space<hbm>>
      %dma_wait3A_451 = tpu.memref_slice %arg3[%mul3A_224] : memref<320000xi32, #tpu.memory_space<hbm>> -> memref<80xi32, #tpu.memory_space<hbm>>
      tpu.wait_dma2 semaphore(%arg17 : memref<!tpu.dma_semaphore, #tpu.memory_space<semaphore_mem>>) src(%dma_wait3A_451 : memref<80xi32, #tpu.memory_space<hbm>>) dst(%arg10 : memref<80xi32, #tpu.memory_space<vmem>>)
      %dma_wait3A_452 = tpu.memref_slice %arg3[%mul3A_224] : memref<320000xi32, #tpu.memory_space<hbm>> -> memref<80xi32, #tpu.memory_space<hbm>>
      %dma_wait3A_453 = tpu.memref_slice %arg3[%mul3A_224] : memref<320000xi32, #tpu.memory_space<hbm>> -> memref<80xi32, #tpu.memory_space<hbm>>
      tpu.wait_dma2 semaphore(%arg17 : memref<!tpu.dma_semaphore, #tpu.memory_space<semaphore_mem>>) src(%dma_wait3A_453 : memref<80xi32, #tpu.memory_space<hbm>>) dst(%arg11 : memref<80xi32, #tpu.memory_space<vmem>>)
      %dma_start3A_454 = arith.constant 0 : i32
      %dma_start3A_455 = arith.constant 0 : i32
      %dma_start3A_456 = tpu.memref_slice %arg13[%dma_start3A_454, %dma_start3A_455] : memref<160x128xf32, #tpu.memory_space<vmem>> -> memref<80x128xf32, #tpu.memory_space<vmem>>
      %dma_start3A_457 = arith.constant 0 : i32
      %dma_start3A_458 = tpu.memref_slice %arg7[%dma_start3A_457] : memref<160xi32, #tpu.memory_space<vmem>> -> memref<80xi32, #tpu.memory_space<vmem>>
      %dma_start3A_459 = arith.constant 0 : i32
      %dma_start3A_460 = arith.constant 0 : i32
      %dma_start3A_461 = tpu.memref_slice %arg4[%add3A_222, %dma_start3A_459, %dma_start3A_460] : memref<4x10240x128xf32, #tpu.memory_space<hbm>> -> memref<1x10240x128xf32, #tpu.memory_space<hbm>>
      %dma_start3A_462 = tpu.memref_squeeze %dma_start3A_461 : memref<1x10240x128xf32, #tpu.memory_space<hbm>> -> memref<10240x128xf32, #tpu.memory_space<hbm>>
      %dma_start3A_463 = arith.constant 0 : i32
      %dma_start3A_464 = arith.constant 0 : i32
      %dma_start3A_465 = tpu.memref_slice %dma_start3A_462[%dma_start3A_463, %dma_start3A_464] : memref<10240x128xf32, #tpu.memory_space<hbm>> -> memref<10240x128xf32, #tpu.memory_space<hbm>>
      tpu.enqueue_indirect_dma source(%dma_start3A_465 : memref<10240x128xf32, #tpu.memory_space<hbm>>) target(%dma_start3A_456 : memref<80x128xf32, #tpu.memory_space<vmem>>) offsets(%dma_start3A_458 : memref<80xi32, #tpu.memory_space<vmem>>) semaphore(%arg19 : memref<!tpu.dma_semaphore, #tpu.memory_space<semaphore_mem>>)
      %dma_start3A_466 = arith.constant 80 : i32
      %dma_start3A_467 = arith.constant 0 : i32
      %dma_start3A_468 = tpu.memref_slice %arg13[%dma_start3A_466, %dma_start3A_467] : memref<160x128xf32, #tpu.memory_space<vmem>> -> memref<80x128xf32, #tpu.memory_space<vmem>>
      %dma_start3A_469 = arith.constant 80 : i32
      %dma_start3A_470 = tpu.memref_slice %arg7[%dma_start3A_469] : memref<160xi32, #tpu.memory_space<vmem>> -> memref<80xi32, #tpu.memory_space<vmem>>
      %dma_start3A_471 = arith.constant 0 : i32
      %dma_start3A_472 = arith.constant 0 : i32
      %dma_start3A_473 = tpu.memref_slice %arg4[%add3A_222, %dma_start3A_471, %dma_start3A_472] : memref<4x10240x128xf32, #tpu.memory_space<hbm>> -> memref<1x10240x128xf32, #tpu.memory_space<hbm>>
      %dma_start3A_474 = tpu.memref_squeeze %dma_start3A_473 : memref<1x10240x128xf32, #tpu.memory_space<hbm>> -> memref<10240x128xf32, #tpu.memory_space<hbm>>
      %dma_start3A_475 = arith.constant 0 : i32
      %dma_start3A_476 = arith.constant 0 : i32
      %dma_start3A_477 = tpu.memref_slice %dma_start3A_474[%dma_start3A_475, %dma_start3A_476] : memref<10240x128xf32, #tpu.memory_space<hbm>> -> memref<10240x128xf32, #tpu.memory_space<hbm>>
      tpu.enqueue_indirect_dma source(%dma_start3A_477 : memref<10240x128xf32, #tpu.memory_space<hbm>>) target(%dma_start3A_468 : memref<80x128xf32, #tpu.memory_space<vmem>>) offsets(%dma_start3A_470 : memref<80xi32, #tpu.memory_space<vmem>>) semaphore(%arg19 : memref<!tpu.dma_semaphore, #tpu.memory_space<semaphore_mem>>)
      %dma_wait3A_478 = arith.constant 0 : i32
      %dma_wait3A_479 = arith.constant 0 : i32
      %dma_wait3A_480 = tpu.memref_slice %arg12[%dma_wait3A_478, %dma_wait3A_479] : memref<160x128xf32, #tpu.memory_space<vmem>> -> memref<80x128xf32, #tpu.memory_space<vmem>>
      %dma_wait3A_481 = arith.constant 0 : i32
      %dma_wait3A_482 = tpu.memref_slice %arg6[%dma_wait3A_481] : memref<160xi32, #tpu.memory_space<vmem>> -> memref<80xi32, #tpu.memory_space<vmem>>
      %dma_wait3A_483 = arith.constant 0 : i32
      %dma_wait3A_484 = arith.constant 0 : i32
      %dma_wait3A_485 = tpu.memref_slice %arg4[%add3A_222, %dma_wait3A_483, %dma_wait3A_484] : memref<4x10240x128xf32, #tpu.memory_space<hbm>> -> memref<1x10240x128xf32, #tpu.memory_space<hbm>>
      %dma_wait3A_486 = tpu.memref_squeeze %dma_wait3A_485 : memref<1x10240x128xf32, #tpu.memory_space<hbm>> -> memref<10240x128xf32, #tpu.memory_space<hbm>>
      %dma_wait3A_487 = arith.constant 0 : i32
      %dma_wait3A_488 = arith.constant 0 : i32
      %dma_wait3A_489 = tpu.memref_slice %dma_wait3A_486[%dma_wait3A_487, %dma_wait3A_488] : memref<10240x128xf32, #tpu.memory_space<hbm>> -> memref<10240x128xf32, #tpu.memory_space<hbm>>
      tpu.wait_indirect_dma semaphore(%arg18 : memref<!tpu.dma_semaphore, #tpu.memory_space<semaphore_mem>>) src(%dma_wait3A_489 : memref<10240x128xf32, #tpu.memory_space<hbm>>) dst(%dma_wait3A_480 : memref<80x128xf32, #tpu.memory_space<vmem>>)
      %dma_wait3A_490 = arith.constant 80 : i32
      %dma_wait3A_491 = arith.constant 0 : i32
      %dma_wait3A_492 = tpu.memref_slice %arg12[%dma_wait3A_490, %dma_wait3A_491] : memref<160x128xf32, #tpu.memory_space<vmem>> -> memref<80x128xf32, #tpu.memory_space<vmem>>
      %dma_wait3A_493 = arith.constant 80 : i32
      %dma_wait3A_494 = tpu.memref_slice %arg6[%dma_wait3A_493] : memref<160xi32, #tpu.memory_space<vmem>> -> memref<80xi32, #tpu.memory_space<vmem>>
      %dma_wait3A_495 = arith.constant 0 : i32
      %dma_wait3A_496 = arith.constant 0 : i32
      %dma_wait3A_497 = tpu.memref_slice %arg4[%add3A_222, %dma_wait3A_495, %dma_wait3A_496] : memref<4x10240x128xf32, #tpu.memory_space<hbm>> -> memref<1x10240x128xf32, #tpu.memory_space<hbm>>
      %dma_wait3A_498 = tpu.memref_squeeze %dma_wait3A_497 : memref<1x10240x128xf32, #tpu.memory_space<hbm>> -> memref<10240x128xf32, #tpu.memory_space<hbm>>
      %dma_wait3A_499 = arith.constant 0 : i32
      %dma_wait3A_500 = arith.constant 0 : i32
      %dma_wait3A_501 = tpu.memref_slice %dma_wait3A_498[%dma_wait3A_499, %dma_wait3A_500] : memref<10240x128xf32, #tpu.memory_space<hbm>> -> memref<10240x128xf32, #tpu.memory_space<hbm>>
      tpu.wait_indirect_dma semaphore(%arg18 : memref<!tpu.dma_semaphore, #tpu.memory_space<semaphore_mem>>) src(%dma_wait3A_501 : memref<10240x128xf32, #tpu.memory_space<hbm>>) dst(%dma_wait3A_492 : memref<80x128xf32, #tpu.memory_space<vmem>>)
      "tpu.region"() ({
        %run_scoped3A = tpu.sem_alloc : memref<!tpu.dma_semaphore, #tpu.memory_space<semaphore_mem>>
        %dma_start3A_588 = arith.constant 0 : i32
        %dma_start3A_589 = arith.constant 0 : i32
        %dma_start3A_590 = tpu.memref_slice %arg12[%dma_start3A_588, %dma_start3A_589] : memref<160x128xf32, #tpu.memory_space<vmem>> -> memref<80x128xf32, #tpu.memory_space<vmem>>
        %dma_start3A_591 = arith.constant 0 : i32
        %dma_start3A_592 = arith.constant 0 : i32
        %dma_start3A_593 = tpu.memref_slice %arg15[%dma_start3A_591, %dma_start3A_592] : memref<10240x128xf32, #tpu.memory_space<vmem_shared>> -> memref<10240x128xf32, #tpu.memory_space<vmem_shared>>
        tpu.enqueue_indirect_dma source(%dma_start3A_590 : memref<80x128xf32, #tpu.memory_space<vmem>>) target(%dma_start3A_593 : memref<10240x128xf32, #tpu.memory_space<vmem_shared>>) offsets(%arg8 : memref<80xi32, #tpu.memory_space<vmem>>) semaphore(%run_scoped3A : memref<!tpu.dma_semaphore, #tpu.memory_space<semaphore_mem>>) {add = true}
        %dma_wait3A_594 = arith.constant 0 : i32
        %dma_wait3A_595 = arith.constant 0 : i32
        %dma_wait3A_596 = tpu.memref_slice %arg12[%dma_wait3A_594, %dma_wait3A_595] : memref<160x128xf32, #tpu.memory_space<vmem>> -> memref<80x128xf32, #tpu.memory_space<vmem>>
        %dma_wait3A_597 = arith.constant 0 : i32
        %dma_wait3A_598 = arith.constant 0 : i32
        %dma_wait3A_599 = tpu.memref_slice %arg15[%dma_wait3A_597, %dma_wait3A_598] : memref<10240x128xf32, #tpu.memory_space<vmem_shared>> -> memref<10240x128xf32, #tpu.memory_space<vmem_shared>>
        tpu.wait_indirect_dma semaphore(%run_scoped3A : memref<!tpu.dma_semaphore, #tpu.memory_space<semaphore_mem>>) src(%dma_wait3A_596 : memref<80x128xf32, #tpu.memory_space<vmem>>) dst(%dma_wait3A_599 : memref<10240x128xf32, #tpu.memory_space<vmem_shared>>)
        tpu.yield
      }) : () -> ()
      "tpu.region"() ({
        %run_scoped3A = tpu.sem_alloc : memref<!tpu.dma_semaphore, #tpu.memory_space<semaphore_mem>>
        %dma_start3A_588 = arith.constant 80 : i32
        %dma_start3A_589 = arith.constant 0 : i32
        %dma_start3A_590 = tpu.memref_slice %arg12[%dma_start3A_588, %dma_start3A_589] : memref<160x128xf32, #tpu.memory_space<vmem>> -> memref<80x128xf32, #tpu.memory_space<vmem>>
        %dma_start3A_591 = arith.constant 0 : i32
        %dma_start3A_592 = arith.constant 0 : i32
        %dma_start3A_593 = tpu.memref_slice %arg15[%dma_start3A_591, %dma_start3A_592] : memref<10240x128xf32, #tpu.memory_space<vmem_shared>> -> memref<10240x128xf32, #tpu.memory_space<vmem_shared>>
        tpu.enqueue_indirect_dma source(%dma_start3A_590 : memref<80x128xf32, #tpu.memory_space<vmem>>) target(%dma_start3A_593 : memref<10240x128xf32, #tpu.memory_space<vmem_shared>>) offsets(%arg9 : memref<80xi32, #tpu.memory_space<vmem>>) semaphore(%run_scoped3A : memref<!tpu.dma_semaphore, #tpu.memory_space<semaphore_mem>>) {add = true}
        %dma_wait3A_594 = arith.constant 80 : i32
        %dma_wait3A_595 = arith.constant 0 : i32
        %dma_wait3A_596 = tpu.memref_slice %arg12[%dma_wait3A_594, %dma_wait3A_595] : memref<160x128xf32, #tpu.memory_space<vmem>> -> memref<80x128xf32, #tpu.memory_space<vmem>>
        %dma_wait3A_597 = arith.constant 0 : i32
        %dma_wait3A_598 = arith.constant 0 : i32
        %dma_wait3A_599 = tpu.memref_slice %arg15[%dma_wait3A_597, %dma_wait3A_598] : memref<10240x128xf32, #tpu.memory_space<vmem_shared>> -> memref<10240x128xf32, #tpu.memory_space<vmem_shared>>
        tpu.wait_indirect_dma semaphore(%run_scoped3A : memref<!tpu.dma_semaphore, #tpu.memory_space<semaphore_mem>>) src(%dma_wait3A_596 : memref<80x128xf32, #tpu.memory_space<vmem>>) dst(%dma_wait3A_599 : memref<10240x128xf32, #tpu.memory_space<vmem_shared>>)
        tpu.yield
      }) : () -> ()
      %add3A_502 = arith.constant 1 : i32
      %add3A_503 = arith.addi %add3A_447, %add3A_502 : i32
      %mul3A_504 = arith.constant 160 : i32
      %mul3A_505 = arith.muli %add3A_503, %mul3A_504 : i32
      %add3A_506 = arith.addi %mul3A_224, %mul3A_505 : i32
      %dma_start3A_507 = tpu.memref_slice %arg2[%add3A_506] : memref<320000xi32, #tpu.memory_space<hbm>> -> memref<160xi32, #tpu.memory_space<hbm>>
      %dma_start3A_508 = tpu.memref_slice %arg2[%add3A_506] : memref<320000xi32, #tpu.memory_space<hbm>> -> memref<160xi32, #tpu.memory_space<hbm>>
      tpu.enqueue_dma source(%dma_start3A_508 : memref<160xi32, #tpu.memory_space<hbm>>) target(%arg6 : memref<160xi32, #tpu.memory_space<vmem>>) target_semaphore(%arg16 : memref<!tpu.dma_semaphore, #tpu.memory_space<semaphore_mem>>)
      %add3A_509 = arith.constant 0 : i32
      %add3A_510 = arith.addi %add3A_506, %add3A_509 : i32
      %dma_start3A_511 = tpu.memref_slice %arg3[%add3A_510] : memref<320000xi32, #tpu.memory_space<hbm>> -> memref<80xi32, #tpu.memory_space<hbm>>
      %dma_start3A_512 = tpu.memref_slice %arg3[%add3A_510] : memref<320000xi32, #tpu.memory_space<hbm>> -> memref<80xi32, #tpu.memory_space<hbm>>
      tpu.enqueue_dma source(%dma_start3A_512 : memref<80xi32, #tpu.memory_space<hbm>>) target(%arg8 : memref<80xi32, #tpu.memory_space<vmem>>) target_semaphore(%arg16 : memref<!tpu.dma_semaphore, #tpu.memory_space<semaphore_mem>>)
      %add3A_513 = arith.constant 80 : i32
      %add3A_514 = arith.addi %add3A_506, %add3A_513 : i32
      %dma_start3A_515 = tpu.memref_slice %arg3[%add3A_514] : memref<320000xi32, #tpu.memory_space<hbm>> -> memref<80xi32, #tpu.memory_space<hbm>>
      %dma_start3A_516 = tpu.memref_slice %arg3[%add3A_514] : memref<320000xi32, #tpu.memory_space<hbm>> -> memref<80xi32, #tpu.memory_space<hbm>>
      tpu.enqueue_dma source(%dma_start3A_516 : memref<80xi32, #tpu.memory_space<hbm>>) target(%arg9 : memref<80xi32, #tpu.memory_space<vmem>>) target_semaphore(%arg16 : memref<!tpu.dma_semaphore, #tpu.memory_space<semaphore_mem>>)
      %add3A_517 = arith.constant 1 : i32
      %add3A_518 = arith.addi %add3A_447, %add3A_517 : i32
      %dma_wait3A_519 = tpu.memref_slice %arg2[%mul3A_224] : memref<320000xi32, #tpu.memory_space<hbm>> -> memref<160xi32, #tpu.memory_space<hbm>>
      %dma_wait3A_520 = tpu.memref_slice %arg2[%mul3A_224] : memref<320000xi32, #tpu.memory_space<hbm>> -> memref<160xi32, #tpu.memory_space<hbm>>
      tpu.wait_dma2 semaphore(%arg16 : memref<!tpu.dma_semaphore, #tpu.memory_space<semaphore_mem>>) src(%dma_wait3A_520 : memref<160xi32, #tpu.memory_space<hbm>>) dst(%arg6 : memref<160xi32, #tpu.memory_space<vmem>>)
      %dma_wait3A_521 = tpu.memref_slice %arg3[%mul3A_224] : memref<320000xi32, #tpu.memory_space<hbm>> -> memref<80xi32, #tpu.memory_space<hbm>>
      %dma_wait3A_522 = tpu.memref_slice %arg3[%mul3A_224] : memref<320000xi32, #tpu.memory_space<hbm>> -> memref<80xi32, #tpu.memory_space<hbm>>
      tpu.wait_dma2 semaphore(%arg16 : memref<!tpu.dma_semaphore, #tpu.memory_space<semaphore_mem>>) src(%dma_wait3A_522 : memref<80xi32, #tpu.memory_space<hbm>>) dst(%arg8 : memref<80xi32, #tpu.memory_space<vmem>>)
      %dma_wait3A_523 = tpu.memref_slice %arg3[%mul3A_224] : memref<320000xi32, #tpu.memory_space<hbm>> -> memref<80xi32, #tpu.memory_space<hbm>>
      %dma_wait3A_524 = tpu.memref_slice %arg3[%mul3A_224] : memref<320000xi32, #tpu.memory_space<hbm>> -> memref<80xi32, #tpu.memory_space<hbm>>
      tpu.wait_dma2 semaphore(%arg16 : memref<!tpu.dma_semaphore, #tpu.memory_space<semaphore_mem>>) src(%dma_wait3A_524 : memref<80xi32, #tpu.memory_space<hbm>>) dst(%arg9 : memref<80xi32, #tpu.memory_space<vmem>>)
      %dma_start3A_525 = arith.constant 0 : i32
      %dma_start3A_526 = arith.constant 0 : i32
      %dma_start3A_527 = tpu.memref_slice %arg12[%dma_start3A_525, %dma_start3A_526] : memref<160x128xf32, #tpu.memory_space<vmem>> -> memref<80x128xf32, #tpu.memory_space<vmem>>
      %dma_start3A_528 = arith.constant 0 : i32
      %dma_start3A_529 = tpu.memref_slice %arg6[%dma_start3A_528] : memref<160xi32, #tpu.memory_space<vmem>> -> memref<80xi32, #tpu.memory_space<vmem>>
      %dma_start3A_530 = arith.constant 0 : i32
      %dma_start3A_531 = arith.constant 0 : i32
      %dma_start3A_532 = tpu.memref_slice %arg4[%add3A_222, %dma_start3A_530, %dma_start3A_531] : memref<4x10240x128xf32, #tpu.memory_space<hbm>> -> memref<1x10240x128xf32, #tpu.memory_space<hbm>>
      %dma_start3A_533 = tpu.memref_squeeze %dma_start3A_532 : memref<1x10240x128xf32, #tpu.memory_space<hbm>> -> memref<10240x128xf32, #tpu.memory_space<hbm>>
      %dma_start3A_534 = arith.constant 0 : i32
      %dma_start3A_535 = arith.constant 0 : i32
      %dma_start3A_536 = tpu.memref_slice %dma_start3A_533[%dma_start3A_534, %dma_start3A_535] : memref<10240x128xf32, #tpu.memory_space<hbm>> -> memref<10240x128xf32, #tpu.memory_space<hbm>>
      tpu.enqueue_indirect_dma source(%dma_start3A_536 : memref<10240x128xf32, #tpu.memory_space<hbm>>) target(%dma_start3A_527 : memref<80x128xf32, #tpu.memory_space<vmem>>) offsets(%dma_start3A_529 : memref<80xi32, #tpu.memory_space<vmem>>) semaphore(%arg18 : memref<!tpu.dma_semaphore, #tpu.memory_space<semaphore_mem>>)
      %dma_start3A_537 = arith.constant 80 : i32
      %dma_start3A_538 = arith.constant 0 : i32
      %dma_start3A_539 = tpu.memref_slice %arg12[%dma_start3A_537, %dma_start3A_538] : memref<160x128xf32, #tpu.memory_space<vmem>> -> memref<80x128xf32, #tpu.memory_space<vmem>>
      %dma_start3A_540 = arith.constant 80 : i32
      %dma_start3A_541 = tpu.memref_slice %arg6[%dma_start3A_540] : memref<160xi32, #tpu.memory_space<vmem>> -> memref<80xi32, #tpu.memory_space<vmem>>
      %dma_start3A_542 = arith.constant 0 : i32
      %dma_start3A_543 = arith.constant 0 : i32
      %dma_start3A_544 = tpu.memref_slice %arg4[%add3A_222, %dma_start3A_542, %dma_start3A_543] : memref<4x10240x128xf32, #tpu.memory_space<hbm>> -> memref<1x10240x128xf32, #tpu.memory_space<hbm>>
      %dma_start3A_545 = tpu.memref_squeeze %dma_start3A_544 : memref<1x10240x128xf32, #tpu.memory_space<hbm>> -> memref<10240x128xf32, #tpu.memory_space<hbm>>
      %dma_start3A_546 = arith.constant 0 : i32
      %dma_start3A_547 = arith.constant 0 : i32
      %dma_start3A_548 = tpu.memref_slice %dma_start3A_545[%dma_start3A_546, %dma_start3A_547] : memref<10240x128xf32, #tpu.memory_space<hbm>> -> memref<10240x128xf32, #tpu.memory_space<hbm>>
      tpu.enqueue_indirect_dma source(%dma_start3A_548 : memref<10240x128xf32, #tpu.memory_space<hbm>>) target(%dma_start3A_539 : memref<80x128xf32, #tpu.memory_space<vmem>>) offsets(%dma_start3A_541 : memref<80xi32, #tpu.memory_space<vmem>>) semaphore(%arg18 : memref<!tpu.dma_semaphore, #tpu.memory_space<semaphore_mem>>)
      %dma_wait3A_549 = arith.constant 0 : i32
      %dma_wait3A_550 = arith.constant 0 : i32
      %dma_wait3A_551 = tpu.memref_slice %arg13[%dma_wait3A_549, %dma_wait3A_550] : memref<160x128xf32, #tpu.memory_space<vmem>> -> memref<80x128xf32, #tpu.memory_space<vmem>>
      %dma_wait3A_552 = arith.constant 0 : i32
      %dma_wait3A_553 = tpu.memref_slice %arg7[%dma_wait3A_552] : memref<160xi32, #tpu.memory_space<vmem>> -> memref<80xi32, #tpu.memory_space<vmem>>
      %dma_wait3A_554 = arith.constant 0 : i32
      %dma_wait3A_555 = arith.constant 0 : i32
      %dma_wait3A_556 = tpu.memref_slice %arg4[%add3A_222, %dma_wait3A_554, %dma_wait3A_555] : memref<4x10240x128xf32, #tpu.memory_space<hbm>> -> memref<1x10240x128xf32, #tpu.memory_space<hbm>>
      %dma_wait3A_557 = tpu.memref_squeeze %dma_wait3A_556 : memref<1x10240x128xf32, #tpu.memory_space<hbm>> -> memref<10240x128xf32, #tpu.memory_space<hbm>>
      %dma_wait3A_558 = arith.constant 0 : i32
      %dma_wait3A_559 = arith.constant 0 : i32
      %dma_wait3A_560 = tpu.memref_slice %dma_wait3A_557[%dma_wait3A_558, %dma_wait3A_559] : memref<10240x128xf32, #tpu.memory_space<hbm>> -> memref<10240x128xf32, #tpu.memory_space<hbm>>
      tpu.wait_indirect_dma semaphore(%arg19 : memref<!tpu.dma_semaphore, #tpu.memory_space<semaphore_mem>>) src(%dma_wait3A_560 : memref<10240x128xf32, #tpu.memory_space<hbm>>) dst(%dma_wait3A_551 : memref<80x128xf32, #tpu.memory_space<vmem>>)
      %dma_wait3A_561 = arith.constant 80 : i32
      %dma_wait3A_562 = arith.constant 0 : i32
      %dma_wait3A_563 = tpu.memref_slice %arg13[%dma_wait3A_561, %dma_wait3A_562] : memref<160x128xf32, #tpu.memory_space<vmem>> -> memref<80x128xf32, #tpu.memory_space<vmem>>
      %dma_wait3A_564 = arith.constant 80 : i32
      %dma_wait3A_565 = tpu.memref_slice %arg7[%dma_wait3A_564] : memref<160xi32, #tpu.memory_space<vmem>> -> memref<80xi32, #tpu.memory_space<vmem>>
      %dma_wait3A_566 = arith.constant 0 : i32
      %dma_wait3A_567 = arith.constant 0 : i32
      %dma_wait3A_568 = tpu.memref_slice %arg4[%add3A_222, %dma_wait3A_566, %dma_wait3A_567] : memref<4x10240x128xf32, #tpu.memory_space<hbm>> -> memref<1x10240x128xf32, #tpu.memory_space<hbm>>
      %dma_wait3A_569 = tpu.memref_squeeze %dma_wait3A_568 : memref<1x10240x128xf32, #tpu.memory_space<hbm>> -> memref<10240x128xf32, #tpu.memory_space<hbm>>
      %dma_wait3A_570 = arith.constant 0 : i32
      %dma_wait3A_571 = arith.constant 0 : i32
      %dma_wait3A_572 = tpu.memref_slice %dma_wait3A_569[%dma_wait3A_570, %dma_wait3A_571] : memref<10240x128xf32, #tpu.memory_space<hbm>> -> memref<10240x128xf32, #tpu.memory_space<hbm>>
      tpu.wait_indirect_dma semaphore(%arg19 : memref<!tpu.dma_semaphore, #tpu.memory_space<semaphore_mem>>) src(%dma_wait3A_572 : memref<10240x128xf32, #tpu.memory_space<hbm>>) dst(%dma_wait3A_563 : memref<80x128xf32, #tpu.memory_space<vmem>>)
      "tpu.region"() ({
        %run_scoped3A = tpu.sem_alloc : memref<!tpu.dma_semaphore, #tpu.memory_space<semaphore_mem>>
        %dma_start3A_588 = arith.constant 0 : i32
        %dma_start3A_589 = arith.constant 0 : i32
        %dma_start3A_590 = tpu.memref_slice %arg13[%dma_start3A_588, %dma_start3A_589] : memref<160x128xf32, #tpu.memory_space<vmem>> -> memref<80x128xf32, #tpu.memory_space<vmem>>
        %dma_start3A_591 = arith.constant 0 : i32
        %dma_start3A_592 = arith.constant 0 : i32
        %dma_start3A_593 = tpu.memref_slice %arg15[%dma_start3A_591, %dma_start3A_592] : memref<10240x128xf32, #tpu.memory_space<vmem_shared>> -> memref<10240x128xf32, #tpu.memory_space<vmem_shared>>
        tpu.enqueue_indirect_dma source(%dma_start3A_590 : memref<80x128xf32, #tpu.memory_space<vmem>>) target(%dma_start3A_593 : memref<10240x128xf32, #tpu.memory_space<vmem_shared>>) offsets(%arg10 : memref<80xi32, #tpu.memory_space<vmem>>) semaphore(%run_scoped3A : memref<!tpu.dma_semaphore, #tpu.memory_space<semaphore_mem>>) {add = true}
        %dma_wait3A_594 = arith.constant 0 : i32
        %dma_wait3A_595 = arith.constant 0 : i32
        %dma_wait3A_596 = tpu.memref_slice %arg13[%dma_wait3A_594, %dma_wait3A_595] : memref<160x128xf32, #tpu.memory_space<vmem>> -> memref<80x128xf32, #tpu.memory_space<vmem>>
        %dma_wait3A_597 = arith.constant 0 : i32
        %dma_wait3A_598 = arith.constant 0 : i32
        %dma_wait3A_599 = tpu.memref_slice %arg15[%dma_wait3A_597, %dma_wait3A_598] : memref<10240x128xf32, #tpu.memory_space<vmem_shared>> -> memref<10240x128xf32, #tpu.memory_space<vmem_shared>>
        tpu.wait_indirect_dma semaphore(%run_scoped3A : memref<!tpu.dma_semaphore, #tpu.memory_space<semaphore_mem>>) src(%dma_wait3A_596 : memref<80x128xf32, #tpu.memory_space<vmem>>) dst(%dma_wait3A_599 : memref<10240x128xf32, #tpu.memory_space<vmem_shared>>)
        tpu.yield
      }) : () -> ()
      "tpu.region"() ({
        %run_scoped3A = tpu.sem_alloc : memref<!tpu.dma_semaphore, #tpu.memory_space<semaphore_mem>>
        %dma_start3A_588 = arith.constant 80 : i32
        %dma_start3A_589 = arith.constant 0 : i32
        %dma_start3A_590 = tpu.memref_slice %arg13[%dma_start3A_588, %dma_start3A_589] : memref<160x128xf32, #tpu.memory_space<vmem>> -> memref<80x128xf32, #tpu.memory_space<vmem>>
        %dma_start3A_591 = arith.constant 0 : i32
        %dma_start3A_592 = arith.constant 0 : i32
        %dma_start3A_593 = tpu.memref_slice %arg15[%dma_start3A_591, %dma_start3A_592] : memref<10240x128xf32, #tpu.memory_space<vmem_shared>> -> memref<10240x128xf32, #tpu.memory_space<vmem_shared>>
        tpu.enqueue_indirect_dma source(%dma_start3A_590 : memref<80x128xf32, #tpu.memory_space<vmem>>) target(%dma_start3A_593 : memref<10240x128xf32, #tpu.memory_space<vmem_shared>>) offsets(%arg11 : memref<80xi32, #tpu.memory_space<vmem>>) semaphore(%run_scoped3A : memref<!tpu.dma_semaphore, #tpu.memory_space<semaphore_mem>>) {add = true}
        %dma_wait3A_594 = arith.constant 80 : i32
        %dma_wait3A_595 = arith.constant 0 : i32
        %dma_wait3A_596 = tpu.memref_slice %arg13[%dma_wait3A_594, %dma_wait3A_595] : memref<160x128xf32, #tpu.memory_space<vmem>> -> memref<80x128xf32, #tpu.memory_space<vmem>>
        %dma_wait3A_597 = arith.constant 0 : i32
        %dma_wait3A_598 = arith.constant 0 : i32
        %dma_wait3A_599 = tpu.memref_slice %arg15[%dma_wait3A_597, %dma_wait3A_598] : memref<10240x128xf32, #tpu.memory_space<vmem_shared>> -> memref<10240x128xf32, #tpu.memory_space<vmem_shared>>
        tpu.wait_indirect_dma semaphore(%run_scoped3A : memref<!tpu.dma_semaphore, #tpu.memory_space<semaphore_mem>>) src(%dma_wait3A_596 : memref<80x128xf32, #tpu.memory_space<vmem>>) dst(%dma_wait3A_599 : memref<10240x128xf32, #tpu.memory_space<vmem_shared>>)
        tpu.yield
      }) : () -> ()
      %add3A_573 = arith.constant 1 : i32
      %add3A_574 = arith.addi %add3A_518, %add3A_573 : i32
      %mul3A_575 = arith.constant 160 : i32
      %mul3A_576 = arith.muli %add3A_574, %mul3A_575 : i32
      %add3A_577 = arith.addi %mul3A_224, %mul3A_576 : i32
      %dma_start3A_578 = tpu.memref_slice %arg2[%add3A_577] : memref<320000xi32, #tpu.memory_space<hbm>> -> memref<160xi32, #tpu.memory_space<hbm>>
      %dma_start3A_579 = tpu.memref_slice %arg2[%add3A_577] : memref<320000xi32, #tpu.memory_space<hbm>> -> memref<160xi32, #tpu.memory_space<hbm>>
      tpu.enqueue_dma source(%dma_start3A_579 : memref<160xi32, #tpu.memory_space<hbm>>) target(%arg7 : memref<160xi32, #tpu.memory_space<vmem>>) target_semaphore(%arg17 : memref<!tpu.dma_semaphore, #tpu.memory_space<semaphore_mem>>)
      %add3A_580 = arith.constant 0 : i32
      %add3A_581 = arith.addi %add3A_577, %add3A_580 : i32
      %dma_start3A_582 = tpu.memref_slice %arg3[%add3A_581] : memref<320000xi32, #tpu.memory_space<hbm>> -> memref<80xi32, #tpu.memory_space<hbm>>
      %dma_start3A_583 = tpu.memref_slice %arg3[%add3A_581] : memref<320000xi32, #tpu.memory_space<hbm>> -> memref<80xi32, #tpu.memory_space<hbm>>
      tpu.enqueue_dma source(%dma_start3A_583 : memref<80xi32, #tpu.memory_space<hbm>>) target(%arg10 : memref<80xi32, #tpu.memory_space<vmem>>) target_semaphore(%arg17 : memref<!tpu.dma_semaphore, #tpu.memory_space<semaphore_mem>>)
      %add3A_584 = arith.constant 80 : i32
      %add3A_585 = arith.addi %add3A_577, %add3A_584 : i32
      %dma_start3A_586 = tpu.memref_slice %arg3[%add3A_585] : memref<320000xi32, #tpu.memory_space<hbm>> -> memref<80xi32, #tpu.memory_space<hbm>>
      %dma_start3A_587 = tpu.memref_slice %arg3[%add3A_585] : memref<320000xi32, #tpu.memory_space<hbm>> -> memref<80xi32, #tpu.memory_space<hbm>>
      tpu.enqueue_dma source(%dma_start3A_587 : memref<80xi32, #tpu.memory_space<hbm>>) target(%arg11 : memref<80xi32, #tpu.memory_space<vmem>>) target_semaphore(%arg17 : memref<!tpu.dma_semaphore, #tpu.memory_space<semaphore_mem>>)
    }
    %scan3A_289 = arith.constant 61 : i32
    %dma_wait3A_290 = tpu.memref_slice %arg2[%mul3A_224] : memref<320000xi32, #tpu.memory_space<hbm>> -> memref<160xi32, #tpu.memory_space<hbm>>
    %dma_wait3A_291 = tpu.memref_slice %arg2[%mul3A_224] : memref<320000xi32, #tpu.memory_space<hbm>> -> memref<160xi32, #tpu.memory_space<hbm>>
    tpu.wait_dma2 semaphore(%arg17 : memref<!tpu.dma_semaphore, #tpu.memory_space<semaphore_mem>>) src(%dma_wait3A_291 : memref<160xi32, #tpu.memory_space<hbm>>) dst(%arg7 : memref<160xi32, #tpu.memory_space<vmem>>)
    %dma_wait3A_292 = tpu.memref_slice %arg3[%mul3A_224] : memref<320000xi32, #tpu.memory_space<hbm>> -> memref<80xi32, #tpu.memory_space<hbm>>
    %dma_wait3A_293 = tpu.memref_slice %arg3[%mul3A_224] : memref<320000xi32, #tpu.memory_space<hbm>> -> memref<80xi32, #tpu.memory_space<hbm>>
    tpu.wait_dma2 semaphore(%arg17 : memref<!tpu.dma_semaphore, #tpu.memory_space<semaphore_mem>>) src(%dma_wait3A_293 : memref<80xi32, #tpu.memory_space<hbm>>) dst(%arg10 : memref<80xi32, #tpu.memory_space<vmem>>)
    %dma_wait3A_294 = tpu.memref_slice %arg3[%mul3A_224] : memref<320000xi32, #tpu.memory_space<hbm>> -> memref<80xi32, #tpu.memory_space<hbm>>
    %dma_wait3A_295 = tpu.memref_slice %arg3[%mul3A_224] : memref<320000xi32, #tpu.memory_space<hbm>> -> memref<80xi32, #tpu.memory_space<hbm>>
    tpu.wait_dma2 semaphore(%arg17 : memref<!tpu.dma_semaphore, #tpu.memory_space<semaphore_mem>>) src(%dma_wait3A_295 : memref<80xi32, #tpu.memory_space<hbm>>) dst(%arg11 : memref<80xi32, #tpu.memory_space<vmem>>)
    %dma_start3A_296 = arith.constant 0 : i32
    %dma_start3A_297 = arith.constant 0 : i32
    %dma_start3A_298 = tpu.memref_slice %arg13[%dma_start3A_296, %dma_start3A_297] : memref<160x128xf32, #tpu.memory_space<vmem>> -> memref<80x128xf32, #tpu.memory_space<vmem>>
    %dma_start3A_299 = arith.constant 0 : i32
    %dma_start3A_300 = tpu.memref_slice %arg7[%dma_start3A_299] : memref<160xi32, #tpu.memory_space<vmem>> -> memref<80xi32, #tpu.memory_space<vmem>>
    %dma_start3A_301 = arith.constant 0 : i32
    %dma_start3A_302 = arith.constant 0 : i32
    %dma_start3A_303 = tpu.memref_slice %arg4[%add3A_222, %dma_start3A_301, %dma_start3A_302] : memref<4x10240x128xf32, #tpu.memory_space<hbm>> -> memref<1x10240x128xf32, #tpu.memory_space<hbm>>
    %dma_start3A_304 = tpu.memref_squeeze %dma_start3A_303 : memref<1x10240x128xf32, #tpu.memory_space<hbm>> -> memref<10240x128xf32, #tpu.memory_space<hbm>>
    %dma_start3A_305 = arith.constant 0 : i32
    %dma_start3A_306 = arith.constant 0 : i32
    %dma_start3A_307 = tpu.memref_slice %dma_start3A_304[%dma_start3A_305, %dma_start3A_306] : memref<10240x128xf32, #tpu.memory_space<hbm>> -> memref<10240x128xf32, #tpu.memory_space<hbm>>
    tpu.enqueue_indirect_dma source(%dma_start3A_307 : memref<10240x128xf32, #tpu.memory_space<hbm>>) target(%dma_start3A_298 : memref<80x128xf32, #tpu.memory_space<vmem>>) offsets(%dma_start3A_300 : memref<80xi32, #tpu.memory_space<vmem>>) semaphore(%arg19 : memref<!tpu.dma_semaphore, #tpu.memory_space<semaphore_mem>>)
    %dma_start3A_308 = arith.constant 80 : i32
    %dma_start3A_309 = arith.constant 0 : i32
    %dma_start3A_310 = tpu.memref_slice %arg13[%dma_start3A_308, %dma_start3A_309] : memref<160x128xf32, #tpu.memory_space<vmem>> -> memref<80x128xf32, #tpu.memory_space<vmem>>
    %dma_start3A_311 = arith.constant 80 : i32
    %dma_start3A_312 = tpu.memref_slice %arg7[%dma_start3A_311] : memref<160xi32, #tpu.memory_space<vmem>> -> memref<80xi32, #tpu.memory_space<vmem>>
    %dma_start3A_313 = arith.constant 0 : i32
    %dma_start3A_314 = arith.constant 0 : i32
    %dma_start3A_315 = tpu.memref_slice %arg4[%add3A_222, %dma_start3A_313, %dma_start3A_314] : memref<4x10240x128xf32, #tpu.memory_space<hbm>> -> memref<1x10240x128xf32, #tpu.memory_space<hbm>>
    %dma_start3A_316 = tpu.memref_squeeze %dma_start3A_315 : memref<1x10240x128xf32, #tpu.memory_space<hbm>> -> memref<10240x128xf32, #tpu.memory_space<hbm>>
    %dma_start3A_317 = arith.constant 0 : i32
    %dma_start3A_318 = arith.constant 0 : i32
    %dma_start3A_319 = tpu.memref_slice %dma_start3A_316[%dma_start3A_317, %dma_start3A_318] : memref<10240x128xf32, #tpu.memory_space<hbm>> -> memref<10240x128xf32, #tpu.memory_space<hbm>>
    tpu.enqueue_indirect_dma source(%dma_start3A_319 : memref<10240x128xf32, #tpu.memory_space<hbm>>) target(%dma_start3A_310 : memref<80x128xf32, #tpu.memory_space<vmem>>) offsets(%dma_start3A_312 : memref<80xi32, #tpu.memory_space<vmem>>) semaphore(%arg19 : memref<!tpu.dma_semaphore, #tpu.memory_space<semaphore_mem>>)
    %dma_wait3A_320 = arith.constant 0 : i32
    %dma_wait3A_321 = arith.constant 0 : i32
    %dma_wait3A_322 = tpu.memref_slice %arg12[%dma_wait3A_320, %dma_wait3A_321] : memref<160x128xf32, #tpu.memory_space<vmem>> -> memref<80x128xf32, #tpu.memory_space<vmem>>
    %dma_wait3A_323 = arith.constant 0 : i32
    %dma_wait3A_324 = tpu.memref_slice %arg6[%dma_wait3A_323] : memref<160xi32, #tpu.memory_space<vmem>> -> memref<80xi32, #tpu.memory_space<vmem>>
    %dma_wait3A_325 = arith.constant 0 : i32
    %dma_wait3A_326 = arith.constant 0 : i32
    %dma_wait3A_327 = tpu.memref_slice %arg4[%add3A_222, %dma_wait3A_325, %dma_wait3A_326] : memref<4x10240x128xf32, #tpu.memory_space<hbm>> -> memref<1x10240x128xf32, #tpu.memory_space<hbm>>
    %dma_wait3A_328 = tpu.memref_squeeze %dma_wait3A_327 : memref<1x10240x128xf32, #tpu.memory_space<hbm>> -> memref<10240x128xf32, #tpu.memory_space<hbm>>
    %dma_wait3A_329 = arith.constant 0 : i32
    %dma_wait3A_330 = arith.constant 0 : i32
    %dma_wait3A_331 = tpu.memref_slice %dma_wait3A_328[%dma_wait3A_329, %dma_wait3A_330] : memref<10240x128xf32, #tpu.memory_space<hbm>> -> memref<10240x128xf32, #tpu.memory_space<hbm>>
    tpu.wait_indirect_dma semaphore(%arg18 : memref<!tpu.dma_semaphore, #tpu.memory_space<semaphore_mem>>) src(%dma_wait3A_331 : memref<10240x128xf32, #tpu.memory_space<hbm>>) dst(%dma_wait3A_322 : memref<80x128xf32, #tpu.memory_space<vmem>>)
    %dma_wait3A_332 = arith.constant 80 : i32
    %dma_wait3A_333 = arith.constant 0 : i32
    %dma_wait3A_334 = tpu.memref_slice %arg12[%dma_wait3A_332, %dma_wait3A_333] : memref<160x128xf32, #tpu.memory_space<vmem>> -> memref<80x128xf32, #tpu.memory_space<vmem>>
    %dma_wait3A_335 = arith.constant 80 : i32
    %dma_wait3A_336 = tpu.memref_slice %arg6[%dma_wait3A_335] : memref<160xi32, #tpu.memory_space<vmem>> -> memref<80xi32, #tpu.memory_space<vmem>>
    %dma_wait3A_337 = arith.constant 0 : i32
    %dma_wait3A_338 = arith.constant 0 : i32
    %dma_wait3A_339 = tpu.memref_slice %arg4[%add3A_222, %dma_wait3A_337, %dma_wait3A_338] : memref<4x10240x128xf32, #tpu.memory_space<hbm>> -> memref<1x10240x128xf32, #tpu.memory_space<hbm>>
    %dma_wait3A_340 = tpu.memref_squeeze %dma_wait3A_339 : memref<1x10240x128xf32, #tpu.memory_space<hbm>> -> memref<10240x128xf32, #tpu.memory_space<hbm>>
    %dma_wait3A_341 = arith.constant 0 : i32
    %dma_wait3A_342 = arith.constant 0 : i32
    %dma_wait3A_343 = tpu.memref_slice %dma_wait3A_340[%dma_wait3A_341, %dma_wait3A_342] : memref<10240x128xf32, #tpu.memory_space<hbm>> -> memref<10240x128xf32, #tpu.memory_space<hbm>>
    tpu.wait_indirect_dma semaphore(%arg18 : memref<!tpu.dma_semaphore, #tpu.memory_space<semaphore_mem>>) src(%dma_wait3A_343 : memref<10240x128xf32, #tpu.memory_space<hbm>>) dst(%dma_wait3A_334 : memref<80x128xf32, #tpu.memory_space<vmem>>)
    "tpu.region"() ({
      %run_scoped3A = tpu.sem_alloc : memref<!tpu.dma_semaphore, #tpu.memory_space<semaphore_mem>>
      %dma_start3A_439 = arith.constant 0 : i32
      %dma_start3A_440 = arith.constant 0 : i32
      %dma_start3A_441 = tpu.memref_slice %arg12[%dma_start3A_439, %dma_start3A_440] : memref<160x128xf32, #tpu.memory_space<vmem>> -> memref<80x128xf32, #tpu.memory_space<vmem>>
      %dma_start3A_442 = arith.constant 0 : i32
      %dma_start3A_443 = arith.constant 0 : i32
      %dma_start3A_444 = tpu.memref_slice %arg15[%dma_start3A_442, %dma_start3A_443] : memref<10240x128xf32, #tpu.memory_space<vmem_shared>> -> memref<10240x128xf32, #tpu.memory_space<vmem_shared>>
      tpu.enqueue_indirect_dma source(%dma_start3A_441 : memref<80x128xf32, #tpu.memory_space<vmem>>) target(%dma_start3A_444 : memref<10240x128xf32, #tpu.memory_space<vmem_shared>>) offsets(%arg8 : memref<80xi32, #tpu.memory_space<vmem>>) semaphore(%run_scoped3A : memref<!tpu.dma_semaphore, #tpu.memory_space<semaphore_mem>>) {add = true}
      %dma_wait3A_445 = arith.constant 0 : i32
      %dma_wait3A_446 = arith.constant 0 : i32
      %dma_wait3A_447 = tpu.memref_slice %arg12[%dma_wait3A_445, %dma_wait3A_446] : memref<160x128xf32, #tpu.memory_space<vmem>> -> memref<80x128xf32, #tpu.memory_space<vmem>>
      %dma_wait3A_448 = arith.constant 0 : i32
      %dma_wait3A_449 = arith.constant 0 : i32
      %dma_wait3A_450 = tpu.memref_slice %arg15[%dma_wait3A_448, %dma_wait3A_449] : memref<10240x128xf32, #tpu.memory_space<vmem_shared>> -> memref<10240x128xf32, #tpu.memory_space<vmem_shared>>
      tpu.wait_indirect_dma semaphore(%run_scoped3A : memref<!tpu.dma_semaphore, #tpu.memory_space<semaphore_mem>>) src(%dma_wait3A_447 : memref<80x128xf32, #tpu.memory_space<vmem>>) dst(%dma_wait3A_450 : memref<10240x128xf32, #tpu.memory_space<vmem_shared>>)
      tpu.yield
    }) : () -> ()
    "tpu.region"() ({
      %run_scoped3A = tpu.sem_alloc : memref<!tpu.dma_semaphore, #tpu.memory_space<semaphore_mem>>
      %dma_start3A_439 = arith.constant 80 : i32
      %dma_start3A_440 = arith.constant 0 : i32
      %dma_start3A_441 = tpu.memref_slice %arg12[%dma_start3A_439, %dma_start3A_440] : memref<160x128xf32, #tpu.memory_space<vmem>> -> memref<80x128xf32, #tpu.memory_space<vmem>>
      %dma_start3A_442 = arith.constant 0 : i32
      %dma_start3A_443 = arith.constant 0 : i32
      %dma_start3A_444 = tpu.memref_slice %arg15[%dma_start3A_442, %dma_start3A_443] : memref<10240x128xf32, #tpu.memory_space<vmem_shared>> -> memref<10240x128xf32, #tpu.memory_space<vmem_shared>>
      tpu.enqueue_indirect_dma source(%dma_start3A_441 : memref<80x128xf32, #tpu.memory_space<vmem>>) target(%dma_start3A_444 : memref<10240x128xf32, #tpu.memory_space<vmem_shared>>) offsets(%arg9 : memref<80xi32, #tpu.memory_space<vmem>>) semaphore(%run_scoped3A : memref<!tpu.dma_semaphore, #tpu.memory_space<semaphore_mem>>) {add = true}
      %dma_wait3A_445 = arith.constant 80 : i32
      %dma_wait3A_446 = arith.constant 0 : i32
      %dma_wait3A_447 = tpu.memref_slice %arg12[%dma_wait3A_445, %dma_wait3A_446] : memref<160x128xf32, #tpu.memory_space<vmem>> -> memref<80x128xf32, #tpu.memory_space<vmem>>
      %dma_wait3A_448 = arith.constant 0 : i32
      %dma_wait3A_449 = arith.constant 0 : i32
      %dma_wait3A_450 = tpu.memref_slice %arg15[%dma_wait3A_448, %dma_wait3A_449] : memref<10240x128xf32, #tpu.memory_space<vmem_shared>> -> memref<10240x128xf32, #tpu.memory_space<vmem_shared>>
      tpu.wait_indirect_dma semaphore(%run_scoped3A : memref<!tpu.dma_semaphore, #tpu.memory_space<semaphore_mem>>) src(%dma_wait3A_447 : memref<80x128xf32, #tpu.memory_space<vmem>>) dst(%dma_wait3A_450 : memref<10240x128xf32, #tpu.memory_space<vmem_shared>>)
      tpu.yield
    }) : () -> ()
    %add3A_344 = arith.constant 19840 : i32
    %add3A_345 = arith.addi %mul3A_224, %add3A_344 : i32
    %dma_start3A_346 = tpu.memref_slice %arg2[%add3A_345] : memref<320000xi32, #tpu.memory_space<hbm>> -> memref<160xi32, #tpu.memory_space<hbm>>
    %dma_start3A_347 = tpu.memref_slice %arg2[%add3A_345] : memref<320000xi32, #tpu.memory_space<hbm>> -> memref<160xi32, #tpu.memory_space<hbm>>
    tpu.enqueue_dma source(%dma_start3A_347 : memref<160xi32, #tpu.memory_space<hbm>>) target(%arg6 : memref<160xi32, #tpu.memory_space<vmem>>) target_semaphore(%arg16 : memref<!tpu.dma_semaphore, #tpu.memory_space<semaphore_mem>>)
    %add3A_348 = arith.constant 0 : i32
    %add3A_349 = arith.addi %add3A_345, %add3A_348 : i32
    %dma_start3A_350 = tpu.memref_slice %arg3[%add3A_349] : memref<320000xi32, #tpu.memory_space<hbm>> -> memref<80xi32, #tpu.memory_space<hbm>>
    %dma_start3A_351 = tpu.memref_slice %arg3[%add3A_349] : memref<320000xi32, #tpu.memory_space<hbm>> -> memref<80xi32, #tpu.memory_space<hbm>>
    tpu.enqueue_dma source(%dma_start3A_351 : memref<80xi32, #tpu.memory_space<hbm>>) target(%arg8 : memref<80xi32, #tpu.memory_space<vmem>>) target_semaphore(%arg16 : memref<!tpu.dma_semaphore, #tpu.memory_space<semaphore_mem>>)
    %add3A_352 = arith.constant 80 : i32
    %add3A_353 = arith.addi %add3A_345, %add3A_352 : i32
    %dma_start3A_354 = tpu.memref_slice %arg3[%add3A_353] : memref<320000xi32, #tpu.memory_space<hbm>> -> memref<80xi32, #tpu.memory_space<hbm>>
    %dma_start3A_355 = tpu.memref_slice %arg3[%add3A_353] : memref<320000xi32, #tpu.memory_space<hbm>> -> memref<80xi32, #tpu.memory_space<hbm>>
    tpu.enqueue_dma source(%dma_start3A_355 : memref<80xi32, #tpu.memory_space<hbm>>) target(%arg9 : memref<80xi32, #tpu.memory_space<vmem>>) target_semaphore(%arg16 : memref<!tpu.dma_semaphore, #tpu.memory_space<semaphore_mem>>)
    %dma_wait3A_356 = tpu.memref_slice %arg2[%mul3A_224] : memref<320000xi32, #tpu.memory_space<hbm>> -> memref<160xi32, #tpu.memory_space<hbm>>
    %dma_wait3A_357 = tpu.memref_slice %arg2[%mul3A_224] : memref<320000xi32, #tpu.memory_space<hbm>> -> memref<160xi32, #tpu.memory_space<hbm>>
    tpu.wait_dma2 semaphore(%arg16 : memref<!tpu.dma_semaphore, #tpu.memory_space<semaphore_mem>>) src(%dma_wait3A_357 : memref<160xi32, #tpu.memory_space<hbm>>) dst(%arg6 : memref<160xi32, #tpu.memory_space<vmem>>)
    %dma_wait3A_358 = tpu.memref_slice %arg3[%mul3A_224] : memref<320000xi32, #tpu.memory_space<hbm>> -> memref<80xi32, #tpu.memory_space<hbm>>
    %dma_wait3A_359 = tpu.memref_slice %arg3[%mul3A_224] : memref<320000xi32, #tpu.memory_space<hbm>> -> memref<80xi32, #tpu.memory_space<hbm>>
    tpu.wait_dma2 semaphore(%arg16 : memref<!tpu.dma_semaphore, #tpu.memory_space<semaphore_mem>>) src(%dma_wait3A_359 : memref<80xi32, #tpu.memory_space<hbm>>) dst(%arg8 : memref<80xi32, #tpu.memory_space<vmem>>)
    %dma_wait3A_360 = tpu.memref_slice %arg3[%mul3A_224] : memref<320000xi32, #tpu.memory_space<hbm>> -> memref<80xi32, #tpu.memory_space<hbm>>
    %dma_wait3A_361 = tpu.memref_slice %arg3[%mul3A_224] : memref<320000xi32, #tpu.memory_space<hbm>> -> memref<80xi32, #tpu.memory_space<hbm>>
    tpu.wait_dma2 semaphore(%arg16 : memref<!tpu.dma_semaphore, #tpu.memory_space<semaphore_mem>>) src(%dma_wait3A_361 : memref<80xi32, #tpu.memory_space<hbm>>) dst(%arg9 : memref<80xi32, #tpu.memory_space<vmem>>)
    %dma_start3A_362 = arith.constant 0 : i32
    %dma_start3A_363 = arith.constant 0 : i32
    %dma_start3A_364 = tpu.memref_slice %arg12[%dma_start3A_362, %dma_start3A_363] : memref<160x128xf32, #tpu.memory_space<vmem>> -> memref<80x128xf32, #tpu.memory_space<vmem>>
    %dma_start3A_365 = arith.constant 0 : i32
    %dma_start3A_366 = tpu.memref_slice %arg6[%dma_start3A_365] : memref<160xi32, #tpu.memory_space<vmem>> -> memref<80xi32, #tpu.memory_space<vmem>>
    %dma_start3A_367 = arith.constant 0 : i32
    %dma_start3A_368 = arith.constant 0 : i32
    %dma_start3A_369 = tpu.memref_slice %arg4[%add3A_222, %dma_start3A_367, %dma_start3A_368] : memref<4x10240x128xf32, #tpu.memory_space<hbm>> -> memref<1x10240x128xf32, #tpu.memory_space<hbm>>
    %dma_start3A_370 = tpu.memref_squeeze %dma_start3A_369 : memref<1x10240x128xf32, #tpu.memory_space<hbm>> -> memref<10240x128xf32, #tpu.memory_space<hbm>>
    %dma_start3A_371 = arith.constant 0 : i32
    %dma_start3A_372 = arith.constant 0 : i32
    %dma_start3A_373 = tpu.memref_slice %dma_start3A_370[%dma_start3A_371, %dma_start3A_372] : memref<10240x128xf32, #tpu.memory_space<hbm>> -> memref<10240x128xf32, #tpu.memory_space<hbm>>
    tpu.enqueue_indirect_dma source(%dma_start3A_373 : memref<10240x128xf32, #tpu.memory_space<hbm>>) target(%dma_start3A_364 : memref<80x128xf32, #tpu.memory_space<vmem>>) offsets(%dma_start3A_366 : memref<80xi32, #tpu.memory_space<vmem>>) semaphore(%arg18 : memref<!tpu.dma_semaphore, #tpu.memory_space<semaphore_mem>>)
    %dma_start3A_374 = arith.constant 80 : i32
    %dma_start3A_375 = arith.constant 0 : i32
    %dma_start3A_376 = tpu.memref_slice %arg12[%dma_start3A_374, %dma_start3A_375] : memref<160x128xf32, #tpu.memory_space<vmem>> -> memref<80x128xf32, #tpu.memory_space<vmem>>
    %dma_start3A_377 = arith.constant 80 : i32
    %dma_start3A_378 = tpu.memref_slice %arg6[%dma_start3A_377] : memref<160xi32, #tpu.memory_space<vmem>> -> memref<80xi32, #tpu.memory_space<vmem>>
    %dma_start3A_379 = arith.constant 0 : i32
    %dma_start3A_380 = arith.constant 0 : i32
    %dma_start3A_381 = tpu.memref_slice %arg4[%add3A_222, %dma_start3A_379, %dma_start3A_380] : memref<4x10240x128xf32, #tpu.memory_space<hbm>> -> memref<1x10240x128xf32, #tpu.memory_space<hbm>>
    %dma_start3A_382 = tpu.memref_squeeze %dma_start3A_381 : memref<1x10240x128xf32, #tpu.memory_space<hbm>> -> memref<10240x128xf32, #tpu.memory_space<hbm>>
    %dma_start3A_383 = arith.constant 0 : i32
    %dma_start3A_384 = arith.constant 0 : i32
    %dma_start3A_385 = tpu.memref_slice %dma_start3A_382[%dma_start3A_383, %dma_start3A_384] : memref<10240x128xf32, #tpu.memory_space<hbm>> -> memref<10240x128xf32, #tpu.memory_space<hbm>>
    tpu.enqueue_indirect_dma source(%dma_start3A_385 : memref<10240x128xf32, #tpu.memory_space<hbm>>) target(%dma_start3A_376 : memref<80x128xf32, #tpu.memory_space<vmem>>) offsets(%dma_start3A_378 : memref<80xi32, #tpu.memory_space<vmem>>) semaphore(%arg18 : memref<!tpu.dma_semaphore, #tpu.memory_space<semaphore_mem>>)
    %dma_wait3A_386 = arith.constant 0 : i32
    %dma_wait3A_387 = arith.constant 0 : i32
    %dma_wait3A_388 = tpu.memref_slice %arg13[%dma_wait3A_386, %dma_wait3A_387] : memref<160x128xf32, #tpu.memory_space<vmem>> -> memref<80x128xf32, #tpu.memory_space<vmem>>
    %dma_wait3A_389 = arith.constant 0 : i32
    %dma_wait3A_390 = tpu.memref_slice %arg7[%dma_wait3A_389] : memref<160xi32, #tpu.memory_space<vmem>> -> memref<80xi32, #tpu.memory_space<vmem>>
    %dma_wait3A_391 = arith.constant 0 : i32
    %dma_wait3A_392 = arith.constant 0 : i32
    %dma_wait3A_393 = tpu.memref_slice %arg4[%add3A_222, %dma_wait3A_391, %dma_wait3A_392] : memref<4x10240x128xf32, #tpu.memory_space<hbm>> -> memref<1x10240x128xf32, #tpu.memory_space<hbm>>
    %dma_wait3A_394 = tpu.memref_squeeze %dma_wait3A_393 : memref<1x10240x128xf32, #tpu.memory_space<hbm>> -> memref<10240x128xf32, #tpu.memory_space<hbm>>
    %dma_wait3A_395 = arith.constant 0 : i32
    %dma_wait3A_396 = arith.constant 0 : i32
    %dma_wait3A_397 = tpu.memref_slice %dma_wait3A_394[%dma_wait3A_395, %dma_wait3A_396] : memref<10240x128xf32, #tpu.memory_space<hbm>> -> memref<10240x128xf32, #tpu.memory_space<hbm>>
    tpu.wait_indirect_dma semaphore(%arg19 : memref<!tpu.dma_semaphore, #tpu.memory_space<semaphore_mem>>) src(%dma_wait3A_397 : memref<10240x128xf32, #tpu.memory_space<hbm>>) dst(%dma_wait3A_388 : memref<80x128xf32, #tpu.memory_space<vmem>>)
    %dma_wait3A_398 = arith.constant 80 : i32
    %dma_wait3A_399 = arith.constant 0 : i32
    %dma_wait3A_400 = tpu.memref_slice %arg13[%dma_wait3A_398, %dma_wait3A_399] : memref<160x128xf32, #tpu.memory_space<vmem>> -> memref<80x128xf32, #tpu.memory_space<vmem>>
    %dma_wait3A_401 = arith.constant 80 : i32
    %dma_wait3A_402 = tpu.memref_slice %arg7[%dma_wait3A_401] : memref<160xi32, #tpu.memory_space<vmem>> -> memref<80xi32, #tpu.memory_space<vmem>>
    %dma_wait3A_403 = arith.constant 0 : i32
    %dma_wait3A_404 = arith.constant 0 : i32
    %dma_wait3A_405 = tpu.memref_slice %arg4[%add3A_222, %dma_wait3A_403, %dma_wait3A_404] : memref<4x10240x128xf32, #tpu.memory_space<hbm>> -> memref<1x10240x128xf32, #tpu.memory_space<hbm>>
    %dma_wait3A_406 = tpu.memref_squeeze %dma_wait3A_405 : memref<1x10240x128xf32, #tpu.memory_space<hbm>> -> memref<10240x128xf32, #tpu.memory_space<hbm>>
    %dma_wait3A_407 = arith.constant 0 : i32
    %dma_wait3A_408 = arith.constant 0 : i32
    %dma_wait3A_409 = tpu.memref_slice %dma_wait3A_406[%dma_wait3A_407, %dma_wait3A_408] : memref<10240x128xf32, #tpu.memory_space<hbm>> -> memref<10240x128xf32, #tpu.memory_space<hbm>>
    tpu.wait_indirect_dma semaphore(%arg19 : memref<!tpu.dma_semaphore, #tpu.memory_space<semaphore_mem>>) src(%dma_wait3A_409 : memref<10240x128xf32, #tpu.memory_space<hbm>>) dst(%dma_wait3A_400 : memref<80x128xf32, #tpu.memory_space<vmem>>)
    "tpu.region"() ({
      %run_scoped3A = tpu.sem_alloc : memref<!tpu.dma_semaphore, #tpu.memory_space<semaphore_mem>>
      %dma_start3A_439 = arith.constant 0 : i32
      %dma_start3A_440 = arith.constant 0 : i32
      %dma_start3A_441 = tpu.memref_slice %arg13[%dma_start3A_439, %dma_start3A_440] : memref<160x128xf32, #tpu.memory_space<vmem>> -> memref<80x128xf32, #tpu.memory_space<vmem>>
      %dma_start3A_442 = arith.constant 0 : i32
      %dma_start3A_443 = arith.constant 0 : i32
      %dma_start3A_444 = tpu.memref_slice %arg15[%dma_start3A_442, %dma_start3A_443] : memref<10240x128xf32, #tpu.memory_space<vmem_shared>> -> memref<10240x128xf32, #tpu.memory_space<vmem_shared>>
      tpu.enqueue_indirect_dma source(%dma_start3A_441 : memref<80x128xf32, #tpu.memory_space<vmem>>) target(%dma_start3A_444 : memref<10240x128xf32, #tpu.memory_space<vmem_shared>>) offsets(%arg10 : memref<80xi32, #tpu.memory_space<vmem>>) semaphore(%run_scoped3A : memref<!tpu.dma_semaphore, #tpu.memory_space<semaphore_mem>>) {add = true}
      %dma_wait3A_445 = arith.constant 0 : i32
      %dma_wait3A_446 = arith.constant 0 : i32
      %dma_wait3A_447 = tpu.memref_slice %arg13[%dma_wait3A_445, %dma_wait3A_446] : memref<160x128xf32, #tpu.memory_space<vmem>> -> memref<80x128xf32, #tpu.memory_space<vmem>>
      %dma_wait3A_448 = arith.constant 0 : i32
      %dma_wait3A_449 = arith.constant 0 : i32
      %dma_wait3A_450 = tpu.memref_slice %arg15[%dma_wait3A_448, %dma_wait3A_449] : memref<10240x128xf32, #tpu.memory_space<vmem_shared>> -> memref<10240x128xf32, #tpu.memory_space<vmem_shared>>
      tpu.wait_indirect_dma semaphore(%run_scoped3A : memref<!tpu.dma_semaphore, #tpu.memory_space<semaphore_mem>>) src(%dma_wait3A_447 : memref<80x128xf32, #tpu.memory_space<vmem>>) dst(%dma_wait3A_450 : memref<10240x128xf32, #tpu.memory_space<vmem_shared>>)
      tpu.yield
    }) : () -> ()
    "tpu.region"() ({
      %run_scoped3A = tpu.sem_alloc : memref<!tpu.dma_semaphore, #tpu.memory_space<semaphore_mem>>
      %dma_start3A_439 = arith.constant 80 : i32
      %dma_start3A_440 = arith.constant 0 : i32
      %dma_start3A_441 = tpu.memref_slice %arg13[%dma_start3A_439, %dma_start3A_440] : memref<160x128xf32, #tpu.memory_space<vmem>> -> memref<80x128xf32, #tpu.memory_space<vmem>>
      %dma_start3A_442 = arith.constant 0 : i32
      %dma_start3A_443 = arith.constant 0 : i32
      %dma_start3A_444 = tpu.memref_slice %arg15[%dma_start3A_442, %dma_start3A_443] : memref<10240x128xf32, #tpu.memory_space<vmem_shared>> -> memref<10240x128xf32, #tpu.memory_space<vmem_shared>>
      tpu.enqueue_indirect_dma source(%dma_start3A_441 : memref<80x128xf32, #tpu.memory_space<vmem>>) target(%dma_start3A_444 : memref<10240x128xf32, #tpu.memory_space<vmem_shared>>) offsets(%arg11 : memref<80xi32, #tpu.memory_space<vmem>>) semaphore(%run_scoped3A : memref<!tpu.dma_semaphore, #tpu.memory_space<semaphore_mem>>) {add = true}
      %dma_wait3A_445 = arith.constant 80 : i32
      %dma_wait3A_446 = arith.constant 0 : i32
      %dma_wait3A_447 = tpu.memref_slice %arg13[%dma_wait3A_445, %dma_wait3A_446] : memref<160x128xf32, #tpu.memory_space<vmem>> -> memref<80x128xf32, #tpu.memory_space<vmem>>
      %dma_wait3A_448 = arith.constant 0 : i32
      %dma_wait3A_449 = arith.constant 0 : i32
      %dma_wait3A_450 = tpu.memref_slice %arg15[%dma_wait3A_448, %dma_wait3A_449] : memref<10240x128xf32, #tpu.memory_space<vmem_shared>> -> memref<10240x128xf32, #tpu.memory_space<vmem_shared>>
      tpu.wait_indirect_dma semaphore(%run_scoped3A : memref<!tpu.dma_semaphore, #tpu.memory_space<semaphore_mem>>) src(%dma_wait3A_447 : memref<80x128xf32, #tpu.memory_space<vmem>>) dst(%dma_wait3A_450 : memref<10240x128xf32, #tpu.memory_space<vmem_shared>>)
      tpu.yield
    }) : () -> ()
    %dma_wait3A_410 = arith.constant 0 : i32
    %dma_wait3A_411 = arith.constant 0 : i32
    %dma_wait3A_412 = tpu.memref_slice %arg12[%dma_wait3A_410, %dma_wait3A_411] : memref<160x128xf32, #tpu.memory_space<vmem>> -> memref<80x128xf32, #tpu.memory_space<vmem>>
    %dma_wait3A_413 = arith.constant 0 : i32
    %dma_wait3A_414 = tpu.memref_slice %arg6[%dma_wait3A_413] : memref<160xi32, #tpu.memory_space<vmem>> -> memref<80xi32, #tpu.memory_space<vmem>>
    %dma_wait3A_415 = arith.constant 0 : i32
    %dma_wait3A_416 = arith.constant 0 : i32
    %dma_wait3A_417 = tpu.memref_slice %arg4[%add3A_222, %dma_wait3A_415, %dma_wait3A_416] : memref<4x10240x128xf32, #tpu.memory_space<hbm>> -> memref<1x10240x128xf32, #tpu.memory_space<hbm>>
    %dma_wait3A_418 = tpu.memref_squeeze %dma_wait3A_417 : memref<1x10240x128xf32, #tpu.memory_space<hbm>> -> memref<10240x128xf32, #tpu.memory_space<hbm>>
    %dma_wait3A_419 = arith.constant 0 : i32
    %dma_wait3A_420 = arith.constant 0 : i32
    %dma_wait3A_421 = tpu.memref_slice %dma_wait3A_418[%dma_wait3A_419, %dma_wait3A_420] : memref<10240x128xf32, #tpu.memory_space<hbm>> -> memref<10240x128xf32, #tpu.memory_space<hbm>>
    tpu.wait_indirect_dma semaphore(%arg18 : memref<!tpu.dma_semaphore, #tpu.memory_space<semaphore_mem>>) src(%dma_wait3A_421 : memref<10240x128xf32, #tpu.memory_space<hbm>>) dst(%dma_wait3A_412 : memref<80x128xf32, #tpu.memory_space<vmem>>)
    %dma_wait3A_422 = arith.constant 80 : i32
    %dma_wait3A_423 = arith.constant 0 : i32
    %dma_wait3A_424 = tpu.memref_slice %arg12[%dma_wait3A_422, %dma_wait3A_423] : memref<160x128xf32, #tpu.memory_space<vmem>> -> memref<80x128xf32, #tpu.memory_space<vmem>>
    %dma_wait3A_425 = arith.constant 80 : i32
    %dma_wait3A_426 = tpu.memref_slice %arg6[%dma_wait3A_425] : memref<160xi32, #tpu.memory_space<vmem>> -> memref<80xi32, #tpu.memory_space<vmem>>
    %dma_wait3A_427 = arith.constant 0 : i32
    %dma_wait3A_428 = arith.constant 0 : i32
    %dma_wait3A_429 = tpu.memref_slice %arg4[%add3A_222, %dma_wait3A_427, %dma_wait3A_428] : memref<4x10240x128xf32, #tpu.memory_space<hbm>> -> memref<1x10240x128xf32, #tpu.memory_space<hbm>>
    %dma_wait3A_430 = tpu.memref_squeeze %dma_wait3A_429 : memref<1x10240x128xf32, #tpu.memory_space<hbm>> -> memref<10240x128xf32, #tpu.memory_space<hbm>>
    %dma_wait3A_431 = arith.constant 0 : i32
    %dma_wait3A_432 = arith.constant 0 : i32
    %dma_wait3A_433 = tpu.memref_slice %dma_wait3A_430[%dma_wait3A_431, %dma_wait3A_432] : memref<10240x128xf32, #tpu.memory_space<hbm>> -> memref<10240x128xf32, #tpu.memory_space<hbm>>
    tpu.wait_indirect_dma semaphore(%arg18 : memref<!tpu.dma_semaphore, #tpu.memory_space<semaphore_mem>>) src(%dma_wait3A_433 : memref<10240x128xf32, #tpu.memory_space<hbm>>) dst(%dma_wait3A_424 : memref<80x128xf32, #tpu.memory_space<vmem>>)
    "tpu.region"() ({
      %run_scoped3A = tpu.sem_alloc : memref<!tpu.dma_semaphore, #tpu.memory_space<semaphore_mem>>
      %dma_start3A_439 = arith.constant 0 : i32
      %dma_start3A_440 = arith.constant 0 : i32
      %dma_start3A_441 = tpu.memref_slice %arg12[%dma_start3A_439, %dma_start3A_440] : memref<160x128xf32, #tpu.memory_space<vmem>> -> memref<80x128xf32, #tpu.memory_space<vmem>>
      %dma_start3A_442 = arith.constant 0 : i32
      %dma_start3A_443 = arith.constant 0 : i32
      %dma_start3A_444 = tpu.memref_slice %arg15[%dma_start3A_442, %dma_start3A_443] : memref<10240x128xf32, #tpu.memory_space<vmem_shared>> -> memref<10240x128xf32, #tpu.memory_space<vmem_shared>>
      tpu.enqueue_indirect_dma source(%dma_start3A_441 : memref<80x128xf32, #tpu.memory_space<vmem>>) target(%dma_start3A_444 : memref<10240x128xf32, #tpu.memory_space<vmem_shared>>) offsets(%arg8 : memref<80xi32, #tpu.memory_space<vmem>>) semaphore(%run_scoped3A : memref<!tpu.dma_semaphore, #tpu.memory_space<semaphore_mem>>) {add = true}
      %dma_wait3A_445 = arith.constant 0 : i32
      %dma_wait3A_446 = arith.constant 0 : i32
      %dma_wait3A_447 = tpu.memref_slice %arg12[%dma_wait3A_445, %dma_wait3A_446] : memref<160x128xf32, #tpu.memory_space<vmem>> -> memref<80x128xf32, #tpu.memory_space<vmem>>
      %dma_wait3A_448 = arith.constant 0 : i32
      %dma_wait3A_449 = arith.constant 0 : i32
      %dma_wait3A_450 = tpu.memref_slice %arg15[%dma_wait3A_448, %dma_wait3A_449] : memref<10240x128xf32, #tpu.memory_space<vmem_shared>> -> memref<10240x128xf32, #tpu.memory_space<vmem_shared>>
      tpu.wait_indirect_dma semaphore(%run_scoped3A : memref<!tpu.dma_semaphore, #tpu.memory_space<semaphore_mem>>) src(%dma_wait3A_447 : memref<80x128xf32, #tpu.memory_space<vmem>>) dst(%dma_wait3A_450 : memref<10240x128xf32, #tpu.memory_space<vmem_shared>>)
      tpu.yield
    }) : () -> ()
    "tpu.region"() ({
      %run_scoped3A = tpu.sem_alloc : memref<!tpu.dma_semaphore, #tpu.memory_space<semaphore_mem>>
      %dma_start3A_439 = arith.constant 80 : i32
      %dma_start3A_440 = arith.constant 0 : i32
      %dma_start3A_441 = tpu.memref_slice %arg12[%dma_start3A_439, %dma_start3A_440] : memref<160x128xf32, #tpu.memory_space<vmem>> -> memref<80x128xf32, #tpu.memory_space<vmem>>
      %dma_start3A_442 = arith.constant 0 : i32
      %dma_start3A_443 = arith.constant 0 : i32
      %dma_start3A_444 = tpu.memref_slice %arg15[%dma_start3A_442, %dma_start3A_443] : memref<10240x128xf32, #tpu.memory_space<vmem_shared>> -> memref<10240x128xf32, #tpu.memory_space<vmem_shared>>
      tpu.enqueue_indirect_dma source(%dma_start3A_441 : memref<80x128xf32, #tpu.memory_space<vmem>>) target(%dma_start3A_444 : memref<10240x128xf32, #tpu.memory_space<vmem_shared>>) offsets(%arg9 : memref<80xi32, #tpu.memory_space<vmem>>) semaphore(%run_scoped3A : memref<!tpu.dma_semaphore, #tpu.memory_space<semaphore_mem>>) {add = true}
      %dma_wait3A_445 = arith.constant 80 : i32
      %dma_wait3A_446 = arith.constant 0 : i32
      %dma_wait3A_447 = tpu.memref_slice %arg12[%dma_wait3A_445, %dma_wait3A_446] : memref<160x128xf32, #tpu.memory_space<vmem>> -> memref<80x128xf32, #tpu.memory_space<vmem>>
      %dma_wait3A_448 = arith.constant 0 : i32
      %dma_wait3A_449 = arith.constant 0 : i32
      %dma_wait3A_450 = tpu.memref_slice %arg15[%dma_wait3A_448, %dma_wait3A_449] : memref<10240x128xf32, #tpu.memory_space<vmem_shared>> -> memref<10240x128xf32, #tpu.memory_space<vmem_shared>>
      tpu.wait_indirect_dma semaphore(%run_scoped3A : memref<!tpu.dma_semaphore, #tpu.memory_space<semaphore_mem>>) src(%dma_wait3A_447 : memref<80x128xf32, #tpu.memory_space<vmem>>) dst(%dma_wait3A_450 : memref<10240x128xf32, #tpu.memory_space<vmem_shared>>)
      tpu.yield
    }) : () -> ()
    %barrier3A_434 = arith.constant 0 : index
    tpu.barrier barrier_id(%barrier3A_434)
    %mul3A_435 = arith.constant 640 : i32
    %mul3A_436 = arith.muli %arg1, %mul3A_435 : i32
    %mul3A_437 = arith.constant 640 : i32
    %mul3A_438 = arith.muli %arg1, %mul3A_437 : i32
    "tpu.region"() ({
      %run_scoped3A = tpu.sem_alloc : memref<!tpu.dma_semaphore, #tpu.memory_space<semaphore_mem>>
      %dma_start3A_439 = arith.constant 0 : i32
      %dma_start3A_440 = tpu.memref_slice %arg5[%add3A_222, %mul3A_438, %dma_start3A_439] : memref<4x10240x128xf32, #tpu.memory_space<hbm>> -> memref<1x640x128xf32, #tpu.memory_space<hbm>>
      %dma_start3A_441 = tpu.memref_squeeze %dma_start3A_440 : memref<1x640x128xf32, #tpu.memory_space<hbm>> -> memref<640x128xf32, #tpu.memory_space<hbm>>
      %dma_start3A_442 = arith.constant 0 : i32
      %dma_start3A_443 = tpu.memref_slice %arg15[%mul3A_436, %dma_start3A_442] : memref<10240x128xf32, #tpu.memory_space<vmem_shared>> -> memref<640x128xf32, #tpu.memory_space<vmem_shared>>
      tpu.enqueue_dma source(%dma_start3A_443 : memref<640x128xf32, #tpu.memory_space<vmem_shared>>) target(%dma_start3A_441 : memref<640x128xf32, #tpu.memory_space<hbm>>) target_semaphore(%run_scoped3A : memref<!tpu.dma_semaphore, #tpu.memory_space<semaphore_mem>>)
      %dma_wait3A_444 = arith.constant 0 : i32
      %dma_wait3A_445 = tpu.memref_slice %arg5[%add3A_222, %mul3A_438, %dma_wait3A_444] : memref<4x10240x128xf32, #tpu.memory_space<hbm>> -> memref<1x640x128xf32, #tpu.memory_space<hbm>>
      %dma_wait3A_446 = tpu.memref_squeeze %dma_wait3A_445 : memref<1x640x128xf32, #tpu.memory_space<hbm>> -> memref<640x128xf32, #tpu.memory_space<hbm>>
      %dma_wait3A_447 = arith.constant 0 : i32
      %dma_wait3A_448 = tpu.memref_slice %arg15[%mul3A_436, %dma_wait3A_447] : memref<10240x128xf32, #tpu.memory_space<vmem_shared>> -> memref<640x128xf32, #tpu.memory_space<vmem_shared>>
      tpu.wait_dma2 semaphore(%run_scoped3A : memref<!tpu.dma_semaphore, #tpu.memory_space<semaphore_mem>>) src(%dma_wait3A_448 : memref<640x128xf32, #tpu.memory_space<vmem_shared>>) dst(%dma_wait3A_446 : memref<640x128xf32, #tpu.memory_space<hbm>>)
      tpu.yield
    }) : () -> ()
    return
  }
}

#map = affine_map<(d0, d1) -> (0)>
#map1 = affine_map<(d0, d1) -> (0, 0)>
module attributes {stable_mosaic.version = 14 : i64} {
  func.func @deg_kernel(%arg0: i32, %arg1: i32, %arg2: memref<320000xi32, #tpu.memory_space<hbm>>, %arg3: memref<2x10240xf32, #tpu.memory_space<hbm>>, %arg4: memref<80xi32, #tpu.memory_space<vmem>>, %arg5: memref<80xi32, #tpu.memory_space<vmem>>, %arg6: memref<80xf32, #tpu.memory_space<vmem>>, %arg7: memref<640xf32, #tpu.memory_space<vmem>>, %arg8: memref<10240xf32, #tpu.memory_space<vmem_shared>>, %arg9: memref<!tpu.dma_semaphore, #tpu.memory_space<semaphore_mem>>, %arg10: memref<!tpu.dma_semaphore, #tpu.memory_space<semaphore_mem>>) attributes {dimension_semantics = [#tpu.dimension_semantics<core_parallel>, #tpu.dimension_semantics<subcore_parallel>], iteration_bounds = array<i64: 2, 16>, scalar_prefetch = 0 : i64, scratch_operands = 7 : i64, tpu.core_type = #tpu.core_type<sc_vector_subcore>, window_params = [{transform_indices = #map}, {transform_indices = #map1}]} {
    %scan3A = arith.constant 0 : i32
    %scan3A_0 = arith.constant 5 : i32
    %scan3A_1 = arith.addi %scan3A, %scan3A_0 : i32
    %scan3A_2 = arith.constant 1 : i32
    scf.for %scan3A_28 = %scan3A to %scan3A_1 step %scan3A_2  : i32 {
      %mul3A_29 = arith.constant 1 : i32
      %mul3A_30 = arith.muli %scan3A_28, %mul3A_29 : i32
      %add3A_31 = arith.constant 0 : i32
      %add3A_32 = arith.addi %add3A_31, %mul3A_30 : i32
      %broadcast_in_dim3A = arith.constant 1.000000e+00 : f32
      %broadcast_in_dim3A_33 = vector.broadcast %broadcast_in_dim3A : f32 to vector<16xf32>
      %mul3A_34 = arith.constant 16 : i32
      %mul3A_35 = arith.muli %add3A_32, %mul3A_34 : i32
      %swap3A = arith.index_cast %mul3A_35 : i32 to index
      %swap3A_36 = tpu.vector_load %arg6[%swap3A] {strides = array<i32>} : memref<80xf32, #tpu.memory_space<vmem>>, vector<16xf32>,
      %swap3A_37 = vector.shape_cast %swap3A_36 : vector<16xf32> to vector<16xf32>
      %swap3A_38 = vector.shape_cast %broadcast_in_dim3A_33 : vector<16xf32> to vector<16xf32>
      tpu.vector_store %arg6[%swap3A], %swap3A_38 {strides = array<i32>} : memref<80xf32, #tpu.memory_space<vmem>>, vector<16xf32>,
    }
    %scan3A_3 = arith.constant 5 : i32
    %scan3A_4 = arith.constant 0 : i32
    %scan3A_5 = arith.constant 40 : i32
    %scan3A_6 = arith.addi %scan3A_4, %scan3A_5 : i32
    %scan3A_7 = arith.constant 1 : i32
    scf.for %scan3A_28 = %scan3A_4 to %scan3A_6 step %scan3A_7  : i32 {
      %mul3A_29 = arith.constant 1 : i32
      %mul3A_30 = arith.muli %scan3A_28, %mul3A_29 : i32
      %add3A_31 = arith.constant 0 : i32
      %add3A_32 = arith.addi %add3A_31, %mul3A_30 : i32
      %broadcast_in_dim3A = arith.constant 0.000000e+00 : f32
      %broadcast_in_dim3A_33 = vector.broadcast %broadcast_in_dim3A : f32 to vector<16xf32>
      %mul3A_34 = arith.constant 16 : i32
      %mul3A_35 = arith.muli %add3A_32, %mul3A_34 : i32
      %swap3A = arith.index_cast %mul3A_35 : i32 to index
      %swap3A_36 = tpu.vector_load %arg7[%swap3A] {strides = array<i32>} : memref<640xf32, #tpu.memory_space<vmem>>, vector<16xf32>,
      %swap3A_37 = vector.shape_cast %swap3A_36 : vector<16xf32> to vector<16xf32>
      %swap3A_38 = vector.shape_cast %broadcast_in_dim3A_33 : vector<16xf32> to vector<16xf32>
      tpu.vector_store %arg7[%swap3A], %swap3A_38 {strides = array<i32>} : memref<640xf32, #tpu.memory_space<vmem>>, vector<16xf32>,
    }
    %scan3A_8 = arith.constant 40 : i32
    %mul3A = arith.constant 640 : i32
    %mul3A_9 = arith.muli %arg1, %mul3A : i32
    "tpu.region"() ({
      %run_scoped3A = tpu.sem_alloc : memref<!tpu.dma_semaphore, #tpu.memory_space<semaphore_mem>>
      %dma_start3A_28 = tpu.memref_slice %arg8[%mul3A_9] : memref<10240xf32, #tpu.memory_space<vmem_shared>> -> memref<640xf32, #tpu.memory_space<vmem_shared>>
      %dma_start3A_29 = tpu.memref_slice %arg8[%mul3A_9] : memref<10240xf32, #tpu.memory_space<vmem_shared>> -> memref<640xf32, #tpu.memory_space<vmem_shared>>
      tpu.enqueue_dma source(%arg7 : memref<640xf32, #tpu.memory_space<vmem>>) target(%dma_start3A_29 : memref<640xf32, #tpu.memory_space<vmem_shared>>) target_semaphore(%run_scoped3A : memref<!tpu.dma_semaphore, #tpu.memory_space<semaphore_mem>>)
      %dma_wait3A_30 = tpu.memref_slice %arg8[%mul3A_9] : memref<10240xf32, #tpu.memory_space<vmem_shared>> -> memref<640xf32, #tpu.memory_space<vmem_shared>>
      %dma_wait3A_31 = tpu.memref_slice %arg8[%mul3A_9] : memref<10240xf32, #tpu.memory_space<vmem_shared>> -> memref<640xf32, #tpu.memory_space<vmem_shared>>
      tpu.wait_dma2 semaphore(%run_scoped3A : memref<!tpu.dma_semaphore, #tpu.memory_space<semaphore_mem>>) src(%arg7 : memref<640xf32, #tpu.memory_space<vmem>>) dst(%dma_wait3A_31 : memref<640xf32, #tpu.memory_space<vmem_shared>>)
      tpu.yield
    }) : () -> ()
    %barrier3A = arith.constant 0 : index
    tpu.barrier barrier_id(%barrier3A)
    %mul3A_10 = arith.constant 16 : i32
    %mul3A_11 = arith.muli %arg0, %mul3A_10 : i32
    %add3A = arith.addi %mul3A_11, %arg1 : i32
    %mul3A_12 = arith.constant 10000 : i32
    %mul3A_13 = arith.muli %add3A, %mul3A_12 : i32
    %add3A_14 = arith.constant 0 : i32
    %add3A_15 = arith.addi %mul3A_13, %add3A_14 : i32
    %dma_start3A = tpu.memref_slice %arg2[%add3A_15] : memref<320000xi32, #tpu.memory_space<hbm>> -> memref<80xi32, #tpu.memory_space<hbm>>
    %dma_start3A_16 = tpu.memref_slice %arg2[%add3A_15] : memref<320000xi32, #tpu.memory_space<hbm>> -> memref<80xi32, #tpu.memory_space<hbm>>
    tpu.enqueue_dma source(%dma_start3A_16 : memref<80xi32, #tpu.memory_space<hbm>>) target(%arg4 : memref<80xi32, #tpu.memory_space<vmem>>) target_semaphore(%arg9 : memref<!tpu.dma_semaphore, #tpu.memory_space<semaphore_mem>>)
    %scan3A_17 = arith.constant 0 : i32
    %scan3A_18 = arith.constant 62 : i32
    %scan3A_19 = arith.addi %scan3A_17, %scan3A_18 : i32
    %scan3A_20 = arith.constant 1 : i32
    scf.for %scan3A_28 = %scan3A_17 to %scan3A_19 step %scan3A_20  : i32 {
      %mul3A_29 = arith.constant 1 : i32
      %mul3A_30 = arith.muli %scan3A_28, %mul3A_29 : i32
      %add3A_31 = arith.constant 0 : i32
      %add3A_32 = arith.addi %add3A_31, %mul3A_30 : i32
      %mul3A_33 = arith.constant 2 : i32
      %mul3A_34 = arith.muli %mul3A_33, %add3A_32 : i32
      %add3A_35 = arith.constant 1 : i32
      %add3A_36 = arith.addi %mul3A_34, %add3A_35 : i32
      %mul3A_37 = arith.constant 80 : i32
      %mul3A_38 = arith.muli %add3A_36, %mul3A_37 : i32
      %add3A_39 = arith.addi %mul3A_13, %mul3A_38 : i32
      %dma_start3A_40 = tpu.memref_slice %arg2[%add3A_39] : memref<320000xi32, #tpu.memory_space<hbm>> -> memref<80xi32, #tpu.memory_space<hbm>>
      %dma_start3A_41 = tpu.memref_slice %arg2[%add3A_39] : memref<320000xi32, #tpu.memory_space<hbm>> -> memref<80xi32, #tpu.memory_space<hbm>>
      tpu.enqueue_dma source(%dma_start3A_41 : memref<80xi32, #tpu.memory_space<hbm>>) target(%arg5 : memref<80xi32, #tpu.memory_space<vmem>>) target_semaphore(%arg10 : memref<!tpu.dma_semaphore, #tpu.memory_space<semaphore_mem>>)
      %dma_wait3A_42 = tpu.memref_slice %arg2[%mul3A_13] : memref<320000xi32, #tpu.memory_space<hbm>> -> memref<80xi32, #tpu.memory_space<hbm>>
      %dma_wait3A_43 = tpu.memref_slice %arg2[%mul3A_13] : memref<320000xi32, #tpu.memory_space<hbm>> -> memref<80xi32, #tpu.memory_space<hbm>>
      tpu.wait_dma2 semaphore(%arg9 : memref<!tpu.dma_semaphore, #tpu.memory_space<semaphore_mem>>) src(%dma_wait3A_43 : memref<80xi32, #tpu.memory_space<hbm>>) dst(%arg4 : memref<80xi32, #tpu.memory_space<vmem>>)
      "tpu.region"() ({
        %run_scoped3A = tpu.sem_alloc : memref<!tpu.dma_semaphore, #tpu.memory_space<semaphore_mem>>
        %dma_start3A_57 = arith.constant 0 : i32
        %dma_start3A_58 = tpu.memref_slice %arg8[%dma_start3A_57] : memref<10240xf32, #tpu.memory_space<vmem_shared>> -> memref<10240xf32, #tpu.memory_space<vmem_shared>>
        tpu.enqueue_indirect_dma source(%arg6 : memref<80xf32, #tpu.memory_space<vmem>>) target(%dma_start3A_58 : memref<10240xf32, #tpu.memory_space<vmem_shared>>) offsets(%arg4 : memref<80xi32, #tpu.memory_space<vmem>>) semaphore(%run_scoped3A : memref<!tpu.dma_semaphore, #tpu.memory_space<semaphore_mem>>) {add = true}
        %dma_wait3A_59 = arith.constant 0 : i32
        %dma_wait3A_60 = tpu.memref_slice %arg8[%dma_wait3A_59] : memref<10240xf32, #tpu.memory_space<vmem_shared>> -> memref<10240xf32, #tpu.memory_space<vmem_shared>>
        tpu.wait_indirect_dma semaphore(%run_scoped3A : memref<!tpu.dma_semaphore, #tpu.memory_space<semaphore_mem>>) src(%arg6 : memref<80xf32, #tpu.memory_space<vmem>>) dst(%dma_wait3A_60 : memref<10240xf32, #tpu.memory_space<vmem_shared>>)
        tpu.yield
      }) : () -> ()
      %mul3A_44 = arith.constant 2 : i32
      %mul3A_45 = arith.muli %mul3A_44, %add3A_32 : i32
      %add3A_46 = arith.constant 1 : i32
      %add3A_47 = arith.addi %mul3A_45, %add3A_46 : i32
      %add3A_48 = arith.constant 1 : i32
      %add3A_49 = arith.addi %add3A_47, %add3A_48 : i32
      %mul3A_50 = arith.constant 80 : i32
      %mul3A_51 = arith.muli %add3A_49, %mul3A_50 : i32
      %add3A_52 = arith.addi %mul3A_13, %mul3A_51 : i32
      %dma_start3A_53 = tpu.memref_slice %arg2[%add3A_52] : memref<320000xi32, #tpu.memory_space<hbm>> -> memref<80xi32, #tpu.memory_space<hbm>>
      %dma_start3A_54 = tpu.memref_slice %arg2[%add3A_52] : memref<320000xi32, #tpu.memory_space<hbm>> -> memref<80xi32, #tpu.memory_space<hbm>>
      tpu.enqueue_dma source(%dma_start3A_54 : memref<80xi32, #tpu.memory_space<hbm>>) target(%arg4 : memref<80xi32, #tpu.memory_space<vmem>>) target_semaphore(%arg9 : memref<!tpu.dma_semaphore, #tpu.memory_space<semaphore_mem>>)
      %dma_wait3A_55 = tpu.memref_slice %arg2[%mul3A_13] : memref<320000xi32, #tpu.memory_space<hbm>> -> memref<80xi32, #tpu.memory_space<hbm>>
      %dma_wait3A_56 = tpu.memref_slice %arg2[%mul3A_13] : memref<320000xi32, #tpu.memory_space<hbm>> -> memref<80xi32, #tpu.memory_space<hbm>>
      tpu.wait_dma2 semaphore(%arg10 : memref<!tpu.dma_semaphore, #tpu.memory_space<semaphore_mem>>) src(%dma_wait3A_56 : memref<80xi32, #tpu.memory_space<hbm>>) dst(%arg5 : memref<80xi32, #tpu.memory_space<vmem>>)
      "tpu.region"() ({
        %run_scoped3A = tpu.sem_alloc : memref<!tpu.dma_semaphore, #tpu.memory_space<semaphore_mem>>
        %dma_start3A_57 = arith.constant 0 : i32
        %dma_start3A_58 = tpu.memref_slice %arg8[%dma_start3A_57] : memref<10240xf32, #tpu.memory_space<vmem_shared>> -> memref<10240xf32, #tpu.memory_space<vmem_shared>>
        tpu.enqueue_indirect_dma source(%arg6 : memref<80xf32, #tpu.memory_space<vmem>>) target(%dma_start3A_58 : memref<10240xf32, #tpu.memory_space<vmem_shared>>) offsets(%arg5 : memref<80xi32, #tpu.memory_space<vmem>>) semaphore(%run_scoped3A : memref<!tpu.dma_semaphore, #tpu.memory_space<semaphore_mem>>) {add = true}
        %dma_wait3A_59 = arith.constant 0 : i32
        %dma_wait3A_60 = tpu.memref_slice %arg8[%dma_wait3A_59] : memref<10240xf32, #tpu.memory_space<vmem_shared>> -> memref<10240xf32, #tpu.memory_space<vmem_shared>>
        tpu.wait_indirect_dma semaphore(%run_scoped3A : memref<!tpu.dma_semaphore, #tpu.memory_space<semaphore_mem>>) src(%arg6 : memref<80xf32, #tpu.memory_space<vmem>>) dst(%dma_wait3A_60 : memref<10240xf32, #tpu.memory_space<vmem_shared>>)
        tpu.yield
      }) : () -> ()
    }
    %scan3A_21 = arith.constant 62 : i32
    %dma_wait3A = tpu.memref_slice %arg2[%mul3A_13] : memref<320000xi32, #tpu.memory_space<hbm>> -> memref<80xi32, #tpu.memory_space<hbm>>
    %dma_wait3A_22 = tpu.memref_slice %arg2[%mul3A_13] : memref<320000xi32, #tpu.memory_space<hbm>> -> memref<80xi32, #tpu.memory_space<hbm>>
    tpu.wait_dma2 semaphore(%arg9 : memref<!tpu.dma_semaphore, #tpu.memory_space<semaphore_mem>>) src(%dma_wait3A_22 : memref<80xi32, #tpu.memory_space<hbm>>) dst(%arg4 : memref<80xi32, #tpu.memory_space<vmem>>)
    "tpu.region"() ({
      %run_scoped3A = tpu.sem_alloc : memref<!tpu.dma_semaphore, #tpu.memory_space<semaphore_mem>>
      %dma_start3A_28 = arith.constant 0 : i32
      %dma_start3A_29 = tpu.memref_slice %arg8[%dma_start3A_28] : memref<10240xf32, #tpu.memory_space<vmem_shared>> -> memref<10240xf32, #tpu.memory_space<vmem_shared>>
      tpu.enqueue_indirect_dma source(%arg6 : memref<80xf32, #tpu.memory_space<vmem>>) target(%dma_start3A_29 : memref<10240xf32, #tpu.memory_space<vmem_shared>>) offsets(%arg4 : memref<80xi32, #tpu.memory_space<vmem>>) semaphore(%run_scoped3A : memref<!tpu.dma_semaphore, #tpu.memory_space<semaphore_mem>>) {add = true}
      %dma_wait3A_30 = arith.constant 0 : i32
      %dma_wait3A_31 = tpu.memref_slice %arg8[%dma_wait3A_30] : memref<10240xf32, #tpu.memory_space<vmem_shared>> -> memref<10240xf32, #tpu.memory_space<vmem_shared>>
      tpu.wait_indirect_dma semaphore(%run_scoped3A : memref<!tpu.dma_semaphore, #tpu.memory_space<semaphore_mem>>) src(%arg6 : memref<80xf32, #tpu.memory_space<vmem>>) dst(%dma_wait3A_31 : memref<10240xf32, #tpu.memory_space<vmem_shared>>)
      tpu.yield
    }) : () -> ()
    %barrier3A_23 = arith.constant 0 : index
    tpu.barrier barrier_id(%barrier3A_23)
    %mul3A_24 = arith.constant 640 : i32
    %mul3A_25 = arith.muli %arg1, %mul3A_24 : i32
    %mul3A_26 = arith.constant 640 : i32
    %mul3A_27 = arith.muli %arg1, %mul3A_26 : i32
    "tpu.region"() ({
      %run_scoped3A = tpu.sem_alloc : memref<!tpu.dma_semaphore, #tpu.memory_space<semaphore_mem>>
      %dma_start3A_28 = tpu.memref_slice %arg3[%arg0, %mul3A_27] : memref<2x10240xf32, #tpu.memory_space<hbm>> -> memref<1x640xf32, #tpu.memory_space<hbm>>
      %dma_start3A_29 = tpu.memref_squeeze %dma_start3A_28 : memref<1x640xf32, #tpu.memory_space<hbm>> -> memref<640xf32, #tpu.memory_space<hbm>>
      %dma_start3A_30 = tpu.memref_slice %arg8[%mul3A_25] : memref<10240xf32, #tpu.memory_space<vmem_shared>> -> memref<640xf32, #tpu.memory_space<vmem_shared>>
      tpu.enqueue_dma source(%dma_start3A_30 : memref<640xf32, #tpu.memory_space<vmem_shared>>) target(%dma_start3A_29 : memref<640xf32, #tpu.memory_space<hbm>>) target_semaphore(%run_scoped3A : memref<!tpu.dma_semaphore, #tpu.memory_space<semaphore_mem>>)
      %dma_wait3A_31 = tpu.memref_slice %arg3[%arg0, %mul3A_27] : memref<2x10240xf32, #tpu.memory_space<hbm>> -> memref<1x640xf32, #tpu.memory_space<hbm>>
      %dma_wait3A_32 = tpu.memref_squeeze %dma_wait3A_31 : memref<1x640xf32, #tpu.memory_space<hbm>> -> memref<640xf32, #tpu.memory_space<hbm>>
      %dma_wait3A_33 = tpu.memref_slice %arg8[%mul3A_25] : memref<10240xf32, #tpu.memory_space<vmem_shared>> -> memref<640xf32, #tpu.memory_space<vmem_shared>>
      tpu.wait_dma2 semaphore(%run_scoped3A : memref<!tpu.dma_semaphore, #tpu.memory_space<semaphore_mem>>) src(%dma_wait3A_33 : memref<640xf32, #tpu.memory_space<vmem_shared>>) dst(%dma_wait3A_32 : memref<640xf32, #tpu.memory_space<hbm>>)
      tpu.yield
    }) : () -> ()
    return
  }
}

#map = affine_map<(d0, d1) -> (0)>
#map1 = affine_map<(d0, d1) -> (0, 0, 0)>
module attributes {stable_mosaic.version = 14 : i64} {
  func.func @agg_kernel(%arg0: i32, %arg1: i32, %arg2: memref<320000xi32, #tpu.memory_space<hbm>>, %arg3: memref<320000xi32, #tpu.memory_space<hbm>>, %arg4: memref<1x10240x128xf32, #tpu.memory_space<hbm>>, %arg5: memref<2x10240x128xf32, #tpu.memory_space<hbm>>, %arg6: memref<160xi32, #tpu.memory_space<vmem>>, %arg7: memref<160xi32, #tpu.memory_space<vmem>>, %arg8: memref<80xi32, #tpu.memory_space<vmem>>, %arg9: memref<80xi32, #tpu.memory_space<vmem>>, %arg10: memref<80xi32, #tpu.memory_space<vmem>>, %arg11: memref<80xi32, #tpu.memory_space<vmem>>, %arg12: memref<160x128xf32, #tpu.memory_space<vmem>>, %arg13: memref<160x128xf32, #tpu.memory_space<vmem>>, %arg14: memref<40x128xf32, #tpu.memory_space<vmem>>, %arg15: memref<10240x128xf32, #tpu.memory_space<vmem_shared>>, %arg16: memref<!tpu.dma_semaphore, #tpu.memory_space<semaphore_mem>>, %arg17: memref<!tpu.dma_semaphore, #tpu.memory_space<semaphore_mem>>, %arg18: memref<!tpu.dma_semaphore, #tpu.memory_space<semaphore_mem>>, %arg19: memref<!tpu.dma_semaphore, #tpu.memory_space<semaphore_mem>>) attributes {dimension_semantics = [#tpu.dimension_semantics<core_parallel>, #tpu.dimension_semantics<subcore_parallel>], iteration_bounds = array<i64: 2, 16>, scalar_prefetch = 0 : i64, scratch_operands = 14 : i64, tpu.core_type = #tpu.core_type<sc_vector_subcore>, window_params = [{transform_indices = #map}, {transform_indices = #map}, {transform_indices = #map1}, {transform_indices = #map1}]} {
    %scan3A = arith.constant 0 : i32
    %scan3A_0 = arith.constant 40 : i32
    %scan3A_1 = arith.addi %scan3A, %scan3A_0 : i32
    %scan3A_2 = arith.constant 1 : i32
    scf.for %scan3A_163 = %scan3A to %scan3A_1 step %scan3A_2  : i32 {
      %mul3A_164 = arith.constant 1 : i32
      %mul3A_165 = arith.muli %scan3A_163, %mul3A_164 : i32
      %add3A_166 = arith.constant 0 : i32
      %add3A_167 = arith.addi %add3A_166, %mul3A_165 : i32
      %scan3A_168 = arith.constant 0 : i32
      %scan3A_169 = arith.constant 8 : i32
      %scan3A_170 = arith.addi %scan3A_168, %scan3A_169 : i32
      %scan3A_171 = arith.constant 1 : i32
      scf.for %scan3A_173 = %scan3A_168 to %scan3A_170 step %scan3A_171  : i32 {
        %mul3A_174 = arith.constant 1 : i32
        %mul3A_175 = arith.muli %scan3A_173, %mul3A_174 : i32
        %add3A_176 = arith.constant 0 : i32
        %add3A_177 = arith.addi %add3A_176, %mul3A_175 : i32
        %broadcast_in_dim3A = arith.constant 0.000000e+00 : f32
        %broadcast_in_dim3A_178 = vector.broadcast %broadcast_in_dim3A : f32 to vector<16xf32>
        %mul3A_179 = arith.constant 16 : i32
        %mul3A_180 = arith.muli %add3A_177, %mul3A_179 : i32
        %swap3A = arith.index_cast %add3A_167 : i32 to index
        %swap3A_181 = arith.index_cast %mul3A_180 : i32 to index
        %swap3A_182 = tpu.vector_load %arg14[%swap3A, %swap3A_181] {strides = array<i32>} : memref<40x128xf32, #tpu.memory_space<vmem>>, vector<1x16xf32>,
        %swap3A_183 = vector.shape_cast %swap3A_182 : vector<1x16xf32> to vector<16xf32>
        %swap3A_184 = vector.shape_cast %broadcast_in_dim3A_178 : vector<16xf32> to vector<1x16xf32>
        tpu.vector_store %arg14[%swap3A, %swap3A_181], %swap3A_184 {strides = array<i32>} : memref<40x128xf32, #tpu.memory_space<vmem>>, vector<1x16xf32>,
      }
      %scan3A_172 = arith.constant 8 : i32
    }
    %scan3A_3 = arith.constant 40 : i32
    %mul3A = arith.constant 16 : i32
    %mul3A_4 = arith.muli %arg0, %mul3A : i32
    %add3A = arith.addi %mul3A_4, %arg1 : i32
    %mul3A_5 = arith.constant 10000 : i32
    %mul3A_6 = arith.muli %add3A, %mul3A_5 : i32
    %scan3A_7 = arith.constant 0 : i32
    %scan3A_8 = arith.constant 16 : i32
    %scan3A_9 = arith.addi %scan3A_7, %scan3A_8 : i32
    %scan3A_10 = arith.constant 1 : i32
    scf.for %scan3A_163 = %scan3A_7 to %scan3A_9 step %scan3A_10  : i32 {
      %mul3A_164 = arith.constant 1 : i32
      %mul3A_165 = arith.muli %scan3A_163, %mul3A_164 : i32
      %add3A_166 = arith.constant 0 : i32
      %add3A_167 = arith.addi %add3A_166, %mul3A_165 : i32
      %mul3A_168 = arith.constant 640 : i32
      %mul3A_169 = arith.muli %arg1, %mul3A_168 : i32
      %mul3A_170 = arith.constant 40 : i32
      %mul3A_171 = arith.muli %add3A_167, %mul3A_170 : i32
      %add3A_172 = arith.addi %mul3A_169, %mul3A_171 : i32
      "tpu.region"() ({
        %run_scoped3A_173 = tpu.sem_alloc : memref<!tpu.dma_semaphore, #tpu.memory_space<semaphore_mem>>
        %dma_start3A_174 = arith.constant 0 : i32
        %dma_start3A_175 = tpu.memref_slice %arg15[%add3A_172, %dma_start3A_174] : memref<10240x128xf32, #tpu.memory_space<vmem_shared>> -> memref<40x128xf32, #tpu.memory_space<vmem_shared>>
        %dma_start3A_176 = arith.constant 0 : i32
        %dma_start3A_177 = tpu.memref_slice %arg15[%add3A_172, %dma_start3A_176] : memref<10240x128xf32, #tpu.memory_space<vmem_shared>> -> memref<40x128xf32, #tpu.memory_space<vmem_shared>>
        tpu.enqueue_dma source(%arg14 : memref<40x128xf32, #tpu.memory_space<vmem>>) target(%dma_start3A_177 : memref<40x128xf32, #tpu.memory_space<vmem_shared>>) target_semaphore(%run_scoped3A_173 : memref<!tpu.dma_semaphore, #tpu.memory_space<semaphore_mem>>)
        %dma_wait3A_178 = arith.constant 0 : i32
        %dma_wait3A_179 = tpu.memref_slice %arg15[%add3A_172, %dma_wait3A_178] : memref<10240x128xf32, #tpu.memory_space<vmem_shared>> -> memref<40x128xf32, #tpu.memory_space<vmem_shared>>
        %dma_wait3A_180 = arith.constant 0 : i32
        %dma_wait3A_181 = tpu.memref_slice %arg15[%add3A_172, %dma_wait3A_180] : memref<10240x128xf32, #tpu.memory_space<vmem_shared>> -> memref<40x128xf32, #tpu.memory_space<vmem_shared>>
        tpu.wait_dma2 semaphore(%run_scoped3A_173 : memref<!tpu.dma_semaphore, #tpu.memory_space<semaphore_mem>>) src(%arg14 : memref<40x128xf32, #tpu.memory_space<vmem>>) dst(%dma_wait3A_181 : memref<40x128xf32, #tpu.memory_space<vmem_shared>>)
        tpu.yield
      }) : () -> ()
    }
    %scan3A_11 = arith.constant 16 : i32
    %barrier3A = arith.constant 0 : index
    tpu.barrier barrier_id(%barrier3A)
    %add3A_12 = arith.constant 0 : i32
    %add3A_13 = arith.addi %mul3A_6, %add3A_12 : i32
    %dma_start3A = tpu.memref_slice %arg2[%add3A_13] : memref<320000xi32, #tpu.memory_space<hbm>> -> memref<160xi32, #tpu.memory_space<hbm>>
    %dma_start3A_14 = tpu.memref_slice %arg2[%add3A_13] : memref<320000xi32, #tpu.memory_space<hbm>> -> memref<160xi32, #tpu.memory_space<hbm>>
    tpu.enqueue_dma source(%dma_start3A_14 : memref<160xi32, #tpu.memory_space<hbm>>) target(%arg6 : memref<160xi32, #tpu.memory_space<vmem>>) target_semaphore(%arg16 : memref<!tpu.dma_semaphore, #tpu.memory_space<semaphore_mem>>)
    %add3A_15 = arith.constant 0 : i32
    %add3A_16 = arith.addi %add3A_13, %add3A_15 : i32
    %dma_start3A_17 = tpu.memref_slice %arg3[%add3A_16] : memref<320000xi32, #tpu.memory_space<hbm>> -> memref<80xi32, #tpu.memory_space<hbm>>
    %dma_start3A_18 = tpu.memref_slice %arg3[%add3A_16] : memref<320000xi32, #tpu.memory_space<hbm>> -> memref<80xi32, #tpu.memory_space<hbm>>
    tpu.enqueue_dma source(%dma_start3A_18 : memref<80xi32, #tpu.memory_space<hbm>>) target(%arg8 : memref<80xi32, #tpu.memory_space<vmem>>) target_semaphore(%arg16 : memref<!tpu.dma_semaphore, #tpu.memory_space<semaphore_mem>>)
    %add3A_19 = arith.constant 80 : i32
    %add3A_20 = arith.addi %add3A_13, %add3A_19 : i32
    %dma_start3A_21 = tpu.memref_slice %arg3[%add3A_20] : memref<320000xi32, #tpu.memory_space<hbm>> -> memref<80xi32, #tpu.memory_space<hbm>>
    %dma_start3A_22 = tpu.memref_slice %arg3[%add3A_20] : memref<320000xi32, #tpu.memory_space<hbm>> -> memref<80xi32, #tpu.memory_space<hbm>>
    tpu.enqueue_dma source(%dma_start3A_22 : memref<80xi32, #tpu.memory_space<hbm>>) target(%arg9 : memref<80xi32, #tpu.memory_space<vmem>>) target_semaphore(%arg16 : memref<!tpu.dma_semaphore, #tpu.memory_space<semaphore_mem>>)
    %add3A_23 = arith.constant 160 : i32
    %add3A_24 = arith.addi %mul3A_6, %add3A_23 : i32
    %dma_start3A_25 = tpu.memref_slice %arg2[%add3A_24] : memref<320000xi32, #tpu.memory_space<hbm>> -> memref<160xi32, #tpu.memory_space<hbm>>
    %dma_start3A_26 = tpu.memref_slice %arg2[%add3A_24] : memref<320000xi32, #tpu.memory_space<hbm>> -> memref<160xi32, #tpu.memory_space<hbm>>
    tpu.enqueue_dma source(%dma_start3A_26 : memref<160xi32, #tpu.memory_space<hbm>>) target(%arg7 : memref<160xi32, #tpu.memory_space<vmem>>) target_semaphore(%arg17 : memref<!tpu.dma_semaphore, #tpu.memory_space<semaphore_mem>>)
    %add3A_27 = arith.constant 0 : i32
    %add3A_28 = arith.addi %add3A_24, %add3A_27 : i32
    %dma_start3A_29 = tpu.memref_slice %arg3[%add3A_28] : memref<320000xi32, #tpu.memory_space<hbm>> -> memref<80xi32, #tpu.memory_space<hbm>>
    %dma_start3A_30 = tpu.memref_slice %arg3[%add3A_28] : memref<320000xi32, #tpu.memory_space<hbm>> -> memref<80xi32, #tpu.memory_space<hbm>>
    tpu.enqueue_dma source(%dma_start3A_30 : memref<80xi32, #tpu.memory_space<hbm>>) target(%arg10 : memref<80xi32, #tpu.memory_space<vmem>>) target_semaphore(%arg17 : memref<!tpu.dma_semaphore, #tpu.memory_space<semaphore_mem>>)
    %add3A_31 = arith.constant 80 : i32
    %add3A_32 = arith.addi %add3A_24, %add3A_31 : i32
    %dma_start3A_33 = tpu.memref_slice %arg3[%add3A_32] : memref<320000xi32, #tpu.memory_space<hbm>> -> memref<80xi32, #tpu.memory_space<hbm>>
    %dma_start3A_34 = tpu.memref_slice %arg3[%add3A_32] : memref<320000xi32, #tpu.memory_space<hbm>> -> memref<80xi32, #tpu.memory_space<hbm>>
    tpu.enqueue_dma source(%dma_start3A_34 : memref<80xi32, #tpu.memory_space<hbm>>) target(%arg11 : memref<80xi32, #tpu.memory_space<vmem>>) target_semaphore(%arg17 : memref<!tpu.dma_semaphore, #tpu.memory_space<semaphore_mem>>)
    %dma_wait3A = tpu.memref_slice %arg2[%mul3A_6] : memref<320000xi32, #tpu.memory_space<hbm>> -> memref<160xi32, #tpu.memory_space<hbm>>
    %dma_wait3A_35 = tpu.memref_slice %arg2[%mul3A_6] : memref<320000xi32, #tpu.memory_space<hbm>> -> memref<160xi32, #tpu.memory_space<hbm>>
    tpu.wait_dma2 semaphore(%arg16 : memref<!tpu.dma_semaphore, #tpu.memory_space<semaphore_mem>>) src(%dma_wait3A_35 : memref<160xi32, #tpu.memory_space<hbm>>) dst(%arg6 : memref<160xi32, #tpu.memory_space<vmem>>)
    %dma_wait3A_36 = tpu.memref_slice %arg3[%mul3A_6] : memref<320000xi32, #tpu.memory_space<hbm>> -> memref<80xi32, #tpu.memory_space<hbm>>
    %dma_wait3A_37 = tpu.memref_slice %arg3[%mul3A_6] : memref<320000xi32, #tpu.memory_space<hbm>> -> memref<80xi32, #tpu.memory_space<hbm>>
    tpu.wait_dma2 semaphore(%arg16 : memref<!tpu.dma_semaphore, #tpu.memory_space<semaphore_mem>>) src(%dma_wait3A_37 : memref<80xi32, #tpu.memory_space<hbm>>) dst(%arg8 : memref<80xi32, #tpu.memory_space<vmem>>)
    %dma_wait3A_38 = tpu.memref_slice %arg3[%mul3A_6] : memref<320000xi32, #tpu.memory_space<hbm>> -> memref<80xi32, #tpu.memory_space<hbm>>
    %dma_wait3A_39 = tpu.memref_slice %arg3[%mul3A_6] : memref<320000xi32, #tpu.memory_space<hbm>> -> memref<80xi32, #tpu.memory_space<hbm>>
    tpu.wait_dma2 semaphore(%arg16 : memref<!tpu.dma_semaphore, #tpu.memory_space<semaphore_mem>>) src(%dma_wait3A_39 : memref<80xi32, #tpu.memory_space<hbm>>) dst(%arg9 : memref<80xi32, #tpu.memory_space<vmem>>)
    %dma_start3A_40 = arith.constant 0 : i32
    %dma_start3A_41 = arith.constant 0 : i32
    %dma_start3A_42 = arith.constant 0 : i32
    %dma_start3A_43 = tpu.memref_slice %arg12[%dma_start3A_41, %dma_start3A_42] : memref<160x128xf32, #tpu.memory_space<vmem>> -> memref<80x128xf32, #tpu.memory_space<vmem>>
    %dma_start3A_44 = arith.constant 0 : i32
    %dma_start3A_45 = tpu.memref_slice %arg6[%dma_start3A_44] : memref<160xi32, #tpu.memory_space<vmem>> -> memref<80xi32, #tpu.memory_space<vmem>>
    %dma_start3A_46 = arith.constant 0 : i32
    %dma_start3A_47 = arith.constant 0 : i32
    %dma_start3A_48 = tpu.memref_slice %arg4[%dma_start3A_40, %dma_start3A_46, %dma_start3A_47] : memref<1x10240x128xf32, #tpu.memory_space<hbm>> -> memref<1x10240x128xf32, #tpu.memory_space<hbm>>
    %dma_start3A_49 = tpu.memref_squeeze %dma_start3A_48 : memref<1x10240x128xf32, #tpu.memory_space<hbm>> -> memref<10240x128xf32, #tpu.memory_space<hbm>>
    %dma_start3A_50 = arith.constant 0 : i32
    %dma_start3A_51 = arith.constant 0 : i32
    %dma_start3A_52 = tpu.memref_slice %dma_start3A_49[%dma_start3A_50, %dma_start3A_51] : memref<10240x128xf32, #tpu.memory_space<hbm>> -> memref<10240x128xf32, #tpu.memory_space<hbm>>
    tpu.enqueue_indirect_dma source(%dma_start3A_52 : memref<10240x128xf32, #tpu.memory_space<hbm>>) target(%dma_start3A_43 : memref<80x128xf32, #tpu.memory_space<vmem>>) offsets(%dma_start3A_45 : memref<80xi32, #tpu.memory_space<vmem>>) semaphore(%arg18 : memref<!tpu.dma_semaphore, #tpu.memory_space<semaphore_mem>>)
    %dma_start3A_53 = arith.constant 0 : i32
    %dma_start3A_54 = arith.constant 80 : i32
    %dma_start3A_55 = arith.constant 0 : i32
    %dma_start3A_56 = tpu.memref_slice %arg12[%dma_start3A_54, %dma_start3A_55] : memref<160x128xf32, #tpu.memory_space<vmem>> -> memref<80x128xf32, #tpu.memory_space<vmem>>
    %dma_start3A_57 = arith.constant 80 : i32
    %dma_start3A_58 = tpu.memref_slice %arg6[%dma_start3A_57] : memref<160xi32, #tpu.memory_space<vmem>> -> memref<80xi32, #tpu.memory_space<vmem>>
    %dma_start3A_59 = arith.constant 0 : i32
    %dma_start3A_60 = arith.constant 0 : i32
    %dma_start3A_61 = tpu.memref_slice %arg4[%dma_start3A_53, %dma_start3A_59, %dma_start3A_60] : memref<1x10240x128xf32, #tpu.memory_space<hbm>> -> memref<1x10240x128xf32, #tpu.memory_space<hbm>>
    %dma_start3A_62 = tpu.memref_squeeze %dma_start3A_61 : memref<1x10240x128xf32, #tpu.memory_space<hbm>> -> memref<10240x128xf32, #tpu.memory_space<hbm>>
    %dma_start3A_63 = arith.constant 0 : i32
    %dma_start3A_64 = arith.constant 0 : i32
    %dma_start3A_65 = tpu.memref_slice %dma_start3A_62[%dma_start3A_63, %dma_start3A_64] : memref<10240x128xf32, #tpu.memory_space<hbm>> -> memref<10240x128xf32, #tpu.memory_space<hbm>>
    tpu.enqueue_indirect_dma source(%dma_start3A_65 : memref<10240x128xf32, #tpu.memory_space<hbm>>) target(%dma_start3A_56 : memref<80x128xf32, #tpu.memory_space<vmem>>) offsets(%dma_start3A_58 : memref<80xi32, #tpu.memory_space<vmem>>) semaphore(%arg18 : memref<!tpu.dma_semaphore, #tpu.memory_space<semaphore_mem>>)
    %scan3A_66 = arith.constant 0 : i32
    %scan3A_67 = arith.constant 0 : i32
    %scan3A_68 = arith.constant 30 : i32
    %scan3A_69 = arith.addi %scan3A_67, %scan3A_68 : i32
    %scan3A_70 = arith.constant 1 : i32
    scf.for %scan3A_163 = %scan3A_67 to %scan3A_69 step %scan3A_70  : i32 {
      %mul3A_164 = arith.constant 1 : i32
      %mul3A_165 = arith.muli %scan3A_163, %mul3A_164 : i32
      %add3A_166 = arith.constant 0 : i32
      %add3A_167 = arith.addi %add3A_166, %mul3A_165 : i32
      %mul3A_168 = arith.constant 2 : i32
      %mul3A_169 = arith.muli %mul3A_168, %add3A_167 : i32
      %add3A_170 = arith.constant 1 : i32
      %add3A_171 = arith.addi %add3A_170, %mul3A_169 : i32
      %dma_wait3A_172 = tpu.memref_slice %arg2[%mul3A_6] : memref<320000xi32, #tpu.memory_space<hbm>> -> memref<160xi32, #tpu.memory_space<hbm>>
      %dma_wait3A_173 = tpu.memref_slice %arg2[%mul3A_6] : memref<320000xi32, #tpu.memory_space<hbm>> -> memref<160xi32, #tpu.memory_space<hbm>>
      tpu.wait_dma2 semaphore(%arg17 : memref<!tpu.dma_semaphore, #tpu.memory_space<semaphore_mem>>) src(%dma_wait3A_173 : memref<160xi32, #tpu.memory_space<hbm>>) dst(%arg7 : memref<160xi32, #tpu.memory_space<vmem>>)
      %dma_wait3A_174 = tpu.memref_slice %arg3[%mul3A_6] : memref<320000xi32, #tpu.memory_space<hbm>> -> memref<80xi32, #tpu.memory_space<hbm>>
      %dma_wait3A_175 = tpu.memref_slice %arg3[%mul3A_6] : memref<320000xi32, #tpu.memory_space<hbm>> -> memref<80xi32, #tpu.memory_space<hbm>>
      tpu.wait_dma2 semaphore(%arg17 : memref<!tpu.dma_semaphore, #tpu.memory_space<semaphore_mem>>) src(%dma_wait3A_175 : memref<80xi32, #tpu.memory_space<hbm>>) dst(%arg10 : memref<80xi32, #tpu.memory_space<vmem>>)
      %dma_wait3A_176 = tpu.memref_slice %arg3[%mul3A_6] : memref<320000xi32, #tpu.memory_space<hbm>> -> memref<80xi32, #tpu.memory_space<hbm>>
      %dma_wait3A_177 = tpu.memref_slice %arg3[%mul3A_6] : memref<320000xi32, #tpu.memory_space<hbm>> -> memref<80xi32, #tpu.memory_space<hbm>>
      tpu.wait_dma2 semaphore(%arg17 : memref<!tpu.dma_semaphore, #tpu.memory_space<semaphore_mem>>) src(%dma_wait3A_177 : memref<80xi32, #tpu.memory_space<hbm>>) dst(%arg11 : memref<80xi32, #tpu.memory_space<vmem>>)
      %dma_start3A_178 = arith.constant 0 : i32
      %dma_start3A_179 = arith.constant 0 : i32
      %dma_start3A_180 = tpu.memref_slice %arg13[%dma_start3A_178, %dma_start3A_179] : memref<160x128xf32, #tpu.memory_space<vmem>> -> memref<80x128xf32, #tpu.memory_space<vmem>>
      %dma_start3A_181 = arith.constant 0 : i32
      %dma_start3A_182 = tpu.memref_slice %arg7[%dma_start3A_181] : memref<160xi32, #tpu.memory_space<vmem>> -> memref<80xi32, #tpu.memory_space<vmem>>
      %dma_start3A_183 = arith.constant 0 : i32
      %dma_start3A_184 = arith.constant 0 : i32
      %dma_start3A_185 = tpu.memref_slice %arg4[%scan3A_66, %dma_start3A_183, %dma_start3A_184] : memref<1x10240x128xf32, #tpu.memory_space<hbm>> -> memref<1x10240x128xf32, #tpu.memory_space<hbm>>
      %dma_start3A_186 = tpu.memref_squeeze %dma_start3A_185 : memref<1x10240x128xf32, #tpu.memory_space<hbm>> -> memref<10240x128xf32, #tpu.memory_space<hbm>>
      %dma_start3A_187 = arith.constant 0 : i32
      %dma_start3A_188 = arith.constant 0 : i32
      %dma_start3A_189 = tpu.memref_slice %dma_start3A_186[%dma_start3A_187, %dma_start3A_188] : memref<10240x128xf32, #tpu.memory_space<hbm>> -> memref<10240x128xf32, #tpu.memory_space<hbm>>
      tpu.enqueue_indirect_dma source(%dma_start3A_189 : memref<10240x128xf32, #tpu.memory_space<hbm>>) target(%dma_start3A_180 : memref<80x128xf32, #tpu.memory_space<vmem>>) offsets(%dma_start3A_182 : memref<80xi32, #tpu.memory_space<vmem>>) semaphore(%arg19 : memref<!tpu.dma_semaphore, #tpu.memory_space<semaphore_mem>>)
      %dma_start3A_190 = arith.constant 80 : i32
      %dma_start3A_191 = arith.constant 0 : i32
      %dma_start3A_192 = tpu.memref_slice %arg13[%dma_start3A_190, %dma_start3A_191] : memref<160x128xf32, #tpu.memory_space<vmem>> -> memref<80x128xf32, #tpu.memory_space<vmem>>
      %dma_start3A_193 = arith.constant 80 : i32
      %dma_start3A_194 = tpu.memref_slice %arg7[%dma_start3A_193] : memref<160xi32, #tpu.memory_space<vmem>> -> memref<80xi32, #tpu.memory_space<vmem>>
      %dma_start3A_195 = arith.constant 0 : i32
      %dma_start3A_196 = arith.constant 0 : i32
      %dma_start3A_197 = tpu.memref_slice %arg4[%scan3A_66, %dma_start3A_195, %dma_start3A_196] : memref<1x10240x128xf32, #tpu.memory_space<hbm>> -> memref<1x10240x128xf32, #tpu.memory_space<hbm>>
      %dma_start3A_198 = tpu.memref_squeeze %dma_start3A_197 : memref<1x10240x128xf32, #tpu.memory_space<hbm>> -> memref<10240x128xf32, #tpu.memory_space<hbm>>
      %dma_start3A_199 = arith.constant 0 : i32
      %dma_start3A_200 = arith.constant 0 : i32
      %dma_start3A_201 = tpu.memref_slice %dma_start3A_198[%dma_start3A_199, %dma_start3A_200] : memref<10240x128xf32, #tpu.memory_space<hbm>> -> memref<10240x128xf32, #tpu.memory_space<hbm>>
      tpu.enqueue_indirect_dma source(%dma_start3A_201 : memref<10240x128xf32, #tpu.memory_space<hbm>>) target(%dma_start3A_192 : memref<80x128xf32, #tpu.memory_space<vmem>>) offsets(%dma_start3A_194 : memref<80xi32, #tpu.memory_space<vmem>>) semaphore(%arg19 : memref<!tpu.dma_semaphore, #tpu.memory_space<semaphore_mem>>)
      %dma_wait3A_202 = arith.constant 0 : i32
      %dma_wait3A_203 = arith.constant 0 : i32
      %dma_wait3A_204 = tpu.memref_slice %arg12[%dma_wait3A_202, %dma_wait3A_203] : memref<160x128xf32, #tpu.memory_space<vmem>> -> memref<80x128xf32, #tpu.memory_space<vmem>>
      %dma_wait3A_205 = arith.constant 0 : i32
      %dma_wait3A_206 = tpu.memref_slice %arg6[%dma_wait3A_205] : memref<160xi32, #tpu.memory_space<vmem>> -> memref<80xi32, #tpu.memory_space<vmem>>
      %dma_wait3A_207 = arith.constant 0 : i32
      %dma_wait3A_208 = arith.constant 0 : i32
      %dma_wait3A_209 = tpu.memref_slice %arg4[%scan3A_66, %dma_wait3A_207, %dma_wait3A_208] : memref<1x10240x128xf32, #tpu.memory_space<hbm>> -> memref<1x10240x128xf32, #tpu.memory_space<hbm>>
      %dma_wait3A_210 = tpu.memref_squeeze %dma_wait3A_209 : memref<1x10240x128xf32, #tpu.memory_space<hbm>> -> memref<10240x128xf32, #tpu.memory_space<hbm>>
      %dma_wait3A_211 = arith.constant 0 : i32
      %dma_wait3A_212 = arith.constant 0 : i32
      %dma_wait3A_213 = tpu.memref_slice %dma_wait3A_210[%dma_wait3A_211, %dma_wait3A_212] : memref<10240x128xf32, #tpu.memory_space<hbm>> -> memref<10240x128xf32, #tpu.memory_space<hbm>>
      tpu.wait_indirect_dma semaphore(%arg18 : memref<!tpu.dma_semaphore, #tpu.memory_space<semaphore_mem>>) src(%dma_wait3A_213 : memref<10240x128xf32, #tpu.memory_space<hbm>>) dst(%dma_wait3A_204 : memref<80x128xf32, #tpu.memory_space<vmem>>)
      %dma_wait3A_214 = arith.constant 80 : i32
      %dma_wait3A_215 = arith.constant 0 : i32
      %dma_wait3A_216 = tpu.memref_slice %arg12[%dma_wait3A_214, %dma_wait3A_215] : memref<160x128xf32, #tpu.memory_space<vmem>> -> memref<80x128xf32, #tpu.memory_space<vmem>>
      %dma_wait3A_217 = arith.constant 80 : i32
      %dma_wait3A_218 = tpu.memref_slice %arg6[%dma_wait3A_217] : memref<160xi32, #tpu.memory_space<vmem>> -> memref<80xi32, #tpu.memory_space<vmem>>
      %dma_wait3A_219 = arith.constant 0 : i32
      %dma_wait3A_220 = arith.constant 0 : i32
      %dma_wait3A_221 = tpu.memref_slice %arg4[%scan3A_66, %dma_wait3A_219, %dma_wait3A_220] : memref<1x10240x128xf32, #tpu.memory_space<hbm>> -> memref<1x10240x128xf32, #tpu.memory_space<hbm>>
      %dma_wait3A_222 = tpu.memref_squeeze %dma_wait3A_221 : memref<1x10240x128xf32, #tpu.memory_space<hbm>> -> memref<10240x128xf32, #tpu.memory_space<hbm>>
      %dma_wait3A_223 = arith.constant 0 : i32
      %dma_wait3A_224 = arith.constant 0 : i32
      %dma_wait3A_225 = tpu.memref_slice %dma_wait3A_222[%dma_wait3A_223, %dma_wait3A_224] : memref<10240x128xf32, #tpu.memory_space<hbm>> -> memref<10240x128xf32, #tpu.memory_space<hbm>>
      tpu.wait_indirect_dma semaphore(%arg18 : memref<!tpu.dma_semaphore, #tpu.memory_space<semaphore_mem>>) src(%dma_wait3A_225 : memref<10240x128xf32, #tpu.memory_space<hbm>>) dst(%dma_wait3A_216 : memref<80x128xf32, #tpu.memory_space<vmem>>)
      "tpu.region"() ({
        %run_scoped3A_312 = tpu.sem_alloc : memref<!tpu.dma_semaphore, #tpu.memory_space<semaphore_mem>>
        %dma_start3A_313 = arith.constant 0 : i32
        %dma_start3A_314 = arith.constant 0 : i32
        %dma_start3A_315 = tpu.memref_slice %arg12[%dma_start3A_313, %dma_start3A_314] : memref<160x128xf32, #tpu.memory_space<vmem>> -> memref<80x128xf32, #tpu.memory_space<vmem>>
        %dma_start3A_316 = arith.constant 0 : i32
        %dma_start3A_317 = arith.constant 0 : i32
        %dma_start3A_318 = tpu.memref_slice %arg15[%dma_start3A_316, %dma_start3A_317] : memref<10240x128xf32, #tpu.memory_space<vmem_shared>> -> memref<10240x128xf32, #tpu.memory_space<vmem_shared>>
        tpu.enqueue_indirect_dma source(%dma_start3A_315 : memref<80x128xf32, #tpu.memory_space<vmem>>) target(%dma_start3A_318 : memref<10240x128xf32, #tpu.memory_space<vmem_shared>>) offsets(%arg8 : memref<80xi32, #tpu.memory_space<vmem>>) semaphore(%run_scoped3A_312 : memref<!tpu.dma_semaphore, #tpu.memory_space<semaphore_mem>>) {add = true}
        %dma_wait3A_319 = arith.constant 0 : i32
        %dma_wait3A_320 = arith.constant 0 : i32
        %dma_wait3A_321 = tpu.memref_slice %arg12[%dma_wait3A_319, %dma_wait3A_320] : memref<160x128xf32, #tpu.memory_space<vmem>> -> memref<80x128xf32, #tpu.memory_space<vmem>>
        %dma_wait3A_322 = arith.constant 0 : i32
        %dma_wait3A_323 = arith.constant 0 : i32
        %dma_wait3A_324 = tpu.memref_slice %arg15[%dma_wait3A_322, %dma_wait3A_323] : memref<10240x128xf32, #tpu.memory_space<vmem_shared>> -> memref<10240x128xf32, #tpu.memory_space<vmem_shared>>
        tpu.wait_indirect_dma semaphore(%run_scoped3A_312 : memref<!tpu.dma_semaphore, #tpu.memory_space<semaphore_mem>>) src(%dma_wait3A_321 : memref<80x128xf32, #tpu.memory_space<vmem>>) dst(%dma_wait3A_324 : memref<10240x128xf32, #tpu.memory_space<vmem_shared>>)
        tpu.yield
      }) : () -> ()
      "tpu.region"() ({
        %run_scoped3A_312 = tpu.sem_alloc : memref<!tpu.dma_semaphore, #tpu.memory_space<semaphore_mem>>
        %dma_start3A_313 = arith.constant 80 : i32
        %dma_start3A_314 = arith.constant 0 : i32
        %dma_start3A_315 = tpu.memref_slice %arg12[%dma_start3A_313, %dma_start3A_314] : memref<160x128xf32, #tpu.memory_space<vmem>> -> memref<80x128xf32, #tpu.memory_space<vmem>>
        %dma_start3A_316 = arith.constant 0 : i32
        %dma_start3A_317 = arith.constant 0 : i32
        %dma_start3A_318 = tpu.memref_slice %arg15[%dma_start3A_316, %dma_start3A_317] : memref<10240x128xf32, #tpu.memory_space<vmem_shared>> -> memref<10240x128xf32, #tpu.memory_space<vmem_shared>>
        tpu.enqueue_indirect_dma source(%dma_start3A_315 : memref<80x128xf32, #tpu.memory_space<vmem>>) target(%dma_start3A_318 : memref<10240x128xf32, #tpu.memory_space<vmem_shared>>) offsets(%arg9 : memref<80xi32, #tpu.memory_space<vmem>>) semaphore(%run_scoped3A_312 : memref<!tpu.dma_semaphore, #tpu.memory_space<semaphore_mem>>) {add = true}
        %dma_wait3A_319 = arith.constant 80 : i32
        %dma_wait3A_320 = arith.constant 0 : i32
        %dma_wait3A_321 = tpu.memref_slice %arg12[%dma_wait3A_319, %dma_wait3A_320] : memref<160x128xf32, #tpu.memory_space<vmem>> -> memref<80x128xf32, #tpu.memory_space<vmem>>
        %dma_wait3A_322 = arith.constant 0 : i32
        %dma_wait3A_323 = arith.constant 0 : i32
        %dma_wait3A_324 = tpu.memref_slice %arg15[%dma_wait3A_322, %dma_wait3A_323] : memref<10240x128xf32, #tpu.memory_space<vmem_shared>> -> memref<10240x128xf32, #tpu.memory_space<vmem_shared>>
        tpu.wait_indirect_dma semaphore(%run_scoped3A_312 : memref<!tpu.dma_semaphore, #tpu.memory_space<semaphore_mem>>) src(%dma_wait3A_321 : memref<80x128xf32, #tpu.memory_space<vmem>>) dst(%dma_wait3A_324 : memref<10240x128xf32, #tpu.memory_space<vmem_shared>>)
        tpu.yield
      }) : () -> ()
      %add3A_226 = arith.constant 1 : i32
      %add3A_227 = arith.addi %add3A_171, %add3A_226 : i32
      %mul3A_228 = arith.constant 160 : i32
      %mul3A_229 = arith.muli %add3A_227, %mul3A_228 : i32
      %add3A_230 = arith.addi %mul3A_6, %mul3A_229 : i32
      %dma_start3A_231 = tpu.memref_slice %arg2[%add3A_230] : memref<320000xi32, #tpu.memory_space<hbm>> -> memref<160xi32, #tpu.memory_space<hbm>>
      %dma_start3A_232 = tpu.memref_slice %arg2[%add3A_230] : memref<320000xi32, #tpu.memory_space<hbm>> -> memref<160xi32, #tpu.memory_space<hbm>>
      tpu.enqueue_dma source(%dma_start3A_232 : memref<160xi32, #tpu.memory_space<hbm>>) target(%arg6 : memref<160xi32, #tpu.memory_space<vmem>>) target_semaphore(%arg16 : memref<!tpu.dma_semaphore, #tpu.memory_space<semaphore_mem>>)
      %add3A_233 = arith.constant 0 : i32
      %add3A_234 = arith.addi %add3A_230, %add3A_233 : i32
      %dma_start3A_235 = tpu.memref_slice %arg3[%add3A_234] : memref<320000xi32, #tpu.memory_space<hbm>> -> memref<80xi32, #tpu.memory_space<hbm>>
      %dma_start3A_236 = tpu.memref_slice %arg3[%add3A_234] : memref<320000xi32, #tpu.memory_space<hbm>> -> memref<80xi32, #tpu.memory_space<hbm>>
      tpu.enqueue_dma source(%dma_start3A_236 : memref<80xi32, #tpu.memory_space<hbm>>) target(%arg8 : memref<80xi32, #tpu.memory_space<vmem>>) target_semaphore(%arg16 : memref<!tpu.dma_semaphore, #tpu.memory_space<semaphore_mem>>)
      %add3A_237 = arith.constant 80 : i32
      %add3A_238 = arith.addi %add3A_230, %add3A_237 : i32
      %dma_start3A_239 = tpu.memref_slice %arg3[%add3A_238] : memref<320000xi32, #tpu.memory_space<hbm>> -> memref<80xi32, #tpu.memory_space<hbm>>
      %dma_start3A_240 = tpu.memref_slice %arg3[%add3A_238] : memref<320000xi32, #tpu.memory_space<hbm>> -> memref<80xi32, #tpu.memory_space<hbm>>
      tpu.enqueue_dma source(%dma_start3A_240 : memref<80xi32, #tpu.memory_space<hbm>>) target(%arg9 : memref<80xi32, #tpu.memory_space<vmem>>) target_semaphore(%arg16 : memref<!tpu.dma_semaphore, #tpu.memory_space<semaphore_mem>>)
      %add3A_241 = arith.constant 1 : i32
      %add3A_242 = arith.addi %add3A_171, %add3A_241 : i32
      %dma_wait3A_243 = tpu.memref_slice %arg2[%mul3A_6] : memref<320000xi32, #tpu.memory_space<hbm>> -> memref<160xi32, #tpu.memory_space<hbm>>
      %dma_wait3A_244 = tpu.memref_slice %arg2[%mul3A_6] : memref<320000xi32, #tpu.memory_space<hbm>> -> memref<160xi32, #tpu.memory_space<hbm>>
      tpu.wait_dma2 semaphore(%arg16 : memref<!tpu.dma_semaphore, #tpu.memory_space<semaphore_mem>>) src(%dma_wait3A_244 : memref<160xi32, #tpu.memory_space<hbm>>) dst(%arg6 : memref<160xi32, #tpu.memory_space<vmem>>)
      %dma_wait3A_245 = tpu.memref_slice %arg3[%mul3A_6] : memref<320000xi32, #tpu.memory_space<hbm>> -> memref<80xi32, #tpu.memory_space<hbm>>
      %dma_wait3A_246 = tpu.memref_slice %arg3[%mul3A_6] : memref<320000xi32, #tpu.memory_space<hbm>> -> memref<80xi32, #tpu.memory_space<hbm>>
      tpu.wait_dma2 semaphore(%arg16 : memref<!tpu.dma_semaphore, #tpu.memory_space<semaphore_mem>>) src(%dma_wait3A_246 : memref<80xi32, #tpu.memory_space<hbm>>) dst(%arg8 : memref<80xi32, #tpu.memory_space<vmem>>)
      %dma_wait3A_247 = tpu.memref_slice %arg3[%mul3A_6] : memref<320000xi32, #tpu.memory_space<hbm>> -> memref<80xi32, #tpu.memory_space<hbm>>
      %dma_wait3A_248 = tpu.memref_slice %arg3[%mul3A_6] : memref<320000xi32, #tpu.memory_space<hbm>> -> memref<80xi32, #tpu.memory_space<hbm>>
      tpu.wait_dma2 semaphore(%arg16 : memref<!tpu.dma_semaphore, #tpu.memory_space<semaphore_mem>>) src(%dma_wait3A_248 : memref<80xi32, #tpu.memory_space<hbm>>) dst(%arg9 : memref<80xi32, #tpu.memory_space<vmem>>)
      %dma_start3A_249 = arith.constant 0 : i32
      %dma_start3A_250 = arith.constant 0 : i32
      %dma_start3A_251 = tpu.memref_slice %arg12[%dma_start3A_249, %dma_start3A_250] : memref<160x128xf32, #tpu.memory_space<vmem>> -> memref<80x128xf32, #tpu.memory_space<vmem>>
      %dma_start3A_252 = arith.constant 0 : i32
      %dma_start3A_253 = tpu.memref_slice %arg6[%dma_start3A_252] : memref<160xi32, #tpu.memory_space<vmem>> -> memref<80xi32, #tpu.memory_space<vmem>>
      %dma_start3A_254 = arith.constant 0 : i32
      %dma_start3A_255 = arith.constant 0 : i32
      %dma_start3A_256 = tpu.memref_slice %arg4[%scan3A_66, %dma_start3A_254, %dma_start3A_255] : memref<1x10240x128xf32, #tpu.memory_space<hbm>> -> memref<1x10240x128xf32, #tpu.memory_space<hbm>>
      %dma_start3A_257 = tpu.memref_squeeze %dma_start3A_256 : memref<1x10240x128xf32, #tpu.memory_space<hbm>> -> memref<10240x128xf32, #tpu.memory_space<hbm>>
      %dma_start3A_258 = arith.constant 0 : i32
      %dma_start3A_259 = arith.constant 0 : i32
      %dma_start3A_260 = tpu.memref_slice %dma_start3A_257[%dma_start3A_258, %dma_start3A_259] : memref<10240x128xf32, #tpu.memory_space<hbm>> -> memref<10240x128xf32, #tpu.memory_space<hbm>>
      tpu.enqueue_indirect_dma source(%dma_start3A_260 : memref<10240x128xf32, #tpu.memory_space<hbm>>) target(%dma_start3A_251 : memref<80x128xf32, #tpu.memory_space<vmem>>) offsets(%dma_start3A_253 : memref<80xi32, #tpu.memory_space<vmem>>) semaphore(%arg18 : memref<!tpu.dma_semaphore, #tpu.memory_space<semaphore_mem>>)
      %dma_start3A_261 = arith.constant 80 : i32
      %dma_start3A_262 = arith.constant 0 : i32
      %dma_start3A_263 = tpu.memref_slice %arg12[%dma_start3A_261, %dma_start3A_262] : memref<160x128xf32, #tpu.memory_space<vmem>> -> memref<80x128xf32, #tpu.memory_space<vmem>>
      %dma_start3A_264 = arith.constant 80 : i32
      %dma_start3A_265 = tpu.memref_slice %arg6[%dma_start3A_264] : memref<160xi32, #tpu.memory_space<vmem>> -> memref<80xi32, #tpu.memory_space<vmem>>
      %dma_start3A_266 = arith.constant 0 : i32
      %dma_start3A_267 = arith.constant 0 : i32
      %dma_start3A_268 = tpu.memref_slice %arg4[%scan3A_66, %dma_start3A_266, %dma_start3A_267] : memref<1x10240x128xf32, #tpu.memory_space<hbm>> -> memref<1x10240x128xf32, #tpu.memory_space<hbm>>
      %dma_start3A_269 = tpu.memref_squeeze %dma_start3A_268 : memref<1x10240x128xf32, #tpu.memory_space<hbm>> -> memref<10240x128xf32, #tpu.memory_space<hbm>>
      %dma_start3A_270 = arith.constant 0 : i32
      %dma_start3A_271 = arith.constant 0 : i32
      %dma_start3A_272 = tpu.memref_slice %dma_start3A_269[%dma_start3A_270, %dma_start3A_271] : memref<10240x128xf32, #tpu.memory_space<hbm>> -> memref<10240x128xf32, #tpu.memory_space<hbm>>
      tpu.enqueue_indirect_dma source(%dma_start3A_272 : memref<10240x128xf32, #tpu.memory_space<hbm>>) target(%dma_start3A_263 : memref<80x128xf32, #tpu.memory_space<vmem>>) offsets(%dma_start3A_265 : memref<80xi32, #tpu.memory_space<vmem>>) semaphore(%arg18 : memref<!tpu.dma_semaphore, #tpu.memory_space<semaphore_mem>>)
      %dma_wait3A_273 = arith.constant 0 : i32
      %dma_wait3A_274 = arith.constant 0 : i32
      %dma_wait3A_275 = tpu.memref_slice %arg13[%dma_wait3A_273, %dma_wait3A_274] : memref<160x128xf32, #tpu.memory_space<vmem>> -> memref<80x128xf32, #tpu.memory_space<vmem>>
      %dma_wait3A_276 = arith.constant 0 : i32
      %dma_wait3A_277 = tpu.memref_slice %arg7[%dma_wait3A_276] : memref<160xi32, #tpu.memory_space<vmem>> -> memref<80xi32, #tpu.memory_space<vmem>>
      %dma_wait3A_278 = arith.constant 0 : i32
      %dma_wait3A_279 = arith.constant 0 : i32
      %dma_wait3A_280 = tpu.memref_slice %arg4[%scan3A_66, %dma_wait3A_278, %dma_wait3A_279] : memref<1x10240x128xf32, #tpu.memory_space<hbm>> -> memref<1x10240x128xf32, #tpu.memory_space<hbm>>
      %dma_wait3A_281 = tpu.memref_squeeze %dma_wait3A_280 : memref<1x10240x128xf32, #tpu.memory_space<hbm>> -> memref<10240x128xf32, #tpu.memory_space<hbm>>
      %dma_wait3A_282 = arith.constant 0 : i32
      %dma_wait3A_283 = arith.constant 0 : i32
      %dma_wait3A_284 = tpu.memref_slice %dma_wait3A_281[%dma_wait3A_282, %dma_wait3A_283] : memref<10240x128xf32, #tpu.memory_space<hbm>> -> memref<10240x128xf32, #tpu.memory_space<hbm>>
      tpu.wait_indirect_dma semaphore(%arg19 : memref<!tpu.dma_semaphore, #tpu.memory_space<semaphore_mem>>) src(%dma_wait3A_284 : memref<10240x128xf32, #tpu.memory_space<hbm>>) dst(%dma_wait3A_275 : memref<80x128xf32, #tpu.memory_space<vmem>>)
      %dma_wait3A_285 = arith.constant 80 : i32
      %dma_wait3A_286 = arith.constant 0 : i32
      %dma_wait3A_287 = tpu.memref_slice %arg13[%dma_wait3A_285, %dma_wait3A_286] : memref<160x128xf32, #tpu.memory_space<vmem>> -> memref<80x128xf32, #tpu.memory_space<vmem>>
      %dma_wait3A_288 = arith.constant 80 : i32
      %dma_wait3A_289 = tpu.memref_slice %arg7[%dma_wait3A_288] : memref<160xi32, #tpu.memory_space<vmem>> -> memref<80xi32, #tpu.memory_space<vmem>>
      %dma_wait3A_290 = arith.constant 0 : i32
      %dma_wait3A_291 = arith.constant 0 : i32
      %dma_wait3A_292 = tpu.memref_slice %arg4[%scan3A_66, %dma_wait3A_290, %dma_wait3A_291] : memref<1x10240x128xf32, #tpu.memory_space<hbm>> -> memref<1x10240x128xf32, #tpu.memory_space<hbm>>
      %dma_wait3A_293 = tpu.memref_squeeze %dma_wait3A_292 : memref<1x10240x128xf32, #tpu.memory_space<hbm>> -> memref<10240x128xf32, #tpu.memory_space<hbm>>
      %dma_wait3A_294 = arith.constant 0 : i32
      %dma_wait3A_295 = arith.constant 0 : i32
      %dma_wait3A_296 = tpu.memref_slice %dma_wait3A_293[%dma_wait3A_294, %dma_wait3A_295] : memref<10240x128xf32, #tpu.memory_space<hbm>> -> memref<10240x128xf32, #tpu.memory_space<hbm>>
      tpu.wait_indirect_dma semaphore(%arg19 : memref<!tpu.dma_semaphore, #tpu.memory_space<semaphore_mem>>) src(%dma_wait3A_296 : memref<10240x128xf32, #tpu.memory_space<hbm>>) dst(%dma_wait3A_287 : memref<80x128xf32, #tpu.memory_space<vmem>>)
      "tpu.region"() ({
        %run_scoped3A_312 = tpu.sem_alloc : memref<!tpu.dma_semaphore, #tpu.memory_space<semaphore_mem>>
        %dma_start3A_313 = arith.constant 0 : i32
        %dma_start3A_314 = arith.constant 0 : i32
        %dma_start3A_315 = tpu.memref_slice %arg13[%dma_start3A_313, %dma_start3A_314] : memref<160x128xf32, #tpu.memory_space<vmem>> -> memref<80x128xf32, #tpu.memory_space<vmem>>
        %dma_start3A_316 = arith.constant 0 : i32
        %dma_start3A_317 = arith.constant 0 : i32
        %dma_start3A_318 = tpu.memref_slice %arg15[%dma_start3A_316, %dma_start3A_317] : memref<10240x128xf32, #tpu.memory_space<vmem_shared>> -> memref<10240x128xf32, #tpu.memory_space<vmem_shared>>
        tpu.enqueue_indirect_dma source(%dma_start3A_315 : memref<80x128xf32, #tpu.memory_space<vmem>>) target(%dma_start3A_318 : memref<10240x128xf32, #tpu.memory_space<vmem_shared>>) offsets(%arg10 : memref<80xi32, #tpu.memory_space<vmem>>) semaphore(%run_scoped3A_312 : memref<!tpu.dma_semaphore, #tpu.memory_space<semaphore_mem>>) {add = true}
        %dma_wait3A_319 = arith.constant 0 : i32
        %dma_wait3A_320 = arith.constant 0 : i32
        %dma_wait3A_321 = tpu.memref_slice %arg13[%dma_wait3A_319, %dma_wait3A_320] : memref<160x128xf32, #tpu.memory_space<vmem>> -> memref<80x128xf32, #tpu.memory_space<vmem>>
        %dma_wait3A_322 = arith.constant 0 : i32
        %dma_wait3A_323 = arith.constant 0 : i32
        %dma_wait3A_324 = tpu.memref_slice %arg15[%dma_wait3A_322, %dma_wait3A_323] : memref<10240x128xf32, #tpu.memory_space<vmem_shared>> -> memref<10240x128xf32, #tpu.memory_space<vmem_shared>>
        tpu.wait_indirect_dma semaphore(%run_scoped3A_312 : memref<!tpu.dma_semaphore, #tpu.memory_space<semaphore_mem>>) src(%dma_wait3A_321 : memref<80x128xf32, #tpu.memory_space<vmem>>) dst(%dma_wait3A_324 : memref<10240x128xf32, #tpu.memory_space<vmem_shared>>)
        tpu.yield
      }) : () -> ()
      "tpu.region"() ({
        %run_scoped3A_312 = tpu.sem_alloc : memref<!tpu.dma_semaphore, #tpu.memory_space<semaphore_mem>>
        %dma_start3A_313 = arith.constant 80 : i32
        %dma_start3A_314 = arith.constant 0 : i32
        %dma_start3A_315 = tpu.memref_slice %arg13[%dma_start3A_313, %dma_start3A_314] : memref<160x128xf32, #tpu.memory_space<vmem>> -> memref<80x128xf32, #tpu.memory_space<vmem>>
        %dma_start3A_316 = arith.constant 0 : i32
        %dma_start3A_317 = arith.constant 0 : i32
        %dma_start3A_318 = tpu.memref_slice %arg15[%dma_start3A_316, %dma_start3A_317] : memref<10240x128xf32, #tpu.memory_space<vmem_shared>> -> memref<10240x128xf32, #tpu.memory_space<vmem_shared>>
        tpu.enqueue_indirect_dma source(%dma_start3A_315 : memref<80x128xf32, #tpu.memory_space<vmem>>) target(%dma_start3A_318 : memref<10240x128xf32, #tpu.memory_space<vmem_shared>>) offsets(%arg11 : memref<80xi32, #tpu.memory_space<vmem>>) semaphore(%run_scoped3A_312 : memref<!tpu.dma_semaphore, #tpu.memory_space<semaphore_mem>>) {add = true}
        %dma_wait3A_319 = arith.constant 80 : i32
        %dma_wait3A_320 = arith.constant 0 : i32
        %dma_wait3A_321 = tpu.memref_slice %arg13[%dma_wait3A_319, %dma_wait3A_320] : memref<160x128xf32, #tpu.memory_space<vmem>> -> memref<80x128xf32, #tpu.memory_space<vmem>>
        %dma_wait3A_322 = arith.constant 0 : i32
        %dma_wait3A_323 = arith.constant 0 : i32
        %dma_wait3A_324 = tpu.memref_slice %arg15[%dma_wait3A_322, %dma_wait3A_323] : memref<10240x128xf32, #tpu.memory_space<vmem_shared>> -> memref<10240x128xf32, #tpu.memory_space<vmem_shared>>
        tpu.wait_indirect_dma semaphore(%run_scoped3A_312 : memref<!tpu.dma_semaphore, #tpu.memory_space<semaphore_mem>>) src(%dma_wait3A_321 : memref<80x128xf32, #tpu.memory_space<vmem>>) dst(%dma_wait3A_324 : memref<10240x128xf32, #tpu.memory_space<vmem_shared>>)
        tpu.yield
      }) : () -> ()
      %add3A_297 = arith.constant 1 : i32
      %add3A_298 = arith.addi %add3A_242, %add3A_297 : i32
      %mul3A_299 = arith.constant 160 : i32
      %mul3A_300 = arith.muli %add3A_298, %mul3A_299 : i32
      %add3A_301 = arith.addi %mul3A_6, %mul3A_300 : i32
      %dma_start3A_302 = tpu.memref_slice %arg2[%add3A_301] : memref<320000xi32, #tpu.memory_space<hbm>> -> memref<160xi32, #tpu.memory_space<hbm>>
      %dma_start3A_303 = tpu.memref_slice %arg2[%add3A_301] : memref<320000xi32, #tpu.memory_space<hbm>> -> memref<160xi32, #tpu.memory_space<hbm>>
      tpu.enqueue_dma source(%dma_start3A_303 : memref<160xi32, #tpu.memory_space<hbm>>) target(%arg7 : memref<160xi32, #tpu.memory_space<vmem>>) target_semaphore(%arg17 : memref<!tpu.dma_semaphore, #tpu.memory_space<semaphore_mem>>)
      %add3A_304 = arith.constant 0 : i32
      %add3A_305 = arith.addi %add3A_301, %add3A_304 : i32
      %dma_start3A_306 = tpu.memref_slice %arg3[%add3A_305] : memref<320000xi32, #tpu.memory_space<hbm>> -> memref<80xi32, #tpu.memory_space<hbm>>
      %dma_start3A_307 = tpu.memref_slice %arg3[%add3A_305] : memref<320000xi32, #tpu.memory_space<hbm>> -> memref<80xi32, #tpu.memory_space<hbm>>
      tpu.enqueue_dma source(%dma_start3A_307 : memref<80xi32, #tpu.memory_space<hbm>>) target(%arg10 : memref<80xi32, #tpu.memory_space<vmem>>) target_semaphore(%arg17 : memref<!tpu.dma_semaphore, #tpu.memory_space<semaphore_mem>>)
      %add3A_308 = arith.constant 80 : i32
      %add3A_309 = arith.addi %add3A_301, %add3A_308 : i32
      %dma_start3A_310 = tpu.memref_slice %arg3[%add3A_309] : memref<320000xi32, #tpu.memory_space<hbm>> -> memref<80xi32, #tpu.memory_space<hbm>>
      %dma_start3A_311 = tpu.memref_slice %arg3[%add3A_309] : memref<320000xi32, #tpu.memory_space<hbm>> -> memref<80xi32, #tpu.memory_space<hbm>>
      tpu.enqueue_dma source(%dma_start3A_311 : memref<80xi32, #tpu.memory_space<hbm>>) target(%arg11 : memref<80xi32, #tpu.memory_space<vmem>>) target_semaphore(%arg17 : memref<!tpu.dma_semaphore, #tpu.memory_space<semaphore_mem>>)
    }
    %scan3A_71 = arith.constant 30 : i32
    %dma_wait3A_72 = tpu.memref_slice %arg2[%mul3A_6] : memref<320000xi32, #tpu.memory_space<hbm>> -> memref<160xi32, #tpu.memory_space<hbm>>
    %dma_wait3A_73 = tpu.memref_slice %arg2[%mul3A_6] : memref<320000xi32, #tpu.memory_space<hbm>> -> memref<160xi32, #tpu.memory_space<hbm>>
    tpu.wait_dma2 semaphore(%arg17 : memref<!tpu.dma_semaphore, #tpu.memory_space<semaphore_mem>>) src(%dma_wait3A_73 : memref<160xi32, #tpu.memory_space<hbm>>) dst(%arg7 : memref<160xi32, #tpu.memory_space<vmem>>)
    %dma_wait3A_74 = tpu.memref_slice %arg3[%mul3A_6] : memref<320000xi32, #tpu.memory_space<hbm>> -> memref<80xi32, #tpu.memory_space<hbm>>
    %dma_wait3A_75 = tpu.memref_slice %arg3[%mul3A_6] : memref<320000xi32, #tpu.memory_space<hbm>> -> memref<80xi32, #tpu.memory_space<hbm>>
    tpu.wait_dma2 semaphore(%arg17 : memref<!tpu.dma_semaphore, #tpu.memory_space<semaphore_mem>>) src(%dma_wait3A_75 : memref<80xi32, #tpu.memory_space<hbm>>) dst(%arg10 : memref<80xi32, #tpu.memory_space<vmem>>)
    %dma_wait3A_76 = tpu.memref_slice %arg3[%mul3A_6] : memref<320000xi32, #tpu.memory_space<hbm>> -> memref<80xi32, #tpu.memory_space<hbm>>
    %dma_wait3A_77 = tpu.memref_slice %arg3[%mul3A_6] : memref<320000xi32, #tpu.memory_space<hbm>> -> memref<80xi32, #tpu.memory_space<hbm>>
    tpu.wait_dma2 semaphore(%arg17 : memref<!tpu.dma_semaphore, #tpu.memory_space<semaphore_mem>>) src(%dma_wait3A_77 : memref<80xi32, #tpu.memory_space<hbm>>) dst(%arg11 : memref<80xi32, #tpu.memory_space<vmem>>)
    %dma_start3A_78 = arith.constant 0 : i32
    %dma_start3A_79 = arith.constant 0 : i32
    %dma_start3A_80 = arith.constant 0 : i32
    %dma_start3A_81 = tpu.memref_slice %arg13[%dma_start3A_79, %dma_start3A_80] : memref<160x128xf32, #tpu.memory_space<vmem>> -> memref<80x128xf32, #tpu.memory_space<vmem>>
    %dma_start3A_82 = arith.constant 0 : i32
    %dma_start3A_83 = tpu.memref_slice %arg7[%dma_start3A_82] : memref<160xi32, #tpu.memory_space<vmem>> -> memref<80xi32, #tpu.memory_space<vmem>>
    %dma_start3A_84 = arith.constant 0 : i32
    %dma_start3A_85 = arith.constant 0 : i32
    %dma_start3A_86 = tpu.memref_slice %arg4[%dma_start3A_78, %dma_start3A_84, %dma_start3A_85] : memref<1x10240x128xf32, #tpu.memory_space<hbm>> -> memref<1x10240x128xf32, #tpu.memory_space<hbm>>
    %dma_start3A_87 = tpu.memref_squeeze %dma_start3A_86 : memref<1x10240x128xf32, #tpu.memory_space<hbm>> -> memref<10240x128xf32, #tpu.memory_space<hbm>>
    %dma_start3A_88 = arith.constant 0 : i32
    %dma_start3A_89 = arith.constant 0 : i32
    %dma_start3A_90 = tpu.memref_slice %dma_start3A_87[%dma_start3A_88, %dma_start3A_89] : memref<10240x128xf32, #tpu.memory_space<hbm>> -> memref<10240x128xf32, #tpu.memory_space<hbm>>
    tpu.enqueue_indirect_dma source(%dma_start3A_90 : memref<10240x128xf32, #tpu.memory_space<hbm>>) target(%dma_start3A_81 : memref<80x128xf32, #tpu.memory_space<vmem>>) offsets(%dma_start3A_83 : memref<80xi32, #tpu.memory_space<vmem>>) semaphore(%arg19 : memref<!tpu.dma_semaphore, #tpu.memory_space<semaphore_mem>>)
    %dma_start3A_91 = arith.constant 0 : i32
    %dma_start3A_92 = arith.constant 80 : i32
    %dma_start3A_93 = arith.constant 0 : i32
    %dma_start3A_94 = tpu.memref_slice %arg13[%dma_start3A_92, %dma_start3A_93] : memref<160x128xf32, #tpu.memory_space<vmem>> -> memref<80x128xf32, #tpu.memory_space<vmem>>
    %dma_start3A_95 = arith.constant 80 : i32
    %dma_start3A_96 = tpu.memref_slice %arg7[%dma_start3A_95] : memref<160xi32, #tpu.memory_space<vmem>> -> memref<80xi32, #tpu.memory_space<vmem>>
    %dma_start3A_97 = arith.constant 0 : i32
    %dma_start3A_98 = arith.constant 0 : i32
    %dma_start3A_99 = tpu.memref_slice %arg4[%dma_start3A_91, %dma_start3A_97, %dma_start3A_98] : memref<1x10240x128xf32, #tpu.memory_space<hbm>> -> memref<1x10240x128xf32, #tpu.memory_space<hbm>>
    %dma_start3A_100 = tpu.memref_squeeze %dma_start3A_99 : memref<1x10240x128xf32, #tpu.memory_space<hbm>> -> memref<10240x128xf32, #tpu.memory_space<hbm>>
    %dma_start3A_101 = arith.constant 0 : i32
    %dma_start3A_102 = arith.constant 0 : i32
    %dma_start3A_103 = tpu.memref_slice %dma_start3A_100[%dma_start3A_101, %dma_start3A_102] : memref<10240x128xf32, #tpu.memory_space<hbm>> -> memref<10240x128xf32, #tpu.memory_space<hbm>>
    tpu.enqueue_indirect_dma source(%dma_start3A_103 : memref<10240x128xf32, #tpu.memory_space<hbm>>) target(%dma_start3A_94 : memref<80x128xf32, #tpu.memory_space<vmem>>) offsets(%dma_start3A_96 : memref<80xi32, #tpu.memory_space<vmem>>) semaphore(%arg19 : memref<!tpu.dma_semaphore, #tpu.memory_space<semaphore_mem>>)
    %dma_wait3A_104 = arith.constant 0 : i32
    %dma_wait3A_105 = arith.constant 0 : i32
    %dma_wait3A_106 = arith.constant 0 : i32
    %dma_wait3A_107 = tpu.memref_slice %arg12[%dma_wait3A_105, %dma_wait3A_106] : memref<160x128xf32, #tpu.memory_space<vmem>> -> memref<80x128xf32, #tpu.memory_space<vmem>>
    %dma_wait3A_108 = arith.constant 0 : i32
    %dma_wait3A_109 = tpu.memref_slice %arg6[%dma_wait3A_108] : memref<160xi32, #tpu.memory_space<vmem>> -> memref<80xi32, #tpu.memory_space<vmem>>
    %dma_wait3A_110 = arith.constant 0 : i32
    %dma_wait3A_111 = arith.constant 0 : i32
    %dma_wait3A_112 = tpu.memref_slice %arg4[%dma_wait3A_104, %dma_wait3A_110, %dma_wait3A_111] : memref<1x10240x128xf32, #tpu.memory_space<hbm>> -> memref<1x10240x128xf32, #tpu.memory_space<hbm>>
    %dma_wait3A_113 = tpu.memref_squeeze %dma_wait3A_112 : memref<1x10240x128xf32, #tpu.memory_space<hbm>> -> memref<10240x128xf32, #tpu.memory_space<hbm>>
    %dma_wait3A_114 = arith.constant 0 : i32
    %dma_wait3A_115 = arith.constant 0 : i32
    %dma_wait3A_116 = tpu.memref_slice %dma_wait3A_113[%dma_wait3A_114, %dma_wait3A_115] : memref<10240x128xf32, #tpu.memory_space<hbm>> -> memref<10240x128xf32, #tpu.memory_space<hbm>>
    tpu.wait_indirect_dma semaphore(%arg18 : memref<!tpu.dma_semaphore, #tpu.memory_space<semaphore_mem>>) src(%dma_wait3A_116 : memref<10240x128xf32, #tpu.memory_space<hbm>>) dst(%dma_wait3A_107 : memref<80x128xf32, #tpu.memory_space<vmem>>)
    %dma_wait3A_117 = arith.constant 0 : i32
    %dma_wait3A_118 = arith.constant 80 : i32
    %dma_wait3A_119 = arith.constant 0 : i32
    %dma_wait3A_120 = tpu.memref_slice %arg12[%dma_wait3A_118, %dma_wait3A_119] : memref<160x128xf32, #tpu.memory_space<vmem>> -> memref<80x128xf32, #tpu.memory_space<vmem>>
    %dma_wait3A_121 = arith.constant 80 : i32
    %dma_wait3A_122 = tpu.memref_slice %arg6[%dma_wait3A_121] : memref<160xi32, #tpu.memory_space<vmem>> -> memref<80xi32, #tpu.memory_space<vmem>>
    %dma_wait3A_123 = arith.constant 0 : i32
    %dma_wait3A_124 = arith.constant 0 : i32
    %dma_wait3A_125 = tpu.memref_slice %arg4[%dma_wait3A_117, %dma_wait3A_123, %dma_wait3A_124] : memref<1x10240x128xf32, #tpu.memory_space<hbm>> -> memref<1x10240x128xf32, #tpu.memory_space<hbm>>
    %dma_wait3A_126 = tpu.memref_squeeze %dma_wait3A_125 : memref<1x10240x128xf32, #tpu.memory_space<hbm>> -> memref<10240x128xf32, #tpu.memory_space<hbm>>
    %dma_wait3A_127 = arith.constant 0 : i32
    %dma_wait3A_128 = arith.constant 0 : i32
    %dma_wait3A_129 = tpu.memref_slice %dma_wait3A_126[%dma_wait3A_127, %dma_wait3A_128] : memref<10240x128xf32, #tpu.memory_space<hbm>> -> memref<10240x128xf32, #tpu.memory_space<hbm>>
    tpu.wait_indirect_dma semaphore(%arg18 : memref<!tpu.dma_semaphore, #tpu.memory_space<semaphore_mem>>) src(%dma_wait3A_129 : memref<10240x128xf32, #tpu.memory_space<hbm>>) dst(%dma_wait3A_120 : memref<80x128xf32, #tpu.memory_space<vmem>>)
    "tpu.region"() ({
      %run_scoped3A_163 = tpu.sem_alloc : memref<!tpu.dma_semaphore, #tpu.memory_space<semaphore_mem>>
      %dma_start3A_164 = arith.constant 0 : i32
      %dma_start3A_165 = arith.constant 0 : i32
      %dma_start3A_166 = tpu.memref_slice %arg12[%dma_start3A_164, %dma_start3A_165] : memref<160x128xf32, #tpu.memory_space<vmem>> -> memref<80x128xf32, #tpu.memory_space<vmem>>
      %dma_start3A_167 = arith.constant 0 : i32
      %dma_start3A_168 = arith.constant 0 : i32
      %dma_start3A_169 = tpu.memref_slice %arg15[%dma_start3A_167, %dma_start3A_168] : memref<10240x128xf32, #tpu.memory_space<vmem_shared>> -> memref<10240x128xf32, #tpu.memory_space<vmem_shared>>
      tpu.enqueue_indirect_dma source(%dma_start3A_166 : memref<80x128xf32, #tpu.memory_space<vmem>>) target(%dma_start3A_169 : memref<10240x128xf32, #tpu.memory_space<vmem_shared>>) offsets(%arg8 : memref<80xi32, #tpu.memory_space<vmem>>) semaphore(%run_scoped3A_163 : memref<!tpu.dma_semaphore, #tpu.memory_space<semaphore_mem>>) {add = true}
      %dma_wait3A_170 = arith.constant 0 : i32
      %dma_wait3A_171 = arith.constant 0 : i32
      %dma_wait3A_172 = tpu.memref_slice %arg12[%dma_wait3A_170, %dma_wait3A_171] : memref<160x128xf32, #tpu.memory_space<vmem>> -> memref<80x128xf32, #tpu.memory_space<vmem>>
      %dma_wait3A_173 = arith.constant 0 : i32
      %dma_wait3A_174 = arith.constant 0 : i32
      %dma_wait3A_175 = tpu.memref_slice %arg15[%dma_wait3A_173, %dma_wait3A_174] : memref<10240x128xf32, #tpu.memory_space<vmem_shared>> -> memref<10240x128xf32, #tpu.memory_space<vmem_shared>>
      tpu.wait_indirect_dma semaphore(%run_scoped3A_163 : memref<!tpu.dma_semaphore, #tpu.memory_space<semaphore_mem>>) src(%dma_wait3A_172 : memref<80x128xf32, #tpu.memory_space<vmem>>) dst(%dma_wait3A_175 : memref<10240x128xf32, #tpu.memory_space<vmem_shared>>)
      tpu.yield
    }) : () -> ()
    "tpu.region"() ({
      %run_scoped3A_163 = tpu.sem_alloc : memref<!tpu.dma_semaphore, #tpu.memory_space<semaphore_mem>>
      %dma_start3A_164 = arith.constant 80 : i32
      %dma_start3A_165 = arith.constant 0 : i32
      %dma_start3A_166 = tpu.memref_slice %arg12[%dma_start3A_164, %dma_start3A_165] : memref<160x128xf32, #tpu.memory_space<vmem>> -> memref<80x128xf32, #tpu.memory_space<vmem>>
      %dma_start3A_167 = arith.constant 0 : i32
      %dma_start3A_168 = arith.constant 0 : i32
      %dma_start3A_169 = tpu.memref_slice %arg15[%dma_start3A_167, %dma_start3A_168] : memref<10240x128xf32, #tpu.memory_space<vmem_shared>> -> memref<10240x128xf32, #tpu.memory_space<vmem_shared>>
      tpu.enqueue_indirect_dma source(%dma_start3A_166 : memref<80x128xf32, #tpu.memory_space<vmem>>) target(%dma_start3A_169 : memref<10240x128xf32, #tpu.memory_space<vmem_shared>>) offsets(%arg9 : memref<80xi32, #tpu.memory_space<vmem>>) semaphore(%run_scoped3A_163 : memref<!tpu.dma_semaphore, #tpu.memory_space<semaphore_mem>>) {add = true}
      %dma_wait3A_170 = arith.constant 80 : i32
      %dma_wait3A_171 = arith.constant 0 : i32
      %dma_wait3A_172 = tpu.memref_slice %arg12[%dma_wait3A_170, %dma_wait3A_171] : memref<160x128xf32, #tpu.memory_space<vmem>> -> memref<80x128xf32, #tpu.memory_space<vmem>>
      %dma_wait3A_173 = arith.constant 0 : i32
      %dma_wait3A_174 = arith.constant 0 : i32
      %dma_wait3A_175 = tpu.memref_slice %arg15[%dma_wait3A_173, %dma_wait3A_174] : memref<10240x128xf32, #tpu.memory_space<vmem_shared>> -> memref<10240x128xf32, #tpu.memory_space<vmem_shared>>
      tpu.wait_indirect_dma semaphore(%run_scoped3A_163 : memref<!tpu.dma_semaphore, #tpu.memory_space<semaphore_mem>>) src(%dma_wait3A_172 : memref<80x128xf32, #tpu.memory_space<vmem>>) dst(%dma_wait3A_175 : memref<10240x128xf32, #tpu.memory_space<vmem_shared>>)
      tpu.yield
    }) : () -> ()
    %dma_wait3A_130 = arith.constant 0 : i32
    %dma_wait3A_131 = arith.constant 0 : i32
    %dma_wait3A_132 = arith.constant 0 : i32
    %dma_wait3A_133 = tpu.memref_slice %arg13[%dma_wait3A_131, %dma_wait3A_132] : memref<160x128xf32, #tpu.memory_space<vmem>> -> memref<80x128xf32, #tpu.memory_space<vmem>>
    %dma_wait3A_134 = arith.constant 0 : i32
    %dma_wait3A_135 = tpu.memref_slice %arg7[%dma_wait3A_134] : memref<160xi32, #tpu.memory_space<vmem>> -> memref<80xi32, #tpu.memory_space<vmem>>
    %dma_wait3A_136 = arith.constant 0 : i32
    %dma_wait3A_137 = arith.constant 0 : i32
    %dma_wait3A_138 = tpu.memref_slice %arg4[%dma_wait3A_130, %dma_wait3A_136, %dma_wait3A_137] : memref<1x10240x128xf32, #tpu.memory_space<hbm>> -> memref<1x10240x128xf32, #tpu.memory_space<hbm>>
    %dma_wait3A_139 = tpu.memref_squeeze %dma_wait3A_138 : memref<1x10240x128xf32, #tpu.memory_space<hbm>> -> memref<10240x128xf32, #tpu.memory_space<hbm>>
    %dma_wait3A_140 = arith.constant 0 : i32
    %dma_wait3A_141 = arith.constant 0 : i32
    %dma_wait3A_142 = tpu.memref_slice %dma_wait3A_139[%dma_wait3A_140, %dma_wait3A_141] : memref<10240x128xf32, #tpu.memory_space<hbm>> -> memref<10240x128xf32, #tpu.memory_space<hbm>>
    tpu.wait_indirect_dma semaphore(%arg19 : memref<!tpu.dma_semaphore, #tpu.memory_space<semaphore_mem>>) src(%dma_wait3A_142 : memref<10240x128xf32, #tpu.memory_space<hbm>>) dst(%dma_wait3A_133 : memref<80x128xf32, #tpu.memory_space<vmem>>)
    %dma_wait3A_143 = arith.constant 0 : i32
    %dma_wait3A_144 = arith.constant 80 : i32
    %dma_wait3A_145 = arith.constant 0 : i32
    %dma_wait3A_146 = tpu.memref_slice %arg13[%dma_wait3A_144, %dma_wait3A_145] : memref<160x128xf32, #tpu.memory_space<vmem>> -> memref<80x128xf32, #tpu.memory_space<vmem>>
    %dma_wait3A_147 = arith.constant 80 : i32
    %dma_wait3A_148 = tpu.memref_slice %arg7[%dma_wait3A_147] : memref<160xi32, #tpu.memory_space<vmem>> -> memref<80xi32, #tpu.memory_space<vmem>>
    %dma_wait3A_149 = arith.constant 0 : i32
    %dma_wait3A_150 = arith.constant 0 : i32
    %dma_wait3A_151 = tpu.memref_slice %arg4[%dma_wait3A_143, %dma_wait3A_149, %dma_wait3A_150] : memref<1x10240x128xf32, #tpu.memory_space<hbm>> -> memref<1x10240x128xf32, #tpu.memory_space<hbm>>
    %dma_wait3A_152 = tpu.memref_squeeze %dma_wait3A_151 : memref<1x10240x128xf32, #tpu.memory_space<hbm>> -> memref<10240x128xf32, #tpu.memory_space<hbm>>
    %dma_wait3A_153 = arith.constant 0 : i32
    %dma_wait3A_154 = arith.constant 0 : i32
    %dma_wait3A_155 = tpu.memref_slice %dma_wait3A_152[%dma_wait3A_153, %dma_wait3A_154] : memref<10240x128xf32, #tpu.memory_space<hbm>> -> memref<10240x128xf32, #tpu.memory_space<hbm>>
    tpu.wait_indirect_dma semaphore(%arg19 : memref<!tpu.dma_semaphore, #tpu.memory_space<semaphore_mem>>) src(%dma_wait3A_155 : memref<10240x128xf32, #tpu.memory_space<hbm>>) dst(%dma_wait3A_146 : memref<80x128xf32, #tpu.memory_space<vmem>>)
    "tpu.region"() ({
      %run_scoped3A_163 = tpu.sem_alloc : memref<!tpu.dma_semaphore, #tpu.memory_space<semaphore_mem>>
      %dma_start3A_164 = arith.constant 0 : i32
      %dma_start3A_165 = arith.constant 0 : i32
      %dma_start3A_166 = tpu.memref_slice %arg13[%dma_start3A_164, %dma_start3A_165] : memref<160x128xf32, #tpu.memory_space<vmem>> -> memref<80x128xf32, #tpu.memory_space<vmem>>
      %dma_start3A_167 = arith.constant 0 : i32
      %dma_start3A_168 = arith.constant 0 : i32
      %dma_start3A_169 = tpu.memref_slice %arg15[%dma_start3A_167, %dma_start3A_168] : memref<10240x128xf32, #tpu.memory_space<vmem_shared>> -> memref<10240x128xf32, #tpu.memory_space<vmem_shared>>
      tpu.enqueue_indirect_dma source(%dma_start3A_166 : memref<80x128xf32, #tpu.memory_space<vmem>>) target(%dma_start3A_169 : memref<10240x128xf32, #tpu.memory_space<vmem_shared>>) offsets(%arg10 : memref<80xi32, #tpu.memory_space<vmem>>) semaphore(%run_scoped3A_163 : memref<!tpu.dma_semaphore, #tpu.memory_space<semaphore_mem>>) {add = true}
      %dma_wait3A_170 = arith.constant 0 : i32
      %dma_wait3A_171 = arith.constant 0 : i32
      %dma_wait3A_172 = tpu.memref_slice %arg13[%dma_wait3A_170, %dma_wait3A_171] : memref<160x128xf32, #tpu.memory_space<vmem>> -> memref<80x128xf32, #tpu.memory_space<vmem>>
      %dma_wait3A_173 = arith.constant 0 : i32
      %dma_wait3A_174 = arith.constant 0 : i32
      %dma_wait3A_175 = tpu.memref_slice %arg15[%dma_wait3A_173, %dma_wait3A_174] : memref<10240x128xf32, #tpu.memory_space<vmem_shared>> -> memref<10240x128xf32, #tpu.memory_space<vmem_shared>>
      tpu.wait_indirect_dma semaphore(%run_scoped3A_163 : memref<!tpu.dma_semaphore, #tpu.memory_space<semaphore_mem>>) src(%dma_wait3A_172 : memref<80x128xf32, #tpu.memory_space<vmem>>) dst(%dma_wait3A_175 : memref<10240x128xf32, #tpu.memory_space<vmem_shared>>)
      tpu.yield
    }) : () -> ()
    "tpu.region"() ({
      %run_scoped3A_163 = tpu.sem_alloc : memref<!tpu.dma_semaphore, #tpu.memory_space<semaphore_mem>>
      %dma_start3A_164 = arith.constant 80 : i32
      %dma_start3A_165 = arith.constant 0 : i32
      %dma_start3A_166 = tpu.memref_slice %arg13[%dma_start3A_164, %dma_start3A_165] : memref<160x128xf32, #tpu.memory_space<vmem>> -> memref<80x128xf32, #tpu.memory_space<vmem>>
      %dma_start3A_167 = arith.constant 0 : i32
      %dma_start3A_168 = arith.constant 0 : i32
      %dma_start3A_169 = tpu.memref_slice %arg15[%dma_start3A_167, %dma_start3A_168] : memref<10240x128xf32, #tpu.memory_space<vmem_shared>> -> memref<10240x128xf32, #tpu.memory_space<vmem_shared>>
      tpu.enqueue_indirect_dma source(%dma_start3A_166 : memref<80x128xf32, #tpu.memory_space<vmem>>) target(%dma_start3A_169 : memref<10240x128xf32, #tpu.memory_space<vmem_shared>>) offsets(%arg11 : memref<80xi32, #tpu.memory_space<vmem>>) semaphore(%run_scoped3A_163 : memref<!tpu.dma_semaphore, #tpu.memory_space<semaphore_mem>>) {add = true}
      %dma_wait3A_170 = arith.constant 80 : i32
      %dma_wait3A_171 = arith.constant 0 : i32
      %dma_wait3A_172 = tpu.memref_slice %arg13[%dma_wait3A_170, %dma_wait3A_171] : memref<160x128xf32, #tpu.memory_space<vmem>> -> memref<80x128xf32, #tpu.memory_space<vmem>>
      %dma_wait3A_173 = arith.constant 0 : i32
      %dma_wait3A_174 = arith.constant 0 : i32
      %dma_wait3A_175 = tpu.memref_slice %arg15[%dma_wait3A_173, %dma_wait3A_174] : memref<10240x128xf32, #tpu.memory_space<vmem_shared>> -> memref<10240x128xf32, #tpu.memory_space<vmem_shared>>
      tpu.wait_indirect_dma semaphore(%run_scoped3A_163 : memref<!tpu.dma_semaphore, #tpu.memory_space<semaphore_mem>>) src(%dma_wait3A_172 : memref<80x128xf32, #tpu.memory_space<vmem>>) dst(%dma_wait3A_175 : memref<10240x128xf32, #tpu.memory_space<vmem_shared>>)
      tpu.yield
    }) : () -> ()
    %add3A_156 = arith.constant 9920 : i32
    %add3A_157 = arith.addi %mul3A_6, %add3A_156 : i32
    "tpu.region"() ({
      %run_scoped3A_163 = tpu.sem_alloc : memref<!tpu.dma_semaphore, #tpu.memory_space<semaphore_mem>>
      %dma_start3A_164 = arith.constant 0 : i32
      %dma_start3A_165 = tpu.memref_slice %arg6[%dma_start3A_164] : memref<160xi32, #tpu.memory_space<vmem>> -> memref<80xi32, #tpu.memory_space<vmem>>
      %dma_start3A_166 = tpu.memref_slice %arg2[%add3A_157] : memref<320000xi32, #tpu.memory_space<hbm>> -> memref<80xi32, #tpu.memory_space<hbm>>
      %dma_start3A_167 = arith.constant 0 : i32
      %dma_start3A_168 = tpu.memref_slice %arg6[%dma_start3A_167] : memref<160xi32, #tpu.memory_space<vmem>> -> memref<80xi32, #tpu.memory_space<vmem>>
      %dma_start3A_169 = tpu.memref_slice %arg2[%add3A_157] : memref<320000xi32, #tpu.memory_space<hbm>> -> memref<80xi32, #tpu.memory_space<hbm>>
      tpu.enqueue_dma source(%dma_start3A_169 : memref<80xi32, #tpu.memory_space<hbm>>) target(%dma_start3A_168 : memref<80xi32, #tpu.memory_space<vmem>>) target_semaphore(%run_scoped3A_163 : memref<!tpu.dma_semaphore, #tpu.memory_space<semaphore_mem>>)
      %dma_wait3A_170 = arith.constant 0 : i32
      %dma_wait3A_171 = tpu.memref_slice %arg6[%dma_wait3A_170] : memref<160xi32, #tpu.memory_space<vmem>> -> memref<80xi32, #tpu.memory_space<vmem>>
      %dma_wait3A_172 = tpu.memref_slice %arg2[%add3A_157] : memref<320000xi32, #tpu.memory_space<hbm>> -> memref<80xi32, #tpu.memory_space<hbm>>
      %dma_wait3A_173 = arith.constant 0 : i32
      %dma_wait3A_174 = tpu.memref_slice %arg6[%dma_wait3A_173] : memref<160xi32, #tpu.memory_space<vmem>> -> memref<80xi32, #tpu.memory_space<vmem>>
      %dma_wait3A_175 = tpu.memref_slice %arg2[%add3A_157] : memref<320000xi32, #tpu.memory_space<hbm>> -> memref<80xi32, #tpu.memory_space<hbm>>
      tpu.wait_dma2 semaphore(%run_scoped3A_163 : memref<!tpu.dma_semaphore, #tpu.memory_space<semaphore_mem>>) src(%dma_wait3A_175 : memref<80xi32, #tpu.memory_space<hbm>>) dst(%dma_wait3A_174 : memref<80xi32, #tpu.memory_space<vmem>>)
      tpu.yield
    }) : () -> ()
    "tpu.region"() ({
      %run_scoped3A_163 = tpu.sem_alloc : memref<!tpu.dma_semaphore, #tpu.memory_space<semaphore_mem>>
      %dma_start3A_164 = tpu.memref_slice %arg3[%add3A_157] : memref<320000xi32, #tpu.memory_space<hbm>> -> memref<80xi32, #tpu.memory_space<hbm>>
      %dma_start3A_165 = tpu.memref_slice %arg3[%add3A_157] : memref<320000xi32, #tpu.memory_space<hbm>> -> memref<80xi32, #tpu.memory_space<hbm>>
      tpu.enqueue_dma source(%dma_start3A_165 : memref<80xi32, #tpu.memory_space<hbm>>) target(%arg8 : memref<80xi32, #tpu.memory_space<vmem>>) target_semaphore(%run_scoped3A_163 : memref<!tpu.dma_semaphore, #tpu.memory_space<semaphore_mem>>)
      %dma_wait3A_166 = tpu.memref_slice %arg3[%add3A_157] : memref<320000xi32, #tpu.memory_space<hbm>> -> memref<80xi32, #tpu.memory_space<hbm>>
      %dma_wait3A_167 = tpu.memref_slice %arg3[%add3A_157] : memref<320000xi32, #tpu.memory_space<hbm>> -> memref<80xi32, #tpu.memory_space<hbm>>
      tpu.wait_dma2 semaphore(%run_scoped3A_163 : memref<!tpu.dma_semaphore, #tpu.memory_space<semaphore_mem>>) src(%dma_wait3A_167 : memref<80xi32, #tpu.memory_space<hbm>>) dst(%arg8 : memref<80xi32, #tpu.memory_space<vmem>>)
      tpu.yield
    }) : () -> ()
    %run_scoped3A = arith.constant 0 : i32
    "tpu.region"() ({
      %run_scoped3A_163 = tpu.sem_alloc : memref<!tpu.dma_semaphore, #tpu.memory_space<semaphore_mem>>
      %dma_start3A_164 = arith.constant 0 : i32
      %dma_start3A_165 = arith.constant 0 : i32
      %dma_start3A_166 = tpu.memref_slice %arg12[%dma_start3A_164, %dma_start3A_165] : memref<160x128xf32, #tpu.memory_space<vmem>> -> memref<80x128xf32, #tpu.memory_space<vmem>>
      %dma_start3A_167 = arith.constant 0 : i32
      %dma_start3A_168 = tpu.memref_slice %arg6[%dma_start3A_167] : memref<160xi32, #tpu.memory_space<vmem>> -> memref<80xi32, #tpu.memory_space<vmem>>
      %dma_start3A_169 = arith.constant 0 : i32
      %dma_start3A_170 = arith.constant 0 : i32
      %dma_start3A_171 = tpu.memref_slice %arg4[%run_scoped3A, %dma_start3A_169, %dma_start3A_170] : memref<1x10240x128xf32, #tpu.memory_space<hbm>> -> memref<1x10240x128xf32, #tpu.memory_space<hbm>>
      %dma_start3A_172 = tpu.memref_squeeze %dma_start3A_171 : memref<1x10240x128xf32, #tpu.memory_space<hbm>> -> memref<10240x128xf32, #tpu.memory_space<hbm>>
      %dma_start3A_173 = arith.constant 0 : i32
      %dma_start3A_174 = arith.constant 0 : i32
      %dma_start3A_175 = tpu.memref_slice %dma_start3A_172[%dma_start3A_173, %dma_start3A_174] : memref<10240x128xf32, #tpu.memory_space<hbm>> -> memref<10240x128xf32, #tpu.memory_space<hbm>>
      tpu.enqueue_indirect_dma source(%dma_start3A_175 : memref<10240x128xf32, #tpu.memory_space<hbm>>) target(%dma_start3A_166 : memref<80x128xf32, #tpu.memory_space<vmem>>) offsets(%dma_start3A_168 : memref<80xi32, #tpu.memory_space<vmem>>) semaphore(%run_scoped3A_163 : memref<!tpu.dma_semaphore, #tpu.memory_space<semaphore_mem>>)
      %dma_wait3A_176 = arith.constant 0 : i32
      %dma_wait3A_177 = arith.constant 0 : i32
      %dma_wait3A_178 = tpu.memref_slice %arg12[%dma_wait3A_176, %dma_wait3A_177] : memref<160x128xf32, #tpu.memory_space<vmem>> -> memref<80x128xf32, #tpu.memory_space<vmem>>
      %dma_wait3A_179 = arith.constant 0 : i32
      %dma_wait3A_180 = tpu.memref_slice %arg6[%dma_wait3A_179] : memref<160xi32, #tpu.memory_space<vmem>> -> memref<80xi32, #tpu.memory_space<vmem>>
      %dma_wait3A_181 = arith.constant 0 : i32
      %dma_wait3A_182 = arith.constant 0 : i32
      %dma_wait3A_183 = tpu.memref_slice %arg4[%run_scoped3A, %dma_wait3A_181, %dma_wait3A_182] : memref<1x10240x128xf32, #tpu.memory_space<hbm>> -> memref<1x10240x128xf32, #tpu.memory_space<hbm>>
      %dma_wait3A_184 = tpu.memref_squeeze %dma_wait3A_183 : memref<1x10240x128xf32, #tpu.memory_space<hbm>> -> memref<10240x128xf32, #tpu.memory_space<hbm>>
      %dma_wait3A_185 = arith.constant 0 : i32
      %dma_wait3A_186 = arith.constant 0 : i32
      %dma_wait3A_187 = tpu.memref_slice %dma_wait3A_184[%dma_wait3A_185, %dma_wait3A_186] : memref<10240x128xf32, #tpu.memory_space<hbm>> -> memref<10240x128xf32, #tpu.memory_space<hbm>>
      tpu.wait_indirect_dma semaphore(%run_scoped3A_163 : memref<!tpu.dma_semaphore, #tpu.memory_space<semaphore_mem>>) src(%dma_wait3A_187 : memref<10240x128xf32, #tpu.memory_space<hbm>>) dst(%dma_wait3A_178 : memref<80x128xf32, #tpu.memory_space<vmem>>)
      tpu.yield
    }) : () -> ()
    "tpu.region"() ({
      %run_scoped3A_163 = tpu.sem_alloc : memref<!tpu.dma_semaphore, #tpu.memory_space<semaphore_mem>>
      %dma_start3A_164 = arith.constant 0 : i32
      %dma_start3A_165 = arith.constant 0 : i32
      %dma_start3A_166 = tpu.memref_slice %arg12[%dma_start3A_164, %dma_start3A_165] : memref<160x128xf32, #tpu.memory_space<vmem>> -> memref<80x128xf32, #tpu.memory_space<vmem>>
      %dma_start3A_167 = arith.constant 0 : i32
      %dma_start3A_168 = arith.constant 0 : i32
      %dma_start3A_169 = tpu.memref_slice %arg15[%dma_start3A_167, %dma_start3A_168] : memref<10240x128xf32, #tpu.memory_space<vmem_shared>> -> memref<10240x128xf32, #tpu.memory_space<vmem_shared>>
      tpu.enqueue_indirect_dma source(%dma_start3A_166 : memref<80x128xf32, #tpu.memory_space<vmem>>) target(%dma_start3A_169 : memref<10240x128xf32, #tpu.memory_space<vmem_shared>>) offsets(%arg8 : memref<80xi32, #tpu.memory_space<vmem>>) semaphore(%run_scoped3A_163 : memref<!tpu.dma_semaphore, #tpu.memory_space<semaphore_mem>>) {add = true}
      %dma_wait3A_170 = arith.constant 0 : i32
      %dma_wait3A_171 = arith.constant 0 : i32
      %dma_wait3A_172 = tpu.memref_slice %arg12[%dma_wait3A_170, %dma_wait3A_171] : memref<160x128xf32, #tpu.memory_space<vmem>> -> memref<80x128xf32, #tpu.memory_space<vmem>>
      %dma_wait3A_173 = arith.constant 0 : i32
      %dma_wait3A_174 = arith.constant 0 : i32
      %dma_wait3A_175 = tpu.memref_slice %arg15[%dma_wait3A_173, %dma_wait3A_174] : memref<10240x128xf32, #tpu.memory_space<vmem_shared>> -> memref<10240x128xf32, #tpu.memory_space<vmem_shared>>
      tpu.wait_indirect_dma semaphore(%run_scoped3A_163 : memref<!tpu.dma_semaphore, #tpu.memory_space<semaphore_mem>>) src(%dma_wait3A_172 : memref<80x128xf32, #tpu.memory_space<vmem>>) dst(%dma_wait3A_175 : memref<10240x128xf32, #tpu.memory_space<vmem_shared>>)
      tpu.yield
    }) : () -> ()
    %barrier3A_158 = arith.constant 0 : index
    tpu.barrier barrier_id(%barrier3A_158)
    %mul3A_159 = arith.constant 640 : i32
    %mul3A_160 = arith.muli %arg1, %mul3A_159 : i32
    %mul3A_161 = arith.constant 640 : i32
    %mul3A_162 = arith.muli %arg1, %mul3A_161 : i32
    "tpu.region"() ({
      %run_scoped3A_163 = tpu.sem_alloc : memref<!tpu.dma_semaphore, #tpu.memory_space<semaphore_mem>>
      %dma_start3A_164 = arith.constant 0 : i32
      %dma_start3A_165 = tpu.memref_slice %arg5[%arg0, %mul3A_162, %dma_start3A_164] : memref<2x10240x128xf32, #tpu.memory_space<hbm>> -> memref<1x640x128xf32, #tpu.memory_space<hbm>>
      %dma_start3A_166 = tpu.memref_squeeze %dma_start3A_165 : memref<1x640x128xf32, #tpu.memory_space<hbm>> -> memref<640x128xf32, #tpu.memory_space<hbm>>
      %dma_start3A_167 = arith.constant 0 : i32
      %dma_start3A_168 = tpu.memref_slice %arg15[%mul3A_160, %dma_start3A_167] : memref<10240x128xf32, #tpu.memory_space<vmem_shared>> -> memref<640x128xf32, #tpu.memory_space<vmem_shared>>
      tpu.enqueue_dma source(%dma_start3A_168 : memref<640x128xf32, #tpu.memory_space<vmem_shared>>) target(%dma_start3A_166 : memref<640x128xf32, #tpu.memory_space<hbm>>) target_semaphore(%run_scoped3A_163 : memref<!tpu.dma_semaphore, #tpu.memory_space<semaphore_mem>>)
      %dma_wait3A_169 = arith.constant 0 : i32
      %dma_wait3A_170 = tpu.memref_slice %arg5[%arg0, %mul3A_162, %dma_wait3A_169] : memref<2x10240x128xf32, #tpu.memory_space<hbm>> -> memref<1x640x128xf32, #tpu.memory_space<hbm>>
      %dma_wait3A_171 = tpu.memref_squeeze %dma_wait3A_170 : memref<1x640x128xf32, #tpu.memory_space<hbm>> -> memref<640x128xf32, #tpu.memory_space<hbm>>
      %dma_wait3A_172 = arith.constant 0 : i32
      %dma_wait3A_173 = tpu.memref_slice %arg15[%mul3A_160, %dma_wait3A_172] : memref<10240x128xf32, #tpu.memory_space<vmem_shared>> -> memref<640x128xf32, #tpu.memory_space<vmem_shared>>
      tpu.wait_dma2 semaphore(%run_scoped3A_163 : memref<!tpu.dma_semaphore, #tpu.memory_space<semaphore_mem>>) src(%dma_wait3A_173 : memref<640x128xf32, #tpu.memory_space<vmem_shared>>) dst(%dma_wait3A_171 : memref<640x128xf32, #tpu.memory_space<hbm>>)
      tpu.yield
    }) : () -> ()
    return
  }
}

#map = affine_map<(d0, d1) -> (0)>
#map1 = affine_map<(d0, d1) -> (0, 0, 0)>
module attributes {stable_mosaic.version = 14 : i64} {
  func.func @agg_kernel(%arg0: i32, %arg1: i32, %arg2: memref<320000xi32, #tpu.memory_space<hbm>>, %arg3: memref<320000xi32, #tpu.memory_space<hbm>>, %arg4: memref<2x10240x128xf32, #tpu.memory_space<hbm>>, %arg5: memref<2x10240x128xf32, #tpu.memory_space<hbm>>, %arg6: memref<160xi32, #tpu.memory_space<vmem>>, %arg7: memref<160xi32, #tpu.memory_space<vmem>>, %arg8: memref<80xi32, #tpu.memory_space<vmem>>, %arg9: memref<80xi32, #tpu.memory_space<vmem>>, %arg10: memref<80xi32, #tpu.memory_space<vmem>>, %arg11: memref<80xi32, #tpu.memory_space<vmem>>, %arg12: memref<160x128xf32, #tpu.memory_space<vmem>>, %arg13: memref<160x128xf32, #tpu.memory_space<vmem>>, %arg14: memref<40x128xf32, #tpu.memory_space<vmem>>, %arg15: memref<10240x128xf32, #tpu.memory_space<vmem_shared>>, %arg16: memref<!tpu.dma_semaphore, #tpu.memory_space<semaphore_mem>>, %arg17: memref<!tpu.dma_semaphore, #tpu.memory_space<semaphore_mem>>, %arg18: memref<!tpu.dma_semaphore, #tpu.memory_space<semaphore_mem>>, %arg19: memref<!tpu.dma_semaphore, #tpu.memory_space<semaphore_mem>>) attributes {dimension_semantics = [#tpu.dimension_semantics<core_parallel>, #tpu.dimension_semantics<subcore_parallel>], iteration_bounds = array<i64: 2, 16>, scalar_prefetch = 0 : i64, scratch_operands = 14 : i64, tpu.core_type = #tpu.core_type<sc_vector_subcore>, window_params = [{transform_indices = #map}, {transform_indices = #map}, {transform_indices = #map1}, {transform_indices = #map1}]} {
    %scan3A = arith.constant 0 : i32
    %scan3A_0 = arith.constant 40 : i32
    %scan3A_1 = arith.addi %scan3A, %scan3A_0 : i32
    %scan3A_2 = arith.constant 1 : i32
    scf.for %scan3A_219 = %scan3A to %scan3A_1 step %scan3A_2  : i32 {
      %mul3A_220 = arith.constant 1 : i32
      %mul3A_221 = arith.muli %scan3A_219, %mul3A_220 : i32
      %add3A_222 = arith.constant 0 : i32
      %add3A_223 = arith.addi %add3A_222, %mul3A_221 : i32
      %scan3A_224 = arith.constant 0 : i32
      %scan3A_225 = arith.constant 8 : i32
      %scan3A_226 = arith.addi %scan3A_224, %scan3A_225 : i32
      %scan3A_227 = arith.constant 1 : i32
      scf.for %scan3A_229 = %scan3A_224 to %scan3A_226 step %scan3A_227  : i32 {
        %mul3A_230 = arith.constant 1 : i32
        %mul3A_231 = arith.muli %scan3A_229, %mul3A_230 : i32
        %add3A_232 = arith.constant 0 : i32
        %add3A_233 = arith.addi %add3A_232, %mul3A_231 : i32
        %broadcast_in_dim3A = arith.constant 0.000000e+00 : f32
        %broadcast_in_dim3A_234 = vector.broadcast %broadcast_in_dim3A : f32 to vector<16xf32>
        %mul3A_235 = arith.constant 16 : i32
        %mul3A_236 = arith.muli %add3A_233, %mul3A_235 : i32
        %swap3A = arith.index_cast %add3A_223 : i32 to index
        %swap3A_237 = arith.index_cast %mul3A_236 : i32 to index
        %swap3A_238 = tpu.vector_load %arg14[%swap3A, %swap3A_237] {strides = array<i32>} : memref<40x128xf32, #tpu.memory_space<vmem>>, vector<1x16xf32>,
        %swap3A_239 = vector.shape_cast %swap3A_238 : vector<1x16xf32> to vector<16xf32>
        %swap3A_240 = vector.shape_cast %broadcast_in_dim3A_234 : vector<16xf32> to vector<1x16xf32>
        tpu.vector_store %arg14[%swap3A, %swap3A_237], %swap3A_240 {strides = array<i32>} : memref<40x128xf32, #tpu.memory_space<vmem>>, vector<1x16xf32>,
      }
      %scan3A_228 = arith.constant 8 : i32
    }
    %scan3A_3 = arith.constant 40 : i32
    %mul3A = arith.constant 1 : i32
    %mul3A_4 = arith.muli %arg0, %mul3A : i32
    %add3A = arith.constant 0 : i32
    %add3A_5 = arith.addi %mul3A_4, %add3A : i32
    %mul3A_6 = arith.constant 20000 : i32
    %mul3A_7 = arith.muli %arg1, %mul3A_6 : i32
    %scan3A_8 = arith.constant 0 : i32
    %scan3A_9 = arith.constant 16 : i32
    %scan3A_10 = arith.addi %scan3A_8, %scan3A_9 : i32
    %scan3A_11 = arith.constant 1 : i32
    scf.for %scan3A_219 = %scan3A_8 to %scan3A_10 step %scan3A_11  : i32 {
      %mul3A_220 = arith.constant 1 : i32
      %mul3A_221 = arith.muli %scan3A_219, %mul3A_220 : i32
      %add3A_222 = arith.constant 0 : i32
      %add3A_223 = arith.addi %add3A_222, %mul3A_221 : i32
      %mul3A_224 = arith.constant 640 : i32
      %mul3A_225 = arith.muli %arg1, %mul3A_224 : i32
      %mul3A_226 = arith.constant 40 : i32
      %mul3A_227 = arith.muli %add3A_223, %mul3A_226 : i32
      %add3A_228 = arith.addi %mul3A_225, %mul3A_227 : i32
      "tpu.region"() ({
        %run_scoped3A = tpu.sem_alloc : memref<!tpu.dma_semaphore, #tpu.memory_space<semaphore_mem>>
        %dma_start3A_229 = arith.constant 0 : i32
        %dma_start3A_230 = tpu.memref_slice %arg15[%add3A_228, %dma_start3A_229] : memref<10240x128xf32, #tpu.memory_space<vmem_shared>> -> memref<40x128xf32, #tpu.memory_space<vmem_shared>>
        %dma_start3A_231 = arith.constant 0 : i32
        %dma_start3A_232 = tpu.memref_slice %arg15[%add3A_228, %dma_start3A_231] : memref<10240x128xf32, #tpu.memory_space<vmem_shared>> -> memref<40x128xf32, #tpu.memory_space<vmem_shared>>
        tpu.enqueue_dma source(%arg14 : memref<40x128xf32, #tpu.memory_space<vmem>>) target(%dma_start3A_232 : memref<40x128xf32, #tpu.memory_space<vmem_shared>>) target_semaphore(%run_scoped3A : memref<!tpu.dma_semaphore, #tpu.memory_space<semaphore_mem>>)
        %dma_wait3A_233 = arith.constant 0 : i32
        %dma_wait3A_234 = tpu.memref_slice %arg15[%add3A_228, %dma_wait3A_233] : memref<10240x128xf32, #tpu.memory_space<vmem_shared>> -> memref<40x128xf32, #tpu.memory_space<vmem_shared>>
        %dma_wait3A_235 = arith.constant 0 : i32
        %dma_wait3A_236 = tpu.memref_slice %arg15[%add3A_228, %dma_wait3A_235] : memref<10240x128xf32, #tpu.memory_space<vmem_shared>> -> memref<40x128xf32, #tpu.memory_space<vmem_shared>>
        tpu.wait_dma2 semaphore(%run_scoped3A : memref<!tpu.dma_semaphore, #tpu.memory_space<semaphore_mem>>) src(%arg14 : memref<40x128xf32, #tpu.memory_space<vmem>>) dst(%dma_wait3A_236 : memref<40x128xf32, #tpu.memory_space<vmem_shared>>)
        tpu.yield
      }) : () -> ()
    }
    %scan3A_12 = arith.constant 16 : i32
    %barrier3A = arith.constant 0 : index
    tpu.barrier barrier_id(%barrier3A)
    %add3A_13 = arith.constant 0 : i32
    %add3A_14 = arith.addi %mul3A_7, %add3A_13 : i32
    %dma_start3A = tpu.memref_slice %arg2[%add3A_14] : memref<320000xi32, #tpu.memory_space<hbm>> -> memref<160xi32, #tpu.memory_space<hbm>>
    %dma_start3A_15 = tpu.memref_slice %arg2[%add3A_14] : memref<320000xi32, #tpu.memory_space<hbm>> -> memref<160xi32, #tpu.memory_space<hbm>>
    tpu.enqueue_dma source(%dma_start3A_15 : memref<160xi32, #tpu.memory_space<hbm>>) target(%arg6 : memref<160xi32, #tpu.memory_space<vmem>>) target_semaphore(%arg16 : memref<!tpu.dma_semaphore, #tpu.memory_space<semaphore_mem>>)
    %add3A_16 = arith.constant 0 : i32
    %add3A_17 = arith.addi %add3A_14, %add3A_16 : i32
    %dma_start3A_18 = tpu.memref_slice %arg3[%add3A_17] : memref<320000xi32, #tpu.memory_space<hbm>> -> memref<80xi32, #tpu.memory_space<hbm>>
    %dma_start3A_19 = tpu.memref_slice %arg3[%add3A_17] : memref<320000xi32, #tpu.memory_space<hbm>> -> memref<80xi32, #tpu.memory_space<hbm>>
    tpu.enqueue_dma source(%dma_start3A_19 : memref<80xi32, #tpu.memory_space<hbm>>) target(%arg8 : memref<80xi32, #tpu.memory_space<vmem>>) target_semaphore(%arg16 : memref<!tpu.dma_semaphore, #tpu.memory_space<semaphore_mem>>)
    %add3A_20 = arith.constant 80 : i32
    %add3A_21 = arith.addi %add3A_14, %add3A_20 : i32
    %dma_start3A_22 = tpu.memref_slice %arg3[%add3A_21] : memref<320000xi32, #tpu.memory_space<hbm>> -> memref<80xi32, #tpu.memory_space<hbm>>
    %dma_start3A_23 = tpu.memref_slice %arg3[%add3A_21] : memref<320000xi32, #tpu.memory_space<hbm>> -> memref<80xi32, #tpu.memory_space<hbm>>
    tpu.enqueue_dma source(%dma_start3A_23 : memref<80xi32, #tpu.memory_space<hbm>>) target(%arg9 : memref<80xi32, #tpu.memory_space<vmem>>) target_semaphore(%arg16 : memref<!tpu.dma_semaphore, #tpu.memory_space<semaphore_mem>>)
    %add3A_24 = arith.constant 160 : i32
    %add3A_25 = arith.addi %mul3A_7, %add3A_24 : i32
    %dma_start3A_26 = tpu.memref_slice %arg2[%add3A_25] : memref<320000xi32, #tpu.memory_space<hbm>> -> memref<160xi32, #tpu.memory_space<hbm>>
    %dma_start3A_27 = tpu.memref_slice %arg2[%add3A_25] : memref<320000xi32, #tpu.memory_space<hbm>> -> memref<160xi32, #tpu.memory_space<hbm>>
    tpu.enqueue_dma source(%dma_start3A_27 : memref<160xi32, #tpu.memory_space<hbm>>) target(%arg7 : memref<160xi32, #tpu.memory_space<vmem>>) target_semaphore(%arg17 : memref<!tpu.dma_semaphore, #tpu.memory_space<semaphore_mem>>)
    %add3A_28 = arith.constant 0 : i32
    %add3A_29 = arith.addi %add3A_25, %add3A_28 : i32
    %dma_start3A_30 = tpu.memref_slice %arg3[%add3A_29] : memref<320000xi32, #tpu.memory_space<hbm>> -> memref<80xi32, #tpu.memory_space<hbm>>
    %dma_start3A_31 = tpu.memref_slice %arg3[%add3A_29] : memref<320000xi32, #tpu.memory_space<hbm>> -> memref<80xi32, #tpu.memory_space<hbm>>
    tpu.enqueue_dma source(%dma_start3A_31 : memref<80xi32, #tpu.memory_space<hbm>>) target(%arg10 : memref<80xi32, #tpu.memory_space<vmem>>) target_semaphore(%arg17 : memref<!tpu.dma_semaphore, #tpu.memory_space<semaphore_mem>>)
    %add3A_32 = arith.constant 80 : i32
    %add3A_33 = arith.addi %add3A_25, %add3A_32 : i32
    %dma_start3A_34 = tpu.memref_slice %arg3[%add3A_33] : memref<320000xi32, #tpu.memory_space<hbm>> -> memref<80xi32, #tpu.memory_space<hbm>>
    %dma_start3A_35 = tpu.memref_slice %arg3[%add3A_33] : memref<320000xi32, #tpu.memory_space<hbm>> -> memref<80xi32, #tpu.memory_space<hbm>>
    tpu.enqueue_dma source(%dma_start3A_35 : memref<80xi32, #tpu.memory_space<hbm>>) target(%arg11 : memref<80xi32, #tpu.memory_space<vmem>>) target_semaphore(%arg17 : memref<!tpu.dma_semaphore, #tpu.memory_space<semaphore_mem>>)
    %dma_wait3A = tpu.memref_slice %arg2[%mul3A_7] : memref<320000xi32, #tpu.memory_space<hbm>> -> memref<160xi32, #tpu.memory_space<hbm>>
    %dma_wait3A_36 = tpu.memref_slice %arg2[%mul3A_7] : memref<320000xi32, #tpu.memory_space<hbm>> -> memref<160xi32, #tpu.memory_space<hbm>>
    tpu.wait_dma2 semaphore(%arg16 : memref<!tpu.dma_semaphore, #tpu.memory_space<semaphore_mem>>) src(%dma_wait3A_36 : memref<160xi32, #tpu.memory_space<hbm>>) dst(%arg6 : memref<160xi32, #tpu.memory_space<vmem>>)
    %dma_wait3A_37 = tpu.memref_slice %arg3[%mul3A_7] : memref<320000xi32, #tpu.memory_space<hbm>> -> memref<80xi32, #tpu.memory_space<hbm>>
    %dma_wait3A_38 = tpu.memref_slice %arg3[%mul3A_7] : memref<320000xi32, #tpu.memory_space<hbm>> -> memref<80xi32, #tpu.memory_space<hbm>>
    tpu.wait_dma2 semaphore(%arg16 : memref<!tpu.dma_semaphore, #tpu.memory_space<semaphore_mem>>) src(%dma_wait3A_38 : memref<80xi32, #tpu.memory_space<hbm>>) dst(%arg8 : memref<80xi32, #tpu.memory_space<vmem>>)
    %dma_wait3A_39 = tpu.memref_slice %arg3[%mul3A_7] : memref<320000xi32, #tpu.memory_space<hbm>> -> memref<80xi32, #tpu.memory_space<hbm>>
    %dma_wait3A_40 = tpu.memref_slice %arg3[%mul3A_7] : memref<320000xi32, #tpu.memory_space<hbm>> -> memref<80xi32, #tpu.memory_space<hbm>>
    tpu.wait_dma2 semaphore(%arg16 : memref<!tpu.dma_semaphore, #tpu.memory_space<semaphore_mem>>) src(%dma_wait3A_40 : memref<80xi32, #tpu.memory_space<hbm>>) dst(%arg9 : memref<80xi32, #tpu.memory_space<vmem>>)
    %dma_start3A_41 = arith.constant 0 : i32
    %dma_start3A_42 = arith.constant 0 : i32
    %dma_start3A_43 = tpu.memref_slice %arg12[%dma_start3A_41, %dma_start3A_42] : memref<160x128xf32, #tpu.memory_space<vmem>> -> memref<80x128xf32, #tpu.memory_space<vmem>>
    %dma_start3A_44 = arith.constant 0 : i32
    %dma_start3A_45 = tpu.memref_slice %arg6[%dma_start3A_44] : memref<160xi32, #tpu.memory_space<vmem>> -> memref<80xi32, #tpu.memory_space<vmem>>
    %dma_start3A_46 = arith.constant 0 : i32
    %dma_start3A_47 = arith.constant 0 : i32
    %dma_start3A_48 = tpu.memref_slice %arg4[%add3A_5, %dma_start3A_46, %dma_start3A_47] : memref<2x10240x128xf32, #tpu.memory_space<hbm>> -> memref<1x10240x128xf32, #tpu.memory_space<hbm>>
    %dma_start3A_49 = tpu.memref_squeeze %dma_start3A_48 : memref<1x10240x128xf32, #tpu.memory_space<hbm>> -> memref<10240x128xf32, #tpu.memory_space<hbm>>
    %dma_start3A_50 = arith.constant 0 : i32
    %dma_start3A_51 = arith.constant 0 : i32
    %dma_start3A_52 = tpu.memref_slice %dma_start3A_49[%dma_start3A_50, %dma_start3A_51] : memref<10240x128xf32, #tpu.memory_space<hbm>> -> memref<10240x128xf32, #tpu.memory_space<hbm>>
    tpu.enqueue_indirect_dma source(%dma_start3A_52 : memref<10240x128xf32, #tpu.memory_space<hbm>>) target(%dma_start3A_43 : memref<80x128xf32, #tpu.memory_space<vmem>>) offsets(%dma_start3A_45 : memref<80xi32, #tpu.memory_space<vmem>>) semaphore(%arg18 : memref<!tpu.dma_semaphore, #tpu.memory_space<semaphore_mem>>)
    %dma_start3A_53 = arith.constant 80 : i32
    %dma_start3A_54 = arith.constant 0 : i32
    %dma_start3A_55 = tpu.memref_slice %arg12[%dma_start3A_53, %dma_start3A_54] : memref<160x128xf32, #tpu.memory_space<vmem>> -> memref<80x128xf32, #tpu.memory_space<vmem>>
    %dma_start3A_56 = arith.constant 80 : i32
    %dma_start3A_57 = tpu.memref_slice %arg6[%dma_start3A_56] : memref<160xi32, #tpu.memory_space<vmem>> -> memref<80xi32, #tpu.memory_space<vmem>>
    %dma_start3A_58 = arith.constant 0 : i32
    %dma_start3A_59 = arith.constant 0 : i32
    %dma_start3A_60 = tpu.memref_slice %arg4[%add3A_5, %dma_start3A_58, %dma_start3A_59] : memref<2x10240x128xf32, #tpu.memory_space<hbm>> -> memref<1x10240x128xf32, #tpu.memory_space<hbm>>
    %dma_start3A_61 = tpu.memref_squeeze %dma_start3A_60 : memref<1x10240x128xf32, #tpu.memory_space<hbm>> -> memref<10240x128xf32, #tpu.memory_space<hbm>>
    %dma_start3A_62 = arith.constant 0 : i32
    %dma_start3A_63 = arith.constant 0 : i32
    %dma_start3A_64 = tpu.memref_slice %dma_start3A_61[%dma_start3A_62, %dma_start3A_63] : memref<10240x128xf32, #tpu.memory_space<hbm>> -> memref<10240x128xf32, #tpu.memory_space<hbm>>
    tpu.enqueue_indirect_dma source(%dma_start3A_64 : memref<10240x128xf32, #tpu.memory_space<hbm>>) target(%dma_start3A_55 : memref<80x128xf32, #tpu.memory_space<vmem>>) offsets(%dma_start3A_57 : memref<80xi32, #tpu.memory_space<vmem>>) semaphore(%arg18 : memref<!tpu.dma_semaphore, #tpu.memory_space<semaphore_mem>>)
    %scan3A_65 = arith.constant 0 : i32
    %scan3A_66 = arith.constant 61 : i32
    %scan3A_67 = arith.addi %scan3A_65, %scan3A_66 : i32
    %scan3A_68 = arith.constant 1 : i32
    scf.for %scan3A_219 = %scan3A_65 to %scan3A_67 step %scan3A_68  : i32 {
      %mul3A_220 = arith.constant 1 : i32
      %mul3A_221 = arith.muli %scan3A_219, %mul3A_220 : i32
      %add3A_222 = arith.constant 0 : i32
      %add3A_223 = arith.addi %add3A_222, %mul3A_221 : i32
      %mul3A_224 = arith.constant 2 : i32
      %mul3A_225 = arith.muli %mul3A_224, %add3A_223 : i32
      %add3A_226 = arith.constant 1 : i32
      %add3A_227 = arith.addi %add3A_226, %mul3A_225 : i32
      %dma_wait3A_228 = tpu.memref_slice %arg2[%mul3A_7] : memref<320000xi32, #tpu.memory_space<hbm>> -> memref<160xi32, #tpu.memory_space<hbm>>
      %dma_wait3A_229 = tpu.memref_slice %arg2[%mul3A_7] : memref<320000xi32, #tpu.memory_space<hbm>> -> memref<160xi32, #tpu.memory_space<hbm>>
      tpu.wait_dma2 semaphore(%arg17 : memref<!tpu.dma_semaphore, #tpu.memory_space<semaphore_mem>>) src(%dma_wait3A_229 : memref<160xi32, #tpu.memory_space<hbm>>) dst(%arg7 : memref<160xi32, #tpu.memory_space<vmem>>)
      %dma_wait3A_230 = tpu.memref_slice %arg3[%mul3A_7] : memref<320000xi32, #tpu.memory_space<hbm>> -> memref<80xi32, #tpu.memory_space<hbm>>
      %dma_wait3A_231 = tpu.memref_slice %arg3[%mul3A_7] : memref<320000xi32, #tpu.memory_space<hbm>> -> memref<80xi32, #tpu.memory_space<hbm>>
      tpu.wait_dma2 semaphore(%arg17 : memref<!tpu.dma_semaphore, #tpu.memory_space<semaphore_mem>>) src(%dma_wait3A_231 : memref<80xi32, #tpu.memory_space<hbm>>) dst(%arg10 : memref<80xi32, #tpu.memory_space<vmem>>)
      %dma_wait3A_232 = tpu.memref_slice %arg3[%mul3A_7] : memref<320000xi32, #tpu.memory_space<hbm>> -> memref<80xi32, #tpu.memory_space<hbm>>
      %dma_wait3A_233 = tpu.memref_slice %arg3[%mul3A_7] : memref<320000xi32, #tpu.memory_space<hbm>> -> memref<80xi32, #tpu.memory_space<hbm>>
      tpu.wait_dma2 semaphore(%arg17 : memref<!tpu.dma_semaphore, #tpu.memory_space<semaphore_mem>>) src(%dma_wait3A_233 : memref<80xi32, #tpu.memory_space<hbm>>) dst(%arg11 : memref<80xi32, #tpu.memory_space<vmem>>)
      %dma_start3A_234 = arith.constant 0 : i32
      %dma_start3A_235 = arith.constant 0 : i32
      %dma_start3A_236 = tpu.memref_slice %arg13[%dma_start3A_234, %dma_start3A_235] : memref<160x128xf32, #tpu.memory_space<vmem>> -> memref<80x128xf32, #tpu.memory_space<vmem>>
      %dma_start3A_237 = arith.constant 0 : i32
      %dma_start3A_238 = tpu.memref_slice %arg7[%dma_start3A_237] : memref<160xi32, #tpu.memory_space<vmem>> -> memref<80xi32, #tpu.memory_space<vmem>>
      %dma_start3A_239 = arith.constant 0 : i32
      %dma_start3A_240 = arith.constant 0 : i32
      %dma_start3A_241 = tpu.memref_slice %arg4[%add3A_5, %dma_start3A_239, %dma_start3A_240] : memref<2x10240x128xf32, #tpu.memory_space<hbm>> -> memref<1x10240x128xf32, #tpu.memory_space<hbm>>
      %dma_start3A_242 = tpu.memref_squeeze %dma_start3A_241 : memref<1x10240x128xf32, #tpu.memory_space<hbm>> -> memref<10240x128xf32, #tpu.memory_space<hbm>>
      %dma_start3A_243 = arith.constant 0 : i32
      %dma_start3A_244 = arith.constant 0 : i32
      %dma_start3A_245 = tpu.memref_slice %dma_start3A_242[%dma_start3A_243, %dma_start3A_244] : memref<10240x128xf32, #tpu.memory_space<hbm>> -> memref<10240x128xf32, #tpu.memory_space<hbm>>
      tpu.enqueue_indirect_dma source(%dma_start3A_245 : memref<10240x128xf32, #tpu.memory_space<hbm>>) target(%dma_start3A_236 : memref<80x128xf32, #tpu.memory_space<vmem>>) offsets(%dma_start3A_238 : memref<80xi32, #tpu.memory_space<vmem>>) semaphore(%arg19 : memref<!tpu.dma_semaphore, #tpu.memory_space<semaphore_mem>>)
      %dma_start3A_246 = arith.constant 80 : i32
      %dma_start3A_247 = arith.constant 0 : i32
      %dma_start3A_248 = tpu.memref_slice %arg13[%dma_start3A_246, %dma_start3A_247] : memref<160x128xf32, #tpu.memory_space<vmem>> -> memref<80x128xf32, #tpu.memory_space<vmem>>
      %dma_start3A_249 = arith.constant 80 : i32
      %dma_start3A_250 = tpu.memref_slice %arg7[%dma_start3A_249] : memref<160xi32, #tpu.memory_space<vmem>> -> memref<80xi32, #tpu.memory_space<vmem>>
      %dma_start3A_251 = arith.constant 0 : i32
      %dma_start3A_252 = arith.constant 0 : i32
      %dma_start3A_253 = tpu.memref_slice %arg4[%add3A_5, %dma_start3A_251, %dma_start3A_252] : memref<2x10240x128xf32, #tpu.memory_space<hbm>> -> memref<1x10240x128xf32, #tpu.memory_space<hbm>>
      %dma_start3A_254 = tpu.memref_squeeze %dma_start3A_253 : memref<1x10240x128xf32, #tpu.memory_space<hbm>> -> memref<10240x128xf32, #tpu.memory_space<hbm>>
      %dma_start3A_255 = arith.constant 0 : i32
      %dma_start3A_256 = arith.constant 0 : i32
      %dma_start3A_257 = tpu.memref_slice %dma_start3A_254[%dma_start3A_255, %dma_start3A_256] : memref<10240x128xf32, #tpu.memory_space<hbm>> -> memref<10240x128xf32, #tpu.memory_space<hbm>>
      tpu.enqueue_indirect_dma source(%dma_start3A_257 : memref<10240x128xf32, #tpu.memory_space<hbm>>) target(%dma_start3A_248 : memref<80x128xf32, #tpu.memory_space<vmem>>) offsets(%dma_start3A_250 : memref<80xi32, #tpu.memory_space<vmem>>) semaphore(%arg19 : memref<!tpu.dma_semaphore, #tpu.memory_space<semaphore_mem>>)
      %dma_wait3A_258 = arith.constant 0 : i32
      %dma_wait3A_259 = arith.constant 0 : i32
      %dma_wait3A_260 = tpu.memref_slice %arg12[%dma_wait3A_258, %dma_wait3A_259] : memref<160x128xf32, #tpu.memory_space<vmem>> -> memref<80x128xf32, #tpu.memory_space<vmem>>
      %dma_wait3A_261 = arith.constant 0 : i32
      %dma_wait3A_262 = tpu.memref_slice %arg6[%dma_wait3A_261] : memref<160xi32, #tpu.memory_space<vmem>> -> memref<80xi32, #tpu.memory_space<vmem>>
      %dma_wait3A_263 = arith.constant 0 : i32
      %dma_wait3A_264 = arith.constant 0 : i32
      %dma_wait3A_265 = tpu.memref_slice %arg4[%add3A_5, %dma_wait3A_263, %dma_wait3A_264] : memref<2x10240x128xf32, #tpu.memory_space<hbm>> -> memref<1x10240x128xf32, #tpu.memory_space<hbm>>
      %dma_wait3A_266 = tpu.memref_squeeze %dma_wait3A_265 : memref<1x10240x128xf32, #tpu.memory_space<hbm>> -> memref<10240x128xf32, #tpu.memory_space<hbm>>
      %dma_wait3A_267 = arith.constant 0 : i32
      %dma_wait3A_268 = arith.constant 0 : i32
      %dma_wait3A_269 = tpu.memref_slice %dma_wait3A_266[%dma_wait3A_267, %dma_wait3A_268] : memref<10240x128xf32, #tpu.memory_space<hbm>> -> memref<10240x128xf32, #tpu.memory_space<hbm>>
      tpu.wait_indirect_dma semaphore(%arg18 : memref<!tpu.dma_semaphore, #tpu.memory_space<semaphore_mem>>) src(%dma_wait3A_269 : memref<10240x128xf32, #tpu.memory_space<hbm>>) dst(%dma_wait3A_260 : memref<80x128xf32, #tpu.memory_space<vmem>>)
      %dma_wait3A_270 = arith.constant 80 : i32
      %dma_wait3A_271 = arith.constant 0 : i32
      %dma_wait3A_272 = tpu.memref_slice %arg12[%dma_wait3A_270, %dma_wait3A_271] : memref<160x128xf32, #tpu.memory_space<vmem>> -> memref<80x128xf32, #tpu.memory_space<vmem>>
      %dma_wait3A_273 = arith.constant 80 : i32
      %dma_wait3A_274 = tpu.memref_slice %arg6[%dma_wait3A_273] : memref<160xi32, #tpu.memory_space<vmem>> -> memref<80xi32, #tpu.memory_space<vmem>>
      %dma_wait3A_275 = arith.constant 0 : i32
      %dma_wait3A_276 = arith.constant 0 : i32
      %dma_wait3A_277 = tpu.memref_slice %arg4[%add3A_5, %dma_wait3A_275, %dma_wait3A_276] : memref<2x10240x128xf32, #tpu.memory_space<hbm>> -> memref<1x10240x128xf32, #tpu.memory_space<hbm>>
      %dma_wait3A_278 = tpu.memref_squeeze %dma_wait3A_277 : memref<1x10240x128xf32, #tpu.memory_space<hbm>> -> memref<10240x128xf32, #tpu.memory_space<hbm>>
      %dma_wait3A_279 = arith.constant 0 : i32
      %dma_wait3A_280 = arith.constant 0 : i32
      %dma_wait3A_281 = tpu.memref_slice %dma_wait3A_278[%dma_wait3A_279, %dma_wait3A_280] : memref<10240x128xf32, #tpu.memory_space<hbm>> -> memref<10240x128xf32, #tpu.memory_space<hbm>>
      tpu.wait_indirect_dma semaphore(%arg18 : memref<!tpu.dma_semaphore, #tpu.memory_space<semaphore_mem>>) src(%dma_wait3A_281 : memref<10240x128xf32, #tpu.memory_space<hbm>>) dst(%dma_wait3A_272 : memref<80x128xf32, #tpu.memory_space<vmem>>)
      "tpu.region"() ({
        %run_scoped3A = tpu.sem_alloc : memref<!tpu.dma_semaphore, #tpu.memory_space<semaphore_mem>>
        %dma_start3A_368 = arith.constant 0 : i32
        %dma_start3A_369 = arith.constant 0 : i32
        %dma_start3A_370 = tpu.memref_slice %arg12[%dma_start3A_368, %dma_start3A_369] : memref<160x128xf32, #tpu.memory_space<vmem>> -> memref<80x128xf32, #tpu.memory_space<vmem>>
        %dma_start3A_371 = arith.constant 0 : i32
        %dma_start3A_372 = arith.constant 0 : i32
        %dma_start3A_373 = tpu.memref_slice %arg15[%dma_start3A_371, %dma_start3A_372] : memref<10240x128xf32, #tpu.memory_space<vmem_shared>> -> memref<10240x128xf32, #tpu.memory_space<vmem_shared>>
        tpu.enqueue_indirect_dma source(%dma_start3A_370 : memref<80x128xf32, #tpu.memory_space<vmem>>) target(%dma_start3A_373 : memref<10240x128xf32, #tpu.memory_space<vmem_shared>>) offsets(%arg8 : memref<80xi32, #tpu.memory_space<vmem>>) semaphore(%run_scoped3A : memref<!tpu.dma_semaphore, #tpu.memory_space<semaphore_mem>>) {add = true}
        %dma_wait3A_374 = arith.constant 0 : i32
        %dma_wait3A_375 = arith.constant 0 : i32
        %dma_wait3A_376 = tpu.memref_slice %arg12[%dma_wait3A_374, %dma_wait3A_375] : memref<160x128xf32, #tpu.memory_space<vmem>> -> memref<80x128xf32, #tpu.memory_space<vmem>>
        %dma_wait3A_377 = arith.constant 0 : i32
        %dma_wait3A_378 = arith.constant 0 : i32
        %dma_wait3A_379 = tpu.memref_slice %arg15[%dma_wait3A_377, %dma_wait3A_378] : memref<10240x128xf32, #tpu.memory_space<vmem_shared>> -> memref<10240x128xf32, #tpu.memory_space<vmem_shared>>
        tpu.wait_indirect_dma semaphore(%run_scoped3A : memref<!tpu.dma_semaphore, #tpu.memory_space<semaphore_mem>>) src(%dma_wait3A_376 : memref<80x128xf32, #tpu.memory_space<vmem>>) dst(%dma_wait3A_379 : memref<10240x128xf32, #tpu.memory_space<vmem_shared>>)
        tpu.yield
      }) : () -> ()
      "tpu.region"() ({
        %run_scoped3A = tpu.sem_alloc : memref<!tpu.dma_semaphore, #tpu.memory_space<semaphore_mem>>
        %dma_start3A_368 = arith.constant 80 : i32
        %dma_start3A_369 = arith.constant 0 : i32
        %dma_start3A_370 = tpu.memref_slice %arg12[%dma_start3A_368, %dma_start3A_369] : memref<160x128xf32, #tpu.memory_space<vmem>> -> memref<80x128xf32, #tpu.memory_space<vmem>>
        %dma_start3A_371 = arith.constant 0 : i32
        %dma_start3A_372 = arith.constant 0 : i32
        %dma_start3A_373 = tpu.memref_slice %arg15[%dma_start3A_371, %dma_start3A_372] : memref<10240x128xf32, #tpu.memory_space<vmem_shared>> -> memref<10240x128xf32, #tpu.memory_space<vmem_shared>>
        tpu.enqueue_indirect_dma source(%dma_start3A_370 : memref<80x128xf32, #tpu.memory_space<vmem>>) target(%dma_start3A_373 : memref<10240x128xf32, #tpu.memory_space<vmem_shared>>) offsets(%arg9 : memref<80xi32, #tpu.memory_space<vmem>>) semaphore(%run_scoped3A : memref<!tpu.dma_semaphore, #tpu.memory_space<semaphore_mem>>) {add = true}
        %dma_wait3A_374 = arith.constant 80 : i32
        %dma_wait3A_375 = arith.constant 0 : i32
        %dma_wait3A_376 = tpu.memref_slice %arg12[%dma_wait3A_374, %dma_wait3A_375] : memref<160x128xf32, #tpu.memory_space<vmem>> -> memref<80x128xf32, #tpu.memory_space<vmem>>
        %dma_wait3A_377 = arith.constant 0 : i32
        %dma_wait3A_378 = arith.constant 0 : i32
        %dma_wait3A_379 = tpu.memref_slice %arg15[%dma_wait3A_377, %dma_wait3A_378] : memref<10240x128xf32, #tpu.memory_space<vmem_shared>> -> memref<10240x128xf32, #tpu.memory_space<vmem_shared>>
        tpu.wait_indirect_dma semaphore(%run_scoped3A : memref<!tpu.dma_semaphore, #tpu.memory_space<semaphore_mem>>) src(%dma_wait3A_376 : memref<80x128xf32, #tpu.memory_space<vmem>>) dst(%dma_wait3A_379 : memref<10240x128xf32, #tpu.memory_space<vmem_shared>>)
        tpu.yield
      }) : () -> ()
      %add3A_282 = arith.constant 1 : i32
      %add3A_283 = arith.addi %add3A_227, %add3A_282 : i32
      %mul3A_284 = arith.constant 160 : i32
      %mul3A_285 = arith.muli %add3A_283, %mul3A_284 : i32
      %add3A_286 = arith.addi %mul3A_7, %mul3A_285 : i32
      %dma_start3A_287 = tpu.memref_slice %arg2[%add3A_286] : memref<320000xi32, #tpu.memory_space<hbm>> -> memref<160xi32, #tpu.memory_space<hbm>>
      %dma_start3A_288 = tpu.memref_slice %arg2[%add3A_286] : memref<320000xi32, #tpu.memory_space<hbm>> -> memref<160xi32, #tpu.memory_space<hbm>>
      tpu.enqueue_dma source(%dma_start3A_288 : memref<160xi32, #tpu.memory_space<hbm>>) target(%arg6 : memref<160xi32, #tpu.memory_space<vmem>>) target_semaphore(%arg16 : memref<!tpu.dma_semaphore, #tpu.memory_space<semaphore_mem>>)
      %add3A_289 = arith.constant 0 : i32
      %add3A_290 = arith.addi %add3A_286, %add3A_289 : i32
      %dma_start3A_291 = tpu.memref_slice %arg3[%add3A_290] : memref<320000xi32, #tpu.memory_space<hbm>> -> memref<80xi32, #tpu.memory_space<hbm>>
      %dma_start3A_292 = tpu.memref_slice %arg3[%add3A_290] : memref<320000xi32, #tpu.memory_space<hbm>> -> memref<80xi32, #tpu.memory_space<hbm>>
      tpu.enqueue_dma source(%dma_start3A_292 : memref<80xi32, #tpu.memory_space<hbm>>) target(%arg8 : memref<80xi32, #tpu.memory_space<vmem>>) target_semaphore(%arg16 : memref<!tpu.dma_semaphore, #tpu.memory_space<semaphore_mem>>)
      %add3A_293 = arith.constant 80 : i32
      %add3A_294 = arith.addi %add3A_286, %add3A_293 : i32
      %dma_start3A_295 = tpu.memref_slice %arg3[%add3A_294] : memref<320000xi32, #tpu.memory_space<hbm>> -> memref<80xi32, #tpu.memory_space<hbm>>
      %dma_start3A_296 = tpu.memref_slice %arg3[%add3A_294] : memref<320000xi32, #tpu.memory_space<hbm>> -> memref<80xi32, #tpu.memory_space<hbm>>
      tpu.enqueue_dma source(%dma_start3A_296 : memref<80xi32, #tpu.memory_space<hbm>>) target(%arg9 : memref<80xi32, #tpu.memory_space<vmem>>) target_semaphore(%arg16 : memref<!tpu.dma_semaphore, #tpu.memory_space<semaphore_mem>>)
      %add3A_297 = arith.constant 1 : i32
      %add3A_298 = arith.addi %add3A_227, %add3A_297 : i32
      %dma_wait3A_299 = tpu.memref_slice %arg2[%mul3A_7] : memref<320000xi32, #tpu.memory_space<hbm>> -> memref<160xi32, #tpu.memory_space<hbm>>
      %dma_wait3A_300 = tpu.memref_slice %arg2[%mul3A_7] : memref<320000xi32, #tpu.memory_space<hbm>> -> memref<160xi32, #tpu.memory_space<hbm>>
      tpu.wait_dma2 semaphore(%arg16 : memref<!tpu.dma_semaphore, #tpu.memory_space<semaphore_mem>>) src(%dma_wait3A_300 : memref<160xi32, #tpu.memory_space<hbm>>) dst(%arg6 : memref<160xi32, #tpu.memory_space<vmem>>)
      %dma_wait3A_301 = tpu.memref_slice %arg3[%mul3A_7] : memref<320000xi32, #tpu.memory_space<hbm>> -> memref<80xi32, #tpu.memory_space<hbm>>
      %dma_wait3A_302 = tpu.memref_slice %arg3[%mul3A_7] : memref<320000xi32, #tpu.memory_space<hbm>> -> memref<80xi32, #tpu.memory_space<hbm>>
      tpu.wait_dma2 semaphore(%arg16 : memref<!tpu.dma_semaphore, #tpu.memory_space<semaphore_mem>>) src(%dma_wait3A_302 : memref<80xi32, #tpu.memory_space<hbm>>) dst(%arg8 : memref<80xi32, #tpu.memory_space<vmem>>)
      %dma_wait3A_303 = tpu.memref_slice %arg3[%mul3A_7] : memref<320000xi32, #tpu.memory_space<hbm>> -> memref<80xi32, #tpu.memory_space<hbm>>
      %dma_wait3A_304 = tpu.memref_slice %arg3[%mul3A_7] : memref<320000xi32, #tpu.memory_space<hbm>> -> memref<80xi32, #tpu.memory_space<hbm>>
      tpu.wait_dma2 semaphore(%arg16 : memref<!tpu.dma_semaphore, #tpu.memory_space<semaphore_mem>>) src(%dma_wait3A_304 : memref<80xi32, #tpu.memory_space<hbm>>) dst(%arg9 : memref<80xi32, #tpu.memory_space<vmem>>)
      %dma_start3A_305 = arith.constant 0 : i32
      %dma_start3A_306 = arith.constant 0 : i32
      %dma_start3A_307 = tpu.memref_slice %arg12[%dma_start3A_305, %dma_start3A_306] : memref<160x128xf32, #tpu.memory_space<vmem>> -> memref<80x128xf32, #tpu.memory_space<vmem>>
      %dma_start3A_308 = arith.constant 0 : i32
      %dma_start3A_309 = tpu.memref_slice %arg6[%dma_start3A_308] : memref<160xi32, #tpu.memory_space<vmem>> -> memref<80xi32, #tpu.memory_space<vmem>>
      %dma_start3A_310 = arith.constant 0 : i32
      %dma_start3A_311 = arith.constant 0 : i32
      %dma_start3A_312 = tpu.memref_slice %arg4[%add3A_5, %dma_start3A_310, %dma_start3A_311] : memref<2x10240x128xf32, #tpu.memory_space<hbm>> -> memref<1x10240x128xf32, #tpu.memory_space<hbm>>
      %dma_start3A_313 = tpu.memref_squeeze %dma_start3A_312 : memref<1x10240x128xf32, #tpu.memory_space<hbm>> -> memref<10240x128xf32, #tpu.memory_space<hbm>>
      %dma_start3A_314 = arith.constant 0 : i32
      %dma_start3A_315 = arith.constant 0 : i32
      %dma_start3A_316 = tpu.memref_slice %dma_start3A_313[%dma_start3A_314, %dma_start3A_315] : memref<10240x128xf32, #tpu.memory_space<hbm>> -> memref<10240x128xf32, #tpu.memory_space<hbm>>
      tpu.enqueue_indirect_dma source(%dma_start3A_316 : memref<10240x128xf32, #tpu.memory_space<hbm>>) target(%dma_start3A_307 : memref<80x128xf32, #tpu.memory_space<vmem>>) offsets(%dma_start3A_309 : memref<80xi32, #tpu.memory_space<vmem>>) semaphore(%arg18 : memref<!tpu.dma_semaphore, #tpu.memory_space<semaphore_mem>>)
      %dma_start3A_317 = arith.constant 80 : i32
      %dma_start3A_318 = arith.constant 0 : i32
      %dma_start3A_319 = tpu.memref_slice %arg12[%dma_start3A_317, %dma_start3A_318] : memref<160x128xf32, #tpu.memory_space<vmem>> -> memref<80x128xf32, #tpu.memory_space<vmem>>
      %dma_start3A_320 = arith.constant 80 : i32
      %dma_start3A_321 = tpu.memref_slice %arg6[%dma_start3A_320] : memref<160xi32, #tpu.memory_space<vmem>> -> memref<80xi32, #tpu.memory_space<vmem>>
      %dma_start3A_322 = arith.constant 0 : i32
      %dma_start3A_323 = arith.constant 0 : i32
      %dma_start3A_324 = tpu.memref_slice %arg4[%add3A_5, %dma_start3A_322, %dma_start3A_323] : memref<2x10240x128xf32, #tpu.memory_space<hbm>> -> memref<1x10240x128xf32, #tpu.memory_space<hbm>>
      %dma_start3A_325 = tpu.memref_squeeze %dma_start3A_324 : memref<1x10240x128xf32, #tpu.memory_space<hbm>> -> memref<10240x128xf32, #tpu.memory_space<hbm>>
      %dma_start3A_326 = arith.constant 0 : i32
      %dma_start3A_327 = arith.constant 0 : i32
      %dma_start3A_328 = tpu.memref_slice %dma_start3A_325[%dma_start3A_326, %dma_start3A_327] : memref<10240x128xf32, #tpu.memory_space<hbm>> -> memref<10240x128xf32, #tpu.memory_space<hbm>>
      tpu.enqueue_indirect_dma source(%dma_start3A_328 : memref<10240x128xf32, #tpu.memory_space<hbm>>) target(%dma_start3A_319 : memref<80x128xf32, #tpu.memory_space<vmem>>) offsets(%dma_start3A_321 : memref<80xi32, #tpu.memory_space<vmem>>) semaphore(%arg18 : memref<!tpu.dma_semaphore, #tpu.memory_space<semaphore_mem>>)
      %dma_wait3A_329 = arith.constant 0 : i32
      %dma_wait3A_330 = arith.constant 0 : i32
      %dma_wait3A_331 = tpu.memref_slice %arg13[%dma_wait3A_329, %dma_wait3A_330] : memref<160x128xf32, #tpu.memory_space<vmem>> -> memref<80x128xf32, #tpu.memory_space<vmem>>
      %dma_wait3A_332 = arith.constant 0 : i32
      %dma_wait3A_333 = tpu.memref_slice %arg7[%dma_wait3A_332] : memref<160xi32, #tpu.memory_space<vmem>> -> memref<80xi32, #tpu.memory_space<vmem>>
      %dma_wait3A_334 = arith.constant 0 : i32
      %dma_wait3A_335 = arith.constant 0 : i32
      %dma_wait3A_336 = tpu.memref_slice %arg4[%add3A_5, %dma_wait3A_334, %dma_wait3A_335] : memref<2x10240x128xf32, #tpu.memory_space<hbm>> -> memref<1x10240x128xf32, #tpu.memory_space<hbm>>
      %dma_wait3A_337 = tpu.memref_squeeze %dma_wait3A_336 : memref<1x10240x128xf32, #tpu.memory_space<hbm>> -> memref<10240x128xf32, #tpu.memory_space<hbm>>
      %dma_wait3A_338 = arith.constant 0 : i32
      %dma_wait3A_339 = arith.constant 0 : i32
      %dma_wait3A_340 = tpu.memref_slice %dma_wait3A_337[%dma_wait3A_338, %dma_wait3A_339] : memref<10240x128xf32, #tpu.memory_space<hbm>> -> memref<10240x128xf32, #tpu.memory_space<hbm>>
      tpu.wait_indirect_dma semaphore(%arg19 : memref<!tpu.dma_semaphore, #tpu.memory_space<semaphore_mem>>) src(%dma_wait3A_340 : memref<10240x128xf32, #tpu.memory_space<hbm>>) dst(%dma_wait3A_331 : memref<80x128xf32, #tpu.memory_space<vmem>>)
      %dma_wait3A_341 = arith.constant 80 : i32
      %dma_wait3A_342 = arith.constant 0 : i32
      %dma_wait3A_343 = tpu.memref_slice %arg13[%dma_wait3A_341, %dma_wait3A_342] : memref<160x128xf32, #tpu.memory_space<vmem>> -> memref<80x128xf32, #tpu.memory_space<vmem>>
      %dma_wait3A_344 = arith.constant 80 : i32
      %dma_wait3A_345 = tpu.memref_slice %arg7[%dma_wait3A_344] : memref<160xi32, #tpu.memory_space<vmem>> -> memref<80xi32, #tpu.memory_space<vmem>>
      %dma_wait3A_346 = arith.constant 0 : i32
      %dma_wait3A_347 = arith.constant 0 : i32
      %dma_wait3A_348 = tpu.memref_slice %arg4[%add3A_5, %dma_wait3A_346, %dma_wait3A_347] : memref<2x10240x128xf32, #tpu.memory_space<hbm>> -> memref<1x10240x128xf32, #tpu.memory_space<hbm>>
      %dma_wait3A_349 = tpu.memref_squeeze %dma_wait3A_348 : memref<1x10240x128xf32, #tpu.memory_space<hbm>> -> memref<10240x128xf32, #tpu.memory_space<hbm>>
      %dma_wait3A_350 = arith.constant 0 : i32
      %dma_wait3A_351 = arith.constant 0 : i32
      %dma_wait3A_352 = tpu.memref_slice %dma_wait3A_349[%dma_wait3A_350, %dma_wait3A_351] : memref<10240x128xf32, #tpu.memory_space<hbm>> -> memref<10240x128xf32, #tpu.memory_space<hbm>>
      tpu.wait_indirect_dma semaphore(%arg19 : memref<!tpu.dma_semaphore, #tpu.memory_space<semaphore_mem>>) src(%dma_wait3A_352 : memref<10240x128xf32, #tpu.memory_space<hbm>>) dst(%dma_wait3A_343 : memref<80x128xf32, #tpu.memory_space<vmem>>)
      "tpu.region"() ({
        %run_scoped3A = tpu.sem_alloc : memref<!tpu.dma_semaphore, #tpu.memory_space<semaphore_mem>>
        %dma_start3A_368 = arith.constant 0 : i32
        %dma_start3A_369 = arith.constant 0 : i32
        %dma_start3A_370 = tpu.memref_slice %arg13[%dma_start3A_368, %dma_start3A_369] : memref<160x128xf32, #tpu.memory_space<vmem>> -> memref<80x128xf32, #tpu.memory_space<vmem>>
        %dma_start3A_371 = arith.constant 0 : i32
        %dma_start3A_372 = arith.constant 0 : i32
        %dma_start3A_373 = tpu.memref_slice %arg15[%dma_start3A_371, %dma_start3A_372] : memref<10240x128xf32, #tpu.memory_space<vmem_shared>> -> memref<10240x128xf32, #tpu.memory_space<vmem_shared>>
        tpu.enqueue_indirect_dma source(%dma_start3A_370 : memref<80x128xf32, #tpu.memory_space<vmem>>) target(%dma_start3A_373 : memref<10240x128xf32, #tpu.memory_space<vmem_shared>>) offsets(%arg10 : memref<80xi32, #tpu.memory_space<vmem>>) semaphore(%run_scoped3A : memref<!tpu.dma_semaphore, #tpu.memory_space<semaphore_mem>>) {add = true}
        %dma_wait3A_374 = arith.constant 0 : i32
        %dma_wait3A_375 = arith.constant 0 : i32
        %dma_wait3A_376 = tpu.memref_slice %arg13[%dma_wait3A_374, %dma_wait3A_375] : memref<160x128xf32, #tpu.memory_space<vmem>> -> memref<80x128xf32, #tpu.memory_space<vmem>>
        %dma_wait3A_377 = arith.constant 0 : i32
        %dma_wait3A_378 = arith.constant 0 : i32
        %dma_wait3A_379 = tpu.memref_slice %arg15[%dma_wait3A_377, %dma_wait3A_378] : memref<10240x128xf32, #tpu.memory_space<vmem_shared>> -> memref<10240x128xf32, #tpu.memory_space<vmem_shared>>
        tpu.wait_indirect_dma semaphore(%run_scoped3A : memref<!tpu.dma_semaphore, #tpu.memory_space<semaphore_mem>>) src(%dma_wait3A_376 : memref<80x128xf32, #tpu.memory_space<vmem>>) dst(%dma_wait3A_379 : memref<10240x128xf32, #tpu.memory_space<vmem_shared>>)
        tpu.yield
      }) : () -> ()
      "tpu.region"() ({
        %run_scoped3A = tpu.sem_alloc : memref<!tpu.dma_semaphore, #tpu.memory_space<semaphore_mem>>
        %dma_start3A_368 = arith.constant 80 : i32
        %dma_start3A_369 = arith.constant 0 : i32
        %dma_start3A_370 = tpu.memref_slice %arg13[%dma_start3A_368, %dma_start3A_369] : memref<160x128xf32, #tpu.memory_space<vmem>> -> memref<80x128xf32, #tpu.memory_space<vmem>>
        %dma_start3A_371 = arith.constant 0 : i32
        %dma_start3A_372 = arith.constant 0 : i32
        %dma_start3A_373 = tpu.memref_slice %arg15[%dma_start3A_371, %dma_start3A_372] : memref<10240x128xf32, #tpu.memory_space<vmem_shared>> -> memref<10240x128xf32, #tpu.memory_space<vmem_shared>>
        tpu.enqueue_indirect_dma source(%dma_start3A_370 : memref<80x128xf32, #tpu.memory_space<vmem>>) target(%dma_start3A_373 : memref<10240x128xf32, #tpu.memory_space<vmem_shared>>) offsets(%arg11 : memref<80xi32, #tpu.memory_space<vmem>>) semaphore(%run_scoped3A : memref<!tpu.dma_semaphore, #tpu.memory_space<semaphore_mem>>) {add = true}
        %dma_wait3A_374 = arith.constant 80 : i32
        %dma_wait3A_375 = arith.constant 0 : i32
        %dma_wait3A_376 = tpu.memref_slice %arg13[%dma_wait3A_374, %dma_wait3A_375] : memref<160x128xf32, #tpu.memory_space<vmem>> -> memref<80x128xf32, #tpu.memory_space<vmem>>
        %dma_wait3A_377 = arith.constant 0 : i32
        %dma_wait3A_378 = arith.constant 0 : i32
        %dma_wait3A_379 = tpu.memref_slice %arg15[%dma_wait3A_377, %dma_wait3A_378] : memref<10240x128xf32, #tpu.memory_space<vmem_shared>> -> memref<10240x128xf32, #tpu.memory_space<vmem_shared>>
        tpu.wait_indirect_dma semaphore(%run_scoped3A : memref<!tpu.dma_semaphore, #tpu.memory_space<semaphore_mem>>) src(%dma_wait3A_376 : memref<80x128xf32, #tpu.memory_space<vmem>>) dst(%dma_wait3A_379 : memref<10240x128xf32, #tpu.memory_space<vmem_shared>>)
        tpu.yield
      }) : () -> ()
      %add3A_353 = arith.constant 1 : i32
      %add3A_354 = arith.addi %add3A_298, %add3A_353 : i32
      %mul3A_355 = arith.constant 160 : i32
      %mul3A_356 = arith.muli %add3A_354, %mul3A_355 : i32
      %add3A_357 = arith.addi %mul3A_7, %mul3A_356 : i32
      %dma_start3A_358 = tpu.memref_slice %arg2[%add3A_357] : memref<320000xi32, #tpu.memory_space<hbm>> -> memref<160xi32, #tpu.memory_space<hbm>>
      %dma_start3A_359 = tpu.memref_slice %arg2[%add3A_357] : memref<320000xi32, #tpu.memory_space<hbm>> -> memref<160xi32, #tpu.memory_space<hbm>>
      tpu.enqueue_dma source(%dma_start3A_359 : memref<160xi32, #tpu.memory_space<hbm>>) target(%arg7 : memref<160xi32, #tpu.memory_space<vmem>>) target_semaphore(%arg17 : memref<!tpu.dma_semaphore, #tpu.memory_space<semaphore_mem>>)
      %add3A_360 = arith.constant 0 : i32
      %add3A_361 = arith.addi %add3A_357, %add3A_360 : i32
      %dma_start3A_362 = tpu.memref_slice %arg3[%add3A_361] : memref<320000xi32, #tpu.memory_space<hbm>> -> memref<80xi32, #tpu.memory_space<hbm>>
      %dma_start3A_363 = tpu.memref_slice %arg3[%add3A_361] : memref<320000xi32, #tpu.memory_space<hbm>> -> memref<80xi32, #tpu.memory_space<hbm>>
      tpu.enqueue_dma source(%dma_start3A_363 : memref<80xi32, #tpu.memory_space<hbm>>) target(%arg10 : memref<80xi32, #tpu.memory_space<vmem>>) target_semaphore(%arg17 : memref<!tpu.dma_semaphore, #tpu.memory_space<semaphore_mem>>)
      %add3A_364 = arith.constant 80 : i32
      %add3A_365 = arith.addi %add3A_357, %add3A_364 : i32
      %dma_start3A_366 = tpu.memref_slice %arg3[%add3A_365] : memref<320000xi32, #tpu.memory_space<hbm>> -> memref<80xi32, #tpu.memory_space<hbm>>
      %dma_start3A_367 = tpu.memref_slice %arg3[%add3A_365] : memref<320000xi32, #tpu.memory_space<hbm>> -> memref<80xi32, #tpu.memory_space<hbm>>
      tpu.enqueue_dma source(%dma_start3A_367 : memref<80xi32, #tpu.memory_space<hbm>>) target(%arg11 : memref<80xi32, #tpu.memory_space<vmem>>) target_semaphore(%arg17 : memref<!tpu.dma_semaphore, #tpu.memory_space<semaphore_mem>>)
    }
    %scan3A_69 = arith.constant 61 : i32
    %dma_wait3A_70 = tpu.memref_slice %arg2[%mul3A_7] : memref<320000xi32, #tpu.memory_space<hbm>> -> memref<160xi32, #tpu.memory_space<hbm>>
    %dma_wait3A_71 = tpu.memref_slice %arg2[%mul3A_7] : memref<320000xi32, #tpu.memory_space<hbm>> -> memref<160xi32, #tpu.memory_space<hbm>>
    tpu.wait_dma2 semaphore(%arg17 : memref<!tpu.dma_semaphore, #tpu.memory_space<semaphore_mem>>) src(%dma_wait3A_71 : memref<160xi32, #tpu.memory_space<hbm>>) dst(%arg7 : memref<160xi32, #tpu.memory_space<vmem>>)
    %dma_wait3A_72 = tpu.memref_slice %arg3[%mul3A_7] : memref<320000xi32, #tpu.memory_space<hbm>> -> memref<80xi32, #tpu.memory_space<hbm>>
    %dma_wait3A_73 = tpu.memref_slice %arg3[%mul3A_7] : memref<320000xi32, #tpu.memory_space<hbm>> -> memref<80xi32, #tpu.memory_space<hbm>>
    tpu.wait_dma2 semaphore(%arg17 : memref<!tpu.dma_semaphore, #tpu.memory_space<semaphore_mem>>) src(%dma_wait3A_73 : memref<80xi32, #tpu.memory_space<hbm>>) dst(%arg10 : memref<80xi32, #tpu.memory_space<vmem>>)
    %dma_wait3A_74 = tpu.memref_slice %arg3[%mul3A_7] : memref<320000xi32, #tpu.memory_space<hbm>> -> memref<80xi32, #tpu.memory_space<hbm>>
    %dma_wait3A_75 = tpu.memref_slice %arg3[%mul3A_7] : memref<320000xi32, #tpu.memory_space<hbm>> -> memref<80xi32, #tpu.memory_space<hbm>>
    tpu.wait_dma2 semaphore(%arg17 : memref<!tpu.dma_semaphore, #tpu.memory_space<semaphore_mem>>) src(%dma_wait3A_75 : memref<80xi32, #tpu.memory_space<hbm>>) dst(%arg11 : memref<80xi32, #tpu.memory_space<vmem>>)
    %dma_start3A_76 = arith.constant 0 : i32
    %dma_start3A_77 = arith.constant 0 : i32
    %dma_start3A_78 = tpu.memref_slice %arg13[%dma_start3A_76, %dma_start3A_77] : memref<160x128xf32, #tpu.memory_space<vmem>> -> memref<80x128xf32, #tpu.memory_space<vmem>>
    %dma_start3A_79 = arith.constant 0 : i32
    %dma_start3A_80 = tpu.memref_slice %arg7[%dma_start3A_79] : memref<160xi32, #tpu.memory_space<vmem>> -> memref<80xi32, #tpu.memory_space<vmem>>
    %dma_start3A_81 = arith.constant 0 : i32
    %dma_start3A_82 = arith.constant 0 : i32
    %dma_start3A_83 = tpu.memref_slice %arg4[%add3A_5, %dma_start3A_81, %dma_start3A_82] : memref<2x10240x128xf32, #tpu.memory_space<hbm>> -> memref<1x10240x128xf32, #tpu.memory_space<hbm>>
    %dma_start3A_84 = tpu.memref_squeeze %dma_start3A_83 : memref<1x10240x128xf32, #tpu.memory_space<hbm>> -> memref<10240x128xf32, #tpu.memory_space<hbm>>
    %dma_start3A_85 = arith.constant 0 : i32
    %dma_start3A_86 = arith.constant 0 : i32
    %dma_start3A_87 = tpu.memref_slice %dma_start3A_84[%dma_start3A_85, %dma_start3A_86] : memref<10240x128xf32, #tpu.memory_space<hbm>> -> memref<10240x128xf32, #tpu.memory_space<hbm>>
    tpu.enqueue_indirect_dma source(%dma_start3A_87 : memref<10240x128xf32, #tpu.memory_space<hbm>>) target(%dma_start3A_78 : memref<80x128xf32, #tpu.memory_space<vmem>>) offsets(%dma_start3A_80 : memref<80xi32, #tpu.memory_space<vmem>>) semaphore(%arg19 : memref<!tpu.dma_semaphore, #tpu.memory_space<semaphore_mem>>)
    %dma_start3A_88 = arith.constant 80 : i32
    %dma_start3A_89 = arith.constant 0 : i32
    %dma_start3A_90 = tpu.memref_slice %arg13[%dma_start3A_88, %dma_start3A_89] : memref<160x128xf32, #tpu.memory_space<vmem>> -> memref<80x128xf32, #tpu.memory_space<vmem>>
    %dma_start3A_91 = arith.constant 80 : i32
    %dma_start3A_92 = tpu.memref_slice %arg7[%dma_start3A_91] : memref<160xi32, #tpu.memory_space<vmem>> -> memref<80xi32, #tpu.memory_space<vmem>>
    %dma_start3A_93 = arith.constant 0 : i32
    %dma_start3A_94 = arith.constant 0 : i32
    %dma_start3A_95 = tpu.memref_slice %arg4[%add3A_5, %dma_start3A_93, %dma_start3A_94] : memref<2x10240x128xf32, #tpu.memory_space<hbm>> -> memref<1x10240x128xf32, #tpu.memory_space<hbm>>
    %dma_start3A_96 = tpu.memref_squeeze %dma_start3A_95 : memref<1x10240x128xf32, #tpu.memory_space<hbm>> -> memref<10240x128xf32, #tpu.memory_space<hbm>>
    %dma_start3A_97 = arith.constant 0 : i32
    %dma_start3A_98 = arith.constant 0 : i32
    %dma_start3A_99 = tpu.memref_slice %dma_start3A_96[%dma_start3A_97, %dma_start3A_98] : memref<10240x128xf32, #tpu.memory_space<hbm>> -> memref<10240x128xf32, #tpu.memory_space<hbm>>
    tpu.enqueue_indirect_dma source(%dma_start3A_99 : memref<10240x128xf32, #tpu.memory_space<hbm>>) target(%dma_start3A_90 : memref<80x128xf32, #tpu.memory_space<vmem>>) offsets(%dma_start3A_92 : memref<80xi32, #tpu.memory_space<vmem>>) semaphore(%arg19 : memref<!tpu.dma_semaphore, #tpu.memory_space<semaphore_mem>>)
    %dma_wait3A_100 = arith.constant 0 : i32
    %dma_wait3A_101 = arith.constant 0 : i32
    %dma_wait3A_102 = tpu.memref_slice %arg12[%dma_wait3A_100, %dma_wait3A_101] : memref<160x128xf32, #tpu.memory_space<vmem>> -> memref<80x128xf32, #tpu.memory_space<vmem>>
    %dma_wait3A_103 = arith.constant 0 : i32
    %dma_wait3A_104 = tpu.memref_slice %arg6[%dma_wait3A_103] : memref<160xi32, #tpu.memory_space<vmem>> -> memref<80xi32, #tpu.memory_space<vmem>>
    %dma_wait3A_105 = arith.constant 0 : i32
    %dma_wait3A_106 = arith.constant 0 : i32
    %dma_wait3A_107 = tpu.memref_slice %arg4[%add3A_5, %dma_wait3A_105, %dma_wait3A_106] : memref<2x10240x128xf32, #tpu.memory_space<hbm>> -> memref<1x10240x128xf32, #tpu.memory_space<hbm>>
    %dma_wait3A_108 = tpu.memref_squeeze %dma_wait3A_107 : memref<1x10240x128xf32, #tpu.memory_space<hbm>> -> memref<10240x128xf32, #tpu.memory_space<hbm>>
    %dma_wait3A_109 = arith.constant 0 : i32
    %dma_wait3A_110 = arith.constant 0 : i32
    %dma_wait3A_111 = tpu.memref_slice %dma_wait3A_108[%dma_wait3A_109, %dma_wait3A_110] : memref<10240x128xf32, #tpu.memory_space<hbm>> -> memref<10240x128xf32, #tpu.memory_space<hbm>>
    tpu.wait_indirect_dma semaphore(%arg18 : memref<!tpu.dma_semaphore, #tpu.memory_space<semaphore_mem>>) src(%dma_wait3A_111 : memref<10240x128xf32, #tpu.memory_space<hbm>>) dst(%dma_wait3A_102 : memref<80x128xf32, #tpu.memory_space<vmem>>)
    %dma_wait3A_112 = arith.constant 80 : i32
    %dma_wait3A_113 = arith.constant 0 : i32
    %dma_wait3A_114 = tpu.memref_slice %arg12[%dma_wait3A_112, %dma_wait3A_113] : memref<160x128xf32, #tpu.memory_space<vmem>> -> memref<80x128xf32, #tpu.memory_space<vmem>>
    %dma_wait3A_115 = arith.constant 80 : i32
    %dma_wait3A_116 = tpu.memref_slice %arg6[%dma_wait3A_115] : memref<160xi32, #tpu.memory_space<vmem>> -> memref<80xi32, #tpu.memory_space<vmem>>
    %dma_wait3A_117 = arith.constant 0 : i32
    %dma_wait3A_118 = arith.constant 0 : i32
    %dma_wait3A_119 = tpu.memref_slice %arg4[%add3A_5, %dma_wait3A_117, %dma_wait3A_118] : memref<2x10240x128xf32, #tpu.memory_space<hbm>> -> memref<1x10240x128xf32, #tpu.memory_space<hbm>>
    %dma_wait3A_120 = tpu.memref_squeeze %dma_wait3A_119 : memref<1x10240x128xf32, #tpu.memory_space<hbm>> -> memref<10240x128xf32, #tpu.memory_space<hbm>>
    %dma_wait3A_121 = arith.constant 0 : i32
    %dma_wait3A_122 = arith.constant 0 : i32
    %dma_wait3A_123 = tpu.memref_slice %dma_wait3A_120[%dma_wait3A_121, %dma_wait3A_122] : memref<10240x128xf32, #tpu.memory_space<hbm>> -> memref<10240x128xf32, #tpu.memory_space<hbm>>
    tpu.wait_indirect_dma semaphore(%arg18 : memref<!tpu.dma_semaphore, #tpu.memory_space<semaphore_mem>>) src(%dma_wait3A_123 : memref<10240x128xf32, #tpu.memory_space<hbm>>) dst(%dma_wait3A_114 : memref<80x128xf32, #tpu.memory_space<vmem>>)
    "tpu.region"() ({
      %run_scoped3A = tpu.sem_alloc : memref<!tpu.dma_semaphore, #tpu.memory_space<semaphore_mem>>
      %dma_start3A_219 = arith.constant 0 : i32
      %dma_start3A_220 = arith.constant 0 : i32
      %dma_start3A_221 = tpu.memref_slice %arg12[%dma_start3A_219, %dma_start3A_220] : memref<160x128xf32, #tpu.memory_space<vmem>> -> memref<80x128xf32, #tpu.memory_space<vmem>>
      %dma_start3A_222 = arith.constant 0 : i32
      %dma_start3A_223 = arith.constant 0 : i32
      %dma_start3A_224 = tpu.memref_slice %arg15[%dma_start3A_222, %dma_start3A_223] : memref<10240x128xf32, #tpu.memory_space<vmem_shared>> -> memref<10240x128xf32, #tpu.memory_space<vmem_shared>>
      tpu.enqueue_indirect_dma source(%dma_start3A_221 : memref<80x128xf32, #tpu.memory_space<vmem>>) target(%dma_start3A_224 : memref<10240x128xf32, #tpu.memory_space<vmem_shared>>) offsets(%arg8 : memref<80xi32, #tpu.memory_space<vmem>>) semaphore(%run_scoped3A : memref<!tpu.dma_semaphore, #tpu.memory_space<semaphore_mem>>) {add = true}
      %dma_wait3A_225 = arith.constant 0 : i32
      %dma_wait3A_226 = arith.constant 0 : i32
      %dma_wait3A_227 = tpu.memref_slice %arg12[%dma_wait3A_225, %dma_wait3A_226] : memref<160x128xf32, #tpu.memory_space<vmem>> -> memref<80x128xf32, #tpu.memory_space<vmem>>
      %dma_wait3A_228 = arith.constant 0 : i32
      %dma_wait3A_229 = arith.constant 0 : i32
      %dma_wait3A_230 = tpu.memref_slice %arg15[%dma_wait3A_228, %dma_wait3A_229] : memref<10240x128xf32, #tpu.memory_space<vmem_shared>> -> memref<10240x128xf32, #tpu.memory_space<vmem_shared>>
      tpu.wait_indirect_dma semaphore(%run_scoped3A : memref<!tpu.dma_semaphore, #tpu.memory_space<semaphore_mem>>) src(%dma_wait3A_227 : memref<80x128xf32, #tpu.memory_space<vmem>>) dst(%dma_wait3A_230 : memref<10240x128xf32, #tpu.memory_space<vmem_shared>>)
      tpu.yield
    }) : () -> ()
    "tpu.region"() ({
      %run_scoped3A = tpu.sem_alloc : memref<!tpu.dma_semaphore, #tpu.memory_space<semaphore_mem>>
      %dma_start3A_219 = arith.constant 80 : i32
      %dma_start3A_220 = arith.constant 0 : i32
      %dma_start3A_221 = tpu.memref_slice %arg12[%dma_start3A_219, %dma_start3A_220] : memref<160x128xf32, #tpu.memory_space<vmem>> -> memref<80x128xf32, #tpu.memory_space<vmem>>
      %dma_start3A_222 = arith.constant 0 : i32
      %dma_start3A_223 = arith.constant 0 : i32
      %dma_start3A_224 = tpu.memref_slice %arg15[%dma_start3A_222, %dma_start3A_223] : memref<10240x128xf32, #tpu.memory_space<vmem_shared>> -> memref<10240x128xf32, #tpu.memory_space<vmem_shared>>
      tpu.enqueue_indirect_dma source(%dma_start3A_221 : memref<80x128xf32, #tpu.memory_space<vmem>>) target(%dma_start3A_224 : memref<10240x128xf32, #tpu.memory_space<vmem_shared>>) offsets(%arg9 : memref<80xi32, #tpu.memory_space<vmem>>) semaphore(%run_scoped3A : memref<!tpu.dma_semaphore, #tpu.memory_space<semaphore_mem>>) {add = true}
      %dma_wait3A_225 = arith.constant 80 : i32
      %dma_wait3A_226 = arith.constant 0 : i32
      %dma_wait3A_227 = tpu.memref_slice %arg12[%dma_wait3A_225, %dma_wait3A_226] : memref<160x128xf32, #tpu.memory_space<vmem>> -> memref<80x128xf32, #tpu.memory_space<vmem>>
      %dma_wait3A_228 = arith.constant 0 : i32
      %dma_wait3A_229 = arith.constant 0 : i32
      %dma_wait3A_230 = tpu.memref_slice %arg15[%dma_wait3A_228, %dma_wait3A_229] : memref<10240x128xf32, #tpu.memory_space<vmem_shared>> -> memref<10240x128xf32, #tpu.memory_space<vmem_shared>>
      tpu.wait_indirect_dma semaphore(%run_scoped3A : memref<!tpu.dma_semaphore, #tpu.memory_space<semaphore_mem>>) src(%dma_wait3A_227 : memref<80x128xf32, #tpu.memory_space<vmem>>) dst(%dma_wait3A_230 : memref<10240x128xf32, #tpu.memory_space<vmem_shared>>)
      tpu.yield
    }) : () -> ()
    %add3A_124 = arith.constant 19840 : i32
    %add3A_125 = arith.addi %mul3A_7, %add3A_124 : i32
    %dma_start3A_126 = tpu.memref_slice %arg2[%add3A_125] : memref<320000xi32, #tpu.memory_space<hbm>> -> memref<160xi32, #tpu.memory_space<hbm>>
    %dma_start3A_127 = tpu.memref_slice %arg2[%add3A_125] : memref<320000xi32, #tpu.memory_space<hbm>> -> memref<160xi32, #tpu.memory_space<hbm>>
    tpu.enqueue_dma source(%dma_start3A_127 : memref<160xi32, #tpu.memory_space<hbm>>) target(%arg6 : memref<160xi32, #tpu.memory_space<vmem>>) target_semaphore(%arg16 : memref<!tpu.dma_semaphore, #tpu.memory_space<semaphore_mem>>)
    %add3A_128 = arith.constant 0 : i32
    %add3A_129 = arith.addi %add3A_125, %add3A_128 : i32
    %dma_start3A_130 = tpu.memref_slice %arg3[%add3A_129] : memref<320000xi32, #tpu.memory_space<hbm>> -> memref<80xi32, #tpu.memory_space<hbm>>
    %dma_start3A_131 = tpu.memref_slice %arg3[%add3A_129] : memref<320000xi32, #tpu.memory_space<hbm>> -> memref<80xi32, #tpu.memory_space<hbm>>
    tpu.enqueue_dma source(%dma_start3A_131 : memref<80xi32, #tpu.memory_space<hbm>>) target(%arg8 : memref<80xi32, #tpu.memory_space<vmem>>) target_semaphore(%arg16 : memref<!tpu.dma_semaphore, #tpu.memory_space<semaphore_mem>>)
    %add3A_132 = arith.constant 80 : i32
    %add3A_133 = arith.addi %add3A_125, %add3A_132 : i32
    %dma_start3A_134 = tpu.memref_slice %arg3[%add3A_133] : memref<320000xi32, #tpu.memory_space<hbm>> -> memref<80xi32, #tpu.memory_space<hbm>>
    %dma_start3A_135 = tpu.memref_slice %arg3[%add3A_133] : memref<320000xi32, #tpu.memory_space<hbm>> -> memref<80xi32, #tpu.memory_space<hbm>>
    tpu.enqueue_dma source(%dma_start3A_135 : memref<80xi32, #tpu.memory_space<hbm>>) target(%arg9 : memref<80xi32, #tpu.memory_space<vmem>>) target_semaphore(%arg16 : memref<!tpu.dma_semaphore, #tpu.memory_space<semaphore_mem>>)
    %dma_wait3A_136 = tpu.memref_slice %arg2[%mul3A_7] : memref<320000xi32, #tpu.memory_space<hbm>> -> memref<160xi32, #tpu.memory_space<hbm>>
    %dma_wait3A_137 = tpu.memref_slice %arg2[%mul3A_7] : memref<320000xi32, #tpu.memory_space<hbm>> -> memref<160xi32, #tpu.memory_space<hbm>>
    tpu.wait_dma2 semaphore(%arg16 : memref<!tpu.dma_semaphore, #tpu.memory_space<semaphore_mem>>) src(%dma_wait3A_137 : memref<160xi32, #tpu.memory_space<hbm>>) dst(%arg6 : memref<160xi32, #tpu.memory_space<vmem>>)
    %dma_wait3A_138 = tpu.memref_slice %arg3[%mul3A_7] : memref<320000xi32, #tpu.memory_space<hbm>> -> memref<80xi32, #tpu.memory_space<hbm>>
    %dma_wait3A_139 = tpu.memref_slice %arg3[%mul3A_7] : memref<320000xi32, #tpu.memory_space<hbm>> -> memref<80xi32, #tpu.memory_space<hbm>>
    tpu.wait_dma2 semaphore(%arg16 : memref<!tpu.dma_semaphore, #tpu.memory_space<semaphore_mem>>) src(%dma_wait3A_139 : memref<80xi32, #tpu.memory_space<hbm>>) dst(%arg8 : memref<80xi32, #tpu.memory_space<vmem>>)
    %dma_wait3A_140 = tpu.memref_slice %arg3[%mul3A_7] : memref<320000xi32, #tpu.memory_space<hbm>> -> memref<80xi32, #tpu.memory_space<hbm>>
    %dma_wait3A_141 = tpu.memref_slice %arg3[%mul3A_7] : memref<320000xi32, #tpu.memory_space<hbm>> -> memref<80xi32, #tpu.memory_space<hbm>>
    tpu.wait_dma2 semaphore(%arg16 : memref<!tpu.dma_semaphore, #tpu.memory_space<semaphore_mem>>) src(%dma_wait3A_141 : memref<80xi32, #tpu.memory_space<hbm>>) dst(%arg9 : memref<80xi32, #tpu.memory_space<vmem>>)
    %dma_start3A_142 = arith.constant 0 : i32
    %dma_start3A_143 = arith.constant 0 : i32
    %dma_start3A_144 = tpu.memref_slice %arg12[%dma_start3A_142, %dma_start3A_143] : memref<160x128xf32, #tpu.memory_space<vmem>> -> memref<80x128xf32, #tpu.memory_space<vmem>>
    %dma_start3A_145 = arith.constant 0 : i32
    %dma_start3A_146 = tpu.memref_slice %arg6[%dma_start3A_145] : memref<160xi32, #tpu.memory_space<vmem>> -> memref<80xi32, #tpu.memory_space<vmem>>
    %dma_start3A_147 = arith.constant 0 : i32
    %dma_start3A_148 = arith.constant 0 : i32
    %dma_start3A_149 = tpu.memref_slice %arg4[%add3A_5, %dma_start3A_147, %dma_start3A_148] : memref<2x10240x128xf32, #tpu.memory_space<hbm>> -> memref<1x10240x128xf32, #tpu.memory_space<hbm>>
    %dma_start3A_150 = tpu.memref_squeeze %dma_start3A_149 : memref<1x10240x128xf32, #tpu.memory_space<hbm>> -> memref<10240x128xf32, #tpu.memory_space<hbm>>
    %dma_start3A_151 = arith.constant 0 : i32
    %dma_start3A_152 = arith.constant 0 : i32
    %dma_start3A_153 = tpu.memref_slice %dma_start3A_150[%dma_start3A_151, %dma_start3A_152] : memref<10240x128xf32, #tpu.memory_space<hbm>> -> memref<10240x128xf32, #tpu.memory_space<hbm>>
    tpu.enqueue_indirect_dma source(%dma_start3A_153 : memref<10240x128xf32, #tpu.memory_space<hbm>>) target(%dma_start3A_144 : memref<80x128xf32, #tpu.memory_space<vmem>>) offsets(%dma_start3A_146 : memref<80xi32, #tpu.memory_space<vmem>>) semaphore(%arg18 : memref<!tpu.dma_semaphore, #tpu.memory_space<semaphore_mem>>)
    %dma_start3A_154 = arith.constant 80 : i32
    %dma_start3A_155 = arith.constant 0 : i32
    %dma_start3A_156 = tpu.memref_slice %arg12[%dma_start3A_154, %dma_start3A_155] : memref<160x128xf32, #tpu.memory_space<vmem>> -> memref<80x128xf32, #tpu.memory_space<vmem>>
    %dma_start3A_157 = arith.constant 80 : i32
    %dma_start3A_158 = tpu.memref_slice %arg6[%dma_start3A_157] : memref<160xi32, #tpu.memory_space<vmem>> -> memref<80xi32, #tpu.memory_space<vmem>>
    %dma_start3A_159 = arith.constant 0 : i32
    %dma_start3A_160 = arith.constant 0 : i32
    %dma_start3A_161 = tpu.memref_slice %arg4[%add3A_5, %dma_start3A_159, %dma_start3A_160] : memref<2x10240x128xf32, #tpu.memory_space<hbm>> -> memref<1x10240x128xf32, #tpu.memory_space<hbm>>
    %dma_start3A_162 = tpu.memref_squeeze %dma_start3A_161 : memref<1x10240x128xf32, #tpu.memory_space<hbm>> -> memref<10240x128xf32, #tpu.memory_space<hbm>>
    %dma_start3A_163 = arith.constant 0 : i32
    %dma_start3A_164 = arith.constant 0 : i32
    %dma_start3A_165 = tpu.memref_slice %dma_start3A_162[%dma_start3A_163, %dma_start3A_164] : memref<10240x128xf32, #tpu.memory_space<hbm>> -> memref<10240x128xf32, #tpu.memory_space<hbm>>
    tpu.enqueue_indirect_dma source(%dma_start3A_165 : memref<10240x128xf32, #tpu.memory_space<hbm>>) target(%dma_start3A_156 : memref<80x128xf32, #tpu.memory_space<vmem>>) offsets(%dma_start3A_158 : memref<80xi32, #tpu.memory_space<vmem>>) semaphore(%arg18 : memref<!tpu.dma_semaphore, #tpu.memory_space<semaphore_mem>>)
    %dma_wait3A_166 = arith.constant 0 : i32
    %dma_wait3A_167 = arith.constant 0 : i32
    %dma_wait3A_168 = tpu.memref_slice %arg13[%dma_wait3A_166, %dma_wait3A_167] : memref<160x128xf32, #tpu.memory_space<vmem>> -> memref<80x128xf32, #tpu.memory_space<vmem>>
    %dma_wait3A_169 = arith.constant 0 : i32
    %dma_wait3A_170 = tpu.memref_slice %arg7[%dma_wait3A_169] : memref<160xi32, #tpu.memory_space<vmem>> -> memref<80xi32, #tpu.memory_space<vmem>>
    %dma_wait3A_171 = arith.constant 0 : i32
    %dma_wait3A_172 = arith.constant 0 : i32
    %dma_wait3A_173 = tpu.memref_slice %arg4[%add3A_5, %dma_wait3A_171, %dma_wait3A_172] : memref<2x10240x128xf32, #tpu.memory_space<hbm>> -> memref<1x10240x128xf32, #tpu.memory_space<hbm>>
    %dma_wait3A_174 = tpu.memref_squeeze %dma_wait3A_173 : memref<1x10240x128xf32, #tpu.memory_space<hbm>> -> memref<10240x128xf32, #tpu.memory_space<hbm>>
    %dma_wait3A_175 = arith.constant 0 : i32
    %dma_wait3A_176 = arith.constant 0 : i32
    %dma_wait3A_177 = tpu.memref_slice %dma_wait3A_174[%dma_wait3A_175, %dma_wait3A_176] : memref<10240x128xf32, #tpu.memory_space<hbm>> -> memref<10240x128xf32, #tpu.memory_space<hbm>>
    tpu.wait_indirect_dma semaphore(%arg19 : memref<!tpu.dma_semaphore, #tpu.memory_space<semaphore_mem>>) src(%dma_wait3A_177 : memref<10240x128xf32, #tpu.memory_space<hbm>>) dst(%dma_wait3A_168 : memref<80x128xf32, #tpu.memory_space<vmem>>)
    %dma_wait3A_178 = arith.constant 80 : i32
    %dma_wait3A_179 = arith.constant 0 : i32
    %dma_wait3A_180 = tpu.memref_slice %arg13[%dma_wait3A_178, %dma_wait3A_179] : memref<160x128xf32, #tpu.memory_space<vmem>> -> memref<80x128xf32, #tpu.memory_space<vmem>>
    %dma_wait3A_181 = arith.constant 80 : i32
    %dma_wait3A_182 = tpu.memref_slice %arg7[%dma_wait3A_181] : memref<160xi32, #tpu.memory_space<vmem>> -> memref<80xi32, #tpu.memory_space<vmem>>
    %dma_wait3A_183 = arith.constant 0 : i32
    %dma_wait3A_184 = arith.constant 0 : i32
    %dma_wait3A_185 = tpu.memref_slice %arg4[%add3A_5, %dma_wait3A_183, %dma_wait3A_184] : memref<2x10240x128xf32, #tpu.memory_space<hbm>> -> memref<1x10240x128xf32, #tpu.memory_space<hbm>>
    %dma_wait3A_186 = tpu.memref_squeeze %dma_wait3A_185 : memref<1x10240x128xf32, #tpu.memory_space<hbm>> -> memref<10240x128xf32, #tpu.memory_space<hbm>>
    %dma_wait3A_187 = arith.constant 0 : i32
    %dma_wait3A_188 = arith.constant 0 : i32
    %dma_wait3A_189 = tpu.memref_slice %dma_wait3A_186[%dma_wait3A_187, %dma_wait3A_188] : memref<10240x128xf32, #tpu.memory_space<hbm>> -> memref<10240x128xf32, #tpu.memory_space<hbm>>
    tpu.wait_indirect_dma semaphore(%arg19 : memref<!tpu.dma_semaphore, #tpu.memory_space<semaphore_mem>>) src(%dma_wait3A_189 : memref<10240x128xf32, #tpu.memory_space<hbm>>) dst(%dma_wait3A_180 : memref<80x128xf32, #tpu.memory_space<vmem>>)
    "tpu.region"() ({
      %run_scoped3A = tpu.sem_alloc : memref<!tpu.dma_semaphore, #tpu.memory_space<semaphore_mem>>
      %dma_start3A_219 = arith.constant 0 : i32
      %dma_start3A_220 = arith.constant 0 : i32
      %dma_start3A_221 = tpu.memref_slice %arg13[%dma_start3A_219, %dma_start3A_220] : memref<160x128xf32, #tpu.memory_space<vmem>> -> memref<80x128xf32, #tpu.memory_space<vmem>>
      %dma_start3A_222 = arith.constant 0 : i32
      %dma_start3A_223 = arith.constant 0 : i32
      %dma_start3A_224 = tpu.memref_slice %arg15[%dma_start3A_222, %dma_start3A_223] : memref<10240x128xf32, #tpu.memory_space<vmem_shared>> -> memref<10240x128xf32, #tpu.memory_space<vmem_shared>>
      tpu.enqueue_indirect_dma source(%dma_start3A_221 : memref<80x128xf32, #tpu.memory_space<vmem>>) target(%dma_start3A_224 : memref<10240x128xf32, #tpu.memory_space<vmem_shared>>) offsets(%arg10 : memref<80xi32, #tpu.memory_space<vmem>>) semaphore(%run_scoped3A : memref<!tpu.dma_semaphore, #tpu.memory_space<semaphore_mem>>) {add = true}
      %dma_wait3A_225 = arith.constant 0 : i32
      %dma_wait3A_226 = arith.constant 0 : i32
      %dma_wait3A_227 = tpu.memref_slice %arg13[%dma_wait3A_225, %dma_wait3A_226] : memref<160x128xf32, #tpu.memory_space<vmem>> -> memref<80x128xf32, #tpu.memory_space<vmem>>
      %dma_wait3A_228 = arith.constant 0 : i32
      %dma_wait3A_229 = arith.constant 0 : i32
      %dma_wait3A_230 = tpu.memref_slice %arg15[%dma_wait3A_228, %dma_wait3A_229] : memref<10240x128xf32, #tpu.memory_space<vmem_shared>> -> memref<10240x128xf32, #tpu.memory_space<vmem_shared>>
      tpu.wait_indirect_dma semaphore(%run_scoped3A : memref<!tpu.dma_semaphore, #tpu.memory_space<semaphore_mem>>) src(%dma_wait3A_227 : memref<80x128xf32, #tpu.memory_space<vmem>>) dst(%dma_wait3A_230 : memref<10240x128xf32, #tpu.memory_space<vmem_shared>>)
      tpu.yield
    }) : () -> ()
    "tpu.region"() ({
      %run_scoped3A = tpu.sem_alloc : memref<!tpu.dma_semaphore, #tpu.memory_space<semaphore_mem>>
      %dma_start3A_219 = arith.constant 80 : i32
      %dma_start3A_220 = arith.constant 0 : i32
      %dma_start3A_221 = tpu.memref_slice %arg13[%dma_start3A_219, %dma_start3A_220] : memref<160x128xf32, #tpu.memory_space<vmem>> -> memref<80x128xf32, #tpu.memory_space<vmem>>
      %dma_start3A_222 = arith.constant 0 : i32
      %dma_start3A_223 = arith.constant 0 : i32
      %dma_start3A_224 = tpu.memref_slice %arg15[%dma_start3A_222, %dma_start3A_223] : memref<10240x128xf32, #tpu.memory_space<vmem_shared>> -> memref<10240x128xf32, #tpu.memory_space<vmem_shared>>
      tpu.enqueue_indirect_dma source(%dma_start3A_221 : memref<80x128xf32, #tpu.memory_space<vmem>>) target(%dma_start3A_224 : memref<10240x128xf32, #tpu.memory_space<vmem_shared>>) offsets(%arg11 : memref<80xi32, #tpu.memory_space<vmem>>) semaphore(%run_scoped3A : memref<!tpu.dma_semaphore, #tpu.memory_space<semaphore_mem>>) {add = true}
      %dma_wait3A_225 = arith.constant 80 : i32
      %dma_wait3A_226 = arith.constant 0 : i32
      %dma_wait3A_227 = tpu.memref_slice %arg13[%dma_wait3A_225, %dma_wait3A_226] : memref<160x128xf32, #tpu.memory_space<vmem>> -> memref<80x128xf32, #tpu.memory_space<vmem>>
      %dma_wait3A_228 = arith.constant 0 : i32
      %dma_wait3A_229 = arith.constant 0 : i32
      %dma_wait3A_230 = tpu.memref_slice %arg15[%dma_wait3A_228, %dma_wait3A_229] : memref<10240x128xf32, #tpu.memory_space<vmem_shared>> -> memref<10240x128xf32, #tpu.memory_space<vmem_shared>>
      tpu.wait_indirect_dma semaphore(%run_scoped3A : memref<!tpu.dma_semaphore, #tpu.memory_space<semaphore_mem>>) src(%dma_wait3A_227 : memref<80x128xf32, #tpu.memory_space<vmem>>) dst(%dma_wait3A_230 : memref<10240x128xf32, #tpu.memory_space<vmem_shared>>)
      tpu.yield
    }) : () -> ()
    %dma_wait3A_190 = arith.constant 0 : i32
    %dma_wait3A_191 = arith.constant 0 : i32
    %dma_wait3A_192 = tpu.memref_slice %arg12[%dma_wait3A_190, %dma_wait3A_191] : memref<160x128xf32, #tpu.memory_space<vmem>> -> memref<80x128xf32, #tpu.memory_space<vmem>>
    %dma_wait3A_193 = arith.constant 0 : i32
    %dma_wait3A_194 = tpu.memref_slice %arg6[%dma_wait3A_193] : memref<160xi32, #tpu.memory_space<vmem>> -> memref<80xi32, #tpu.memory_space<vmem>>
    %dma_wait3A_195 = arith.constant 0 : i32
    %dma_wait3A_196 = arith.constant 0 : i32
    %dma_wait3A_197 = tpu.memref_slice %arg4[%add3A_5, %dma_wait3A_195, %dma_wait3A_196] : memref<2x10240x128xf32, #tpu.memory_space<hbm>> -> memref<1x10240x128xf32, #tpu.memory_space<hbm>>
    %dma_wait3A_198 = tpu.memref_squeeze %dma_wait3A_197 : memref<1x10240x128xf32, #tpu.memory_space<hbm>> -> memref<10240x128xf32, #tpu.memory_space<hbm>>
    %dma_wait3A_199 = arith.constant 0 : i32
    %dma_wait3A_200 = arith.constant 0 : i32
    %dma_wait3A_201 = tpu.memref_slice %dma_wait3A_198[%dma_wait3A_199, %dma_wait3A_200] : memref<10240x128xf32, #tpu.memory_space<hbm>> -> memref<10240x128xf32, #tpu.memory_space<hbm>>
    tpu.wait_indirect_dma semaphore(%arg18 : memref<!tpu.dma_semaphore, #tpu.memory_space<semaphore_mem>>) src(%dma_wait3A_201 : memref<10240x128xf32, #tpu.memory_space<hbm>>) dst(%dma_wait3A_192 : memref<80x128xf32, #tpu.memory_space<vmem>>)
    %dma_wait3A_202 = arith.constant 80 : i32
    %dma_wait3A_203 = arith.constant 0 : i32
    %dma_wait3A_204 = tpu.memref_slice %arg12[%dma_wait3A_202, %dma_wait3A_203] : memref<160x128xf32, #tpu.memory_space<vmem>> -> memref<80x128xf32, #tpu.memory_space<vmem>>
    %dma_wait3A_205 = arith.constant 80 : i32
    %dma_wait3A_206 = tpu.memref_slice %arg6[%dma_wait3A_205] : memref<160xi32, #tpu.memory_space<vmem>> -> memref<80xi32, #tpu.memory_space<vmem>>
    %dma_wait3A_207 = arith.constant 0 : i32
    %dma_wait3A_208 = arith.constant 0 : i32
    %dma_wait3A_209 = tpu.memref_slice %arg4[%add3A_5, %dma_wait3A_207, %dma_wait3A_208] : memref<2x10240x128xf32, #tpu.memory_space<hbm>> -> memref<1x10240x128xf32, #tpu.memory_space<hbm>>
    %dma_wait3A_210 = tpu.memref_squeeze %dma_wait3A_209 : memref<1x10240x128xf32, #tpu.memory_space<hbm>> -> memref<10240x128xf32, #tpu.memory_space<hbm>>
    %dma_wait3A_211 = arith.constant 0 : i32
    %dma_wait3A_212 = arith.constant 0 : i32
    %dma_wait3A_213 = tpu.memref_slice %dma_wait3A_210[%dma_wait3A_211, %dma_wait3A_212] : memref<10240x128xf32, #tpu.memory_space<hbm>> -> memref<10240x128xf32, #tpu.memory_space<hbm>>
    tpu.wait_indirect_dma semaphore(%arg18 : memref<!tpu.dma_semaphore, #tpu.memory_space<semaphore_mem>>) src(%dma_wait3A_213 : memref<10240x128xf32, #tpu.memory_space<hbm>>) dst(%dma_wait3A_204 : memref<80x128xf32, #tpu.memory_space<vmem>>)
    "tpu.region"() ({
      %run_scoped3A = tpu.sem_alloc : memref<!tpu.dma_semaphore, #tpu.memory_space<semaphore_mem>>
      %dma_start3A_219 = arith.constant 0 : i32
      %dma_start3A_220 = arith.constant 0 : i32
      %dma_start3A_221 = tpu.memref_slice %arg12[%dma_start3A_219, %dma_start3A_220] : memref<160x128xf32, #tpu.memory_space<vmem>> -> memref<80x128xf32, #tpu.memory_space<vmem>>
      %dma_start3A_222 = arith.constant 0 : i32
      %dma_start3A_223 = arith.constant 0 : i32
      %dma_start3A_224 = tpu.memref_slice %arg15[%dma_start3A_222, %dma_start3A_223] : memref<10240x128xf32, #tpu.memory_space<vmem_shared>> -> memref<10240x128xf32, #tpu.memory_space<vmem_shared>>
      tpu.enqueue_indirect_dma source(%dma_start3A_221 : memref<80x128xf32, #tpu.memory_space<vmem>>) target(%dma_start3A_224 : memref<10240x128xf32, #tpu.memory_space<vmem_shared>>) offsets(%arg8 : memref<80xi32, #tpu.memory_space<vmem>>) semaphore(%run_scoped3A : memref<!tpu.dma_semaphore, #tpu.memory_space<semaphore_mem>>) {add = true}
      %dma_wait3A_225 = arith.constant 0 : i32
      %dma_wait3A_226 = arith.constant 0 : i32
      %dma_wait3A_227 = tpu.memref_slice %arg12[%dma_wait3A_225, %dma_wait3A_226] : memref<160x128xf32, #tpu.memory_space<vmem>> -> memref<80x128xf32, #tpu.memory_space<vmem>>
      %dma_wait3A_228 = arith.constant 0 : i32
      %dma_wait3A_229 = arith.constant 0 : i32
      %dma_wait3A_230 = tpu.memref_slice %arg15[%dma_wait3A_228, %dma_wait3A_229] : memref<10240x128xf32, #tpu.memory_space<vmem_shared>> -> memref<10240x128xf32, #tpu.memory_space<vmem_shared>>
      tpu.wait_indirect_dma semaphore(%run_scoped3A : memref<!tpu.dma_semaphore, #tpu.memory_space<semaphore_mem>>) src(%dma_wait3A_227 : memref<80x128xf32, #tpu.memory_space<vmem>>) dst(%dma_wait3A_230 : memref<10240x128xf32, #tpu.memory_space<vmem_shared>>)
      tpu.yield
    }) : () -> ()
    "tpu.region"() ({
      %run_scoped3A = tpu.sem_alloc : memref<!tpu.dma_semaphore, #tpu.memory_space<semaphore_mem>>
      %dma_start3A_219 = arith.constant 80 : i32
      %dma_start3A_220 = arith.constant 0 : i32
      %dma_start3A_221 = tpu.memref_slice %arg12[%dma_start3A_219, %dma_start3A_220] : memref<160x128xf32, #tpu.memory_space<vmem>> -> memref<80x128xf32, #tpu.memory_space<vmem>>
      %dma_start3A_222 = arith.constant 0 : i32
      %dma_start3A_223 = arith.constant 0 : i32
      %dma_start3A_224 = tpu.memref_slice %arg15[%dma_start3A_222, %dma_start3A_223] : memref<10240x128xf32, #tpu.memory_space<vmem_shared>> -> memref<10240x128xf32, #tpu.memory_space<vmem_shared>>
      tpu.enqueue_indirect_dma source(%dma_start3A_221 : memref<80x128xf32, #tpu.memory_space<vmem>>) target(%dma_start3A_224 : memref<10240x128xf32, #tpu.memory_space<vmem_shared>>) offsets(%arg9 : memref<80xi32, #tpu.memory_space<vmem>>) semaphore(%run_scoped3A : memref<!tpu.dma_semaphore, #tpu.memory_space<semaphore_mem>>) {add = true}
      %dma_wait3A_225 = arith.constant 80 : i32
      %dma_wait3A_226 = arith.constant 0 : i32
      %dma_wait3A_227 = tpu.memref_slice %arg12[%dma_wait3A_225, %dma_wait3A_226] : memref<160x128xf32, #tpu.memory_space<vmem>> -> memref<80x128xf32, #tpu.memory_space<vmem>>
      %dma_wait3A_228 = arith.constant 0 : i32
      %dma_wait3A_229 = arith.constant 0 : i32
      %dma_wait3A_230 = tpu.memref_slice %arg15[%dma_wait3A_228, %dma_wait3A_229] : memref<10240x128xf32, #tpu.memory_space<vmem_shared>> -> memref<10240x128xf32, #tpu.memory_space<vmem_shared>>
      tpu.wait_indirect_dma semaphore(%run_scoped3A : memref<!tpu.dma_semaphore, #tpu.memory_space<semaphore_mem>>) src(%dma_wait3A_227 : memref<80x128xf32, #tpu.memory_space<vmem>>) dst(%dma_wait3A_230 : memref<10240x128xf32, #tpu.memory_space<vmem_shared>>)
      tpu.yield
    }) : () -> ()
    %barrier3A_214 = arith.constant 0 : index
    tpu.barrier barrier_id(%barrier3A_214)
    %mul3A_215 = arith.constant 640 : i32
    %mul3A_216 = arith.muli %arg1, %mul3A_215 : i32
    %mul3A_217 = arith.constant 640 : i32
    %mul3A_218 = arith.muli %arg1, %mul3A_217 : i32
    "tpu.region"() ({
      %run_scoped3A = tpu.sem_alloc : memref<!tpu.dma_semaphore, #tpu.memory_space<semaphore_mem>>
      %dma_start3A_219 = arith.constant 0 : i32
      %dma_start3A_220 = tpu.memref_slice %arg5[%add3A_5, %mul3A_218, %dma_start3A_219] : memref<2x10240x128xf32, #tpu.memory_space<hbm>> -> memref<1x640x128xf32, #tpu.memory_space<hbm>>
      %dma_start3A_221 = tpu.memref_squeeze %dma_start3A_220 : memref<1x640x128xf32, #tpu.memory_space<hbm>> -> memref<640x128xf32, #tpu.memory_space<hbm>>
      %dma_start3A_222 = arith.constant 0 : i32
      %dma_start3A_223 = tpu.memref_slice %arg15[%mul3A_216, %dma_start3A_222] : memref<10240x128xf32, #tpu.memory_space<vmem_shared>> -> memref<640x128xf32, #tpu.memory_space<vmem_shared>>
      tpu.enqueue_dma source(%dma_start3A_223 : memref<640x128xf32, #tpu.memory_space<vmem_shared>>) target(%dma_start3A_221 : memref<640x128xf32, #tpu.memory_space<hbm>>) target_semaphore(%run_scoped3A : memref<!tpu.dma_semaphore, #tpu.memory_space<semaphore_mem>>)
      %dma_wait3A_224 = arith.constant 0 : i32
      %dma_wait3A_225 = tpu.memref_slice %arg5[%add3A_5, %mul3A_218, %dma_wait3A_224] : memref<2x10240x128xf32, #tpu.memory_space<hbm>> -> memref<1x640x128xf32, #tpu.memory_space<hbm>>
      %dma_wait3A_226 = tpu.memref_squeeze %dma_wait3A_225 : memref<1x640x128xf32, #tpu.memory_space<hbm>> -> memref<640x128xf32, #tpu.memory_space<hbm>>
      %dma_wait3A_227 = arith.constant 0 : i32
      %dma_wait3A_228 = tpu.memref_slice %arg15[%mul3A_216, %dma_wait3A_227] : memref<10240x128xf32, #tpu.memory_space<vmem_shared>> -> memref<640x128xf32, #tpu.memory_space<vmem_shared>>
      tpu.wait_dma2 semaphore(%run_scoped3A : memref<!tpu.dma_semaphore, #tpu.memory_space<semaphore_mem>>) src(%dma_wait3A_228 : memref<640x128xf32, #tpu.memory_space<vmem_shared>>) dst(%dma_wait3A_226 : memref<640x128xf32, #tpu.memory_space<hbm>>)
      tpu.yield
    }) : () -> ()
    return
  }
}

module attributes {stable_mosaic.version = 14 : i64} {
  func.func @_prep_body(%arg0: i32, %arg1: memref<1024x1xf32, #tpu.memory_space<vmem>>, %arg2: memref<1024x1xf32, #tpu.memory_space<vmem>>, %arg3: memref<1024x128xf32, #tpu.memory_space<vmem>>, %arg4: memref<128x512xf32, #tpu.memory_space<vmem>>, %arg5: memref<4x1024x128xf32, #tpu.memory_space<vmem>>, %arg6: memref<1024x128xf32, #tpu.memory_space<vmem>>) attributes {dimension_semantics = [#tpu.dimension_semantics<arbitrary>], iteration_bounds = array<i64: 10>, scalar_prefetch = 0 : i64, scratch_operands = 0 : i64, tpu.core_type = #tpu.core_type<tc>, window_params = [{transform_indices = @transform_0, window_bounds = array<i64: 1024, 1>}, {transform_indices = @transform_1, window_bounds = array<i64: 1024, 1>}, {transform_indices = @transform_2, window_bounds = array<i64: 1024, 128>}, {pipeline_mode = #tpu.pipeline_mode<synchronous>, transform_indices = @transform_3, window_bounds = array<i64: 128, 512>}, {transform_indices = @transform_4, window_bounds = array<i64: 4, 1024, 128>}, {transform_indices = @transform_5, window_bounds = array<i64: 1024, 128>}]} {
    %get3A = arith.constant 0 : index
    %get3A_0 = arith.constant 0 : index
    %get3A_1 = vector.load %arg1[%get3A, %get3A_0] : memref<1024x1xf32, #tpu.memory_space<vmem>>, vector<1024x1xf32>
    %get3A_2 = arith.constant 0 : index
    %get3A_3 = arith.constant 0 : index
    %get3A_4 = vector.load %arg2[%get3A_2, %get3A_3] : memref<1024x1xf32, #tpu.memory_space<vmem>>, vector<1024x1xf32>
    %add3A = arith.addf %get3A_1, %get3A_4 : vector<1024x1xf32>
    %add3A_5 = arith.constant 1.000000e+00 : f32
    %add3A_6 = vector.broadcast %add3A_5 : f32 to vector<1024x1xf32>
    %add3A_7 = arith.addf %add3A, %add3A_6 : vector<1024x1xf32>
    %rsqrt3A = math.rsqrt %add3A_7 : vector<1024x1xf32>
    %broadcast_in_dim3A = vector.shape_cast %rsqrt3A : vector<1024x1xf32> to vector<1024x1xf32>
    %broadcast_in_dim3A_8 = vector.broadcast %broadcast_in_dim3A : vector<1024x1xf32> to vector<1024x128xf32>
    %swap3A = arith.constant 0 : index
    %swap3A_9 = arith.constant 0 : index
    %swap3A_10 = vector.load %arg6[%swap3A, %swap3A_9] : memref<1024x128xf32, #tpu.memory_space<vmem>>, vector<1024x128xf32>
    tpu.vector_store %arg6[%swap3A, %swap3A_9], %broadcast_in_dim3A_8 {strides = array<i32>} : memref<1024x128xf32, #tpu.memory_space<vmem>>, vector<1024x128xf32>,
    %get3A_11 = arith.constant 0 : index
    %get3A_12 = arith.constant 0 : index
    %get3A_13 = vector.load %arg3[%get3A_11, %get3A_12] : memref<1024x128xf32, #tpu.memory_space<vmem>>, vector<1024x128xf32>
    %get3A_14 = arith.constant 0 : index
    %get3A_15 = arith.constant 0 : index
    %get3A_16 = vector.load %arg4[%get3A_14, %get3A_15] : memref<128x512xf32, #tpu.memory_space<vmem>>, vector<128x512xf32>
    %dot_general3A = arith.constant dense<0.000000e+00> : vector<1024x512xf32>
    %dot_general3A_17 = tpu.matmul %get3A_13, %get3A_16, %dot_general3A {dimension_numbers = #tpu.dot_dimension_numbers<[1], [0], [0], [1], [0, 0, 1, 1], [], []>, transpose_lhs_hint = false} : vector<1024x128xf32>, vector<128x512xf32>, vector<1024x512xf32> -> vector<1024x512xf32>
    %slice3A = vector.extract_strided_slice %dot_general3A_17 {offsets = [0, 0], sizes = [1024, 128], strides = [1, 1]} : vector<1024x512xf32> to vector<1024x128xf32>
    %mul3A = arith.mulf %broadcast_in_dim3A_8, %slice3A : vector<1024x128xf32>
    %swap3A_18 = arith.constant 0 : index
    %swap3A_19 = arith.constant 0 : index
    %swap3A_20 = arith.constant 0 : index
    %swap3A_21 = vector.load %arg5[%swap3A_18, %swap3A_19, %swap3A_20] : memref<4x1024x128xf32, #tpu.memory_space<vmem>>, vector<1x1024x128xf32>
    %swap3A_22 = vector.shape_cast %swap3A_21 : vector<1x1024x128xf32> to vector<1024x128xf32>
    %swap3A_23 = vector.shape_cast %mul3A : vector<1024x128xf32> to vector<1x1024x128xf32>
    tpu.vector_store %arg5[%swap3A_18, %swap3A_19, %swap3A_20], %swap3A_23 {strides = array<i32>} : memref<4x1024x128xf32, #tpu.memory_space<vmem>>, vector<1x1024x128xf32>,
    %slice3A_24 = vector.extract_strided_slice %dot_general3A_17 {offsets = [0, 128], sizes = [1024, 128], strides = [1, 1]} : vector<1024x512xf32> to vector<1024x128xf32>
    %mul3A_25 = arith.mulf %broadcast_in_dim3A_8, %slice3A_24 : vector<1024x128xf32>
    %swap3A_26 = arith.constant 1 : index
    %swap3A_27 = arith.constant 0 : index
    %swap3A_28 = arith.constant 0 : index
    %swap3A_29 = vector.load %arg5[%swap3A_26, %swap3A_27, %swap3A_28] : memref<4x1024x128xf32, #tpu.memory_space<vmem>>, vector<1x1024x128xf32>
    %swap3A_30 = vector.shape_cast %swap3A_29 : vector<1x1024x128xf32> to vector<1024x128xf32>
    %swap3A_31 = vector.shape_cast %mul3A_25 : vector<1024x128xf32> to vector<1x1024x128xf32>
    tpu.vector_store %arg5[%swap3A_26, %swap3A_27, %swap3A_28], %swap3A_31 {strides = array<i32>} : memref<4x1024x128xf32, #tpu.memory_space<vmem>>, vector<1x1024x128xf32>,
    %slice3A_32 = vector.extract_strided_slice %dot_general3A_17 {offsets = [0, 256], sizes = [1024, 128], strides = [1, 1]} : vector<1024x512xf32> to vector<1024x128xf32>
    %mul3A_33 = arith.mulf %broadcast_in_dim3A_8, %slice3A_32 : vector<1024x128xf32>
    %swap3A_34 = arith.constant 2 : index
    %swap3A_35 = arith.constant 0 : index
    %swap3A_36 = arith.constant 0 : index
    %swap3A_37 = vector.load %arg5[%swap3A_34, %swap3A_35, %swap3A_36] : memref<4x1024x128xf32, #tpu.memory_space<vmem>>, vector<1x1024x128xf32>
    %swap3A_38 = vector.shape_cast %swap3A_37 : vector<1x1024x128xf32> to vector<1024x128xf32>
    %swap3A_39 = vector.shape_cast %mul3A_33 : vector<1024x128xf32> to vector<1x1024x128xf32>
    tpu.vector_store %arg5[%swap3A_34, %swap3A_35, %swap3A_36], %swap3A_39 {strides = array<i32>} : memref<4x1024x128xf32, #tpu.memory_space<vmem>>, vector<1x1024x128xf32>,
    %slice3A_40 = vector.extract_strided_slice %dot_general3A_17 {offsets = [0, 384], sizes = [1024, 128], strides = [1, 1]} : vector<1024x512xf32> to vector<1024x128xf32>
    %mul3A_41 = arith.mulf %broadcast_in_dim3A_8, %slice3A_40 : vector<1024x128xf32>
    %swap3A_42 = arith.constant 3 : index
    %swap3A_43 = arith.constant 0 : index
    %swap3A_44 = arith.constant 0 : index
    %swap3A_45 = vector.load %arg5[%swap3A_42, %swap3A_43, %swap3A_44] : memref<4x1024x128xf32, #tpu.memory_space<vmem>>, vector<1x1024x128xf32>
    %swap3A_46 = vector.shape_cast %swap3A_45 : vector<1x1024x128xf32> to vector<1024x128xf32>
    %swap3A_47 = vector.shape_cast %mul3A_41 : vector<1024x128xf32> to vector<1x1024x128xf32>
    tpu.vector_store %arg5[%swap3A_42, %swap3A_43, %swap3A_44], %swap3A_47 {strides = array<i32>} : memref<4x1024x128xf32, #tpu.memory_space<vmem>>, vector<1x1024x128xf32>,
    return
  }
  func.func @transform_0(%arg0: i32) -> (i32, i32) {
    %c0_i32 = arith.constant 0 : i32
    %c0_i32_0 = arith.constant 0 : i32
    return %arg0, %c0_i32 : i32, i32
  }
  func.func @transform_1(%arg0: i32) -> (i32, i32) {
    %c0_i32 = arith.constant 0 : i32
    %c0_i32_0 = arith.constant 0 : i32
    return %arg0, %c0_i32 : i32, i32
  }
  func.func @transform_2(%arg0: i32) -> (i32, i32) {
    %c0_i32 = arith.constant 0 : i32
    %c0_i32_0 = arith.constant 0 : i32
    return %arg0, %c0_i32 : i32, i32
  }
  func.func @transform_3(%arg0: i32) -> (i32, i32) {
    %c0_i32 = arith.constant 0 : i32
    %c0_i32_0 = arith.constant 0 : i32
    %c0_i32_1 = arith.constant 0 : i32
    return %c0_i32, %c0_i32_0 : i32, i32
  }
  func.func @transform_4(%arg0: i32) -> (i32, i32, i32) {
    %c0_i32 = arith.constant 0 : i32
    %c0_i32_0 = arith.constant 0 : i32
    %c0_i32_1 = arith.constant 0 : i32
    return %c0_i32, %arg0, %c0_i32_0 : i32, i32, i32
  }
  func.func @transform_5(%arg0: i32) -> (i32, i32) {
    %c0_i32 = arith.constant 0 : i32
    %c0_i32_0 = arith.constant 0 : i32
    return %arg0, %c0_i32 : i32, i32
  }
}

module attributes {stable_mosaic.version = 14 : i64} {
  func.func @_tc2_body(%arg0: i32, %arg1: memref<4x1024x128xf32, #tpu.memory_space<vmem>>, %arg2: memref<4x1024x128xf32, #tpu.memory_space<vmem>>, %arg3: memref<1024x128xf32, #tpu.memory_space<vmem>>, %arg4: memref<1x512xf32, #tpu.memory_space<vmem>>, %arg5: memref<2x512x128xf32, #tpu.memory_space<vmem>>, %arg6: memref<2x1024x128xf32, #tpu.memory_space<vmem>>) attributes {dimension_semantics = [#tpu.dimension_semantics<arbitrary>], iteration_bounds = array<i64: 10>, scalar_prefetch = 0 : i64, scratch_operands = 0 : i64, tpu.core_type = #tpu.core_type<tc>, window_params = [{transform_indices = @transform_0, window_bounds = array<i64: 4, 1024, 128>}, {transform_indices = @transform_1, window_bounds = array<i64: 4, 1024, 128>}, {transform_indices = @transform_2, window_bounds = array<i64: 1024, 128>}, {pipeline_mode = #tpu.pipeline_mode<synchronous>, transform_indices = @transform_3, window_bounds = array<i64: 1, 512>}, {pipeline_mode = #tpu.pipeline_mode<synchronous>, transform_indices = @transform_4, window_bounds = array<i64: 2, 512, 128>}, {transform_indices = @transform_5, window_bounds = array<i64: 2, 1024, 128>}]} {
    %get3A = arith.constant 0 : index
    %get3A_0 = arith.constant 0 : index
    %get3A_1 = vector.load %arg3[%get3A, %get3A_0] : memref<1024x128xf32, #tpu.memory_space<vmem>>, vector<1024x128xf32>
    %get3A_2 = arith.constant 0 : index
    %get3A_3 = arith.constant 0 : index
    %get3A_4 = arith.constant 0 : index
    %get3A_5 = vector.load %arg1[%get3A_2, %get3A_3, %get3A_4] : memref<4x1024x128xf32, #tpu.memory_space<vmem>>, vector<1x1024x128xf32>
    %get3A_6 = vector.shape_cast %get3A_5 : vector<1x1024x128xf32> to vector<1024x128xf32>
    %get3A_7 = arith.constant 0 : index
    %get3A_8 = arith.constant 0 : index
    %get3A_9 = arith.constant 0 : index
    %get3A_10 = vector.load %arg2[%get3A_7, %get3A_8, %get3A_9] : memref<4x1024x128xf32, #tpu.memory_space<vmem>>, vector<1x1024x128xf32>
    %get3A_11 = vector.shape_cast %get3A_10 : vector<1x1024x128xf32> to vector<1024x128xf32>
    %add3A = arith.addf %get3A_6, %get3A_11 : vector<1024x128xf32>
    %mul3A = arith.mulf %get3A_1, %add3A : vector<1024x128xf32>
    %get3A_12 = arith.constant 1 : index
    %get3A_13 = arith.constant 0 : index
    %get3A_14 = arith.constant 0 : index
    %get3A_15 = vector.load %arg1[%get3A_12, %get3A_13, %get3A_14] : memref<4x1024x128xf32, #tpu.memory_space<vmem>>, vector<1x1024x128xf32>
    %get3A_16 = vector.shape_cast %get3A_15 : vector<1x1024x128xf32> to vector<1024x128xf32>
    %get3A_17 = arith.constant 1 : index
    %get3A_18 = arith.constant 0 : index
    %get3A_19 = arith.constant 0 : index
    %get3A_20 = vector.load %arg2[%get3A_17, %get3A_18, %get3A_19] : memref<4x1024x128xf32, #tpu.memory_space<vmem>>, vector<1x1024x128xf32>
    %get3A_21 = vector.shape_cast %get3A_20 : vector<1x1024x128xf32> to vector<1024x128xf32>
    %add3A_22 = arith.addf %get3A_16, %get3A_21 : vector<1024x128xf32>
    %mul3A_23 = arith.mulf %get3A_1, %add3A_22 : vector<1024x128xf32>
    %get3A_24 = arith.constant 2 : index
    %get3A_25 = arith.constant 0 : index
    %get3A_26 = arith.constant 0 : index
    %get3A_27 = vector.load %arg1[%get3A_24, %get3A_25, %get3A_26] : memref<4x1024x128xf32, #tpu.memory_space<vmem>>, vector<1x1024x128xf32>
    %get3A_28 = vector.shape_cast %get3A_27 : vector<1x1024x128xf32> to vector<1024x128xf32>
    %get3A_29 = arith.constant 2 : index
    %get3A_30 = arith.constant 0 : index
    %get3A_31 = arith.constant 0 : index
    %get3A_32 = vector.load %arg2[%get3A_29, %get3A_30, %get3A_31] : memref<4x1024x128xf32, #tpu.memory_space<vmem>>, vector<1x1024x128xf32>
    %get3A_33 = vector.shape_cast %get3A_32 : vector<1x1024x128xf32> to vector<1024x128xf32>
    %add3A_34 = arith.addf %get3A_28, %get3A_33 : vector<1024x128xf32>
    %mul3A_35 = arith.mulf %get3A_1, %add3A_34 : vector<1024x128xf32>
    %get3A_36 = arith.constant 3 : index
    %get3A_37 = arith.constant 0 : index
    %get3A_38 = arith.constant 0 : index
    %get3A_39 = vector.load %arg1[%get3A_36, %get3A_37, %get3A_38] : memref<4x1024x128xf32, #tpu.memory_space<vmem>>, vector<1x1024x128xf32>
    %get3A_40 = vector.shape_cast %get3A_39 : vector<1x1024x128xf32> to vector<1024x128xf32>
    %get3A_41 = arith.constant 3 : index
    %get3A_42 = arith.constant 0 : index
    %get3A_43 = arith.constant 0 : index
    %get3A_44 = vector.load %arg2[%get3A_41, %get3A_42, %get3A_43] : memref<4x1024x128xf32, #tpu.memory_space<vmem>>, vector<1x1024x128xf32>
    %get3A_45 = vector.shape_cast %get3A_44 : vector<1x1024x128xf32> to vector<1024x128xf32>
    %add3A_46 = arith.addf %get3A_40, %get3A_45 : vector<1024x128xf32>
    %mul3A_47 = arith.mulf %get3A_1, %add3A_46 : vector<1024x128xf32>
    %concatenate3A = tpu.concatenate %mul3A, %mul3A_23, %mul3A_35, %mul3A_47 in 1 : vector<1024x128xf32>, vector<1024x128xf32>, vector<1024x128xf32>, vector<1024x128xf32> -> vector<1024x512xf32>
    %get3A_48 = arith.constant 0 : index
    %get3A_49 = arith.constant 0 : index
    %get3A_50 = vector.load %arg4[%get3A_48, %get3A_49] : memref<1x512xf32, #tpu.memory_space<vmem>>, vector<1x512xf32>
    %add3A_51 = vector.broadcast %get3A_50 : vector<1x512xf32> to vector<1024x512xf32>
    %add3A_52 = arith.addf %concatenate3A, %add3A_51 : vector<1024x512xf32>
    %ge3A = arith.constant 0.000000e+00 : f32
    %ge3A_53 = vector.broadcast %ge3A : f32 to vector<1024x512xf32>
    %ge3A_54 = arith.cmpf oge, %add3A_52, %ge3A_53 : vector<1024x512xf32>
    %mul3A_55 = arith.constant 1.500000e-01 : f32
    %mul3A_56 = vector.broadcast %mul3A_55 : f32 to vector<1024x512xf32>
    %mul3A_57 = arith.mulf %mul3A_56, %add3A_52 : vector<1024x512xf32>
    %select_n3A = arith.select %ge3A_54, %add3A_52, %mul3A_57 : vector<1024x512xi1>, vector<1024x512xf32>
    %get3A_58 = arith.constant 0 : index
    %get3A_59 = arith.constant 0 : index
    %get3A_60 = arith.constant 0 : index
    %get3A_61 = vector.load %arg5[%get3A_58, %get3A_59, %get3A_60] : memref<2x512x128xf32, #tpu.memory_space<vmem>>, vector<1x512x128xf32>
    %get3A_62 = vector.shape_cast %get3A_61 : vector<1x512x128xf32> to vector<512x128xf32>
    %dot_general3A = arith.constant dense<0.000000e+00> : vector<1024x128xf32>
    %dot_general3A_63 = tpu.matmul %select_n3A, %get3A_62, %dot_general3A {dimension_numbers = #tpu.dot_dimension_numbers<[1], [0], [0], [1], [0, 0, 1, 1], [], []>, transpose_lhs_hint = false} : vector<1024x512xf32>, vector<512x128xf32>, vector<1024x128xf32> -> vector<1024x128xf32>
    %mul3A_64 = arith.mulf %get3A_1, %dot_general3A_63 : vector<1024x128xf32>
    %swap3A = arith.constant 0 : index
    %swap3A_65 = arith.constant 0 : index
    %swap3A_66 = arith.constant 0 : index
    %swap3A_67 = vector.load %arg6[%swap3A, %swap3A_65, %swap3A_66] : memref<2x1024x128xf32, #tpu.memory_space<vmem>>, vector<1x1024x128xf32>
    %swap3A_68 = vector.shape_cast %swap3A_67 : vector<1x1024x128xf32> to vector<1024x128xf32>
    %swap3A_69 = vector.shape_cast %mul3A_64 : vector<1024x128xf32> to vector<1x1024x128xf32>
    tpu.vector_store %arg6[%swap3A, %swap3A_65, %swap3A_66], %swap3A_69 {strides = array<i32>} : memref<2x1024x128xf32, #tpu.memory_space<vmem>>, vector<1x1024x128xf32>,
    %get3A_70 = arith.constant 1 : index
    %get3A_71 = arith.constant 0 : index
    %get3A_72 = arith.constant 0 : index
    %get3A_73 = vector.load %arg5[%get3A_70, %get3A_71, %get3A_72] : memref<2x512x128xf32, #tpu.memory_space<vmem>>, vector<1x512x128xf32>
    %get3A_74 = vector.shape_cast %get3A_73 : vector<1x512x128xf32> to vector<512x128xf32>
    %dot_general3A_75 = arith.constant dense<0.000000e+00> : vector<1024x128xf32>
    %dot_general3A_76 = tpu.matmul %select_n3A, %get3A_74, %dot_general3A_75 {dimension_numbers = #tpu.dot_dimension_numbers<[1], [0], [0], [1], [0, 0, 1, 1], [], []>, transpose_lhs_hint = false} : vector<1024x512xf32>, vector<512x128xf32>, vector<1024x128xf32> -> vector<1024x128xf32>
    %mul3A_77 = arith.mulf %get3A_1, %dot_general3A_76 : vector<1024x128xf32>
    %swap3A_78 = arith.constant 1 : index
    %swap3A_79 = arith.constant 0 : index
    %swap3A_80 = arith.constant 0 : index
    %swap3A_81 = vector.load %arg6[%swap3A_78, %swap3A_79, %swap3A_80] : memref<2x1024x128xf32, #tpu.memory_space<vmem>>, vector<1x1024x128xf32>
    %swap3A_82 = vector.shape_cast %swap3A_81 : vector<1x1024x128xf32> to vector<1024x128xf32>
    %swap3A_83 = vector.shape_cast %mul3A_77 : vector<1024x128xf32> to vector<1x1024x128xf32>
    tpu.vector_store %arg6[%swap3A_78, %swap3A_79, %swap3A_80], %swap3A_83 {strides = array<i32>} : memref<2x1024x128xf32, #tpu.memory_space<vmem>>, vector<1x1024x128xf32>,
    return
  }
  func.func @transform_0(%arg0: i32) -> (i32, i32, i32) {
    %c0_i32 = arith.constant 0 : i32
    %c0_i32_0 = arith.constant 0 : i32
    %c0_i32_1 = arith.constant 0 : i32
    return %c0_i32, %arg0, %c0_i32_0 : i32, i32, i32
  }
  func.func @transform_1(%arg0: i32) -> (i32, i32, i32) {
    %c0_i32 = arith.constant 0 : i32
    %c0_i32_0 = arith.constant 0 : i32
    %c0_i32_1 = arith.constant 0 : i32
    return %c0_i32, %arg0, %c0_i32_0 : i32, i32, i32
  }
  func.func @transform_2(%arg0: i32) -> (i32, i32) {
    %c0_i32 = arith.constant 0 : i32
    %c0_i32_0 = arith.constant 0 : i32
    return %arg0, %c0_i32 : i32, i32
  }
  func.func @transform_3(%arg0: i32) -> (i32, i32) {
    %c0_i32 = arith.constant 0 : i32
    %c0_i32_0 = arith.constant 0 : i32
    %c0_i32_1 = arith.constant 0 : i32
    return %c0_i32, %c0_i32_0 : i32, i32
  }
  func.func @transform_4(%arg0: i32) -> (i32, i32, i32) {
    %c0_i32 = arith.constant 0 : i32
    %c0_i32_0 = arith.constant 0 : i32
    %c0_i32_1 = arith.constant 0 : i32
    %c0_i32_2 = arith.constant 0 : i32
    return %c0_i32, %c0_i32_0, %c0_i32_1 : i32, i32, i32
  }
  func.func @transform_5(%arg0: i32) -> (i32, i32, i32) {
    %c0_i32 = arith.constant 0 : i32
    %c0_i32_0 = arith.constant 0 : i32
    %c0_i32_1 = arith.constant 0 : i32
    return %c0_i32, %arg0, %c0_i32_0 : i32, i32, i32
  }
}

module attributes {stable_mosaic.version = 14 : i64} {
  func.func @_tc3_body(%arg0: i32, %arg1: memref<2x1024x128xf32, #tpu.memory_space<vmem>>, %arg2: memref<2x1024x128xf32, #tpu.memory_space<vmem>>, %arg3: memref<1024x128xf32, #tpu.memory_space<vmem>>, %arg4: memref<1x256xf32, #tpu.memory_space<vmem>>, %arg5: memref<256x128xf32, #tpu.memory_space<vmem>>, %arg6: memref<1024x128xf32, #tpu.memory_space<vmem>>) attributes {dimension_semantics = [#tpu.dimension_semantics<arbitrary>], iteration_bounds = array<i64: 10>, scalar_prefetch = 0 : i64, scratch_operands = 0 : i64, tpu.core_type = #tpu.core_type<tc>, window_params = [{transform_indices = @transform_0, window_bounds = array<i64: 2, 1024, 128>}, {transform_indices = @transform_1, window_bounds = array<i64: 2, 1024, 128>}, {transform_indices = @transform_2, window_bounds = array<i64: 1024, 128>}, {pipeline_mode = #tpu.pipeline_mode<synchronous>, transform_indices = @transform_3, window_bounds = array<i64: 1, 256>}, {pipeline_mode = #tpu.pipeline_mode<synchronous>, transform_indices = @transform_4, window_bounds = array<i64: 256, 128>}, {transform_indices = @transform_5, window_bounds = array<i64: 1024, 128>}]} {
    %get3A = arith.constant 0 : index
    %get3A_0 = arith.constant 0 : index
    %get3A_1 = vector.load %arg3[%get3A, %get3A_0] : memref<1024x128xf32, #tpu.memory_space<vmem>>, vector<1024x128xf32>
    %get3A_2 = arith.constant 0 : index
    %get3A_3 = arith.constant 0 : index
    %get3A_4 = arith.constant 0 : index
    %get3A_5 = vector.load %arg1[%get3A_2, %get3A_3, %get3A_4] : memref<2x1024x128xf32, #tpu.memory_space<vmem>>, vector<1x1024x128xf32>
    %get3A_6 = vector.shape_cast %get3A_5 : vector<1x1024x128xf32> to vector<1024x128xf32>
    %get3A_7 = arith.constant 0 : index
    %get3A_8 = arith.constant 0 : index
    %get3A_9 = arith.constant 0 : index
    %get3A_10 = vector.load %arg2[%get3A_7, %get3A_8, %get3A_9] : memref<2x1024x128xf32, #tpu.memory_space<vmem>>, vector<1x1024x128xf32>
    %get3A_11 = vector.shape_cast %get3A_10 : vector<1x1024x128xf32> to vector<1024x128xf32>
    %add3A = arith.addf %get3A_6, %get3A_11 : vector<1024x128xf32>
    %mul3A = arith.mulf %get3A_1, %add3A : vector<1024x128xf32>
    %get3A_12 = arith.constant 1 : index
    %get3A_13 = arith.constant 0 : index
    %get3A_14 = arith.constant 0 : index
    %get3A_15 = vector.load %arg1[%get3A_12, %get3A_13, %get3A_14] : memref<2x1024x128xf32, #tpu.memory_space<vmem>>, vector<1x1024x128xf32>
    %get3A_16 = vector.shape_cast %get3A_15 : vector<1x1024x128xf32> to vector<1024x128xf32>
    %get3A_17 = arith.constant 1 : index
    %get3A_18 = arith.constant 0 : index
    %get3A_19 = arith.constant 0 : index
    %get3A_20 = vector.load %arg2[%get3A_17, %get3A_18, %get3A_19] : memref<2x1024x128xf32, #tpu.memory_space<vmem>>, vector<1x1024x128xf32>
    %get3A_21 = vector.shape_cast %get3A_20 : vector<1x1024x128xf32> to vector<1024x128xf32>
    %add3A_22 = arith.addf %get3A_16, %get3A_21 : vector<1024x128xf32>
    %mul3A_23 = arith.mulf %get3A_1, %add3A_22 : vector<1024x128xf32>
    %concatenate3A = tpu.concatenate %mul3A, %mul3A_23 in 1 : vector<1024x128xf32>, vector<1024x128xf32> -> vector<1024x256xf32>
    %get3A_24 = arith.constant 0 : index
    %get3A_25 = arith.constant 0 : index
    %get3A_26 = vector.load %arg4[%get3A_24, %get3A_25] : memref<1x256xf32, #tpu.memory_space<vmem>>, vector<1x256xf32>
    %add3A_27 = vector.broadcast %get3A_26 : vector<1x256xf32> to vector<1024x256xf32>
    %add3A_28 = arith.addf %concatenate3A, %add3A_27 : vector<1024x256xf32>
    %ge3A = arith.constant 0.000000e+00 : f32
    %ge3A_29 = vector.broadcast %ge3A : f32 to vector<1024x256xf32>
    %ge3A_30 = arith.cmpf oge, %add3A_28, %ge3A_29 : vector<1024x256xf32>
    %mul3A_31 = arith.constant 1.500000e-01 : f32
    %mul3A_32 = vector.broadcast %mul3A_31 : f32 to vector<1024x256xf32>
    %mul3A_33 = arith.mulf %mul3A_32, %add3A_28 : vector<1024x256xf32>
    %select_n3A = arith.select %ge3A_30, %add3A_28, %mul3A_33 : vector<1024x256xi1>, vector<1024x256xf32>
    %get3A_34 = arith.constant 0 : index
    %get3A_35 = arith.constant 0 : index
    %get3A_36 = vector.load %arg5[%get3A_34, %get3A_35] : memref<256x128xf32, #tpu.memory_space<vmem>>, vector<256x128xf32>
    %dot_general3A = arith.constant dense<0.000000e+00> : vector<1024x128xf32>
    %dot_general3A_37 = tpu.matmul %select_n3A, %get3A_36, %dot_general3A {dimension_numbers = #tpu.dot_dimension_numbers<[1], [0], [0], [1], [0, 0, 1, 1], [], []>, transpose_lhs_hint = false} : vector<1024x256xf32>, vector<256x128xf32>, vector<1024x128xf32> -> vector<1024x128xf32>
    %mul3A_38 = arith.mulf %get3A_1, %dot_general3A_37 : vector<1024x128xf32>
    %swap3A = arith.constant 0 : index
    %swap3A_39 = arith.constant 0 : index
    %swap3A_40 = vector.load %arg6[%swap3A, %swap3A_39] : memref<1024x128xf32, #tpu.memory_space<vmem>>, vector<1024x128xf32>
    tpu.vector_store %arg6[%swap3A, %swap3A_39], %mul3A_38 {strides = array<i32>} : memref<1024x128xf32, #tpu.memory_space<vmem>>, vector<1024x128xf32>,
    return
  }
  func.func @transform_0(%arg0: i32) -> (i32, i32, i32) {
    %c0_i32 = arith.constant 0 : i32
    %c0_i32_0 = arith.constant 0 : i32
    %c0_i32_1 = arith.constant 0 : i32
    return %c0_i32, %arg0, %c0_i32_0 : i32, i32, i32
  }
  func.func @transform_1(%arg0: i32) -> (i32, i32, i32) {
    %c0_i32 = arith.constant 0 : i32
    %c0_i32_0 = arith.constant 0 : i32
    %c0_i32_1 = arith.constant 0 : i32
    return %c0_i32, %arg0, %c0_i32_0 : i32, i32, i32
  }
  func.func @transform_2(%arg0: i32) -> (i32, i32) {
    %c0_i32 = arith.constant 0 : i32
    %c0_i32_0 = arith.constant 0 : i32
    return %arg0, %c0_i32 : i32, i32
  }
  func.func @transform_3(%arg0: i32) -> (i32, i32) {
    %c0_i32 = arith.constant 0 : i32
    %c0_i32_0 = arith.constant 0 : i32
    %c0_i32_1 = arith.constant 0 : i32
    return %c0_i32, %c0_i32_0 : i32, i32
  }
  func.func @transform_4(%arg0: i32) -> (i32, i32) {
    %c0_i32 = arith.constant 0 : i32
    %c0_i32_0 = arith.constant 0 : i32
    %c0_i32_1 = arith.constant 0 : i32
    return %c0_i32, %c0_i32_0 : i32, i32
  }
  func.func @transform_5(%arg0: i32) -> (i32, i32) {
    %c0_i32 = arith.constant 0 : i32
    %c0_i32_0 = arith.constant 0 : i32
    return %arg0, %c0_i32 : i32, i32
  }
}

module attributes {stable_mosaic.version = 14 : i64} {
  func.func @_tc4_body(%arg0: i32, %arg1: memref<2x1024x128xf32, #tpu.memory_space<vmem>>, %arg2: memref<1024x128xf32, #tpu.memory_space<vmem>>, %arg3: memref<1024x128xf32, #tpu.memory_space<vmem>>, %arg4: memref<1x128xf32, #tpu.memory_space<vmem>>, %arg5: memref<128x16xf32, #tpu.memory_space<vmem>>, %arg6: memref<1x16xf32, #tpu.memory_space<vmem>>, %arg7: memref<16x32xf32, #tpu.memory_space<vmem>>, %arg8: memref<1x32xf32, #tpu.memory_space<vmem>>, %arg9: memref<32x128xf32, #tpu.memory_space<vmem>>, %arg10: memref<1x128xf32, #tpu.memory_space<vmem>>, %arg11: memref<1024x128xf32, #tpu.memory_space<vmem>>) attributes {dimension_semantics = [#tpu.dimension_semantics<arbitrary>], iteration_bounds = array<i64: 10>, scalar_prefetch = 0 : i64, scratch_operands = 0 : i64, tpu.core_type = #tpu.core_type<tc>, window_params = [{transform_indices = @transform_0, window_bounds = array<i64: 2, 1024, 128>}, {transform_indices = @transform_1, window_bounds = array<i64: 1024, 128>}, {transform_indices = @transform_2, window_bounds = array<i64: 1024, 128>}, {pipeline_mode = #tpu.pipeline_mode<synchronous>, transform_indices = @transform_3, window_bounds = array<i64: 1, 128>}, {pipeline_mode = #tpu.pipeline_mode<synchronous>, transform_indices = @transform_4, window_bounds = array<i64: 128, 16>}, {pipeline_mode = #tpu.pipeline_mode<synchronous>, transform_indices = @transform_5, window_bounds = array<i64: 1, 16>}, {pipeline_mode = #tpu.pipeline_mode<synchronous>, transform_indices = @transform_6, window_bounds = array<i64: 16, 32>}, {pipeline_mode = #tpu.pipeline_mode<synchronous>, transform_indices = @transform_7, window_bounds = array<i64: 1, 32>}, {pipeline_mode = #tpu.pipeline_mode<synchronous>, transform_indices = @transform_8, window_bounds = array<i64: 32, 128>}, {pipeline_mode = #tpu.pipeline_mode<synchronous>, transform_indices = @transform_9, window_bounds = array<i64: 1, 128>}, {transform_indices = @transform_10, window_bounds = array<i64: 1024, 128>}]} {
    %get3A = arith.constant 0 : index
    %get3A_0 = arith.constant 0 : index
    %get3A_1 = vector.load %arg3[%get3A, %get3A_0] : memref<1024x128xf32, #tpu.memory_space<vmem>>, vector<1024x128xf32>
    %get3A_2 = arith.constant 0 : index
    %get3A_3 = arith.constant 0 : index
    %get3A_4 = arith.constant 0 : index
    %get3A_5 = vector.load %arg1[%get3A_2, %get3A_3, %get3A_4] : memref<2x1024x128xf32, #tpu.memory_space<vmem>>, vector<1x1024x128xf32>
    %get3A_6 = vector.shape_cast %get3A_5 : vector<1x1024x128xf32> to vector<1024x128xf32>
    %get3A_7 = arith.constant 1 : index
    %get3A_8 = arith.constant 0 : index
    %get3A_9 = arith.constant 0 : index
    %get3A_10 = vector.load %arg1[%get3A_7, %get3A_8, %get3A_9] : memref<2x1024x128xf32, #tpu.memory_space<vmem>>, vector<1x1024x128xf32>
    %get3A_11 = vector.shape_cast %get3A_10 : vector<1x1024x128xf32> to vector<1024x128xf32>
    %add3A = arith.addf %get3A_6, %get3A_11 : vector<1024x128xf32>
    %get3A_12 = arith.constant 0 : index
    %get3A_13 = arith.constant 0 : index
    %get3A_14 = vector.load %arg2[%get3A_12, %get3A_13] : memref<1024x128xf32, #tpu.memory_space<vmem>>, vector<1024x128xf32>
    %add3A_15 = arith.addf %add3A, %get3A_14 : vector<1024x128xf32>
    %mul3A = arith.mulf %get3A_1, %add3A_15 : vector<1024x128xf32>
    %get3A_16 = arith.constant 0 : index
    %get3A_17 = arith.constant 0 : index
    %get3A_18 = vector.load %arg4[%get3A_16, %get3A_17] : memref<1x128xf32, #tpu.memory_space<vmem>>, vector<1x128xf32>
    %add3A_19 = vector.broadcast %get3A_18 : vector<1x128xf32> to vector<1024x128xf32>
    %add3A_20 = arith.addf %mul3A, %add3A_19 : vector<1024x128xf32>
    %ge3A = arith.constant 0.000000e+00 : f32
    %ge3A_21 = vector.broadcast %ge3A : f32 to vector<1024x128xf32>
    %ge3A_22 = arith.cmpf oge, %add3A_20, %ge3A_21 : vector<1024x128xf32>
    %mul3A_23 = arith.constant 1.500000e-01 : f32
    %mul3A_24 = vector.broadcast %mul3A_23 : f32 to vector<1024x128xf32>
    %mul3A_25 = arith.mulf %mul3A_24, %add3A_20 : vector<1024x128xf32>
    %select_n3A = arith.select %ge3A_22, %add3A_20, %mul3A_25 : vector<1024x128xi1>, vector<1024x128xf32>
    %get3A_26 = arith.constant 0 : index
    %get3A_27 = arith.constant 0 : index
    %get3A_28 = vector.load %arg5[%get3A_26, %get3A_27] : memref<128x16xf32, #tpu.memory_space<vmem>>, vector<128x16xf32>
    %dot_general3A = arith.constant dense<0.000000e+00> : vector<1024x16xf32>
    %dot_general3A_29 = tpu.matmul %select_n3A, %get3A_28, %dot_general3A {dimension_numbers = #tpu.dot_dimension_numbers<[1], [0], [0], [1], [0, 0, 1, 1], [], []>, transpose_lhs_hint = false} : vector<1024x128xf32>, vector<128x16xf32>, vector<1024x16xf32> -> vector<1024x16xf32>
    %get3A_30 = arith.constant 0 : index
    %get3A_31 = arith.constant 0 : index
    %get3A_32 = vector.load %arg6[%get3A_30, %get3A_31] : memref<1x16xf32, #tpu.memory_space<vmem>>, vector<1x16xf32>
    %add3A_33 = vector.broadcast %get3A_32 : vector<1x16xf32> to vector<1024x16xf32>
    %add3A_34 = arith.addf %dot_general3A_29, %add3A_33 : vector<1024x16xf32>
    %get3A_35 = arith.constant 0 : index
    %get3A_36 = arith.constant 0 : index
    %get3A_37 = vector.load %arg7[%get3A_35, %get3A_36] : memref<16x32xf32, #tpu.memory_space<vmem>>, vector<16x32xf32>
    %dot_general3A_38 = arith.constant dense<0.000000e+00> : vector<1024x32xf32>
    %dot_general3A_39 = tpu.matmul %add3A_34, %get3A_37, %dot_general3A_38 {dimension_numbers = #tpu.dot_dimension_numbers<[1], [0], [0], [1], [0, 0, 1, 1], [], []>, transpose_lhs_hint = false} : vector<1024x16xf32>, vector<16x32xf32>, vector<1024x32xf32> -> vector<1024x32xf32>
    %get3A_40 = arith.constant 0 : index
    %get3A_41 = arith.constant 0 : index
    %get3A_42 = vector.load %arg8[%get3A_40, %get3A_41] : memref<1x32xf32, #tpu.memory_space<vmem>>, vector<1x32xf32>
    %add3A_43 = vector.broadcast %get3A_42 : vector<1x32xf32> to vector<1024x32xf32>
    %add3A_44 = arith.addf %dot_general3A_39, %add3A_43 : vector<1024x32xf32>
    %ge3A_45 = arith.constant 0.000000e+00 : f32
    %ge3A_46 = vector.broadcast %ge3A_45 : f32 to vector<1024x32xf32>
    %ge3A_47 = arith.cmpf oge, %add3A_44, %ge3A_46 : vector<1024x32xf32>
    %mul3A_48 = arith.constant 1.500000e-01 : f32
    %mul3A_49 = vector.broadcast %mul3A_48 : f32 to vector<1024x32xf32>
    %mul3A_50 = arith.mulf %mul3A_49, %add3A_44 : vector<1024x32xf32>
    %select_n3A_51 = arith.select %ge3A_47, %add3A_44, %mul3A_50 : vector<1024x32xi1>, vector<1024x32xf32>
    %get3A_52 = arith.constant 0 : index
    %get3A_53 = arith.constant 0 : index
    %get3A_54 = vector.load %arg9[%get3A_52, %get3A_53] : memref<32x128xf32, #tpu.memory_space<vmem>>, vector<32x128xf32>
    %dot_general3A_55 = arith.constant dense<0.000000e+00> : vector<1024x128xf32>
    %dot_general3A_56 = tpu.matmul %select_n3A_51, %get3A_54, %dot_general3A_55 {dimension_numbers = #tpu.dot_dimension_numbers<[1], [0], [0], [1], [0, 0, 1, 1], [], []>, transpose_lhs_hint = false} : vector<1024x32xf32>, vector<32x128xf32>, vector<1024x128xf32> -> vector<1024x128xf32>
    %get3A_57 = arith.constant 0 : index
    %get3A_58 = arith.constant 0 : index
    %get3A_59 = vector.load %arg10[%get3A_57, %get3A_58] : memref<1x128xf32, #tpu.memory_space<vmem>>, vector<1x128xf32>
    %add3A_60 = vector.broadcast %get3A_59 : vector<1x128xf32> to vector<1024x128xf32>
    %add3A_61 = arith.addf %dot_general3A_56, %add3A_60 : vector<1024x128xf32>
    %swap3A = arith.constant 0 : index
    %swap3A_62 = arith.constant 0 : index
    %swap3A_63 = vector.load %arg11[%swap3A, %swap3A_62] : memref<1024x128xf32, #tpu.memory_space<vmem>>, vector<1024x128xf32>
    tpu.vector_store %arg11[%swap3A, %swap3A_62], %add3A_61 {strides = array<i32>} : memref<1024x128xf32, #tpu.memory_space<vmem>>, vector<1024x128xf32>,
    return
  }
  func.func @transform_0(%arg0: i32) -> (i32, i32, i32) {
    %c0_i32 = arith.constant 0 : i32
    %c0_i32_0 = arith.constant 0 : i32
    %c0_i32_1 = arith.constant 0 : i32
    return %c0_i32, %arg0, %c0_i32_0 : i32, i32, i32
  }
  func.func @transform_1(%arg0: i32) -> (i32, i32) {
    %c0_i32 = arith.constant 0 : i32
    %c0_i32_0 = arith.constant 0 : i32
    return %arg0, %c0_i32 : i32, i32
  }
  func.func @transform_2(%arg0: i32) -> (i32, i32) {
    %c0_i32 = arith.constant 0 : i32
    %c0_i32_0 = arith.constant 0 : i32
    return %arg0, %c0_i32 : i32, i32
  }
  func.func @transform_3(%arg0: i32) -> (i32, i32) {
    %c0_i32 = arith.constant 0 : i32
    %c0_i32_0 = arith.constant 0 : i32
    %c0_i32_1 = arith.constant 0 : i32
    return %c0_i32, %c0_i32_0 : i32, i32
  }
  func.func @transform_4(%arg0: i32) -> (i32, i32) {
    %c0_i32 = arith.constant 0 : i32
    %c0_i32_0 = arith.constant 0 : i32
    %c0_i32_1 = arith.constant 0 : i32
    return %c0_i32, %c0_i32_0 : i32, i32
  }
  func.func @transform_5(%arg0: i32) -> (i32, i32) {
    %c0_i32 = arith.constant 0 : i32
    %c0_i32_0 = arith.constant 0 : i32
    %c0_i32_1 = arith.constant 0 : i32
    return %c0_i32, %c0_i32_0 : i32, i32
  }
  func.func @transform_6(%arg0: i32) -> (i32, i32) {
    %c0_i32 = arith.constant 0 : i32
    %c0_i32_0 = arith.constant 0 : i32
    %c0_i32_1 = arith.constant 0 : i32
    return %c0_i32, %c0_i32_0 : i32, i32
  }
  func.func @transform_7(%arg0: i32) -> (i32, i32) {
    %c0_i32 = arith.constant 0 : i32
    %c0_i32_0 = arith.constant 0 : i32
    %c0_i32_1 = arith.constant 0 : i32
    return %c0_i32, %c0_i32_0 : i32, i32
  }
  func.func @transform_8(%arg0: i32) -> (i32, i32) {
    %c0_i32 = arith.constant 0 : i32
    %c0_i32_0 = arith.constant 0 : i32
    %c0_i32_1 = arith.constant 0 : i32
    return %c0_i32, %c0_i32_0 : i32, i32
  }
  func.func @transform_9(%arg0: i32) -> (i32, i32) {
    %c0_i32 = arith.constant 0 : i32
    %c0_i32_0 = arith.constant 0 : i32
    %c0_i32_1 = arith.constant 0 : i32
    return %c0_i32, %c0_i32_0 : i32, i32
  }
  func.func @transform_10(%arg0: i32) -> (i32, i32) {
    %c0_i32 = arith.constant 0 : i32
    %c0_i32_0 = arith.constant 0 : i32
    return %arg0, %c0_i32 : i32, i32
  }
}

</mosaic_0001>

<sc_bundles>
// kernel: kernel.10.cloned.1.call-start
scs
__scs_entry_jumppad:
0x0: {  	(pc) =	sbr.rel $0x88, $3  }
0x1: {  	(tag) =	ssettag $0x0;
	lr =	simm.s32 $0x1  }
0x2: {  	[smem:$0x3F93] =	sst lr;
	_ =	strace $0xD0000000  }
0x3: {  	_ = 	snop  }
0x4: {  	_ = 	snop  }
0x5: {  	_ = 	snop  }
0x6: {  	_ = 	snop  }
0x7: {  	_ = 	snop  }
__scs_overlays_trampoline_lowered:
0x8: {  	[smem:$0x3FA2] =	sst s0  }
0x9: {  	[smem:$0x3FA3] =	sst s1  }
0xa: {  	[smem:$0x3FA4] =	sst s2  }
0xb: {  	[smem:$0x3FA5] =	sst s3  }
0xc: {  	[smem:$0x3FA6] =	sst s4  }
0xd: {  	[smem:$0x3FA7] =	sst s5  }
0xe: {  	[smem:$0x3FA8] =	sst s6  }
0xf: {  	[smem:$0x3FA9] =	sst s7  }
0x10: {  	[smem:$0x3FAA] =	sst s8  }
0x11: {  	[smem:$0x3FAB] =	sst s9;
	s0 =	simm.s32 @!p0 $0x0  }
0x12: {  	s1 =	sld [smem:$0x3F91];
	s0 =	simm.s32 @p0 $0x1  }
0x13: {  	[smem:$0x3FAC] =	sst s0;
	s0 =	simm.s32 @!p1 $0x0  }
0x14: {  	s2 =	sld [smem:$0x3F90];
	s0 =	simm.s32 @p1 $0x1  }
0x15: {  	[smem:$0x3FAD] =	sst s0;
	s0 =	simm.s32 @!p2 $0x0  }
0x16: {  	s3 =	sld [smem:$0x3FDB];
	s0 =	simm.s32 @p2 $0x1  }
0x17: {  	s4 =	simm.s32 $0x1BF5;
	[smem:$0x3FAF] =	sst s0  }
0x18: {  	s0 =	sld [smem:$0x3F92];
	_ =	swait.ge [sflag:s4], $0x0  }
0x19: {  	s7 =	sld [smem:$0x3F93]  }
0x1a: {  	s8 =	sadd.s32 $0xFFFFE003, lr  }
0x1b: {  	s9 =	sadd.s32 $0xFFFFFEF7, lr;
	s5 =	simm.s32 $0xFFFFFFFF;
	p2 =	slt.u32 s8, $0xFFFFF086  }
0x1c: {  	p1 =	slt.u32 s9, $0xF7A;
	s5 =	simm.s32 @!p2 $0x0  }
0x1d: {  	s5 =	simm.s32 @p1 $0x1;
	p0 =	seq.s32 s7, s2  }
0x1e: {  	s7 =	smul.u32 @!p0 $0xF7A, s2;
	p2 =	seq.s32 @!p0 s5, $0x0  }
0x1f: {  	s9 =	smul.u32 $0xF7A, s1;
	s8 =	simm.s32 @!p0 $0x1BF5;
	p2 =	por !p2, p0  }
0x20: {  	[sflag:s8] =	ssyncset.s32 @!p0 $0xFFFFF086;
	s6 =	sadd.s32 @!p0 s3, s7;
	s7 =	simm.s32 @!p0 $0x108  }
0x21: {  	s3 =	sadd.s32 s3, s9;
	s6 =	sadd.s32 @!p0 $0x88, s6;
	s7 =	simm.s32 @p2 $0x1082  }
0x22: {  	[simem:s7], [sflag:s8] =	dma.local @!p0 [hbm:s6], $0xF7A  }
0x23: {  	s9 =	sor.u32 $0xD0000000, s2;
	s6 =	simm.s32 $0x108;
	_ =	swait.ge @!p0 [sflag:s8], $0x0  }
0x24: {  	s3 =	sadd.s32 $0x88, s3;
	s6 =	simm.s32 @!p1 $0x1082;
	[sflag:s4] =	ssyncset.s32 $0xFFFFF086  }
0x25: {  	[simem:s6], [sflag:s4] =	dma.local [hbm:s3], $0xF7A  }
0x26: {  	[smem:$0x3F93] =	sst s1;
	(tag) =	ssettag s2;
	_ =	strace s9  }
0x27: {  	s1 =	sld [smem:$0x3FA3]  }
0x28: {  	s2 =	sld [smem:$0x3FA4]  }
0x29: {  	s4 =	sld [smem:$0x3FA6]  }
0x2a: {  	p0 =	seq.s32 s5, $0x0;
	s5 =	sld [smem:$0x3FA7]  }
0x2b: {  	s6 =	sld [smem:$0x3FA8]  }
0x2c: {  	s7 =	sld [smem:$0x3FA9]  }
0x2d: {  	s3 =	simm.s32 $0x108;
	s8 =	sld [smem:$0x3FAA]  }
0x2e: {  	s3 =	simm.s32 @!p0 $0x1082;
	s9 =	sld [smem:$0x3FAB]  }
0x2f: {  	lr =	sadd.s32 s0, s3;
	s0 =	sld [smem:$0x3FA2]  }
0x30: {  	s3 =	sld [smem:$0x3FA5]  }
0x31: {  	[smem:$0x3FAE] =	sst s10  }
0x32: {  	s10 =	sld [smem:$0x3FAC];
	_ =	sdelay $0x3  }
0x33: {  	p0 =	seq.s32 s10, $0x1;
	s10 =	sld [smem:$0x3FAE];
	_ =	sdelay $0x3  }
0x34: {  	[smem:$0x3FAE] =	sst s10  }
0x35: {  	s10 =	sld [smem:$0x3FAD];
	_ =	sdelay $0x3  }
0x36: {  	p1 =	seq.s32 s10, $0x1;
	s10 =	sld [smem:$0x3FAE];
	_ =	sdelay $0x3  }
0x37: {  	[smem:$0x3FAE] =	sst s10  }
0x38: {  	s10 =	sld [smem:$0x3FAF]  }
0x39: {  	_ = 	snop;
	(pc) =	sbr.ind lr, $3  }
0x3a: {  	_ = 	snop  }
0x3b: {  	_ = 	snop  }
0x3c: {  	p2 =	seq.s32 s10, $0x1;
	s10 =	sld [smem:$0x3FAE]  }
0x3d: {  	_ =	shalt  }
0x3e: {  	_ =	shalt  }
0x3f: {  	_ =	shalt  }
0x40: {  	_ =	shalt  }
0x41: {  	_ =	shalt  }
0x42: {  	_ =	shalt  }
0x43: {  	_ =	shalt  }
0x44: {  	_ =	shalt  }
0x45: {  	_ =	shalt  }
0x46: {  	_ =	shalt  }
0x47: {  	_ =	shalt  }
0x48: {  	_ =	shalt  }
0x49: {  	_ =	shalt  }
0x4a: {  	_ =	shalt  }
0x4b: {  	_ =	shalt  }
0x4c: {  	_ =	shalt  }
0x4d: {  	_ =	shalt  }
0x4e: {  	_ =	shalt  }
0x4f: {  	_ =	shalt  }
0x50: {  	_ =	shalt  }
0x51: {  	_ =	shalt  }
0x52: {  	_ =	shalt  }
0x53: {  	_ =	shalt  }
0x54: {  	_ =	shalt  }
0x55: {  	_ =	shalt  }
0x56: {  	_ =	shalt  }
0x57: {  	_ =	shalt  }
0x58: {  	_ =	shalt  }
0x59: {  	_ =	shalt  }
0x5a: {  	_ =	shalt  }
0x5b: {  	_ =	shalt  }
0x5c: {  	_ =	shalt  }
0x5d: {  	_ =	shalt  }
0x5e: {  	_ =	shalt  }
0x5f: {  	_ =	shalt  }
0x60: {  	_ =	shalt  }
0x61: {  	_ =	shalt  }
0x62: {  	_ =	shalt  }
0x63: {  	_ =	shalt  }
0x64: {  	_ =	shalt  }
0x65: {  	_ =	shalt  }
0x66: {  	_ =	shalt  }
0x67: {  	_ =	shalt  }
0x68: {  	_ =	shalt  }
0x69: {  	_ =	shalt  }
0x6a: {  	_ =	shalt  }
0x6b: {  	_ =	shalt  }
0x6c: {  	_ =	shalt  }
0x6d: {  	_ =	shalt  }
0x6e: {  	_ =	shalt  }
0x6f: {  	_ =	shalt  }
0x70: {  	_ =	shalt  }
0x71: {  	_ =	shalt  }
0x72: {  	_ =	shalt  }
0x73: {  	_ =	shalt  }
0x74: {  	_ =	shalt  }
0x75: {  	_ =	shalt  }
0x76: {  	_ =	shalt  }
0x77: {  	_ =	shalt  }
0x78: {  	_ =	shalt  }
0x79: {  	_ =	shalt  }
0x7a: {  	_ =	shalt  }
0x7b: {  	_ =	shalt  }
0x7c: {  	_ =	shalt  }
0x7d: {  	_ =	shalt  }
0x7e: {  	_ =	shalt  }
0x7f: {  	_ =	shalt  }
0x80: {  	_ =	shalt  }
0x81: {  	_ =	shalt  }
0x82: {  	_ =	shalt  }
0x83: {  	_ =	shalt  }
0x84: {  	_ =	shalt  }
0x85: {  	_ =	shalt  }
0x86: {  	_ =	shalt  }
0x87: {  	_ =	shalt  }
.Lfunc_end0:
.L_simem_size_0:
called_computation_lowered:
.L_overlay_start_0:
0x88: {  	s2 =	sld [smem:$0x3FD9]  }
0x89: {  	s3 =	sld [smem:$0x3FFE];
	_ =	sdelay $0x1  }
0x8a: {  	s1 =	srdreg.scid  }
0x8b: {  	s0 =	sand.u32 $0x1, s1  }
0x8c: {  	s16 =	sshll.u32 s0, $0xA;
	s2 =	sadd.s32 s3, s2  }
0x8d: {  	s2 =	sadd.s32 s2, s16  }
0x8e: {  	[smem:$0x3FBA] =	sst s2  }
0x8f: {  	_ = 	snop  }
0x90: {  	(tm) =	ssettm $0x1  }
0x91: {  	s17 =	sld [smem:$0x3FFB];
	_ =	sdelay $0x3  }
0x92: {  	_ =	strace s17  }
0x93: {  	s2 =	sld [smem:$0x3FFC];
	_ =	sdelay $0x3  }
0x94: {  	_ =	strace s2  }
0x95: {  	s2 =	sld [smem:$0x3FFD];
	_ =	sdelay $0x3  }
0x96: {  	_ =	strace s2  }
0x97: {  	_ =	strace $0x8FFFFFFF  }
0x98: {  	s18 =	sld [smem:$0x3FDB];
	_ =	sdelay $0x1  }
0x99: {  	s19 =	simm.s32 $_scs_section_size  }
0x9a: {  	s4 =	simm.s32 $_size__tile_overlayer_lowered;
	s5 =	simm.s32 $_tile_overlayer_lowered  }
0x9b: {  	s22 =	simm.s32 $0x1BFF;
	s21 =	sshll.u32 s5, $0x1;
	s2 =	sadd.s32 s19, s18  }
0x9c: {  	s6 =	simm.s32 $0x0;
	s20 =	sshll.u32 s4, $0x1;
	s4 =	sadd.s32 s21, s2  }
0x9d: {  	[timem:s6], [sflag:s22] =	dma.local [hbm:s4], s20  }
0x9e: {  	_ =	swait.ge [sflag:s22], s20  }
0x9f: {  	s3 =	ssub.s32 $0x0, s20;
	[sflag:s22] =	ssyncset.done $0x0  }
0xa0: {  	[sflag:s22] =	ssyncadd.s32 s3;
	_ =	sdelay $0x1  }
0xa1: {  	s23 =	simm.s32 $0x1B8B  }
0xa2: {  	_ =	swait.ge [sflag:s23], $0x1  }
0xa3: {  	[sflag:s23] =	ssyncset.done $0x0  }
0xa4: {  	s25 =	simm.s32 $0x1B8E;
	s24 =	sld [smem:$0x3FFE];
	[sflag:s23] =	ssyncadd.s32 $0xFFFFFFFF  }
0xa5: {  	s26 =	simm.s32 $execute0_lowered;
	[smem:$0x3FD2] =	sst s25  }
0xa6: {  	s4 =	sshll.u32 s26, $0x1;
	_ =	strace $0x80000046;
	[dreg:$0x1] =	wrdreg $0xFFFFFFFF  }
0xa7: {  	s28 =	simm.s32 $_size_execute0_lowered;
	s2 =	sadd.s32 s2, s4;
	[dreg:$0x0] =	wrdreg $0x0  }
0xa8: {  	s4 =	sshll.u32 s28, $0x1;
	[dreg:$0x2] =	wrdreg s2  }
0xa9: {  	[dreg:$0x3] =	wrdreg s4  }
0xaa: {  	[dreg:$0x4] =	wrdreg $0xC0  }
0xab: {  	_ =	task [dreg:s6], $0x5FFFF  }
0xac: {  	[dreg:$0x1] =	wrdreg $0xFFFFFFFF  }
0xad: {  	[dreg:$0x0] =	wrdreg $0x60  }
0xae: {  	[dreg:$0x2] =	wrdreg s24  }
0xaf: {  	[dreg:$0x3] =	wrdreg $0x4000  }
0xb0: {  	[dreg:$0x4] =	wrdreg $0x9  }
0xb1: {  	_ =	task.clear_ibuf [dreg:s6], $0x5FFFF;
	_ =	strace $0x90000046  }
0xb2: {  	s29 =	simm.s32 $0x9;
	_ =	strace $0x80000048  }
0xb3: {  	_ =	swait.ge [sflag:s29], $0x1  }
0xb4: {  	[sflag:s29] =	ssyncadd.s32 $0xFFFFFFFF  }
0xb5: {  	_ =	strace $0x90000048  }
0xb6: {  	_ =	sfence  }
0xb7: {  	s30 =	sld [smem:$0x0];
	_ =	sdelay $0x2  }
0xb8: {  	s31 =	sshll.u32 s1, $0xD;
	s1 =	sshrl.u32 s1, $0x2  }
0xb9: {  	s3 =	sand.u32 $0x4000, s31;
	s1 =	sadd.s32 s1, s30  }
0xba: {  	s0 =	sor.u32 s3, s0;
	s1 =	sshll.u32 s1, $0x11  }
0xbb: {  	s0 =	sor.u32 s1, s0  }
0xbc: {  	s0 =	sadd.s32 $0x8F2B, s0  }
0xbd: {  	[sflag:s0] =	ssyncadd.remote.s32 $0x1  }
0xbe: {  	_ =	sfence.sel $0xFFFF  }
0xbf: {  	[dreg:$0x0] =	wrdreg $0xFFFFFFFF;
	(pc) =	sbr.abs _section_cstart, $3  }
0xc0: {  	[dreg:$0x1] =	wrdreg $0xFFFFFFFF  }
0xc1: {  	_ =	task.clear_ibuf [dreg:s6], $0x2FFFF;
	_ =	strace $0x9FFFFFFF  }
0xc2: {  	(tm) =	ssettm $0x7FFFFFFF  }
0xc3: {  	_ =	shalt  }
tec
execute0_lowered:
.L_overlay_start_1:
0x0: {  	(tag) =	ssettag $0x1  }
0x1: {  	s5 =	rddreg [dreg:$0x0]  }
0x2: {  	s2 =	rddreg [dreg:$0x1];
	s3 =	srdreg.scid  }
0x3: {  	s0 =	rddreg [dreg:$0x2];
	s1 =	stileid.u32;
	s14 =	simm.s32 $0x1  }
0x4: {  	s15 =	simm.s32 $0x50;
	s16 =	simm.s32 $0x100;
	s17 =	simm.s32 $0x2  }
0x5: {  	s20 =	simm.s32 $0x20;
	s21 =	simm.s32 $0x10;
	s6 =	smul.u32 $0x500, s1  }
0x6: {  	s22 =	simm.s32 $0x0;
	s4 =	sand.u32 $0x1, s3;
	s8 =	smul.u32 $0xA00, s1  }
0x7: {  	s3 =	simm.s32 $0x0;
	s12 =	smul.u32 $0x2710, s1;
	s18 =	sshll.u32 s1, $0x6  }
0x8: {  	s7 =	sshll.u32 s4, $0x4;
	[smem:$0x7FF] =	sst s3;
	s9 =	sshll.u32 s4, $0x7  }
0x9: {  	s28 =	ssub.s32 $0x2, s4;
	s10 =	smul.u32 $0x27100, s4;
	s4 =	sadd.s32 $0x2E00, s5  }
0xa: {  	s18 =	sor.u32 $0x1C03, s18;
	s7 =	sor.u32 s1, s7;
	_ =	strace $0x80000047  }
0xb: {  	s6 =	sor.u32 s9, s6;
	s11 =	sshrl.u32 s28, $0x1;
	s29 =	sshrl.u32 s8, $0x2  }
0xc: {  	s7 =	smul.u32 $0x2710, s7;
	s6 =	sshrl.u32 s6, $0x3;
	s9 =	ssub.s32 s28, s11  }
0xd: {  	s10 =	sadd.s32 s12, s10;
	s12 =	simm.s32 $0x3;
	s13 =	sadd.s32 s6, s5  }
0xe: {  	s5 =	sadd.s32 s29, s2;
	s31 =	sadd.s32 $0x50, s10;
	s8 =	smax.u32 s9, $0x1  }
0xf: {  	s9 =	sadd.s32 $0xA0, s10;
	s30 =	sshrl.u32 s7, $0x3;
	s7 =	sadd.s32 $0x16A00, s13  }
0x10: {  	s11 =	sshrl.u32 s31, $0x3;
	s13 =	simm.s32 $0x80;
	s19 =	sshrl.u32 s5, $0x3  }
0x11: {  	v0 =	vimm.f32 $1.000000000e+00;
	v1 =	vimm.f32 $0.0e+00;
	s6 =	sadd.s32 s4, s30;
	s10 =	sadd.s32 s11, s4;
	s11 =	simm.s32 $0x180  }
.LBB2_1:
0x12: {  	[tilespmem:$0x100] =	vst v0  }
0x13: {  	[tilespmem:$0x110] =	vst v0  }
0x14: {  	[tilespmem:$0x120] =	vst v0  }
0x15: {  	[tilespmem:$0x130] =	vst v0  }
0x16: {  	[tilespmem:$0x140] =	vst v0  }
0x17: {  	[tilespmem:$0x180] =	vst v1  }
0x18: {  	[tilespmem:$0x190] =	vst v1  }
0x19: {  	[tilespmem:$0x1A0] =	vst v1  }
0x1a: {  	[tilespmem:$0x1B0] =	vst v1  }
0x1b: {  	[tilespmem:$0x1C0] =	vst v1  }
0x1c: {  	[tilespmem:$0x1D0] =	vst v1  }
0x1d: {  	[tilespmem:$0x1E0] =	vst v1  }
0x1e: {  	[tilespmem:$0x1F0] =	vst v1  }
0x1f: {  	[tilespmem:$0x200] =	vst v1  }
0x20: {  	[tilespmem:$0x210] =	vst v1  }
0x21: {  	[tilespmem:$0x220] =	vst v1  }
0x22: {  	[tilespmem:$0x230] =	vst v1  }
0x23: {  	[tilespmem:$0x240] =	vst v1  }
0x24: {  	[tilespmem:$0x250] =	vst v1  }
0x25: {  	[tilespmem:$0x260] =	vst v1  }
0x26: {  	[tilespmem:$0x270] =	vst v1  }
0x27: {  	[tilespmem:$0x280] =	vst v1  }
0x28: {  	[tilespmem:$0x290] =	vst v1  }
0x29: {  	[tilespmem:$0x2A0] =	vst v1  }
0x2a: {  	[tilespmem:$0x2B0] =	vst v1  }
0x2b: {  	[tilespmem:$0x2C0] =	vst v1  }
0x2c: {  	[tilespmem:$0x2D0] =	vst v1  }
0x2d: {  	[tilespmem:$0x2E0] =	vst v1  }
0x2e: {  	[tilespmem:$0x2F0] =	vst v1  }
0x2f: {  	[tilespmem:$0x300] =	vst v1  }
0x30: {  	[tilespmem:$0x310] =	vst v1  }
0x31: {  	[tilespmem:$0x320] =	vst v1  }
0x32: {  	[tilespmem:$0x330] =	vst v1  }
0x33: {  	[tilespmem:$0x340] =	vst v1  }
0x34: {  	[tilespmem:$0x350] =	vst v1  }
0x35: {  	[tilespmem:$0x360] =	vst v1  }
0x36: {  	[tilespmem:$0x370] =	vst v1  }
0x37: {  	[tilespmem:$0x380] =	vst v1  }
0x38: {  	[tilespmem:$0x390] =	vst v1  }
0x39: {  	[tilespmem:$0x3A0] =	vst v1  }
0x3a: {  	[tilespmem:$0x3B0] =	vst v1  }
0x3b: {  	[tilespmem:$0x3C0] =	vst v1  }
0x3c: {  	[tilespmem:$0x3D0] =	vst v1  }
0x3d: {  	[tilespmem:$0x3E0] =	vst v1  }
0x3e: {  	[tilespmem:$0x3F0] =	vst v1  }
0x3f: {  	[spmem:s5] =	stream.linear.scatter [tilespmem:s11], [sflag:$0x3], $0x280, $0x38;
	[tilespmem:$0x680] =	vst v63  }
0x40: {  	_ =	swait.ge [sflag:s12], $0x280  }
0x41: {  	[sflag:s12] =	ssyncset.done $0x0  }
0x42: {  	[sflag:s12] =	ssyncadd.s32 $0xFFFFFD80  }
0x43: {  	[bflag:$0x0] =	sbarrier.arrive $0xFFFF  }
0x44: {  	[tilespmem:s3], [sflag:$0x1] =	stream.linear.gather [hbm4b:s6+s3], $0x50, $0x38;
	[tilespmem:$0x680] =	vst v63  }
0x45: {  	s23 =	sadd.s32 $0x0, s10  }
0x46: {  	[tilespmem:s13], [sflag:$0x2] =	stream.linear.gather [hbm4b:s23+s3], $0x50, $0x38;
	[tilespmem:$0x680] =	vst v63  }
0x47: {  	_ =	swait.ge [sflag:s14], $0x50  }
0x48: {  	[sflag:s14] =	ssyncset.done $0x0  }
0x49: {  	[sflag:s14] =	ssyncadd.s32 $0xFFFFFFB0  }
0x4a: {  	[spmem:s2] =	stream.indirect.scatter.add.f32 [tilespmem:s16], [sflag:$0x3], $0x1, s3, s15, $0xb8;
	[tilespmem:$0x680] =	vst v63  }
0x4b: {  	_ =	swait.ge [sflag:s12], $0x50  }
0x4c: {  	s31 =	sshrl.u32 s9, $0x3;
	[sflag:s12] =	ssyncset.done $0x0  }
0x4d: {  	s23 =	sadd.s32 s4, s31;
	[sflag:s12] =	ssyncadd.s32 $0xFFFFFFB0  }
0x4e: {  	[tilespmem:s3], [sflag:$0x1] =	stream.linear.gather [hbm4b:s23+s3], $0x50, $0x38;
	[tilespmem:$0x680] =	vst v63  }
0x4f: {  	_ =	swait.ge [sflag:s17], $0x50  }
0x50: {  	[sflag:s17] =	ssyncset.done $0x0  }
0x51: {  	[sflag:s17] =	ssyncadd.s32 $0xFFFFFFB0  }
0x52: {  	[spmem:s2] =	stream.indirect.scatter.add.f32 [tilespmem:s16], [sflag:$0x3], $0x1, s13, s15, $0xb8;
	[tilespmem:$0x680] =	vst v63  }
0x53: {  	s24 =	simm.s32 $0x14;
	_ =	swait.ge [sflag:s12], $0x50  }
0x54: {  	s25 =	simm.s32 $0x28;
	s23 =	sadd.s32 $0xA0, s9;
	[sflag:s12] =	ssyncset.done $0x0  }
.LBB2_2:
0x55: {  	s26 =	sadd.s32 s24, s10  }
0x56: {  	[sflag:s12] =	ssyncadd.s32 $0xFFFFFFB0;
	s24 =	smov.u32 s25;
	s28 =	sadd.s32 $0x14, s25  }
0x57: {  	[tilespmem:s13], [sflag:$0x2] =	stream.linear.gather [hbm4b:s26+s3], $0x50, $0x38;
	[tilespmem:$0x680] =	vst v63  }
0x58: {  	p0 =	sne.s32 s25, $0x4C4;
	_ =	swait.ge [sflag:s14], $0x50  }
0x59: {  	[sflag:s14] =	ssyncset.done $0x0  }
0x5a: {  	[sflag:s14] =	ssyncadd.s32 $0xFFFFFFB0  }
0x5b: {  	[spmem:s2] =	stream.indirect.scatter.add.f32 [tilespmem:s16], [sflag:$0x3], $0x1, s3, s15, $0xb8;
	[tilespmem:$0x680] =	vst v63  }
0x5c: {  	_ =	swait.ge [sflag:s12], $0x50  }
0x5d: {  	s25 =	sshrl.u32 s23, $0x3;
	[sflag:s12] =	ssyncset.done $0x0  }
0x5e: {  	s25 =	sadd.s32 s4, s25;
	[sflag:s12] =	ssyncadd.s32 $0xFFFFFFB0  }
0x5f: {  	[tilespmem:s3], [sflag:$0x1] =	stream.linear.gather [hbm4b:s25+s3], $0x50, $0x38;
	[tilespmem:$0x680] =	vst v63  }
0x60: {  	_ =	swait.ge [sflag:s17], $0x50  }
.Ltmp0:
0x61: {  	[sflag:s17] =	ssyncset.done $0x0;
	(pc) =	sbr.rel @p0 .LBB2_2-.Ltmp0, $4  }
0x62: {  	[sflag:s17] =	ssyncadd.s32 $0xFFFFFFB0  }
0x63: {  	[spmem:s2] =	stream.indirect.scatter.add.f32 [tilespmem:s16], [sflag:$0x3], $0x1, s13, s15, $0xb8;
	[tilespmem:$0x680] =	vst v63  }
0x64: {  	_ =	swait.ge [sflag:s12], $0x50  }
0x65: {  	s23 =	sadd.s32 $0xA0, s23;
	s25 =	smov.u32 s28;
	[sflag:s12] =	ssyncset.done $0x0  }
0x66: {  	s24 =	sadd.s32 s24, s10;
	[sflag:s12] =	ssyncadd.s32 $0xFFFFFFB0  }
0x67: {  	[tilespmem:s13], [sflag:$0x2] =	stream.linear.gather [hbm4b:s24+s3], $0x50, $0x38;
	[tilespmem:$0x680] =	vst v63  }
0x68: {  	_ =	swait.ge [sflag:s14], $0x50  }
0x69: {  	[sflag:s14] =	ssyncset.done $0x0  }
0x6a: {  	[sflag:s14] =	ssyncadd.s32 $0xFFFFFFB0  }
0x6b: {  	[spmem:s2] =	stream.indirect.scatter.add.f32 [tilespmem:s16], [sflag:$0x3], $0x1, s3, s15, $0xb8;
	[tilespmem:$0x680] =	vst v63  }
0x6c: {  	_ =	swait.ge [sflag:s12], $0x50  }
0x6d: {  	s23 =	sshrl.u32 s23, $0x3;
	[sflag:s12] =	ssyncset.done $0x0  }
0x6e: {  	s23 =	sadd.s32 s4, s23;
	[sflag:s12] =	ssyncadd.s32 $0xFFFFFFB0  }
0x6f: {  	[tilespmem:s3], [sflag:$0x1] =	stream.linear.gather [hbm4b:s23+s3], $0x50, $0x38;
	[tilespmem:$0x680] =	vst v63  }
0x70: {  	_ =	swait.ge [sflag:s17], $0x50  }
0x71: {  	[sflag:s17] =	ssyncset.done $0x0  }
0x72: {  	[sflag:s17] =	ssyncadd.s32 $0xFFFFFFB0  }
0x73: {  	[spmem:s2] =	stream.indirect.scatter.add.f32 [tilespmem:s16], [sflag:$0x3], $0x1, s13, s15, $0xb8;
	[tilespmem:$0x680] =	vst v63  }
0x74: {  	_ =	swait.ge [sflag:s12], $0x50  }
0x75: {  	[sflag:s12] =	ssyncset.done $0x0  }
0x76: {  	[sflag:s12] =	ssyncadd.s32 $0xFFFFFFB0  }
0x77: {  	_ =	swait.ge [sflag:s14], $0x50  }
0x78: {  	[sflag:s14] =	ssyncset.done $0x0  }
0x79: {  	[sflag:s14] =	ssyncadd.s32 $0xFFFFFFB0  }
0x7a: {  	[spmem:s2] =	stream.indirect.scatter.add.f32 [tilespmem:s16], [sflag:$0x3], $0x1, s3, s15, $0xb8;
	[tilespmem:$0x680] =	vst v63  }
0x7b: {  	_ =	swait.ge [sflag:s12], $0x50  }
0x7c: {  	s22 =	sadd.s32 $0x1, s22;
	[sflag:s12] =	ssyncset.done $0x0  }
0x7d: {  	p0 =	sne.s32 s22, s8;
	[sflag:s12] =	ssyncadd.s32 $0xFFFFFFB0  }
.Ltmp1:
0x7e: {  	[bflag:$0x0] =	sbarrier.arrive $0xFFFF;
	(pc) =	sbr.rel @p0 .LBB2_1-.Ltmp1, $4  }
0x7f: {  	[hbm:s7@s20], [sflag:s18] =	dma.strided [spmem:s19@s21], $0x50, s14, $0x10   }
0x80: {  	_ =	swait.ge [sflag:s12], $0x50  }
0x81: {  	[sflag:s12] =	ssyncset.done $0x0  }
0x82: {  	[sflag:s12] =	ssyncadd.s32 $0xFFFFFFB0  }
0x83: {  	_ =	sfence.sel $0x180000  }
0x84: {  	[bflag:$0x0] =	sbarrier.arrive $0xFFFF  }
0x85: {  	p0 =	sne.s32 s1, $0x0;
	_ =	strace $0x90000047  }
0x86: {  	s0 =	sadd.s32 @!p0 $0x100000, s0;
	[bflag:$0x2] =	sbarrier.arrive $0xFFFF  }
0x87: {  	[sflag:s0] =	ssyncadd.tile.s32 @!p0 $0x1;
	_ =	shalt  }
.Lfunc_end2:
_tile_overlayer_lowered:
.L_overlay_start_2:
0x88: {  	(tag) =	ssettag $0x2  }
0x89: {  	s0 =	rddreg [dreg:$0x0];
	s2 =	stileid.u32  }
0x8a: {  	s1 =	rddreg [dreg:$0x1];
	p0 =	sne.s32 s2, $0x0  }
0x8b: {  	s3 =	rddreg [dreg:$0x2];
	[bflag:$0x3] =	sbarrier.arrive $0xFFFF;
	s2 =	simm.s32 @!p0 $0x1C03  }
0x8c: {  	[timem:s3], [sflag:s2] =	dma.local @!p0 [hbm:s0], s1  }
0x8d: {  	s0 =	simm.s32 @!p0 $0x3  }
0x8e: {  	_ =	swait.ge @!p0 [sflag:s0], s1  }
0x8f: {  	s1 =	ssub.s32 @!p0 $0x0, s1;
	[sflag:s0] =	ssyncset.done @!p0 $0x0  }
0x90: {  	[sflag:s0] =	ssyncadd.s32 @!p0 s1  }
0x91: {  	[bflag:$0x3] =	sbarrier.arrive $0xFFFF  }
0x92: {  	_ =	shalt  }

// kernel: kernel.13.cloned.1.call-start
scs
__scs_entry_jumppad:
0x0: {  	(pc) =	sbr.rel $0x88, $3  }
0x1: {  	(tag) =	ssettag $0x0;
	lr =	simm.s32 $0x1  }
0x2: {  	[smem:$0x3F93] =	sst lr;
	_ =	strace $0xD0000000  }
0x3: {  	_ = 	snop  }
0x4: {  	_ = 	snop  }
0x5: {  	_ = 	snop  }
0x6: {  	_ = 	snop  }
0x7: {  	_ = 	snop  }
__scs_overlays_trampoline_lowered:
0x8: {  	[smem:$0x3FA2] =	sst s0  }
0x9: {  	[smem:$0x3FA3] =	sst s1  }
0xa: {  	[smem:$0x3FA4] =	sst s2  }
0xb: {  	[smem:$0x3FA5] =	sst s3  }
0xc: {  	[smem:$0x3FA6] =	sst s4  }
0xd: {  	[smem:$0x3FA7] =	sst s5  }
0xe: {  	[smem:$0x3FA8] =	sst s6  }
0xf: {  	[smem:$0x3FA9] =	sst s7  }
0x10: {  	[smem:$0x3FAA] =	sst s8  }
0x11: {  	[smem:$0x3FAB] =	sst s9;
	s0 =	simm.s32 @!p0 $0x0  }
0x12: {  	s1 =	sld [smem:$0x3F91];
	s0 =	simm.s32 @p0 $0x1  }
0x13: {  	[smem:$0x3FAC] =	sst s0;
	s0 =	simm.s32 @!p1 $0x0  }
0x14: {  	s2 =	sld [smem:$0x3F90];
	s0 =	simm.s32 @p1 $0x1  }
0x15: {  	[smem:$0x3FAD] =	sst s0;
	s0 =	simm.s32 @!p2 $0x0  }
0x16: {  	s3 =	sld [smem:$0x3FDB];
	s0 =	simm.s32 @p2 $0x1  }
0x17: {  	s4 =	simm.s32 $0x1BF5;
	[smem:$0x3FAF] =	sst s0  }
0x18: {  	s0 =	sld [smem:$0x3F92];
	_ =	swait.ge [sflag:s4], $0x0  }
0x19: {  	s7 =	sld [smem:$0x3F93]  }
0x1a: {  	s8 =	sadd.s32 $0xFFFFE003, lr  }
0x1b: {  	s9 =	sadd.s32 $0xFFFFFEF7, lr;
	s5 =	simm.s32 $0xFFFFFFFF;
	p2 =	slt.u32 s8, $0xFFFFF086  }
0x1c: {  	p1 =	slt.u32 s9, $0xF7A;
	s5 =	simm.s32 @!p2 $0x0  }
0x1d: {  	s5 =	simm.s32 @p1 $0x1;
	p0 =	seq.s32 s7, s2  }
0x1e: {  	s7 =	smul.u32 @!p0 $0xF7A, s2;
	p2 =	seq.s32 @!p0 s5, $0x0  }
0x1f: {  	s9 =	smul.u32 $0xF7A, s1;
	s8 =	simm.s32 @!p0 $0x1BF5;
	p2 =	por !p2, p0  }
0x20: {  	[sflag:s8] =	ssyncset.s32 @!p0 $0xFFFFF086;
	s6 =	sadd.s32 @!p0 s3, s7;
	s7 =	simm.s32 @!p0 $0x108  }
0x21: {  	s3 =	sadd.s32 s3, s9;
	s6 =	sadd.s32 @!p0 $0x88, s6;
	s7 =	simm.s32 @p2 $0x1082  }
0x22: {  	[simem:s7], [sflag:s8] =	dma.local @!p0 [hbm:s6], $0xF7A  }
0x23: {  	s9 =	sor.u32 $0xD0000000, s2;
	s6 =	simm.s32 $0x108;
	_ =	swait.ge @!p0 [sflag:s8], $0x0  }
0x24: {  	s3 =	sadd.s32 $0x88, s3;
	s6 =	simm.s32 @!p1 $0x1082;
	[sflag:s4] =	ssyncset.s32 $0xFFFFF086  }
0x25: {  	[simem:s6], [sflag:s4] =	dma.local [hbm:s3], $0xF7A  }
0x26: {  	[smem:$0x3F93] =	sst s1;
	(tag) =	ssettag s2;
	_ =	strace s9  }
0x27: {  	s1 =	sld [smem:$0x3FA3]  }
0x28: {  	s2 =	sld [smem:$0x3FA4]  }
0x29: {  	s4 =	sld [smem:$0x3FA6]  }
0x2a: {  	p0 =	seq.s32 s5, $0x0;
	s5 =	sld [smem:$0x3FA7]  }
0x2b: {  	s6 =	sld [smem:$0x3FA8]  }
0x2c: {  	s7 =	sld [smem:$0x3FA9]  }
0x2d: {  	s3 =	simm.s32 $0x108;
	s8 =	sld [smem:$0x3FAA]  }
0x2e: {  	s3 =	simm.s32 @!p0 $0x1082;
	s9 =	sld [smem:$0x3FAB]  }
0x2f: {  	lr =	sadd.s32 s0, s3;
	s0 =	sld [smem:$0x3FA2]  }
0x30: {  	s3 =	sld [smem:$0x3FA5]  }
0x31: {  	[smem:$0x3FAE] =	sst s10  }
0x32: {  	s10 =	sld [smem:$0x3FAC];
	_ =	sdelay $0x3  }
0x33: {  	p0 =	seq.s32 s10, $0x1;
	s10 =	sld [smem:$0x3FAE];
	_ =	sdelay $0x3  }
0x34: {  	[smem:$0x3FAE] =	sst s10  }
0x35: {  	s10 =	sld [smem:$0x3FAD];
	_ =	sdelay $0x3  }
0x36: {  	p1 =	seq.s32 s10, $0x1;
	s10 =	sld [smem:$0x3FAE];
	_ =	sdelay $0x3  }
0x37: {  	[smem:$0x3FAE] =	sst s10  }
0x38: {  	s10 =	sld [smem:$0x3FAF]  }
0x39: {  	_ = 	snop;
	(pc) =	sbr.ind lr, $3  }
0x3a: {  	_ = 	snop  }
0x3b: {  	_ = 	snop  }
0x3c: {  	p2 =	seq.s32 s10, $0x1;
	s10 =	sld [smem:$0x3FAE]  }
0x3d: {  	_ =	shalt  }
0x3e: {  	_ =	shalt  }
0x3f: {  	_ =	shalt  }
0x40: {  	_ =	shalt  }
0x41: {  	_ =	shalt  }
0x42: {  	_ =	shalt  }
0x43: {  	_ =	shalt  }
0x44: {  	_ =	shalt  }
0x45: {  	_ =	shalt  }
0x46: {  	_ =	shalt  }
0x47: {  	_ =	shalt  }
0x48: {  	_ =	shalt  }
0x49: {  	_ =	shalt  }
0x4a: {  	_ =	shalt  }
0x4b: {  	_ =	shalt  }
0x4c: {  	_ =	shalt  }
0x4d: {  	_ =	shalt  }
0x4e: {  	_ =	shalt  }
0x4f: {  	_ =	shalt  }
0x50: {  	_ =	shalt  }
0x51: {  	_ =	shalt  }
0x52: {  	_ =	shalt  }
0x53: {  	_ =	shalt  }
0x54: {  	_ =	shalt  }
0x55: {  	_ =	shalt  }
0x56: {  	_ =	shalt  }
0x57: {  	_ =	shalt  }
0x58: {  	_ =	shalt  }
0x59: {  	_ =	shalt  }
0x5a: {  	_ =	shalt  }
0x5b: {  	_ =	shalt  }
0x5c: {  	_ =	shalt  }
0x5d: {  	_ =	shalt  }
0x5e: {  	_ =	shalt  }
0x5f: {  	_ =	shalt  }
0x60: {  	_ =	shalt  }
0x61: {  	_ =	shalt  }
0x62: {  	_ =	shalt  }
0x63: {  	_ =	shalt  }
0x64: {  	_ =	shalt  }
0x65: {  	_ =	shalt  }
0x66: {  	_ =	shalt  }
0x67: {  	_ =	shalt  }
0x68: {  	_ =	shalt  }
0x69: {  	_ =	shalt  }
0x6a: {  	_ =	shalt  }
0x6b: {  	_ =	shalt  }
0x6c: {  	_ =	shalt  }
0x6d: {  	_ =	shalt  }
0x6e: {  	_ =	shalt  }
0x6f: {  	_ =	shalt  }
0x70: {  	_ =	shalt  }
0x71: {  	_ =	shalt  }
0x72: {  	_ =	shalt  }
0x73: {  	_ =	shalt  }
0x74: {  	_ =	shalt  }
0x75: {  	_ =	shalt  }
0x76: {  	_ =	shalt  }
0x77: {  	_ =	shalt  }
0x78: {  	_ =	shalt  }
0x79: {  	_ =	shalt  }
0x7a: {  	_ =	shalt  }
0x7b: {  	_ =	shalt  }
0x7c: {  	_ =	shalt  }
0x7d: {  	_ =	shalt  }
0x7e: {  	_ =	shalt  }
0x7f: {  	_ =	shalt  }
0x80: {  	_ =	shalt  }
0x81: {  	_ =	shalt  }
0x82: {  	_ =	shalt  }
0x83: {  	_ =	shalt  }
0x84: {  	_ =	shalt  }
0x85: {  	_ =	shalt  }
0x86: {  	_ =	shalt  }
0x87: {  	_ =	shalt  }
.Lfunc_end0:
.L_simem_size_0:
called_computation.1_lowered:
.L_overlay_start_0:
0x88: {  	s2 =	sld [smem:$0x3FD9]  }
0x89: {  	s3 =	sld [smem:$0x3FFE];
	_ =	sdelay $0x1  }
0x8a: {  	s1 =	srdreg.scid  }
0x8b: {  	s0 =	sand.u32 $0x1, s1  }
0x8c: {  	s16 =	sshll.u32 s0, $0xA;
	s2 =	sadd.s32 s3, s2  }
0x8d: {  	s2 =	sadd.s32 s2, s16  }
0x8e: {  	[smem:$0x3FBA] =	sst s2  }
0x8f: {  	_ = 	snop  }
0x90: {  	(tm) =	ssettm $0x1  }
0x91: {  	s17 =	sld [smem:$0x3FFB];
	_ =	sdelay $0x3  }
0x92: {  	_ =	strace s17  }
0x93: {  	s2 =	sld [smem:$0x3FFC];
	_ =	sdelay $0x3  }
0x94: {  	_ =	strace s2  }
0x95: {  	s2 =	sld [smem:$0x3FFD];
	_ =	sdelay $0x3  }
0x96: {  	_ =	strace s2  }
0x97: {  	_ =	strace $0x8FFFFFFF  }
0x98: {  	s18 =	sld [smem:$0x3FDB];
	_ =	sdelay $0x1  }
0x99: {  	s19 =	simm.s32 $_scs_section_size  }
0x9a: {  	s4 =	simm.s32 $_size__tile_overlayer_lowered;
	s5 =	simm.s32 $_tile_overlayer_lowered  }
0x9b: {  	s22 =	simm.s32 $0x1BFF;
	s21 =	sshll.u32 s5, $0x1;
	s2 =	sadd.s32 s19, s18  }
0x9c: {  	s6 =	simm.s32 $0x0;
	s20 =	sshll.u32 s4, $0x1;
	s4 =	sadd.s32 s21, s2  }
0x9d: {  	[timem:s6], [sflag:s22] =	dma.local [hbm:s4], s20  }
0x9e: {  	_ =	swait.ge [sflag:s22], s20  }
0x9f: {  	s3 =	ssub.s32 $0x0, s20;
	[sflag:s22] =	ssyncset.done $0x0  }
0xa0: {  	[sflag:s22] =	ssyncadd.s32 s3;
	_ =	sdelay $0x1  }
0xa1: {  	s23 =	simm.s32 $0x1B8B  }
0xa2: {  	_ =	swait.ge [sflag:s23], $0x1  }
0xa3: {  	[sflag:s23] =	ssyncset.done $0x0  }
0xa4: {  	s25 =	simm.s32 $0x1B8E;
	s24 =	sld [smem:$0x3FFE];
	[sflag:s23] =	ssyncadd.s32 $0xFFFFFFFF  }
0xa5: {  	s26 =	simm.s32 $execute0_lowered;
	[smem:$0x3FD2] =	sst s25  }
0xa6: {  	s4 =	sshll.u32 s26, $0x1;
	_ =	strace $0x80000049;
	[dreg:$0x1] =	wrdreg $0xFFFFFFFF  }
0xa7: {  	s28 =	simm.s32 $_size_execute0_lowered;
	s2 =	sadd.s32 s2, s4;
	[dreg:$0x0] =	wrdreg $0x0  }
0xa8: {  	s4 =	sshll.u32 s28, $0x1;
	[dreg:$0x2] =	wrdreg s2  }
0xa9: {  	[dreg:$0x3] =	wrdreg s4  }
0xaa: {  	[dreg:$0x4] =	wrdreg $0xC0  }
0xab: {  	_ =	task [dreg:s6], $0x5FFFF  }
0xac: {  	[dreg:$0x1] =	wrdreg $0xFFFFFFFF  }
0xad: {  	[dreg:$0x0] =	wrdreg $0x60  }
0xae: {  	[dreg:$0x2] =	wrdreg s24  }
0xaf: {  	[dreg:$0x3] =	wrdreg $0xB8000  }
0xb0: {  	[dreg:$0x4] =	wrdreg $0x9  }
0xb1: {  	_ =	task.clear_ibuf [dreg:s6], $0x5FFFF;
	_ =	strace $0x90000049  }
0xb2: {  	s29 =	simm.s32 $0x9;
	_ =	strace $0x8000004B  }
0xb3: {  	_ =	swait.ge [sflag:s29], $0x1  }
0xb4: {  	[sflag:s29] =	ssyncadd.s32 $0xFFFFFFFF  }
0xb5: {  	_ =	strace $0x9000004B  }
0xb6: {  	_ =	sfence  }
0xb7: {  	s30 =	sld [smem:$0x0];
	_ =	sdelay $0x2  }
0xb8: {  	s31 =	sshll.u32 s1, $0xD;
	s1 =	sshrl.u32 s1, $0x2  }
0xb9: {  	s3 =	sand.u32 $0x4000, s31;
	s1 =	sadd.s32 s1, s30  }
0xba: {  	s0 =	sor.u32 s3, s0;
	s1 =	sshll.u32 s1, $0x11  }
0xbb: {  	s0 =	sor.u32 s1, s0  }
0xbc: {  	s0 =	sadd.s32 $0x8F2B, s0  }
0xbd: {  	[sflag:s0] =	ssyncadd.remote.s32 $0x1  }
0xbe: {  	_ =	sfence.sel $0xFFFF  }
0xbf: {  	[dreg:$0x0] =	wrdreg $0xFFFFFFFF;
	(pc) =	sbr.abs _section_cstart, $3  }
0xc0: {  	[dreg:$0x1] =	wrdreg $0xFFFFFFFF  }
0xc1: {  	_ =	task.clear_ibuf [dreg:s6], $0x2FFFF;
	_ =	strace $0x9FFFFFFF  }
0xc2: {  	(tm) =	ssettm $0x7FFFFFFF  }
0xc3: {  	_ =	shalt  }
tec
execute0_lowered:
.L_overlay_start_1:
0x0: {  	(tag) =	ssettag $0x1  }
0x1: {  	s0 =	rddreg [dreg:$0x0]  }
0x2: {  	s1 =	rddreg [dreg:$0x1];
	s3 =	simm.s32 $0x0  }
0x3: {  	s2 =	srdreg.scid;
	s12 =	stileid.u32;
	s28 =	simm.s32 $0x7C00  }
0x4: {  	s29 =	simm.s32 $0x4;
	s30 =	simm.s32 $0x0;
	s4 =	smul.u32 $0x4E20, s12  }
0x5: {  	[smem:$0x7FF] =	sst s3;
	s2 =	sand.u32 $0x1, s2;
	s11 =	smul.u32 $0x14000, s12  }
0x6: {  	s5 =	sadd.s32 $0xCC00, s0;
	s6 =	sadd.s32 $0x2E00, s0;
	s23 =	smul.u32 $0x50000, s12  }
0x7: {  	s8 =	sadd.s32 $0x16A00, s0;
	s31 =	smul.u32 $0x9C4, s12;
	_ =	strace $0x8000004A  }
0x8: {  	s7 =	ssub.s32 $0x2, s2;
	s2 =	smul.u32 $0x280000, s2;
	s4 =	sshrl.u32 s4, $0x3  }
0x9: {  	s9 =	sshrl.u32 s7, $0x1;
	s24 =	sshrl.u32 s23, $0x2;
	s13 =	sadd.s32 s6, s4  }
0xa: {  	s23 =	sadd.s32 s31, s6;
	s15 =	sadd.s32 s24, s1;
	[dreg:$0x3] =	wrdreg s13  }
0xb: {  	s16 =	sadd.s32 $0x14, s4;
	s10 =	sadd.s32 $0xA, s13;
	[dreg:$0xc] =	wrdreg s15  }
0xc: {  	s7 =	ssub.s32 s7, s9;
	s17 =	sadd.s32 s5, s16;
	[dreg:$0x4] =	wrdreg s10  }
0xd: {  	s18 =	sadd.s32 s5, s4;
	s9 =	sadd.s32 s6, s16;
	[dreg:$0x5] =	wrdreg s17  }
0xe: {  	s4 =	sadd.s32 $0x9B0, s4;
	s20 =	sadd.s32 $0x1E, s13;
	[dreg:$0x6] =	wrdreg s9  }
0xf: {  	s19 =	sshrl.u32 s2, $0x3;
	s21 =	sadd.s32 s5, s4;
	[dreg:$0x7] =	wrdreg s20  }
0x10: {  	s22 =	sadd.s32 s11, s2;
	s4 =	sadd.s32 s6, s4;
	[dreg:$0x8] =	wrdreg s21  }
0x11: {  	s2 =	sadd.s32 $0x140000, s2;
	s13 =	sadd.s32 $0x9BA, s13;
	[dreg:$0x9] =	wrdreg s4  }
0x12: {  	s25 =	sadd.s32 s11, s2;
	s11 =	sadd.s32 $0x5000, s15;
	[dreg:$0xa] =	wrdreg s13  }
0x13: {  	s24 =	sadd.s32 s31, s5;
	s12 =	sadd.s32 $0x6400, s15;
	[dreg:$0x12] =	wrdreg s11  }
0x14: {  	s2 =	sshrl.u32 s2, $0x3;
	s14 =	sadd.s32 $0x8C00, s15;
	[dreg:$0x13] =	wrdreg s12  }
0x15: {  	s31 =	sadd.s32 $0x12C00, s15;
	s10 =	sadd.s32 s8, s19;
	[dreg:$0x15] =	wrdreg s14  }
0x16: {  	s16 =	sadd.s32 s8, s2;
	s8 =	sadd.s32 $0x2800, s15;
	[dreg:$0x1d] =	wrdreg s31  }
0x17: {  	s0 =	sadd.s32 $0xB6A00, s0;
	s9 =	sadd.s32 $0x3C00, s15;
	[dreg:$0x10] =	wrdreg s8  }
0x18: {  	s6 =	simm.s32 $0x5;
	s13 =	sadd.s32 $0x7800, s15;
	[dreg:$0x11] =	wrdreg s9  }
0x19: {  	s5 =	simm.s32 $0x3;
	s17 =	sadd.s32 $0xA000, s15;
	[dreg:$0x14] =	wrdreg s13  }
0x1a: {  	s4 =	sshrl.u32 s22, $0x3;
	s19 =	sadd.s32 $0xB400, s15;
	[dreg:$0x16] =	wrdreg s17  }
0x1b: {  	s26 =	sshrl.u32 s25, $0x3;
	s20 =	sadd.s32 $0xC800, s15;
	[dreg:$0x17] =	wrdreg s19  }
0x1c: {  	s21 =	sadd.s32 $0xDC00, s15;
	s22 =	sadd.s32 $0xF000, s15;
	[dreg:$0x18] =	wrdreg s20  }
0x1d: {  	s25 =	sadd.s32 $0x10400, s15;
	s11 =	simm.s32 $0x300;
	[dreg:$0x19] =	wrdreg s21  }
0x1e: {  	s12 =	simm.s32 $0x380;
	s4 =	sadd.s32 s0, s4;
	[dreg:$0x1a] =	wrdreg s22  }
0x1f: {  	s0 =	sadd.s32 s0, s26;
	[dreg:$0x1b] =	wrdreg s25;
	s26 =	sadd.s32 $0x11800, s15  }
0x20: {  	s8 =	simm.s32 $0x280;
	s9 =	simm.s32 $0x100;
	s13 =	simm.s32 $0x1  }
0x21: {  	s19 =	simm.s32 $0x50;
	s20 =	simm.s32 $0x400;
	[dreg:$0xb] =	wrdreg s4  }
0x22: {  	s21 =	simm.s32 $0x2C00;
	s22 =	simm.s32 $0x2;
	[dreg:$0xd] =	wrdreg s0  }
0x23: {  	s25 =	simm.s32 $0x5400;
	s4 =	smax.u32 s7, $0x1;
	[dreg:$0x1c] =	wrdreg s26  }
0x24: {  	s7 =	sadd.s32 $0x1400, s15;
	s26 =	simm.s32 $0x150;
	[dreg:$0xe] =	wrdreg s4  }
0x25: {  	v0 =	vimm.f32 $0.0e+00;
	[dreg:$0xf] =	wrdreg s7;
	s4 =	simm.s32 $0xA400;
	s7 =	simm.s32 $0x200  }
.LBB2_1:
0x26: {  	s0 =	simm.s32 $0x70;
	s2 =	simm.s32 $0x3C0  }
.LBB2_2:
0x27: {  	p0 =	sne.s32 s2, $0x4FC0;
	[tilespmem:s0+$0xA400] =	vst v0  }
0x28: {  	[tilespmem:s0+$0xA390] =	vst v0  }
0x29: {  	[tilespmem:s0+$0xA3A0] =	vst v0  }
.Ltmp0:
0x2a: {  	[tilespmem:s0+$0xA3B0] =	vst v0;
	(pc) =	sbr.rel @p0 .LBB2_2-.Ltmp0, $4  }
0x2b: {  	[tilespmem:s0+$0xA3C0] =	vst v0  }
0x2c: {  	[tilespmem:s0+$0xA3D0] =	vst v0  }
0x2d: {  	[tilespmem:s0+$0xA3E0] =	vst v0  }
0x2e: {  	[tilespmem:s0+$0xA3F0] =	vst v0;
	s0 =	sshra.s32 s2, $0x2;
	s2 =	sadd.s32 $0x200, s2  }
0x2f: {  	[tilespmem:s0+$0xA400] =	vst v0  }
0x30: {  	[tilespmem:s0+$0xA390] =	vst v0  }
0x31: {  	[tilespmem:s0+$0xA3A0] =	vst v0  }
0x32: {  	[tilespmem:s0+$0xA3B0] =	vst v0  }
0x33: {  	[tilespmem:s0+$0xA3C0] =	vst v0  }
0x34: {  	[tilespmem:s0+$0xA3D0] =	vst v0  }
0x35: {  	[tilespmem:s0+$0xA3E0] =	vst v0  }
0x36: {  	[tilespmem:s0+$0xA3F0] =	vst v0  }
0x37: {  	[spmem:s15] =	stream.linear.scatter [tilespmem:s4], [sflag:$0x5], $0x1400, $0x38;
	[tilespmem:$0x1F800] =	vst v63  }
0x38: {  	_ =	swait.ge [sflag:s6], $0x1400  }
0x39: {  	[sflag:s6] =	ssyncset.done $0x0  }
0x3a: {  	s17 =	rddreg [dreg:$0xf];
	[sflag:s6] =	ssyncadd.s32 $0xFFFFEC00  }
0x3b: {  	[spmem:s17] =	stream.linear.scatter [tilespmem:s4], [sflag:$0x5], $0x1400, $0x38;
	[tilespmem:$0x1F800] =	vst v63  }
0x3c: {  	_ =	swait.ge [sflag:s6], $0x1400  }
0x3d: {  	[sflag:s6] =	ssyncset.done $0x0  }
0x3e: {  	s31 =	rddreg [dreg:$0x10];
	[sflag:s6] =	ssyncadd.s32 $0xFFFFEC00  }
0x3f: {  	[spmem:s31] =	stream.linear.scatter [tilespmem:s4], [sflag:$0x5], $0x1400, $0x38;
	[tilespmem:$0x1F800] =	vst v63  }
0x40: {  	_ =	swait.ge [sflag:s6], $0x1400  }
0x41: {  	[sflag:s6] =	ssyncset.done $0x0  }
0x42: {  	s2 =	rddreg [dreg:$0x11];
	[sflag:s6] =	ssyncadd.s32 $0xFFFFEC00  }
0x43: {  	[spmem:s2] =	stream.linear.scatter [tilespmem:s4], [sflag:$0x5], $0x1400, $0x38;
	[tilespmem:$0x1F800] =	vst v63  }
0x44: {  	_ =	swait.ge [sflag:s6], $0x1400  }
0x45: {  	[sflag:s6] =	ssyncset.done $0x0  }
0x46: {  	s14 =	rddreg [dreg:$0x12];
	[sflag:s6] =	ssyncadd.s32 $0xFFFFEC00  }
0x47: {  	[spmem:s14] =	stream.linear.scatter [tilespmem:s4], [sflag:$0x5], $0x1400, $0x38;
	[tilespmem:$0x1F800] =	vst v63  }
0x48: {  	_ =	swait.ge [sflag:s6], $0x1400  }
0x49: {  	[sflag:s6] =	ssyncset.done $0x0  }
0x4a: {  	s17 =	rddreg [dreg:$0x13];
	[sflag:s6] =	ssyncadd.s32 $0xFFFFEC00  }
0x4b: {  	[spmem:s17] =	stream.linear.scatter [tilespmem:s4], [sflag:$0x5], $0x1400, $0x38;
	[tilespmem:$0x1F800] =	vst v63  }
0x4c: {  	_ =	swait.ge [sflag:s6], $0x1400  }
0x4d: {  	[sflag:s6] =	ssyncset.done $0x0  }
0x4e: {  	s31 =	rddreg [dreg:$0x14];
	[sflag:s6] =	ssyncadd.s32 $0xFFFFEC00  }
0x4f: {  	[spmem:s31] =	stream.linear.scatter [tilespmem:s4], [sflag:$0x5], $0x1400, $0x38;
	[tilespmem:$0x1F800] =	vst v63  }
0x50: {  	_ =	swait.ge [sflag:s6], $0x1400  }
0x51: {  	[sflag:s6] =	ssyncset.done $0x0  }
0x52: {  	s2 =	rddreg [dreg:$0x15];
	[sflag:s6] =	ssyncadd.s32 $0xFFFFEC00  }
0x53: {  	[spmem:s2] =	stream.linear.scatter [tilespmem:s4], [sflag:$0x5], $0x1400, $0x38;
	[tilespmem:$0x1F800] =	vst v63  }
0x54: {  	_ =	swait.ge [sflag:s6], $0x1400  }
0x55: {  	[sflag:s6] =	ssyncset.done $0x0  }
0x56: {  	s14 =	rddreg [dreg:$0x16];
	[sflag:s6] =	ssyncadd.s32 $0xFFFFEC00  }
0x57: {  	[spmem:s14] =	stream.linear.scatter [tilespmem:s4], [sflag:$0x5], $0x1400, $0x38;
	[tilespmem:$0x1F800] =	vst v63  }
0x58: {  	_ =	swait.ge [sflag:s6], $0x1400  }
0x59: {  	[sflag:s6] =	ssyncset.done $0x0  }
0x5a: {  	s17 =	rddreg [dreg:$0x17];
	[sflag:s6] =	ssyncadd.s32 $0xFFFFEC00  }
0x5b: {  	[spmem:s17] =	stream.linear.scatter [tilespmem:s4], [sflag:$0x5], $0x1400, $0x38;
	[tilespmem:$0x1F800] =	vst v63  }
0x5c: {  	_ =	swait.ge [sflag:s6], $0x1400  }
0x5d: {  	[sflag:s6] =	ssyncset.done $0x0  }
0x5e: {  	s31 =	rddreg [dreg:$0x18];
	[sflag:s6] =	ssyncadd.s32 $0xFFFFEC00  }
0x5f: {  	[spmem:s31] =	stream.linear.scatter [tilespmem:s4], [sflag:$0x5], $0x1400, $0x38;
	[tilespmem:$0x1F800] =	vst v63  }
0x60: {  	_ =	swait.ge [sflag:s6], $0x1400  }
0x61: {  	[sflag:s6] =	ssyncset.done $0x0  }
0x62: {  	s2 =	rddreg [dreg:$0x19];
	[sflag:s6] =	ssyncadd.s32 $0xFFFFEC00  }
0x63: {  	[spmem:s2] =	stream.linear.scatter [tilespmem:s4], [sflag:$0x5], $0x1400, $0x38;
	[tilespmem:$0x1F800] =	vst v63  }
0x64: {  	_ =	swait.ge [sflag:s6], $0x1400  }
0x65: {  	[sflag:s6] =	ssyncset.done $0x0  }
0x66: {  	s14 =	rddreg [dreg:$0x1a];
	[sflag:s6] =	ssyncadd.s32 $0xFFFFEC00  }
0x67: {  	[spmem:s14] =	stream.linear.scatter [tilespmem:s4], [sflag:$0x5], $0x1400, $0x38;
	[tilespmem:$0x1F800] =	vst v63  }
0x68: {  	_ =	swait.ge [sflag:s6], $0x1400  }
0x69: {  	[sflag:s6] =	ssyncset.done $0x0  }
0x6a: {  	s17 =	rddreg [dreg:$0x1b];
	[sflag:s6] =	ssyncadd.s32 $0xFFFFEC00  }
0x6b: {  	[spmem:s17] =	stream.linear.scatter [tilespmem:s4], [sflag:$0x5], $0x1400, $0x38;
	[tilespmem:$0x1F800] =	vst v63  }
0x6c: {  	_ =	swait.ge [sflag:s6], $0x1400  }
0x6d: {  	[sflag:s6] =	ssyncset.done $0x0  }
0x6e: {  	s31 =	rddreg [dreg:$0x1c];
	[sflag:s6] =	ssyncadd.s32 $0xFFFFEC00  }
0x6f: {  	[spmem:s31] =	stream.linear.scatter [tilespmem:s4], [sflag:$0x5], $0x1400, $0x38;
	[tilespmem:$0x1F800] =	vst v63  }
0x70: {  	_ =	swait.ge [sflag:s6], $0x1400  }
0x71: {  	[sflag:s6] =	ssyncset.done $0x0  }
0x72: {  	s2 =	rddreg [dreg:$0x1d];
	[sflag:s6] =	ssyncadd.s32 $0xFFFFEC00  }
0x73: {  	[spmem:s2] =	stream.linear.scatter [tilespmem:s4], [sflag:$0x5], $0x1400, $0x38;
	[tilespmem:$0x1F800] =	vst v63  }
0x74: {  	_ =	swait.ge [sflag:s6], $0x1400  }
0x75: {  	[sflag:s6] =	ssyncset.done $0x0  }
0x76: {  	[sflag:s6] =	ssyncadd.s32 $0xFFFFEC00  }
0x77: {  	s0 =	simm.s32 $0x0;
	[bflag:$0x0] =	sbarrier.arrive $0xFFFF  }
0x78: {  	[tilespmem:s0], [sflag:$0x1] =	stream.linear.gather [hbm4b:s18+s0], $0xA0, $0x38;
	[tilespmem:$0x1F800] =	vst v63  }
0x79: {  	s2 =	rddreg [dreg:$0x3]  }
0x7a: {  	[tilespmem:s7], [sflag:$0x1] =	stream.linear.gather [hbm4b:s2+s0], $0x50, $0x38;
	[tilespmem:$0x1F800] =	vst v63  }
0x7b: {  	s14 =	rddreg [dreg:$0x4]  }
0x7c: {  	[tilespmem:s8], [sflag:$0x1] =	stream.linear.gather [hbm4b:s14+s0], $0x50, $0x38;
	[tilespmem:$0x1F800] =	vst v63  }
0x7d: {  	s17 =	rddreg [dreg:$0x5]  }
0x7e: {  	[tilespmem:s9], [sflag:$0x2] =	stream.linear.gather [hbm4b:s17+s0], $0xA0, $0x38;
	[tilespmem:$0x1F800] =	vst v63  }
0x7f: {  	s31 =	rddreg [dreg:$0x6]  }
0x80: {  	[tilespmem:s11], [sflag:$0x2] =	stream.linear.gather [hbm4b:s31+s0], $0x50, $0x38;
	[tilespmem:$0x1F800] =	vst v63  }
0x81: {  	s14 =	rddreg [dreg:$0x7]  }
0x82: {  	[tilespmem:s12], [sflag:$0x2] =	stream.linear.gather [hbm4b:s14+s0], $0x50, $0x38;
	[tilespmem:$0x1F800] =	vst v63  }
0x83: {  	_ =	swait.ge [sflag:s13], $0xA0  }
0x84: {  	[sflag:s13] =	ssyncset.done $0x0  }
0x85: {  	[sflag:s13] =	ssyncadd.s32 $0xFFFFFF60  }
0x86: {  	_ =	swait.ge [sflag:s13], $0x50  }
0x87: {  	[sflag:s13] =	ssyncset.done $0x0  }
0x88: {  	[sflag:s13] =	ssyncadd.s32 $0xFFFFFFB0  }
0x89: {  	_ =	swait.ge [sflag:s13], $0x50  }
0x8a: {  	[sflag:s13] =	ssyncset.done $0x0  }
0x8b: {  	[sflag:s13] =	ssyncadd.s32 $0xFFFFFFB0  }
0x8c: {  	[tilespmem:s20], [sflag:$0x3] =	stream.indirect.gather [hbm4b:s10+s19], $0x80, s0, s19, $0xb8;
	[tilespmem:$0x1F800] =	vst v63  }
0x8d: {  	_ = 	snop  }
0x8e: {  	[tilespmem:s21], [sflag:$0x3] =	stream.indirect.gather [hbm4b:s10+s19], $0x80, s19, s19, $0xb8;
	[tilespmem:$0x1F800] =	vst v63  }
0x8f: {  	_ =	swait.ge [sflag:s22], $0xA0  }
0x90: {  	[sflag:s22] =	ssyncset.done $0x0  }
0x91: {  	[sflag:s22] =	ssyncadd.s32 $0xFFFFFF60  }
0x92: {  	_ =	swait.ge [sflag:s22], $0x50  }
0x93: {  	[sflag:s22] =	ssyncset.done $0x0  }
0x94: {  	[sflag:s22] =	ssyncadd.s32 $0xFFFFFFB0  }
0x95: {  	_ =	swait.ge [sflag:s22], $0x50  }
0x96: {  	[sflag:s22] =	ssyncset.done $0x0  }
0x97: {  	[sflag:s22] =	ssyncadd.s32 $0xFFFFFFB0  }
0x98: {  	[tilespmem:s25], [sflag:$0x4] =	stream.indirect.gather [hbm4b:s10+s19], $0x80, s9, s19, $0xb8;
	[tilespmem:$0x1F800] =	vst v63  }
0x99: {  	_ = 	snop  }
0x9a: {  	[tilespmem:s28], [sflag:$0x4] =	stream.indirect.gather [hbm4b:s10+s19], $0x80, s26, s19, $0xb8;
	[tilespmem:$0x1F800] =	vst v63  }
0x9b: {  	_ =	swait.ge [sflag:s5], $0x2800  }
0x9c: {  	[sflag:s5] =	ssyncset.done $0x0  }
0x9d: {  	[sflag:s5] =	ssyncadd.s32 $0xFFFFD800  }
0x9e: {  	_ =	swait.ge [sflag:s5], $0x2800  }
0x9f: {  	[sflag:s5] =	ssyncset.done $0x0  }
0xa0: {  	[sflag:s5] =	ssyncadd.s32 $0xFFFFD800  }
0xa1: {  	[spmem:s1] =	stream.indirect.scatter.add.f32 [tilespmem:s20], [sflag:$0x5], $0x80, s7, s19, $0xb8;
	[tilespmem:$0x1F800] =	vst v63  }
0xa2: {  	_ =	swait.ge [sflag:s6], $0x2800  }
0xa3: {  	[sflag:s6] =	ssyncset.done $0x0  }
0xa4: {  	[sflag:s6] =	ssyncadd.s32 $0xFFFFD800  }
0xa5: {  	[spmem:s1] =	stream.indirect.scatter.add.f32 [tilespmem:s21], [sflag:$0x5], $0x80, s8, s19, $0xb8;
	[tilespmem:$0x1F800] =	vst v63  }
0xa6: {  	_ =	swait.ge [sflag:s6], $0x2800  }
0xa7: {  	s0 =	sadd.s32 $0x0, s24;
	[sflag:s6] =	ssyncset.done $0x0  }
0xa8: {  	s14 =	sadd.s32 $0x0, s23;
	s17 =	sadd.s32 $0x28, s0;
	[sflag:s6] =	ssyncadd.s32 $0xFFFFD800  }
0xa9: {  	[tilespmem:s3], [sflag:$0x1] =	stream.linear.gather [hbm4b:s17+s3], $0xA0, $0x38;
	[tilespmem:$0x1F800] =	vst v63  }
0xaa: {  	s31 =	sadd.s32 $0x28, s14  }
0xab: {  	[tilespmem:s7], [sflag:$0x1] =	stream.linear.gather [hbm4b:s31+s3], $0x50, $0x38;
	[tilespmem:$0x1F800] =	vst v63  }
0xac: {  	s17 =	sadd.s32 $0x32, s14  }
0xad: {  	[tilespmem:s8], [sflag:$0x1] =	stream.linear.gather [hbm4b:s17+s3], $0x50, $0x38;
	[tilespmem:$0x1F800] =	vst v63  }
0xae: {  	_ =	swait.ge [sflag:s13], $0xA0  }
0xaf: {  	[sflag:s13] =	ssyncset.done $0x0  }
0xb0: {  	[sflag:s13] =	ssyncadd.s32 $0xFFFFFF60  }
0xb1: {  	_ =	swait.ge [sflag:s13], $0x50  }
0xb2: {  	[sflag:s13] =	ssyncset.done $0x0  }
0xb3: {  	[sflag:s13] =	ssyncadd.s32 $0xFFFFFFB0  }
0xb4: {  	_ =	swait.ge [sflag:s13], $0x50  }
0xb5: {  	[sflag:s13] =	ssyncset.done $0x0  }
0xb6: {  	[sflag:s13] =	ssyncadd.s32 $0xFFFFFFB0  }
0xb7: {  	[tilespmem:s20], [sflag:$0x3] =	stream.indirect.gather [hbm4b:s10+s19], $0x80, s3, s19, $0xb8;
	[tilespmem:$0x1F800] =	vst v63  }
0xb8: {  	_ = 	snop  }
0xb9: {  	[tilespmem:s21], [sflag:$0x3] =	stream.indirect.gather [hbm4b:s10+s19], $0x80, s19, s19, $0xb8;
	[tilespmem:$0x1F800] =	vst v63  }
0xba: {  	_ =	swait.ge [sflag:s29], $0x2800  }
0xbb: {  	[sflag:s29] =	ssyncset.done $0x0  }
0xbc: {  	[sflag:s29] =	ssyncadd.s32 $0xFFFFD800  }
0xbd: {  	_ =	swait.ge [sflag:s29], $0x2800  }
0xbe: {  	[sflag:s29] =	ssyncset.done $0x0  }
0xbf: {  	[sflag:s29] =	ssyncadd.s32 $0xFFFFD800  }
0xc0: {  	[spmem:s1] =	stream.indirect.scatter.add.f32 [tilespmem:s25], [sflag:$0x5], $0x80, s11, s19, $0xb8;
	[tilespmem:$0x1F800] =	vst v63  }
0xc1: {  	_ =	swait.ge [sflag:s6], $0x2800  }
0xc2: {  	[sflag:s6] =	ssyncset.done $0x0  }
0xc3: {  	[sflag:s6] =	ssyncadd.s32 $0xFFFFD800  }
0xc4: {  	[spmem:s1] =	stream.indirect.scatter.add.f32 [tilespmem:s28], [sflag:$0x5], $0x80, s12, s19, $0xb8;
	[tilespmem:$0x1F800] =	vst v63  }
0xc5: {  	_ =	swait.ge [sflag:s6], $0x2800  }
0xc6: {  	[sflag:s6] =	ssyncset.done $0x0  }
0xc7: {  	s0 =	sadd.s32 $0x3C, s0;
	[sflag:s6] =	ssyncadd.s32 $0xFFFFD800  }
0xc8: {  	[tilespmem:s9], [sflag:$0x2] =	stream.linear.gather [hbm4b:s0+s3], $0xA0, $0x38;
	[tilespmem:$0x1F800] =	vst v63  }
0xc9: {  	s2 =	sadd.s32 $0x46, s14;
	s31 =	sadd.s32 $0x3C, s14;
	s0 =	simm.s32 $0x28  }
0xca: {  	[tilespmem:s11], [sflag:$0x2] =	stream.linear.gather [hbm4b:s31+s3], $0x50, $0x38;
	[tilespmem:$0x1F800] =	vst v63  }
.LBB2_4:
0xcb: {  	[tilespmem:s12], [sflag:$0x2] =	stream.linear.gather [hbm4b:s2+s3], $0x50, $0x38;
	[tilespmem:$0x1F800] =	vst v63  }
0xcc: {  	s2 =	smov.u32 s0  }
0xcd: {  	p0 =	sne.s32 s0, $0x960;
	s0 =	sadd.s32 $0x28, s0;
	_ =	swait.ge [sflag:s22], $0xA0  }
0xce: {  	[sflag:s22] =	ssyncset.done $0x0  }
0xcf: {  	[sflag:s22] =	ssyncadd.s32 $0xFFFFFF60  }
0xd0: {  	_ =	swait.ge [sflag:s22], $0x50  }
0xd1: {  	[sflag:s22] =	ssyncset.done $0x0  }
0xd2: {  	[sflag:s22] =	ssyncadd.s32 $0xFFFFFFB0  }
0xd3: {  	_ =	swait.ge [sflag:s22], $0x50  }
0xd4: {  	[sflag:s22] =	ssyncset.done $0x0  }
0xd5: {  	[sflag:s22] =	ssyncadd.s32 $0xFFFFFFB0  }
0xd6: {  	[tilespmem:s25], [sflag:$0x4] =	stream.indirect.gather [hbm4b:s10+s19], $0x80, s9, s19, $0xb8;
	[tilespmem:$0x1F800] =	vst v63  }
0xd7: {  	_ = 	snop  }
0xd8: {  	[tilespmem:s28], [sflag:$0x4] =	stream.indirect.gather [hbm4b:s10+s19], $0x80, s26, s19, $0xb8;
	[tilespmem:$0x1F800] =	vst v63  }
0xd9: {  	_ =	swait.ge [sflag:s5], $0x2800  }
0xda: {  	[sflag:s5] =	ssyncset.done $0x0  }
0xdb: {  	[sflag:s5] =	ssyncadd.s32 $0xFFFFD800  }
0xdc: {  	_ =	swait.ge [sflag:s5], $0x2800  }
0xdd: {  	[sflag:s5] =	ssyncset.done $0x0  }
0xde: {  	[sflag:s5] =	ssyncadd.s32 $0xFFFFD800  }
0xdf: {  	[spmem:s1] =	stream.indirect.scatter.add.f32 [tilespmem:s20], [sflag:$0x5], $0x80, s7, s19, $0xb8;
	[tilespmem:$0x1F800] =	vst v63  }
0xe0: {  	_ =	swait.ge [sflag:s6], $0x2800  }
0xe1: {  	[sflag:s6] =	ssyncset.done $0x0  }
0xe2: {  	[sflag:s6] =	ssyncadd.s32 $0xFFFFD800  }
0xe3: {  	[spmem:s1] =	stream.indirect.scatter.add.f32 [tilespmem:s21], [sflag:$0x5], $0x80, s8, s19, $0xb8;
	[tilespmem:$0x1F800] =	vst v63  }
0xe4: {  	_ =	swait.ge [sflag:s6], $0x2800  }
0xe5: {  	s14 =	sadd.s32 s2, s24;
	[sflag:s6] =	ssyncset.done $0x0  }
0xe6: {  	s2 =	sadd.s32 s2, s23;
	s17 =	sadd.s32 $0x28, s14;
	[sflag:s6] =	ssyncadd.s32 $0xFFFFD800  }
0xe7: {  	[tilespmem:s3], [sflag:$0x1] =	stream.linear.gather [hbm4b:s17+s3], $0xA0, $0x38;
	[tilespmem:$0x1F800] =	vst v63  }
0xe8: {  	s17 =	sadd.s32 $0x28, s2  }
0xe9: {  	[tilespmem:s7], [sflag:$0x1] =	stream.linear.gather [hbm4b:s17+s3], $0x50, $0x38;
	[tilespmem:$0x1F800] =	vst v63  }
0xea: {  	s17 =	sadd.s32 $0x32, s2  }
0xeb: {  	[tilespmem:s8], [sflag:$0x1] =	stream.linear.gather [hbm4b:s17+s3], $0x50, $0x38;
	[tilespmem:$0x1F800] =	vst v63  }
0xec: {  	_ =	swait.ge [sflag:s13], $0xA0  }
0xed: {  	[sflag:s13] =	ssyncset.done $0x0  }
0xee: {  	[sflag:s13] =	ssyncadd.s32 $0xFFFFFF60  }
0xef: {  	_ =	swait.ge [sflag:s13], $0x50  }
0xf0: {  	[sflag:s13] =	ssyncset.done $0x0  }
0xf1: {  	[sflag:s13] =	ssyncadd.s32 $0xFFFFFFB0  }
0xf2: {  	_ =	swait.ge [sflag:s13], $0x50  }
0xf3: {  	[sflag:s13] =	ssyncset.done $0x0  }
0xf4: {  	[sflag:s13] =	ssyncadd.s32 $0xFFFFFFB0  }
0xf5: {  	[tilespmem:s20], [sflag:$0x3] =	stream.indirect.gather [hbm4b:s10+s19], $0x80, s3, s19, $0xb8;
	[tilespmem:$0x1F800] =	vst v63  }
0xf6: {  	_ = 	snop  }
0xf7: {  	[tilespmem:s21], [sflag:$0x3] =	stream.indirect.gather [hbm4b:s10+s19], $0x80, s19, s19, $0xb8;
	[tilespmem:$0x1F800] =	vst v63  }
0xf8: {  	_ =	swait.ge [sflag:s29], $0x2800  }
0xf9: {  	[sflag:s29] =	ssyncset.done $0x0  }
0xfa: {  	[sflag:s29] =	ssyncadd.s32 $0xFFFFD800  }
0xfb: {  	_ =	swait.ge [sflag:s29], $0x2800  }
0xfc: {  	[sflag:s29] =	ssyncset.done $0x0  }
0xfd: {  	[sflag:s29] =	ssyncadd.s32 $0xFFFFD800  }
0xfe: {  	[spmem:s1] =	stream.indirect.scatter.add.f32 [tilespmem:s25], [sflag:$0x5], $0x80, s11, s19, $0xb8;
	[tilespmem:$0x1F800] =	vst v63  }
0xff: {  	_ =	swait.ge [sflag:s6], $0x2800  }
0x100: {  	[sflag:s6] =	ssyncset.done $0x0  }
0x101: {  	[sflag:s6] =	ssyncadd.s32 $0xFFFFD800  }
0x102: {  	[spmem:s1] =	stream.indirect.scatter.add.f32 [tilespmem:s28], [sflag:$0x5], $0x80, s12, s19, $0xb8;
	[tilespmem:$0x1F800] =	vst v63  }
0x103: {  	_ =	swait.ge [sflag:s6], $0x2800  }
0x104: {  	[sflag:s6] =	ssyncset.done $0x0  }
.Ltmp1:
0x105: {  	s14 =	sadd.s32 $0x3C, s14;
	[sflag:s6] =	ssyncadd.s32 $0xFFFFD800;
	(pc) =	sbr.rel @p0 .LBB2_4-.Ltmp1, $4  }
0x106: {  	[tilespmem:s9], [sflag:$0x2] =	stream.linear.gather [hbm4b:s14+s3], $0xA0, $0x38;
	[tilespmem:$0x1F800] =	vst v63  }
0x107: {  	s14 =	sadd.s32 $0x3C, s2  }
0x108: {  	[tilespmem:s11], [sflag:$0x2] =	stream.linear.gather [hbm4b:s14+s3], $0x50, $0x38;
	[tilespmem:$0x1F800] =	vst v63  }
0x109: {  	s2 =	sadd.s32 $0x46, s2  }
0x10a: {  	[tilespmem:s12], [sflag:$0x2] =	stream.linear.gather [hbm4b:s2+s3], $0x50, $0x38;
	[tilespmem:$0x1F800] =	vst v63  }
0x10b: {  	_ =	swait.ge [sflag:s22], $0xA0  }
0x10c: {  	[sflag:s22] =	ssyncset.done $0x0  }
0x10d: {  	[sflag:s22] =	ssyncadd.s32 $0xFFFFFF60  }
0x10e: {  	_ =	swait.ge [sflag:s22], $0x50  }
0x10f: {  	[sflag:s22] =	ssyncset.done $0x0  }
0x110: {  	[sflag:s22] =	ssyncadd.s32 $0xFFFFFFB0  }
0x111: {  	_ =	swait.ge [sflag:s22], $0x50  }
0x112: {  	[sflag:s22] =	ssyncset.done $0x0  }
0x113: {  	[sflag:s22] =	ssyncadd.s32 $0xFFFFFFB0  }
0x114: {  	[tilespmem:s25], [sflag:$0x4] =	stream.indirect.gather [hbm4b:s10+s19], $0x80, s9, s19, $0xb8;
	[tilespmem:$0x1F800] =	vst v63  }
0x115: {  	_ = 	snop  }
0x116: {  	[tilespmem:s28], [sflag:$0x4] =	stream.indirect.gather [hbm4b:s10+s19], $0x80, s26, s19, $0xb8;
	[tilespmem:$0x1F800] =	vst v63  }
0x117: {  	_ =	swait.ge [sflag:s5], $0x2800  }
0x118: {  	[sflag:s5] =	ssyncset.done $0x0  }
0x119: {  	[sflag:s5] =	ssyncadd.s32 $0xFFFFD800  }
0x11a: {  	_ =	swait.ge [sflag:s5], $0x2800  }
0x11b: {  	[sflag:s5] =	ssyncset.done $0x0  }
0x11c: {  	[sflag:s5] =	ssyncadd.s32 $0xFFFFD800  }
0x11d: {  	[spmem:s1] =	stream.indirect.scatter.add.f32 [tilespmem:s20], [sflag:$0x5], $0x80, s7, s19, $0xb8;
	[tilespmem:$0x1F800] =	vst v63  }
0x11e: {  	_ =	swait.ge [sflag:s6], $0x2800  }
0x11f: {  	[sflag:s6] =	ssyncset.done $0x0  }
0x120: {  	[sflag:s6] =	ssyncadd.s32 $0xFFFFD800  }
0x121: {  	[spmem:s1] =	stream.indirect.scatter.add.f32 [tilespmem:s21], [sflag:$0x5], $0x80, s8, s19, $0xb8;
	[tilespmem:$0x1F800] =	vst v63  }
0x122: {  	_ =	swait.ge [sflag:s6], $0x2800  }
0x123: {  	[sflag:s6] =	ssyncset.done $0x0  }
0x124: {  	s2 =	simm.s32 $0x0;
	s0 =	rddreg [dreg:$0x8];
	[sflag:s6] =	ssyncadd.s32 $0xFFFFD800  }
0x125: {  	[tilespmem:s2], [sflag:$0x1] =	stream.linear.gather [hbm4b:s0+s2], $0xA0, $0x38;
	[tilespmem:$0x1F800] =	vst v63  }
0x126: {  	s14 =	rddreg [dreg:$0x9]  }
0x127: {  	[tilespmem:s7], [sflag:$0x1] =	stream.linear.gather [hbm4b:s14+s2], $0x50, $0x38;
	[tilespmem:$0x1F800] =	vst v63  }
0x128: {  	s17 =	rddreg [dreg:$0xa]  }
0x129: {  	[tilespmem:s8], [sflag:$0x1] =	stream.linear.gather [hbm4b:s17+s2], $0x50, $0x38;
	[tilespmem:$0x1F800] =	vst v63  }
0x12a: {  	_ =	swait.ge [sflag:s13], $0xA0  }
0x12b: {  	[sflag:s13] =	ssyncset.done $0x0  }
0x12c: {  	[sflag:s13] =	ssyncadd.s32 $0xFFFFFF60  }
0x12d: {  	_ =	swait.ge [sflag:s13], $0x50  }
0x12e: {  	[sflag:s13] =	ssyncset.done $0x0  }
0x12f: {  	[sflag:s13] =	ssyncadd.s32 $0xFFFFFFB0  }
0x130: {  	_ =	swait.ge [sflag:s13], $0x50  }
0x131: {  	[sflag:s13] =	ssyncset.done $0x0  }
0x132: {  	[sflag:s13] =	ssyncadd.s32 $0xFFFFFFB0  }
0x133: {  	[tilespmem:s20], [sflag:$0x3] =	stream.indirect.gather [hbm4b:s10+s19], $0x80, s2, s19, $0xb8;
	[tilespmem:$0x1F800] =	vst v63  }
0x134: {  	_ = 	snop  }
0x135: {  	[tilespmem:s21], [sflag:$0x3] =	stream.indirect.gather [hbm4b:s10+s19], $0x80, s19, s19, $0xb8;
	[tilespmem:$0x1F800] =	vst v63  }
0x136: {  	_ =	swait.ge [sflag:s29], $0x2800  }
0x137: {  	[sflag:s29] =	ssyncset.done $0x0  }
0x138: {  	[sflag:s29] =	ssyncadd.s32 $0xFFFFD800  }
0x139: {  	_ =	swait.ge [sflag:s29], $0x2800  }
0x13a: {  	[sflag:s29] =	ssyncset.done $0x0  }
0x13b: {  	[sflag:s29] =	ssyncadd.s32 $0xFFFFD800  }
0x13c: {  	[spmem:s1] =	stream.indirect.scatter.add.f32 [tilespmem:s25], [sflag:$0x5], $0x80, s11, s19, $0xb8;
	[tilespmem:$0x1F800] =	vst v63  }
0x13d: {  	_ =	swait.ge [sflag:s6], $0x2800  }
0x13e: {  	[sflag:s6] =	ssyncset.done $0x0  }
0x13f: {  	[sflag:s6] =	ssyncadd.s32 $0xFFFFD800  }
0x140: {  	[spmem:s1] =	stream.indirect.scatter.add.f32 [tilespmem:s28], [sflag:$0x5], $0x80, s12, s19, $0xb8;
	[tilespmem:$0x1F800] =	vst v63  }
0x141: {  	_ =	swait.ge [sflag:s6], $0x2800  }
0x142: {  	[sflag:s6] =	ssyncset.done $0x0  }
0x143: {  	[sflag:s6] =	ssyncadd.s32 $0xFFFFD800  }
0x144: {  	_ =	swait.ge [sflag:s5], $0x2800  }
0x145: {  	[sflag:s5] =	ssyncset.done $0x0  }
0x146: {  	[sflag:s5] =	ssyncadd.s32 $0xFFFFD800  }
0x147: {  	_ =	swait.ge [sflag:s5], $0x2800  }
0x148: {  	[sflag:s5] =	ssyncset.done $0x0  }
0x149: {  	[sflag:s5] =	ssyncadd.s32 $0xFFFFD800  }
0x14a: {  	[spmem:s1] =	stream.indirect.scatter.add.f32 [tilespmem:s20], [sflag:$0x5], $0x80, s7, s19, $0xb8;
	[tilespmem:$0x1F800] =	vst v63  }
0x14b: {  	_ =	swait.ge [sflag:s6], $0x2800  }
0x14c: {  	[sflag:s6] =	ssyncset.done $0x0  }
0x14d: {  	[sflag:s6] =	ssyncadd.s32 $0xFFFFD800  }
0x14e: {  	[spmem:s1] =	stream.indirect.scatter.add.f32 [tilespmem:s21], [sflag:$0x5], $0x80, s8, s19, $0xb8;
	[tilespmem:$0x1F800] =	vst v63  }
0x14f: {  	_ =	swait.ge [sflag:s6], $0x2800  }
0x150: {  	[sflag:s6] =	ssyncset.done $0x0  }
0x151: {  	s14 =	stileid.u32;
	[sflag:s6] =	ssyncadd.s32 $0xFFFFD800  }
0x152: {  	s0 =	sshll.u32 s14, $0x6;
	[bflag:$0x0] =	sbarrier.arrive $0xFFFF  }
0x153: {  	s31 =	sor.u32 $0x1C05, s0;
	s0 =	sshrl.u32 s15, $0x3;
	s14 =	rddreg [dreg:$0xb]  }
0x154: {  	[hbm:s14], [sflag:s31] =	dma.local [spmem:s0], $0x2800  }
0x155: {  	_ =	swait.ge [sflag:s6], $0x2800  }
0x156: {  	[sflag:s6] =	ssyncset.done $0x0  }
0x157: {  	[sflag:s6] =	ssyncadd.s32 $0xFFFFD800  }
0x158: {  	[spmem:s15] =	stream.linear.scatter [tilespmem:s4], [sflag:$0x5], $0x1400, $0x38;
	[tilespmem:$0x1F800] =	vst v63  }
0x159: {  	_ =	swait.ge [sflag:s6], $0x1400  }
0x15a: {  	[sflag:s6] =	ssyncset.done $0x0  }
0x15b: {  	s15 =	rddreg [dreg:$0xf];
	[sflag:s6] =	ssyncadd.s32 $0xFFFFEC00  }
0x15c: {  	[spmem:s15] =	stream.linear.scatter [tilespmem:s4], [sflag:$0x5], $0x1400, $0x38;
	[tilespmem:$0x1F800] =	vst v63  }
0x15d: {  	_ =	swait.ge [sflag:s6], $0x1400  }
0x15e: {  	[sflag:s6] =	ssyncset.done $0x0  }
0x15f: {  	s17 =	rddreg [dreg:$0x10];
	[sflag:s6] =	ssyncadd.s32 $0xFFFFEC00  }
0x160: {  	[spmem:s17] =	stream.linear.scatter [tilespmem:s4], [sflag:$0x5], $0x1400, $0x38;
	[tilespmem:$0x1F800] =	vst v63  }
0x161: {  	_ =	swait.ge [sflag:s6], $0x1400  }
0x162: {  	[sflag:s6] =	ssyncset.done $0x0  }
0x163: {  	s15 =	rddreg [dreg:$0x11];
	[sflag:s6] =	ssyncadd.s32 $0xFFFFEC00  }
0x164: {  	[spmem:s15] =	stream.linear.scatter [tilespmem:s4], [sflag:$0x5], $0x1400, $0x38;
	[tilespmem:$0x1F800] =	vst v63  }
0x165: {  	_ =	swait.ge [sflag:s6], $0x1400  }
0x166: {  	[sflag:s6] =	ssyncset.done $0x0  }
0x167: {  	s17 =	rddreg [dreg:$0x12];
	[sflag:s6] =	ssyncadd.s32 $0xFFFFEC00  }
0x168: {  	[spmem:s17] =	stream.linear.scatter [tilespmem:s4], [sflag:$0x5], $0x1400, $0x38;
	[tilespmem:$0x1F800] =	vst v63  }
0x169: {  	_ =	swait.ge [sflag:s6], $0x1400  }
0x16a: {  	[sflag:s6] =	ssyncset.done $0x0  }
0x16b: {  	s15 =	rddreg [dreg:$0x13];
	[sflag:s6] =	ssyncadd.s32 $0xFFFFEC00  }
0x16c: {  	[spmem:s15] =	stream.linear.scatter [tilespmem:s4], [sflag:$0x5], $0x1400, $0x38;
	[tilespmem:$0x1F800] =	vst v63  }
0x16d: {  	_ =	swait.ge [sflag:s6], $0x1400  }
0x16e: {  	[sflag:s6] =	ssyncset.done $0x0  }
0x16f: {  	s17 =	rddreg [dreg:$0x14];
	[sflag:s6] =	ssyncadd.s32 $0xFFFFEC00  }
0x170: {  	[spmem:s17] =	stream.linear.scatter [tilespmem:s4], [sflag:$0x5], $0x1400, $0x38;
	[tilespmem:$0x1F800] =	vst v63  }
0x171: {  	_ =	swait.ge [sflag:s6], $0x1400  }
0x172: {  	[sflag:s6] =	ssyncset.done $0x0  }
0x173: {  	s15 =	rddreg [dreg:$0x15];
	[sflag:s6] =	ssyncadd.s32 $0xFFFFEC00  }
0x174: {  	[spmem:s15] =	stream.linear.scatter [tilespmem:s4], [sflag:$0x5], $0x1400, $0x38;
	[tilespmem:$0x1F800] =	vst v63  }
0x175: {  	_ =	swait.ge [sflag:s6], $0x1400  }
0x176: {  	[sflag:s6] =	ssyncset.done $0x0  }
0x177: {  	s17 =	rddreg [dreg:$0x16];
	[sflag:s6] =	ssyncadd.s32 $0xFFFFEC00  }
0x178: {  	[spmem:s17] =	stream.linear.scatter [tilespmem:s4], [sflag:$0x5], $0x1400, $0x38;
	[tilespmem:$0x1F800] =	vst v63  }
0x179: {  	_ =	swait.ge [sflag:s6], $0x1400  }
0x17a: {  	[sflag:s6] =	ssyncset.done $0x0  }
0x17b: {  	s15 =	rddreg [dreg:$0x17];
	[sflag:s6] =	ssyncadd.s32 $0xFFFFEC00  }
0x17c: {  	[spmem:s15] =	stream.linear.scatter [tilespmem:s4], [sflag:$0x5], $0x1400, $0x38;
	[tilespmem:$0x1F800] =	vst v63  }
0x17d: {  	_ =	swait.ge [sflag:s6], $0x1400  }
0x17e: {  	[sflag:s6] =	ssyncset.done $0x0  }
0x17f: {  	s17 =	rddreg [dreg:$0x18];
	[sflag:s6] =	ssyncadd.s32 $0xFFFFEC00  }
0x180: {  	[spmem:s17] =	stream.linear.scatter [tilespmem:s4], [sflag:$0x5], $0x1400, $0x38;
	[tilespmem:$0x1F800] =	vst v63  }
0x181: {  	_ =	swait.ge [sflag:s6], $0x1400  }
0x182: {  	[sflag:s6] =	ssyncset.done $0x0  }
0x183: {  	s15 =	rddreg [dreg:$0x19];
	[sflag:s6] =	ssyncadd.s32 $0xFFFFEC00  }
0x184: {  	[spmem:s15] =	stream.linear.scatter [tilespmem:s4], [sflag:$0x5], $0x1400, $0x38;
	[tilespmem:$0x1F800] =	vst v63  }
0x185: {  	_ =	swait.ge [sflag:s6], $0x1400  }
0x186: {  	[sflag:s6] =	ssyncset.done $0x0  }
0x187: {  	s17 =	rddreg [dreg:$0x1a];
	[sflag:s6] =	ssyncadd.s32 $0xFFFFEC00  }
0x188: {  	[spmem:s17] =	stream.linear.scatter [tilespmem:s4], [sflag:$0x5], $0x1400, $0x38;
	[tilespmem:$0x1F800] =	vst v63  }
0x189: {  	_ =	swait.ge [sflag:s6], $0x1400  }
0x18a: {  	[sflag:s6] =	ssyncset.done $0x0  }
0x18b: {  	s15 =	rddreg [dreg:$0x1b];
	[sflag:s6] =	ssyncadd.s32 $0xFFFFEC00  }
0x18c: {  	[spmem:s15] =	stream.linear.scatter [tilespmem:s4], [sflag:$0x5], $0x1400, $0x38;
	[tilespmem:$0x1F800] =	vst v63  }
0x18d: {  	_ =	swait.ge [sflag:s6], $0x1400  }
0x18e: {  	[sflag:s6] =	ssyncset.done $0x0  }
0x18f: {  	s17 =	rddreg [dreg:$0x1c];
	[sflag:s6] =	ssyncadd.s32 $0xFFFFEC00  }
0x190: {  	[spmem:s17] =	stream.linear.scatter [tilespmem:s4], [sflag:$0x5], $0x1400, $0x38;
	[tilespmem:$0x1F800] =	vst v63  }
0x191: {  	_ =	swait.ge [sflag:s6], $0x1400  }
0x192: {  	[sflag:s6] =	ssyncset.done $0x0  }
0x193: {  	s15 =	rddreg [dreg:$0x1d];
	[sflag:s6] =	ssyncadd.s32 $0xFFFFEC00  }
0x194: {  	[spmem:s15] =	stream.linear.scatter [tilespmem:s4], [sflag:$0x5], $0x1400, $0x38;
	[tilespmem:$0x1F800] =	vst v63  }
0x195: {  	_ =	swait.ge [sflag:s6], $0x1400  }
0x196: {  	[sflag:s6] =	ssyncset.done $0x0  }
0x197: {  	[sflag:s6] =	ssyncadd.s32 $0xFFFFEC00  }
0x198: {  	[bflag:$0x0] =	sbarrier.arrive $0xFFFF  }
0x199: {  	[tilespmem:s2], [sflag:$0x1] =	stream.linear.gather [hbm4b:s18+s2], $0xA0, $0x38;
	[tilespmem:$0x1F800] =	vst v63  }
0x19a: {  	s17 =	rddreg [dreg:$0x3]  }
0x19b: {  	[tilespmem:s7], [sflag:$0x1] =	stream.linear.gather [hbm4b:s17+s2], $0x50, $0x38;
	[tilespmem:$0x1F800] =	vst v63  }
0x19c: {  	s15 =	smov.u32 s18;
	s18 =	rddreg [dreg:$0x4]  }
0x19d: {  	[tilespmem:s8], [sflag:$0x1] =	stream.linear.gather [hbm4b:s18+s2], $0x50, $0x38;
	[tilespmem:$0x1F800] =	vst v63  }
0x19e: {  	s17 =	rddreg [dreg:$0x5]  }
0x19f: {  	[tilespmem:s9], [sflag:$0x2] =	stream.linear.gather [hbm4b:s17+s2], $0xA0, $0x38;
	[tilespmem:$0x1F800] =	vst v63  }
0x1a0: {  	s18 =	rddreg [dreg:$0x6]  }
0x1a1: {  	[tilespmem:s11], [sflag:$0x2] =	stream.linear.gather [hbm4b:s18+s2], $0x50, $0x38;
	[tilespmem:$0x1F800] =	vst v63  }
0x1a2: {  	s17 =	rddreg [dreg:$0x7]  }
0x1a3: {  	[tilespmem:s12], [sflag:$0x2] =	stream.linear.gather [hbm4b:s17+s2], $0x50, $0x38;
	[tilespmem:$0x1F800] =	vst v63  }
0x1a4: {  	_ =	swait.ge [sflag:s13], $0xA0  }
0x1a5: {  	[sflag:s13] =	ssyncset.done $0x0  }
0x1a6: {  	[sflag:s13] =	ssyncadd.s32 $0xFFFFFF60  }
0x1a7: {  	_ =	swait.ge [sflag:s13], $0x50  }
0x1a8: {  	[sflag:s13] =	ssyncset.done $0x0  }
0x1a9: {  	[sflag:s13] =	ssyncadd.s32 $0xFFFFFFB0  }
0x1aa: {  	_ =	swait.ge [sflag:s13], $0x50  }
0x1ab: {  	[sflag:s13] =	ssyncset.done $0x0  }
0x1ac: {  	[sflag:s13] =	ssyncadd.s32 $0xFFFFFFB0  }
0x1ad: {  	[tilespmem:s20], [sflag:$0x3] =	stream.indirect.gather [hbm4b:s16+s19], $0x80, s2, s19, $0xb8;
	[tilespmem:$0x1F800] =	vst v63  }
0x1ae: {  	_ = 	snop  }
0x1af: {  	[tilespmem:s21], [sflag:$0x3] =	stream.indirect.gather [hbm4b:s16+s19], $0x80, s19, s19, $0xb8;
	[tilespmem:$0x1F800] =	vst v63  }
0x1b0: {  	_ =	swait.ge [sflag:s22], $0xA0  }
0x1b1: {  	[sflag:s22] =	ssyncset.done $0x0  }
0x1b2: {  	[sflag:s22] =	ssyncadd.s32 $0xFFFFFF60  }
0x1b3: {  	_ =	swait.ge [sflag:s22], $0x50  }
0x1b4: {  	[sflag:s22] =	ssyncset.done $0x0  }
0x1b5: {  	[sflag:s22] =	ssyncadd.s32 $0xFFFFFFB0  }
0x1b6: {  	_ =	swait.ge [sflag:s22], $0x50  }
0x1b7: {  	[sflag:s22] =	ssyncset.done $0x0  }
0x1b8: {  	[sflag:s22] =	ssyncadd.s32 $0xFFFFFFB0  }
0x1b9: {  	[tilespmem:s25], [sflag:$0x4] =	stream.indirect.gather [hbm4b:s16+s19], $0x80, s9, s19, $0xb8;
	[tilespmem:$0x1F800] =	vst v63  }
0x1ba: {  	_ = 	snop  }
0x1bb: {  	[tilespmem:s28], [sflag:$0x4] =	stream.indirect.gather [hbm4b:s16+s19], $0x80, s26, s19, $0xb8;
	[tilespmem:$0x1F800] =	vst v63  }
0x1bc: {  	_ =	swait.ge [sflag:s5], $0x2800  }
0x1bd: {  	[sflag:s5] =	ssyncset.done $0x0  }
0x1be: {  	[sflag:s5] =	ssyncadd.s32 $0xFFFFD800  }
0x1bf: {  	_ =	swait.ge [sflag:s5], $0x2800  }
0x1c0: {  	[sflag:s5] =	ssyncset.done $0x0  }
0x1c1: {  	[sflag:s5] =	ssyncadd.s32 $0xFFFFD800  }
0x1c2: {  	[spmem:s1] =	stream.indirect.scatter.add.f32 [tilespmem:s20], [sflag:$0x5], $0x80, s7, s19, $0xb8;
	[tilespmem:$0x1F800] =	vst v63  }
0x1c3: {  	_ =	swait.ge [sflag:s6], $0x2800  }
0x1c4: {  	[sflag:s6] =	ssyncset.done $0x0  }
0x1c5: {  	[sflag:s6] =	ssyncadd.s32 $0xFFFFD800  }
0x1c6: {  	[spmem:s1] =	stream.indirect.scatter.add.f32 [tilespmem:s21], [sflag:$0x5], $0x80, s8, s19, $0xb8;
	[tilespmem:$0x1F800] =	vst v63  }
0x1c7: {  	_ =	swait.ge [sflag:s6], $0x2800  }
0x1c8: {  	s2 =	sadd.s32 $0x0, s24;
	[sflag:s6] =	ssyncset.done $0x0  }
0x1c9: {  	s17 =	sadd.s32 $0x0, s23;
	s18 =	sadd.s32 $0x28, s2;
	[sflag:s6] =	ssyncadd.s32 $0xFFFFD800  }
0x1ca: {  	[tilespmem:s3], [sflag:$0x1] =	stream.linear.gather [hbm4b:s18+s3], $0xA0, $0x38;
	[tilespmem:$0x1F800] =	vst v63  }
0x1cb: {  	s18 =	sadd.s32 $0x28, s17  }
0x1cc: {  	[tilespmem:s7], [sflag:$0x1] =	stream.linear.gather [hbm4b:s18+s3], $0x50, $0x38;
	[tilespmem:$0x1F800] =	vst v63  }
0x1cd: {  	s18 =	sadd.s32 $0x32, s17  }
0x1ce: {  	[tilespmem:s8], [sflag:$0x1] =	stream.linear.gather [hbm4b:s18+s3], $0x50, $0x38;
	[tilespmem:$0x1F800] =	vst v63  }
0x1cf: {  	_ =	swait.ge [sflag:s13], $0xA0  }
0x1d0: {  	[sflag:s13] =	ssyncset.done $0x0  }
0x1d1: {  	[sflag:s13] =	ssyncadd.s32 $0xFFFFFF60  }
0x1d2: {  	_ =	swait.ge [sflag:s13], $0x50  }
0x1d3: {  	[sflag:s13] =	ssyncset.done $0x0  }
0x1d4: {  	[sflag:s13] =	ssyncadd.s32 $0xFFFFFFB0  }
0x1d5: {  	_ =	swait.ge [sflag:s13], $0x50  }
0x1d6: {  	[sflag:s13] =	ssyncset.done $0x0  }
0x1d7: {  	[sflag:s13] =	ssyncadd.s32 $0xFFFFFFB0  }
0x1d8: {  	[tilespmem:s20], [sflag:$0x3] =	stream.indirect.gather [hbm4b:s16+s19], $0x80, s3, s19, $0xb8;
	[tilespmem:$0x1F800] =	vst v63  }
0x1d9: {  	_ = 	snop  }
0x1da: {  	[tilespmem:s21], [sflag:$0x3] =	stream.indirect.gather [hbm4b:s16+s19], $0x80, s19, s19, $0xb8;
	[tilespmem:$0x1F800] =	vst v63  }
0x1db: {  	_ =	swait.ge [sflag:s29], $0x2800  }
0x1dc: {  	[sflag:s29] =	ssyncset.done $0x0  }
0x1dd: {  	[sflag:s29] =	ssyncadd.s32 $0xFFFFD800  }
0x1de: {  	_ =	swait.ge [sflag:s29], $0x2800  }
0x1df: {  	[sflag:s29] =	ssyncset.done $0x0  }
0x1e0: {  	[sflag:s29] =	ssyncadd.s32 $0xFFFFD800  }
0x1e1: {  	[spmem:s1] =	stream.indirect.scatter.add.f32 [tilespmem:s25], [sflag:$0x5], $0x80, s11, s19, $0xb8;
	[tilespmem:$0x1F800] =	vst v63  }
0x1e2: {  	_ =	swait.ge [sflag:s6], $0x2800  }
0x1e3: {  	[sflag:s6] =	ssyncset.done $0x0  }
0x1e4: {  	[sflag:s6] =	ssyncadd.s32 $0xFFFFD800  }
0x1e5: {  	[spmem:s1] =	stream.indirect.scatter.add.f32 [tilespmem:s28], [sflag:$0x5], $0x80, s12, s19, $0xb8;
	[tilespmem:$0x1F800] =	vst v63  }
0x1e6: {  	_ =	swait.ge [sflag:s6], $0x2800  }
0x1e7: {  	[sflag:s6] =	ssyncset.done $0x0  }
0x1e8: {  	s2 =	sadd.s32 $0x3C, s2;
	[sflag:s6] =	ssyncadd.s32 $0xFFFFD800  }
0x1e9: {  	[tilespmem:s9], [sflag:$0x2] =	stream.linear.gather [hbm4b:s2+s3], $0xA0, $0x38;
	[tilespmem:$0x1F800] =	vst v63  }
0x1ea: {  	s14 =	sadd.s32 $0x46, s17;
	s18 =	sadd.s32 $0x3C, s17;
	s2 =	simm.s32 $0x28  }
0x1eb: {  	[tilespmem:s11], [sflag:$0x2] =	stream.linear.gather [hbm4b:s18+s3], $0x50, $0x38;
	[tilespmem:$0x1F800] =	vst v63  }
.LBB2_6:
0x1ec: {  	[tilespmem:s12], [sflag:$0x2] =	stream.linear.gather [hbm4b:s14+s3], $0x50, $0x38;
	[tilespmem:$0x1F800] =	vst v63  }
0x1ed: {  	s14 =	smov.u32 s2  }
0x1ee: {  	p0 =	sne.s32 s2, $0x960;
	s2 =	sadd.s32 $0x28, s2;
	_ =	swait.ge [sflag:s22], $0xA0  }
0x1ef: {  	[sflag:s22] =	ssyncset.done $0x0  }
0x1f0: {  	[sflag:s22] =	ssyncadd.s32 $0xFFFFFF60  }
0x1f1: {  	_ =	swait.ge [sflag:s22], $0x50  }
0x1f2: {  	[sflag:s22] =	ssyncset.done $0x0  }
0x1f3: {  	[sflag:s22] =	ssyncadd.s32 $0xFFFFFFB0  }
0x1f4: {  	_ =	swait.ge [sflag:s22], $0x50  }
0x1f5: {  	[sflag:s22] =	ssyncset.done $0x0  }
0x1f6: {  	[sflag:s22] =	ssyncadd.s32 $0xFFFFFFB0  }
0x1f7: {  	[tilespmem:s25], [sflag:$0x4] =	stream.indirect.gather [hbm4b:s16+s19], $0x80, s9, s19, $0xb8;
	[tilespmem:$0x1F800] =	vst v63  }
0x1f8: {  	_ = 	snop  }
0x1f9: {  	[tilespmem:s28], [sflag:$0x4] =	stream.indirect.gather [hbm4b:s16+s19], $0x80, s26, s19, $0xb8;
	[tilespmem:$0x1F800] =	vst v63  }
0x1fa: {  	_ =	swait.ge [sflag:s5], $0x2800  }
0x1fb: {  	[sflag:s5] =	ssyncset.done $0x0  }
0x1fc: {  	[sflag:s5] =	ssyncadd.s32 $0xFFFFD800  }
0x1fd: {  	_ =	swait.ge [sflag:s5], $0x2800  }
0x1fe: {  	[sflag:s5] =	ssyncset.done $0x0  }
0x1ff: {  	[sflag:s5] =	ssyncadd.s32 $0xFFFFD800  }
0x200: {  	[spmem:s1] =	stream.indirect.scatter.add.f32 [tilespmem:s20], [sflag:$0x5], $0x80, s7, s19, $0xb8;
	[tilespmem:$0x1F800] =	vst v63  }
0x201: {  	_ =	swait.ge [sflag:s6], $0x2800  }
0x202: {  	[sflag:s6] =	ssyncset.done $0x0  }
0x203: {  	[sflag:s6] =	ssyncadd.s32 $0xFFFFD800  }
0x204: {  	[spmem:s1] =	stream.indirect.scatter.add.f32 [tilespmem:s21], [sflag:$0x5], $0x80, s8, s19, $0xb8;
	[tilespmem:$0x1F800] =	vst v63  }
0x205: {  	_ =	swait.ge [sflag:s6], $0x2800  }
0x206: {  	s17 =	sadd.s32 s14, s24;
	[sflag:s6] =	ssyncset.done $0x0  }
0x207: {  	s14 =	sadd.s32 s14, s23;
	s18 =	sadd.s32 $0x28, s17;
	[sflag:s6] =	ssyncadd.s32 $0xFFFFD800  }
0x208: {  	[tilespmem:s3], [sflag:$0x1] =	stream.linear.gather [hbm4b:s18+s3], $0xA0, $0x38;
	[tilespmem:$0x1F800] =	vst v63  }
0x209: {  	s18 =	sadd.s32 $0x28, s14  }
0x20a: {  	[tilespmem:s7], [sflag:$0x1] =	stream.linear.gather [hbm4b:s18+s3], $0x50, $0x38;
	[tilespmem:$0x1F800] =	vst v63  }
0x20b: {  	s18 =	sadd.s32 $0x32, s14  }
0x20c: {  	[tilespmem:s8], [sflag:$0x1] =	stream.linear.gather [hbm4b:s18+s3], $0x50, $0x38;
	[tilespmem:$0x1F800] =	vst v63  }
0x20d: {  	_ =	swait.ge [sflag:s13], $0xA0  }
0x20e: {  	[sflag:s13] =	ssyncset.done $0x0  }
0x20f: {  	[sflag:s13] =	ssyncadd.s32 $0xFFFFFF60  }
0x210: {  	_ =	swait.ge [sflag:s13], $0x50  }
0x211: {  	[sflag:s13] =	ssyncset.done $0x0  }
0x212: {  	[sflag:s13] =	ssyncadd.s32 $0xFFFFFFB0  }
0x213: {  	_ =	swait.ge [sflag:s13], $0x50  }
0x214: {  	[sflag:s13] =	ssyncset.done $0x0  }
0x215: {  	[sflag:s13] =	ssyncadd.s32 $0xFFFFFFB0  }
0x216: {  	[tilespmem:s20], [sflag:$0x3] =	stream.indirect.gather [hbm4b:s16+s19], $0x80, s3, s19, $0xb8;
	[tilespmem:$0x1F800] =	vst v63  }
0x217: {  	_ = 	snop  }
0x218: {  	[tilespmem:s21], [sflag:$0x3] =	stream.indirect.gather [hbm4b:s16+s19], $0x80, s19, s19, $0xb8;
	[tilespmem:$0x1F800] =	vst v63  }
0x219: {  	_ =	swait.ge [sflag:s29], $0x2800  }
0x21a: {  	[sflag:s29] =	ssyncset.done $0x0  }
0x21b: {  	[sflag:s29] =	ssyncadd.s32 $0xFFFFD800  }
0x21c: {  	_ =	swait.ge [sflag:s29], $0x2800  }
0x21d: {  	[sflag:s29] =	ssyncset.done $0x0  }
0x21e: {  	[sflag:s29] =	ssyncadd.s32 $0xFFFFD800  }
0x21f: {  	[spmem:s1] =	stream.indirect.scatter.add.f32 [tilespmem:s25], [sflag:$0x5], $0x80, s11, s19, $0xb8;
	[tilespmem:$0x1F800] =	vst v63  }
0x220: {  	_ =	swait.ge [sflag:s6], $0x2800  }
0x221: {  	[sflag:s6] =	ssyncset.done $0x0  }
0x222: {  	[sflag:s6] =	ssyncadd.s32 $0xFFFFD800  }
0x223: {  	[spmem:s1] =	stream.indirect.scatter.add.f32 [tilespmem:s28], [sflag:$0x5], $0x80, s12, s19, $0xb8;
	[tilespmem:$0x1F800] =	vst v63  }
0x224: {  	_ =	swait.ge [sflag:s6], $0x2800  }
0x225: {  	[sflag:s6] =	ssyncset.done $0x0  }
.Ltmp2:
0x226: {  	s17 =	sadd.s32 $0x3C, s17;
	[sflag:s6] =	ssyncadd.s32 $0xFFFFD800;
	(pc) =	sbr.rel @p0 .LBB2_6-.Ltmp2, $4  }
0x227: {  	[tilespmem:s9], [sflag:$0x2] =	stream.linear.gather [hbm4b:s17+s3], $0xA0, $0x38;
	[tilespmem:$0x1F800] =	vst v63  }
0x228: {  	s17 =	sadd.s32 $0x3C, s14  }
0x229: {  	[tilespmem:s11], [sflag:$0x2] =	stream.linear.gather [hbm4b:s17+s3], $0x50, $0x38;
	[tilespmem:$0x1F800] =	vst v63  }
0x22a: {  	s14 =	sadd.s32 $0x46, s14  }
0x22b: {  	[tilespmem:s12], [sflag:$0x2] =	stream.linear.gather [hbm4b:s14+s3], $0x50, $0x38;
	[tilespmem:$0x1F800] =	vst v63  }
0x22c: {  	_ =	swait.ge [sflag:s22], $0xA0  }
0x22d: {  	[sflag:s22] =	ssyncset.done $0x0  }
0x22e: {  	[sflag:s22] =	ssyncadd.s32 $0xFFFFFF60  }
0x22f: {  	_ =	swait.ge [sflag:s22], $0x50  }
0x230: {  	[sflag:s22] =	ssyncset.done $0x0  }
0x231: {  	[sflag:s22] =	ssyncadd.s32 $0xFFFFFFB0  }
0x232: {  	_ =	swait.ge [sflag:s22], $0x50  }
0x233: {  	[sflag:s22] =	ssyncset.done $0x0  }
0x234: {  	[sflag:s22] =	ssyncadd.s32 $0xFFFFFFB0  }
0x235: {  	[tilespmem:s25], [sflag:$0x4] =	stream.indirect.gather [hbm4b:s16+s19], $0x80, s9, s19, $0xb8;
	[tilespmem:$0x1F800] =	vst v63  }
0x236: {  	_ = 	snop  }
0x237: {  	[tilespmem:s28], [sflag:$0x4] =	stream.indirect.gather [hbm4b:s16+s19], $0x80, s26, s19, $0xb8;
	[tilespmem:$0x1F800] =	vst v63  }
0x238: {  	_ =	swait.ge [sflag:s5], $0x2800  }
0x239: {  	[sflag:s5] =	ssyncset.done $0x0  }
0x23a: {  	[sflag:s5] =	ssyncadd.s32 $0xFFFFD800  }
0x23b: {  	_ =	swait.ge [sflag:s5], $0x2800  }
0x23c: {  	[sflag:s5] =	ssyncset.done $0x0  }
0x23d: {  	[sflag:s5] =	ssyncadd.s32 $0xFFFFD800  }
0x23e: {  	[spmem:s1] =	stream.indirect.scatter.add.f32 [tilespmem:s20], [sflag:$0x5], $0x80, s7, s19, $0xb8;
	[tilespmem:$0x1F800] =	vst v63  }
0x23f: {  	_ =	swait.ge [sflag:s6], $0x2800  }
0x240: {  	[sflag:s6] =	ssyncset.done $0x0  }
0x241: {  	[sflag:s6] =	ssyncadd.s32 $0xFFFFD800  }
0x242: {  	[spmem:s1] =	stream.indirect.scatter.add.f32 [tilespmem:s21], [sflag:$0x5], $0x80, s8, s19, $0xb8;
	[tilespmem:$0x1F800] =	vst v63  }
0x243: {  	_ =	swait.ge [sflag:s6], $0x2800  }
0x244: {  	[sflag:s6] =	ssyncset.done $0x0  }
0x245: {  	s2 =	rddreg [dreg:$0x8];
	[sflag:s6] =	ssyncadd.s32 $0xFFFFD800  }
0x246: {  	[tilespmem:s3], [sflag:$0x1] =	stream.linear.gather [hbm4b:s2+s3], $0xA0, $0x38;
	[tilespmem:$0x1F800] =	vst v63  }
0x247: {  	s14 =	rddreg [dreg:$0x9]  }
0x248: {  	[tilespmem:s7], [sflag:$0x1] =	stream.linear.gather [hbm4b:s14+s3], $0x50, $0x38;
	[tilespmem:$0x1F800] =	vst v63  }
0x249: {  	s17 =	rddreg [dreg:$0xa]  }
0x24a: {  	[tilespmem:s8], [sflag:$0x1] =	stream.linear.gather [hbm4b:s17+s3], $0x50, $0x38;
	[tilespmem:$0x1F800] =	vst v63  }
0x24b: {  	_ =	swait.ge [sflag:s13], $0xA0  }
0x24c: {  	[sflag:s13] =	ssyncset.done $0x0  }
0x24d: {  	[sflag:s13] =	ssyncadd.s32 $0xFFFFFF60  }
0x24e: {  	_ =	swait.ge [sflag:s13], $0x50  }
0x24f: {  	[sflag:s13] =	ssyncset.done $0x0  }
0x250: {  	[sflag:s13] =	ssyncadd.s32 $0xFFFFFFB0  }
0x251: {  	_ =	swait.ge [sflag:s13], $0x50  }
0x252: {  	[sflag:s13] =	ssyncset.done $0x0  }
0x253: {  	[sflag:s13] =	ssyncadd.s32 $0xFFFFFFB0  }
0x254: {  	[tilespmem:s20], [sflag:$0x3] =	stream.indirect.gather [hbm4b:s16+s19], $0x80, s3, s19, $0xb8;
	[tilespmem:$0x1F800] =	vst v63  }
0x255: {  	_ = 	snop  }
0x256: {  	[tilespmem:s21], [sflag:$0x3] =	stream.indirect.gather [hbm4b:s16+s19], $0x80, s19, s19, $0xb8;
	[tilespmem:$0x1F800] =	vst v63  }
0x257: {  	_ =	swait.ge [sflag:s29], $0x2800  }
0x258: {  	[sflag:s29] =	ssyncset.done $0x0  }
0x259: {  	[sflag:s29] =	ssyncadd.s32 $0xFFFFD800  }
0x25a: {  	_ =	swait.ge [sflag:s29], $0x2800  }
0x25b: {  	[sflag:s29] =	ssyncset.done $0x0  }
0x25c: {  	[sflag:s29] =	ssyncadd.s32 $0xFFFFD800  }
0x25d: {  	[spmem:s1] =	stream.indirect.scatter.add.f32 [tilespmem:s25], [sflag:$0x5], $0x80, s11, s19, $0xb8;
	[tilespmem:$0x1F800] =	vst v63  }
0x25e: {  	_ =	swait.ge [sflag:s6], $0x2800  }
0x25f: {  	[sflag:s6] =	ssyncset.done $0x0  }
0x260: {  	[sflag:s6] =	ssyncadd.s32 $0xFFFFD800  }
0x261: {  	[spmem:s1] =	stream.indirect.scatter.add.f32 [tilespmem:s28], [sflag:$0x5], $0x80, s12, s19, $0xb8;
	[tilespmem:$0x1F800] =	vst v63  }
0x262: {  	_ =	swait.ge [sflag:s6], $0x2800  }
0x263: {  	[sflag:s6] =	ssyncset.done $0x0  }
0x264: {  	[sflag:s6] =	ssyncadd.s32 $0xFFFFD800  }
0x265: {  	_ =	swait.ge [sflag:s5], $0x2800  }
0x266: {  	[sflag:s5] =	ssyncset.done $0x0  }
0x267: {  	[sflag:s5] =	ssyncadd.s32 $0xFFFFD800  }
0x268: {  	_ =	swait.ge [sflag:s5], $0x2800  }
0x269: {  	[sflag:s5] =	ssyncset.done $0x0  }
0x26a: {  	[sflag:s5] =	ssyncadd.s32 $0xFFFFD800  }
0x26b: {  	[spmem:s1] =	stream.indirect.scatter.add.f32 [tilespmem:s20], [sflag:$0x5], $0x80, s7, s19, $0xb8;
	[tilespmem:$0x1F800] =	vst v63  }
0x26c: {  	_ =	swait.ge [sflag:s6], $0x2800  }
0x26d: {  	[sflag:s6] =	ssyncset.done $0x0  }
0x26e: {  	[sflag:s6] =	ssyncadd.s32 $0xFFFFD800  }
0x26f: {  	[spmem:s1] =	stream.indirect.scatter.add.f32 [tilespmem:s21], [sflag:$0x5], $0x80, s8, s19, $0xb8;
	[tilespmem:$0x1F800] =	vst v63  }
0x270: {  	_ =	swait.ge [sflag:s6], $0x2800  }
0x271: {  	[sflag:s6] =	ssyncset.done $0x0  }
0x272: {  	[sflag:s6] =	ssyncadd.s32 $0xFFFFD800  }
0x273: {  	[bflag:$0x0] =	sbarrier.arrive $0xFFFF  }
0x274: {  	s18 =	rddreg [dreg:$0xd]  }
0x275: {  	[hbm:s18], [sflag:s31] =	dma.local [spmem:s0], $0x2800  }
0x276: {  	_ =	swait.ge [sflag:s6], $0x2800  }
0x277: {  	s30 =	sadd.s32 $0x1, s30;
	s31 =	rddreg [dreg:$0xe]  }
0x278: {  	p0 =	sne.s32 s30, s31  }
.Ltmp3:
0x279: {  	_ = 	snop;
	(pc) =	sbr.rel @p0 .LBB2_1-.Ltmp3, $3  }
0x27a: {  	_ =	sdelay $0x1  }
0x27b: {  	[sflag:s6] =	ssyncset.done $0x0  }
0x27c: {  	s18 =	smov.u32 s15;
	s15 =	rddreg [dreg:$0xc];
	[sflag:s6] =	ssyncadd.s32 $0xFFFFD800  }
0x27d: {  	_ =	sfence.sel $0x180000  }
0x27e: {  	[bflag:$0x0] =	sbarrier.arrive $0xFFFF  }
0x27f: {  	_ =	strace $0x9000004A  }
0x280: {  	s0 =	stileid.u32;
	[bflag:$0x2] =	sbarrier.arrive $0xFFFF  }
0x281: {  	p0 =	sne.s32 s0, $0x0;
	s0 =	rddreg [dreg:$0x2]  }
0x282: {  	s0 =	sadd.s32 @!p0 $0x100000, s0  }
0x283: {  	[sflag:s0] =	ssyncadd.tile.s32 @!p0 $0x1;
	_ =	shalt  }
.Lfunc_end2:
_tile_overlayer_lowered:
.L_overlay_start_2:
0x284: {  	(tag) =	ssettag $0x2  }
0x285: {  	s0 =	rddreg [dreg:$0x0];
	s2 =	stileid.u32  }
0x286: {  	s1 =	rddreg [dreg:$0x1];
	p0 =	sne.s32 s2, $0x0  }
0x287: {  	s3 =	rddreg [dreg:$0x2];
	[bflag:$0x3] =	sbarrier.arrive $0xFFFF;
	s2 =	simm.s32 @!p0 $0x1C05  }
0x288: {  	[timem:s3], [sflag:s2] =	dma.local @!p0 [hbm:s0], s1  }
0x289: {  	s0 =	simm.s32 @!p0 $0x5  }
0x28a: {  	_ =	swait.ge @!p0 [sflag:s0], s1  }
0x28b: {  	s1 =	ssub.s32 @!p0 $0x0, s1;
	[sflag:s0] =	ssyncset.done @!p0 $0x0  }
0x28c: {  	[sflag:s0] =	ssyncadd.s32 @!p0 s1  }
0x28d: {  	[bflag:$0x3] =	sbarrier.arrive $0xFFFF  }
0x28e: {  	_ =	shalt  }

// kernel: kernel.16.cloned.1.call-start
scs
__scs_entry_jumppad:
0x0: {  	(pc) =	sbr.rel $0x88, $3  }
0x1: {  	(tag) =	ssettag $0x0;
	lr =	simm.s32 $0x1  }
0x2: {  	[smem:$0x3F93] =	sst lr;
	_ =	strace $0xD0000000  }
0x3: {  	_ = 	snop  }
0x4: {  	_ = 	snop  }
0x5: {  	_ = 	snop  }
0x6: {  	_ = 	snop  }
0x7: {  	_ = 	snop  }
__scs_overlays_trampoline_lowered:
0x8: {  	[smem:$0x3FA2] =	sst s0  }
0x9: {  	[smem:$0x3FA3] =	sst s1  }
0xa: {  	[smem:$0x3FA4] =	sst s2  }
0xb: {  	[smem:$0x3FA5] =	sst s3  }
0xc: {  	[smem:$0x3FA6] =	sst s4  }
0xd: {  	[smem:$0x3FA7] =	sst s5  }
0xe: {  	[smem:$0x3FA8] =	sst s6  }
0xf: {  	[smem:$0x3FA9] =	sst s7  }
0x10: {  	[smem:$0x3FAA] =	sst s8  }
0x11: {  	[smem:$0x3FAB] =	sst s9;
	s0 =	simm.s32 @!p0 $0x0  }
0x12: {  	s1 =	sld [smem:$0x3F91];
	s0 =	simm.s32 @p0 $0x1  }
0x13: {  	[smem:$0x3FAC] =	sst s0;
	s0 =	simm.s32 @!p1 $0x0  }
0x14: {  	s2 =	sld [smem:$0x3F90];
	s0 =	simm.s32 @p1 $0x1  }
0x15: {  	[smem:$0x3FAD] =	sst s0;
	s0 =	simm.s32 @!p2 $0x0  }
0x16: {  	s3 =	sld [smem:$0x3FDB];
	s0 =	simm.s32 @p2 $0x1  }
0x17: {  	s4 =	simm.s32 $0x1BF5;
	[smem:$0x3FAF] =	sst s0  }
0x18: {  	s0 =	sld [smem:$0x3F92];
	_ =	swait.ge [sflag:s4], $0x0  }
0x19: {  	s7 =	sld [smem:$0x3F93]  }
0x1a: {  	s8 =	sadd.s32 $0xFFFFE003, lr  }
0x1b: {  	s9 =	sadd.s32 $0xFFFFFEF7, lr;
	s5 =	simm.s32 $0xFFFFFFFF;
	p2 =	slt.u32 s8, $0xFFFFF086  }
0x1c: {  	p1 =	slt.u32 s9, $0xF7A;
	s5 =	simm.s32 @!p2 $0x0  }
0x1d: {  	s5 =	simm.s32 @p1 $0x1;
	p0 =	seq.s32 s7, s2  }
0x1e: {  	s7 =	smul.u32 @!p0 $0xF7A, s2;
	p2 =	seq.s32 @!p0 s5, $0x0  }
0x1f: {  	s9 =	smul.u32 $0xF7A, s1;
	s8 =	simm.s32 @!p0 $0x1BF5;
	p2 =	por !p2, p0  }
0x20: {  	[sflag:s8] =	ssyncset.s32 @!p0 $0xFFFFF086;
	s6 =	sadd.s32 @!p0 s3, s7;
	s7 =	simm.s32 @!p0 $0x108  }
0x21: {  	s3 =	sadd.s32 s3, s9;
	s6 =	sadd.s32 @!p0 $0x88, s6;
	s7 =	simm.s32 @p2 $0x1082  }
0x22: {  	[simem:s7], [sflag:s8] =	dma.local @!p0 [hbm:s6], $0xF7A  }
0x23: {  	s9 =	sor.u32 $0xD0000000, s2;
	s6 =	simm.s32 $0x108;
	_ =	swait.ge @!p0 [sflag:s8], $0x0  }
0x24: {  	s3 =	sadd.s32 $0x88, s3;
	s6 =	simm.s32 @!p1 $0x1082;
	[sflag:s4] =	ssyncset.s32 $0xFFFFF086  }
0x25: {  	[simem:s6], [sflag:s4] =	dma.local [hbm:s3], $0xF7A  }
0x26: {  	[smem:$0x3F93] =	sst s1;
	(tag) =	ssettag s2;
	_ =	strace s9  }
0x27: {  	s1 =	sld [smem:$0x3FA3]  }
0x28: {  	s2 =	sld [smem:$0x3FA4]  }
0x29: {  	s4 =	sld [smem:$0x3FA6]  }
0x2a: {  	p0 =	seq.s32 s5, $0x0;
	s5 =	sld [smem:$0x3FA7]  }
0x2b: {  	s6 =	sld [smem:$0x3FA8]  }
0x2c: {  	s7 =	sld [smem:$0x3FA9]  }
0x2d: {  	s3 =	simm.s32 $0x108;
	s8 =	sld [smem:$0x3FAA]  }
0x2e: {  	s3 =	simm.s32 @!p0 $0x1082;
	s9 =	sld [smem:$0x3FAB]  }
0x2f: {  	lr =	sadd.s32 s0, s3;
	s0 =	sld [smem:$0x3FA2]  }
0x30: {  	s3 =	sld [smem:$0x3FA5]  }
0x31: {  	[smem:$0x3FAE] =	sst s10  }
0x32: {  	s10 =	sld [smem:$0x3FAC];
	_ =	sdelay $0x3  }
0x33: {  	p0 =	seq.s32 s10, $0x1;
	s10 =	sld [smem:$0x3FAE];
	_ =	sdelay $0x3  }
0x34: {  	[smem:$0x3FAE] =	sst s10  }
0x35: {  	s10 =	sld [smem:$0x3FAD];
	_ =	sdelay $0x3  }
0x36: {  	p1 =	seq.s32 s10, $0x1;
	s10 =	sld [smem:$0x3FAE];
	_ =	sdelay $0x3  }
0x37: {  	[smem:$0x3FAE] =	sst s10  }
0x38: {  	s10 =	sld [smem:$0x3FAF]  }
0x39: {  	_ = 	snop;
	(pc) =	sbr.ind lr, $3  }
0x3a: {  	_ = 	snop  }
0x3b: {  	_ = 	snop  }
0x3c: {  	p2 =	seq.s32 s10, $0x1;
	s10 =	sld [smem:$0x3FAE]  }
0x3d: {  	_ =	shalt  }
0x3e: {  	_ =	shalt  }
0x3f: {  	_ =	shalt  }
0x40: {  	_ =	shalt  }
0x41: {  	_ =	shalt  }
0x42: {  	_ =	shalt  }
0x43: {  	_ =	shalt  }
0x44: {  	_ =	shalt  }
0x45: {  	_ =	shalt  }
0x46: {  	_ =	shalt  }
0x47: {  	_ =	shalt  }
0x48: {  	_ =	shalt  }
0x49: {  	_ =	shalt  }
0x4a: {  	_ =	shalt  }
0x4b: {  	_ =	shalt  }
0x4c: {  	_ =	shalt  }
0x4d: {  	_ =	shalt  }
0x4e: {  	_ =	shalt  }
0x4f: {  	_ =	shalt  }
0x50: {  	_ =	shalt  }
0x51: {  	_ =	shalt  }
0x52: {  	_ =	shalt  }
0x53: {  	_ =	shalt  }
0x54: {  	_ =	shalt  }
0x55: {  	_ =	shalt  }
0x56: {  	_ =	shalt  }
0x57: {  	_ =	shalt  }
0x58: {  	_ =	shalt  }
0x59: {  	_ =	shalt  }
0x5a: {  	_ =	shalt  }
0x5b: {  	_ =	shalt  }
0x5c: {  	_ =	shalt  }
0x5d: {  	_ =	shalt  }
0x5e: {  	_ =	shalt  }
0x5f: {  	_ =	shalt  }
0x60: {  	_ =	shalt  }
0x61: {  	_ =	shalt  }
0x62: {  	_ =	shalt  }
0x63: {  	_ =	shalt  }
0x64: {  	_ =	shalt  }
0x65: {  	_ =	shalt  }
0x66: {  	_ =	shalt  }
0x67: {  	_ =	shalt  }
0x68: {  	_ =	shalt  }
0x69: {  	_ =	shalt  }
0x6a: {  	_ =	shalt  }
0x6b: {  	_ =	shalt  }
0x6c: {  	_ =	shalt  }
0x6d: {  	_ =	shalt  }
0x6e: {  	_ =	shalt  }
0x6f: {  	_ =	shalt  }
0x70: {  	_ =	shalt  }
0x71: {  	_ =	shalt  }
0x72: {  	_ =	shalt  }
0x73: {  	_ =	shalt  }
0x74: {  	_ =	shalt  }
0x75: {  	_ =	shalt  }
0x76: {  	_ =	shalt  }
0x77: {  	_ =	shalt  }
0x78: {  	_ =	shalt  }
0x79: {  	_ =	shalt  }
0x7a: {  	_ =	shalt  }
0x7b: {  	_ =	shalt  }
0x7c: {  	_ =	shalt  }
0x7d: {  	_ =	shalt  }
0x7e: {  	_ =	shalt  }
0x7f: {  	_ =	shalt  }
0x80: {  	_ =	shalt  }
0x81: {  	_ =	shalt  }
0x82: {  	_ =	shalt  }
0x83: {  	_ =	shalt  }
0x84: {  	_ =	shalt  }
0x85: {  	_ =	shalt  }
0x86: {  	_ =	shalt  }
0x87: {  	_ =	shalt  }
.Lfunc_end0:
.L_simem_size_0:
called_computation.2_lowered:
.L_overlay_start_0:
0x88: {  	s2 =	sld [smem:$0x3FD9]  }
0x89: {  	s3 =	sld [smem:$0x3FFE];
	_ =	sdelay $0x1  }
0x8a: {  	s1 =	srdreg.scid  }
0x8b: {  	s0 =	sand.u32 $0x1, s1  }
0x8c: {  	s16 =	sshll.u32 s0, $0xA;
	s2 =	sadd.s32 s3, s2  }
0x8d: {  	s2 =	sadd.s32 s2, s16  }
0x8e: {  	[smem:$0x3FBA] =	sst s2  }
0x8f: {  	_ = 	snop  }
0x90: {  	(tm) =	ssettm $0x1  }
0x91: {  	s17 =	sld [smem:$0x3FFB];
	_ =	sdelay $0x3  }
0x92: {  	_ =	strace s17  }
0x93: {  	s2 =	sld [smem:$0x3FFC];
	_ =	sdelay $0x3  }
0x94: {  	_ =	strace s2  }
0x95: {  	s2 =	sld [smem:$0x3FFD];
	_ =	sdelay $0x3  }
0x96: {  	_ =	strace s2  }
0x97: {  	_ =	strace $0x8FFFFFFF  }
0x98: {  	s18 =	sld [smem:$0x3FDB];
	_ =	sdelay $0x1  }
0x99: {  	s19 =	simm.s32 $_scs_section_size  }
0x9a: {  	s4 =	simm.s32 $_size__tile_overlayer_lowered;
	s5 =	simm.s32 $_tile_overlayer_lowered  }
0x9b: {  	s22 =	simm.s32 $0x1BFF;
	s21 =	sshll.u32 s5, $0x1;
	s2 =	sadd.s32 s19, s18  }
0x9c: {  	s6 =	simm.s32 $0x0;
	s20 =	sshll.u32 s4, $0x1;
	s4 =	sadd.s32 s21, s2  }
0x9d: {  	[timem:s6], [sflag:s22] =	dma.local [hbm:s4], s20  }
0x9e: {  	_ =	swait.ge [sflag:s22], s20  }
0x9f: {  	s3 =	ssub.s32 $0x0, s20;
	[sflag:s22] =	ssyncset.done $0x0  }
0xa0: {  	[sflag:s22] =	ssyncadd.s32 s3;
	_ =	sdelay $0x1  }
0xa1: {  	s23 =	simm.s32 $0x1B8B  }
0xa2: {  	_ =	swait.ge [sflag:s23], $0x1  }
0xa3: {  	[sflag:s23] =	ssyncset.done $0x0  }
0xa4: {  	s25 =	simm.s32 $0x1B8E;
	s24 =	sld [smem:$0x3FFE];
	[sflag:s23] =	ssyncadd.s32 $0xFFFFFFFF  }
0xa5: {  	s26 =	simm.s32 $execute0_lowered;
	[smem:$0x3FD2] =	sst s25  }
0xa6: {  	s4 =	sshll.u32 s26, $0x1;
	_ =	strace $0x8000004C;
	[dreg:$0x1] =	wrdreg $0xFFFFFFFF  }
0xa7: {  	s28 =	simm.s32 $_size_execute0_lowered;
	s2 =	sadd.s32 s2, s4;
	[dreg:$0x0] =	wrdreg $0x0  }
0xa8: {  	s4 =	sshll.u32 s28, $0x1;
	[dreg:$0x2] =	wrdreg s2  }
0xa9: {  	[dreg:$0x3] =	wrdreg s4  }
0xaa: {  	[dreg:$0x4] =	wrdreg $0xC0  }
0xab: {  	_ =	task [dreg:s6], $0x5FFFF  }
0xac: {  	[dreg:$0x1] =	wrdreg $0xFFFFFFFF  }
0xad: {  	[dreg:$0x0] =	wrdreg $0x60  }
0xae: {  	[dreg:$0x2] =	wrdreg s24  }
0xaf: {  	[dreg:$0x3] =	wrdreg $0xB8000  }
0xb0: {  	[dreg:$0x4] =	wrdreg $0x9  }
0xb1: {  	_ =	task.clear_ibuf [dreg:s6], $0x5FFFF;
	_ =	strace $0x9000004C  }
0xb2: {  	s29 =	simm.s32 $0x9;
	_ =	strace $0x8000004E  }
0xb3: {  	_ =	swait.ge [sflag:s29], $0x1  }
0xb4: {  	[sflag:s29] =	ssyncadd.s32 $0xFFFFFFFF  }
0xb5: {  	_ =	strace $0x9000004E  }
0xb6: {  	_ =	sfence  }
0xb7: {  	s30 =	sld [smem:$0x0];
	_ =	sdelay $0x2  }
0xb8: {  	s31 =	sshll.u32 s1, $0xD;
	s1 =	sshrl.u32 s1, $0x2  }
0xb9: {  	s3 =	sand.u32 $0x4000, s31;
	s1 =	sadd.s32 s1, s30  }
0xba: {  	s0 =	sor.u32 s3, s0;
	s1 =	sshll.u32 s1, $0x11  }
0xbb: {  	s0 =	sor.u32 s1, s0  }
0xbc: {  	s0 =	sadd.s32 $0x8F2B, s0  }
0xbd: {  	[sflag:s0] =	ssyncadd.remote.s32 $0x1  }
0xbe: {  	_ =	sfence.sel $0xFFFF  }
0xbf: {  	[dreg:$0x0] =	wrdreg $0xFFFFFFFF;
	(pc) =	sbr.abs _section_cstart, $3  }
0xc0: {  	[dreg:$0x1] =	wrdreg $0xFFFFFFFF  }
0xc1: {  	_ =	task.clear_ibuf [dreg:s6], $0x2FFFF;
	_ =	strace $0x9FFFFFFF  }
0xc2: {  	(tm) =	ssettm $0x7FFFFFFF  }
0xc3: {  	_ =	shalt  }
tec
execute0_lowered:
.L_overlay_start_1:
0x0: {  	(tag) =	ssettag $0x1  }
0x1: {  	s0 =	rddreg [dreg:$0x0]  }
0x2: {  	s1 =	rddreg [dreg:$0x1]  }
0x3: {  	s2 =	srdreg.scid;
	s11 =	stileid.u32  }
0x4: {  	s3 =	simm.s32 $0x0;
	s2 =	sand.u32 $0x1, s2;
	s5 =	smul.u32 $0x14000, s11  }
0x5: {  	[smem:$0x7FF] =	sst s3;
	s6 =	sadd.s32 $0xCC00, s0;
	s4 =	smul.u32 $0x140000, s2  }
0x6: {  	s7 =	sadd.s32 $0x2E00, s0;
	s23 =	smul.u32 $0x4E20, s11;
	s2 =	ssub.s32 $0x2, s2  }
0x7: {  	_ =	strace $0x8000004D;
	s24 =	sshrl.u32 s2, $0x1;
	s8 =	sshrl.u32 s4, $0x3  }
0x8: {  	s4 =	sadd.s32 s5, s4;
	s5 =	sshrl.u32 s23, $0x3;
	s2 =	ssub.s32 s2, s24  }
0x9: {  	s8 =	sadd.s32 s8, s0;
	s4 =	sshrl.u32 s4, $0x3;
	s10 =	sadd.s32 s6, s5  }
0xa: {  	s9 =	sadd.s32 $0x14, s5;
	s12 =	smax.u32 s2, $0x1;
	[dreg:$0x3] =	wrdreg s10  }
0xb: {  	s0 =	sadd.s32 s4, s0;
	s26 =	sadd.s32 s6, s9;
	[dreg:$0xc] =	wrdreg s12  }
0xc: {  	s4 =	sadd.s32 s7, s5;
	s9 =	sadd.s32 s7, s9;
	[dreg:$0x5] =	wrdreg s26  }
0xd: {  	s25 =	sadd.s32 $0xA, s4;
	[dreg:$0x6] =	wrdreg s9  }
0xe: {  	s5 =	sadd.s32 $0x9B0, s5;
	s30 =	sadd.s32 $0x1E, s4;
	[dreg:$0x4] =	wrdreg s25  }
0xf: {  	s29 =	smul.u32 $0x50000, s11;
	s31 =	sadd.s32 s6, s5;
	[dreg:$0x7] =	wrdreg s30  }
0x10: {  	s10 =	sadd.s32 $0x16A00, s8;
	s5 =	sadd.s32 s7, s5;
	[dreg:$0x8] =	wrdreg s31  }
0x11: {  	s8 =	sadd.s32 $0x9BA, s4;
	s9 =	sshrl.u32 s29, $0x2;
	[dreg:$0x9] =	wrdreg s5  }
0x12: {  	s0 =	sadd.s32 $0x66A00, s0;
	[dreg:$0xa] =	wrdreg s8;
	s15 =	sadd.s32 s9, s1  }
0x13: {  	[dreg:$0xb] =	wrdreg s0;
	s13 =	sadd.s32 $0x1400, s15  }
0x14: {  	s28 =	simm.s32 $0x0;
	s14 =	sadd.s32 $0x2800, s15;
	[dreg:$0xd] =	wrdreg s13  }
0x15: {  	s16 =	smul.u32 $0x9C4, s11;
	s17 =	sadd.s32 $0x3C00, s15;
	[dreg:$0xe] =	wrdreg s14  }
0x16: {  	s11 =	simm.s32 $0x100;
	s18 =	sadd.s32 $0x5000, s15;
	[dreg:$0xf] =	wrdreg s17  }
0x17: {  	s23 =	sadd.s32 s16, s7;
	s19 =	sadd.s32 $0x6400, s15;
	[dreg:$0x10] =	wrdreg s18  }
0x18: {  	s24 =	sadd.s32 s16, s6;
	s20 =	sadd.s32 $0x7800, s15;
	[dreg:$0x11] =	wrdreg s19  }
0x19: {  	s16 =	simm.s32 $0x50;
	s21 =	sadd.s32 $0x8C00, s15;
	[dreg:$0x12] =	wrdreg s20  }
0x1a: {  	s12 =	simm.s32 $0x300;
	s22 =	sadd.s32 $0xA000, s15;
	[dreg:$0x13] =	wrdreg s21  }
0x1b: {  	s6 =	simm.s32 $0xA400;
	s25 =	sadd.s32 $0xB400, s15;
	[dreg:$0x14] =	wrdreg s22  }
0x1c: {  	s7 =	simm.s32 $0x5;
	s26 =	sadd.s32 $0xC800, s15;
	[dreg:$0x15] =	wrdreg s25  }
0x1d: {  	s8 =	simm.s32 $0x200;
	s29 =	sadd.s32 $0xDC00, s15;
	[dreg:$0x16] =	wrdreg s26  }
0x1e: {  	s9 =	simm.s32 $0x280;
	s30 =	sadd.s32 $0xF000, s15;
	[dreg:$0x17] =	wrdreg s29  }
0x1f: {  	s31 =	sadd.s32 $0x10400, s15;
	s2 =	sadd.s32 $0x11800, s15;
	[dreg:$0x18] =	wrdreg s30  }
0x20: {  	s5 =	sadd.s32 $0x12C00, s15;
	[dreg:$0x19] =	wrdreg s31;
	s13 =	simm.s32 $0x380  }
0x21: {  	s14 =	simm.s32 $0x1;
	s17 =	simm.s32 $0x400;
	s18 =	simm.s32 $0x2C00  }
0x22: {  	s19 =	simm.s32 $0x2;
	s20 =	simm.s32 $0x5400;
	s21 =	simm.s32 $0x150  }
0x23: {  	v0 =	vimm.f32 $0.0e+00;
	s22 =	simm.s32 $0x7C00;
	s25 =	simm.s32 $0x3;
	s26 =	simm.s32 $0x4  }
.LBB2_1:
0x24: {  	s29 =	simm.s32 $0x70;
	s30 =	simm.s32 $0x3C0  }
.LBB2_2:
0x25: {  	p0 =	sne.s32 s30, $0x4FC0;
	[tilespmem:s29+$0xA400] =	vst v0  }
0x26: {  	[tilespmem:s29+$0xA390] =	vst v0  }
0x27: {  	[tilespmem:s29+$0xA3A0] =	vst v0  }
.Ltmp0:
0x28: {  	[tilespmem:s29+$0xA3B0] =	vst v0;
	(pc) =	sbr.rel @p0 .LBB2_2-.Ltmp0, $4  }
0x29: {  	[tilespmem:s29+$0xA3C0] =	vst v0  }
0x2a: {  	[tilespmem:s29+$0xA3D0] =	vst v0  }
0x2b: {  	[tilespmem:s29+$0xA3E0] =	vst v0  }
0x2c: {  	[tilespmem:s29+$0xA3F0] =	vst v0;
	s29 =	sshra.s32 s30, $0x2;
	s30 =	sadd.s32 $0x200, s30  }
0x2d: {  	[tilespmem:s29+$0xA400] =	vst v0  }
0x2e: {  	[tilespmem:s29+$0xA390] =	vst v0  }
0x2f: {  	[tilespmem:s29+$0xA3A0] =	vst v0  }
0x30: {  	[tilespmem:s29+$0xA3B0] =	vst v0  }
0x31: {  	[tilespmem:s29+$0xA3C0] =	vst v0  }
0x32: {  	[tilespmem:s29+$0xA3D0] =	vst v0  }
0x33: {  	[tilespmem:s29+$0xA3E0] =	vst v0  }
0x34: {  	[tilespmem:s29+$0xA3F0] =	vst v0  }
0x35: {  	[spmem:s15] =	stream.linear.scatter [tilespmem:s6], [sflag:$0x5], $0x1400, $0x38;
	[tilespmem:$0x1F800] =	vst v63  }
0x36: {  	_ =	swait.ge [sflag:s7], $0x1400  }
0x37: {  	[sflag:s7] =	ssyncset.done $0x0  }
0x38: {  	s0 =	rddreg [dreg:$0xd];
	[sflag:s7] =	ssyncadd.s32 $0xFFFFEC00  }
0x39: {  	[spmem:s0] =	stream.linear.scatter [tilespmem:s6], [sflag:$0x5], $0x1400, $0x38;
	[tilespmem:$0x1F800] =	vst v63  }
0x3a: {  	_ =	swait.ge [sflag:s7], $0x1400  }
0x3b: {  	[sflag:s7] =	ssyncset.done $0x0  }
0x3c: {  	s31 =	rddreg [dreg:$0xe];
	[sflag:s7] =	ssyncadd.s32 $0xFFFFEC00  }
0x3d: {  	[spmem:s31] =	stream.linear.scatter [tilespmem:s6], [sflag:$0x5], $0x1400, $0x38;
	[tilespmem:$0x1F800] =	vst v63  }
0x3e: {  	_ =	swait.ge [sflag:s7], $0x1400  }
0x3f: {  	[sflag:s7] =	ssyncset.done $0x0  }
0x40: {  	s31 =	rddreg [dreg:$0xf];
	[sflag:s7] =	ssyncadd.s32 $0xFFFFEC00  }
0x41: {  	[spmem:s31] =	stream.linear.scatter [tilespmem:s6], [sflag:$0x5], $0x1400, $0x38;
	[tilespmem:$0x1F800] =	vst v63  }
0x42: {  	_ =	swait.ge [sflag:s7], $0x1400  }
0x43: {  	[sflag:s7] =	ssyncset.done $0x0  }
0x44: {  	s31 =	rddreg [dreg:$0x10];
	[sflag:s7] =	ssyncadd.s32 $0xFFFFEC00  }
0x45: {  	[spmem:s31] =	stream.linear.scatter [tilespmem:s6], [sflag:$0x5], $0x1400, $0x38;
	[tilespmem:$0x1F800] =	vst v63  }
0x46: {  	_ =	swait.ge [sflag:s7], $0x1400  }
0x47: {  	[sflag:s7] =	ssyncset.done $0x0  }
0x48: {  	s31 =	rddreg [dreg:$0x11];
	[sflag:s7] =	ssyncadd.s32 $0xFFFFEC00  }
0x49: {  	[spmem:s31] =	stream.linear.scatter [tilespmem:s6], [sflag:$0x5], $0x1400, $0x38;
	[tilespmem:$0x1F800] =	vst v63  }
0x4a: {  	_ =	swait.ge [sflag:s7], $0x1400  }
0x4b: {  	[sflag:s7] =	ssyncset.done $0x0  }
0x4c: {  	s31 =	rddreg [dreg:$0x12];
	[sflag:s7] =	ssyncadd.s32 $0xFFFFEC00  }
0x4d: {  	[spmem:s31] =	stream.linear.scatter [tilespmem:s6], [sflag:$0x5], $0x1400, $0x38;
	[tilespmem:$0x1F800] =	vst v63  }
0x4e: {  	_ =	swait.ge [sflag:s7], $0x1400  }
0x4f: {  	[sflag:s7] =	ssyncset.done $0x0  }
0x50: {  	s31 =	rddreg [dreg:$0x13];
	[sflag:s7] =	ssyncadd.s32 $0xFFFFEC00  }
0x51: {  	[spmem:s31] =	stream.linear.scatter [tilespmem:s6], [sflag:$0x5], $0x1400, $0x38;
	[tilespmem:$0x1F800] =	vst v63  }
0x52: {  	_ =	swait.ge [sflag:s7], $0x1400  }
0x53: {  	[sflag:s7] =	ssyncset.done $0x0  }
0x54: {  	s31 =	rddreg [dreg:$0x14];
	[sflag:s7] =	ssyncadd.s32 $0xFFFFEC00  }
0x55: {  	[spmem:s31] =	stream.linear.scatter [tilespmem:s6], [sflag:$0x5], $0x1400, $0x38;
	[tilespmem:$0x1F800] =	vst v63  }
0x56: {  	_ =	swait.ge [sflag:s7], $0x1400  }
0x57: {  	[sflag:s7] =	ssyncset.done $0x0  }
0x58: {  	s31 =	rddreg [dreg:$0x15];
	[sflag:s7] =	ssyncadd.s32 $0xFFFFEC00  }
0x59: {  	[spmem:s31] =	stream.linear.scatter [tilespmem:s6], [sflag:$0x5], $0x1400, $0x38;
	[tilespmem:$0x1F800] =	vst v63  }
0x5a: {  	_ =	swait.ge [sflag:s7], $0x1400  }
0x5b: {  	[sflag:s7] =	ssyncset.done $0x0  }
0x5c: {  	s31 =	rddreg [dreg:$0x16];
	[sflag:s7] =	ssyncadd.s32 $0xFFFFEC00  }
0x5d: {  	[spmem:s31] =	stream.linear.scatter [tilespmem:s6], [sflag:$0x5], $0x1400, $0x38;
	[tilespmem:$0x1F800] =	vst v63  }
0x5e: {  	_ =	swait.ge [sflag:s7], $0x1400  }
0x5f: {  	[sflag:s7] =	ssyncset.done $0x0  }
0x60: {  	s31 =	rddreg [dreg:$0x17];
	[sflag:s7] =	ssyncadd.s32 $0xFFFFEC00  }
0x61: {  	[spmem:s31] =	stream.linear.scatter [tilespmem:s6], [sflag:$0x5], $0x1400, $0x38;
	[tilespmem:$0x1F800] =	vst v63  }
0x62: {  	_ =	swait.ge [sflag:s7], $0x1400  }
0x63: {  	[sflag:s7] =	ssyncset.done $0x0  }
0x64: {  	s31 =	rddreg [dreg:$0x18];
	[sflag:s7] =	ssyncadd.s32 $0xFFFFEC00  }
0x65: {  	[spmem:s31] =	stream.linear.scatter [tilespmem:s6], [sflag:$0x5], $0x1400, $0x38;
	[tilespmem:$0x1F800] =	vst v63  }
0x66: {  	_ =	swait.ge [sflag:s7], $0x1400  }
0x67: {  	[sflag:s7] =	ssyncset.done $0x0  }
0x68: {  	s31 =	rddreg [dreg:$0x19];
	[sflag:s7] =	ssyncadd.s32 $0xFFFFEC00  }
0x69: {  	[spmem:s31] =	stream.linear.scatter [tilespmem:s6], [sflag:$0x5], $0x1400, $0x38;
	[tilespmem:$0x1F800] =	vst v63  }
0x6a: {  	_ =	swait.ge [sflag:s7], $0x1400  }
0x6b: {  	[sflag:s7] =	ssyncset.done $0x0  }
0x6c: {  	[sflag:s7] =	ssyncadd.s32 $0xFFFFEC00  }
0x6d: {  	[spmem:s2] =	stream.linear.scatter [tilespmem:s6], [sflag:$0x5], $0x1400, $0x38;
	[tilespmem:$0x1F800] =	vst v63  }
0x6e: {  	_ =	swait.ge [sflag:s7], $0x1400  }
0x6f: {  	[sflag:s7] =	ssyncset.done $0x0  }
0x70: {  	[sflag:s7] =	ssyncadd.s32 $0xFFFFEC00  }
0x71: {  	[spmem:s5] =	stream.linear.scatter [tilespmem:s6], [sflag:$0x5], $0x1400, $0x38;
	[tilespmem:$0x1F800] =	vst v63  }
0x72: {  	_ =	swait.ge [sflag:s7], $0x1400  }
0x73: {  	[sflag:s7] =	ssyncset.done $0x0  }
0x74: {  	[sflag:s7] =	ssyncadd.s32 $0xFFFFEC00  }
0x75: {  	[bflag:$0x0] =	sbarrier.arrive $0xFFFF  }
0x76: {  	s29 =	simm.s32 $0x0;
	s31 =	rddreg [dreg:$0x3]  }
0x77: {  	[tilespmem:s29], [sflag:$0x1] =	stream.linear.gather [hbm4b:s31+s29], $0xA0, $0x38;
	[tilespmem:$0x1F800] =	vst v63  }
0x78: {  	_ = 	snop  }
0x79: {  	[tilespmem:s8], [sflag:$0x1] =	stream.linear.gather [hbm4b:s4+s29], $0x50, $0x38;
	[tilespmem:$0x1F800] =	vst v63  }
0x7a: {  	s31 =	rddreg [dreg:$0x4]  }
0x7b: {  	[tilespmem:s9], [sflag:$0x1] =	stream.linear.gather [hbm4b:s31+s29], $0x50, $0x38;
	[tilespmem:$0x1F800] =	vst v63  }
0x7c: {  	s31 =	rddreg [dreg:$0x5]  }
0x7d: {  	[tilespmem:s11], [sflag:$0x2] =	stream.linear.gather [hbm4b:s31+s29], $0xA0, $0x38;
	[tilespmem:$0x1F800] =	vst v63  }
0x7e: {  	s31 =	rddreg [dreg:$0x6]  }
0x7f: {  	[tilespmem:s12], [sflag:$0x2] =	stream.linear.gather [hbm4b:s31+s29], $0x50, $0x38;
	[tilespmem:$0x1F800] =	vst v63  }
0x80: {  	s31 =	rddreg [dreg:$0x7]  }
0x81: {  	[tilespmem:s13], [sflag:$0x2] =	stream.linear.gather [hbm4b:s31+s29], $0x50, $0x38;
	[tilespmem:$0x1F800] =	vst v63  }
0x82: {  	_ =	swait.ge [sflag:s14], $0xA0  }
0x83: {  	[sflag:s14] =	ssyncset.done $0x0  }
0x84: {  	[sflag:s14] =	ssyncadd.s32 $0xFFFFFF60  }
0x85: {  	_ =	swait.ge [sflag:s14], $0x50  }
0x86: {  	[sflag:s14] =	ssyncset.done $0x0  }
0x87: {  	[sflag:s14] =	ssyncadd.s32 $0xFFFFFFB0  }
0x88: {  	_ =	swait.ge [sflag:s14], $0x50  }
0x89: {  	[sflag:s14] =	ssyncset.done $0x0  }
0x8a: {  	[sflag:s14] =	ssyncadd.s32 $0xFFFFFFB0  }
0x8b: {  	[tilespmem:s17], [sflag:$0x3] =	stream.indirect.gather [hbm4b:s10+s16], $0x80, s29, s16, $0xb8;
	[tilespmem:$0x1F800] =	vst v63  }
0x8c: {  	_ = 	snop  }
0x8d: {  	[tilespmem:s18], [sflag:$0x3] =	stream.indirect.gather [hbm4b:s10+s16], $0x80, s16, s16, $0xb8;
	[tilespmem:$0x1F800] =	vst v63  }
0x8e: {  	_ =	swait.ge [sflag:s19], $0xA0  }
0x8f: {  	[sflag:s19] =	ssyncset.done $0x0  }
0x90: {  	[sflag:s19] =	ssyncadd.s32 $0xFFFFFF60  }
0x91: {  	_ =	swait.ge [sflag:s19], $0x50  }
0x92: {  	[sflag:s19] =	ssyncset.done $0x0  }
0x93: {  	[sflag:s19] =	ssyncadd.s32 $0xFFFFFFB0  }
0x94: {  	_ =	swait.ge [sflag:s19], $0x50  }
0x95: {  	[sflag:s19] =	ssyncset.done $0x0  }
0x96: {  	[sflag:s19] =	ssyncadd.s32 $0xFFFFFFB0  }
0x97: {  	[tilespmem:s20], [sflag:$0x4] =	stream.indirect.gather [hbm4b:s10+s16], $0x80, s11, s16, $0xb8;
	[tilespmem:$0x1F800] =	vst v63  }
0x98: {  	_ = 	snop  }
0x99: {  	[tilespmem:s22], [sflag:$0x4] =	stream.indirect.gather [hbm4b:s10+s16], $0x80, s21, s16, $0xb8;
	[tilespmem:$0x1F800] =	vst v63  }
0x9a: {  	_ =	swait.ge [sflag:s25], $0x2800  }
0x9b: {  	[sflag:s25] =	ssyncset.done $0x0  }
0x9c: {  	[sflag:s25] =	ssyncadd.s32 $0xFFFFD800  }
0x9d: {  	_ =	swait.ge [sflag:s25], $0x2800  }
0x9e: {  	[sflag:s25] =	ssyncset.done $0x0  }
0x9f: {  	[sflag:s25] =	ssyncadd.s32 $0xFFFFD800  }
0xa0: {  	[spmem:s1] =	stream.indirect.scatter.add.f32 [tilespmem:s17], [sflag:$0x5], $0x80, s8, s16, $0xb8;
	[tilespmem:$0x1F800] =	vst v63  }
0xa1: {  	_ =	swait.ge [sflag:s7], $0x2800  }
0xa2: {  	[sflag:s7] =	ssyncset.done $0x0  }
0xa3: {  	[sflag:s7] =	ssyncadd.s32 $0xFFFFD800  }
0xa4: {  	[spmem:s1] =	stream.indirect.scatter.add.f32 [tilespmem:s18], [sflag:$0x5], $0x80, s9, s16, $0xb8;
	[tilespmem:$0x1F800] =	vst v63  }
0xa5: {  	_ =	swait.ge [sflag:s7], $0x2800  }
0xa6: {  	s29 =	sadd.s32 $0x0, s24;
	[sflag:s7] =	ssyncset.done $0x0  }
0xa7: {  	s31 =	sadd.s32 $0x0, s23;
	s30 =	sadd.s32 $0x28, s29;
	[sflag:s7] =	ssyncadd.s32 $0xFFFFD800  }
0xa8: {  	[tilespmem:s3], [sflag:$0x1] =	stream.linear.gather [hbm4b:s30+s3], $0xA0, $0x38;
	[tilespmem:$0x1F800] =	vst v63  }
0xa9: {  	s30 =	sadd.s32 $0x28, s31  }
0xaa: {  	[tilespmem:s8], [sflag:$0x1] =	stream.linear.gather [hbm4b:s30+s3], $0x50, $0x38;
	[tilespmem:$0x1F800] =	vst v63  }
0xab: {  	s30 =	sadd.s32 $0x32, s31  }
0xac: {  	[tilespmem:s9], [sflag:$0x1] =	stream.linear.gather [hbm4b:s30+s3], $0x50, $0x38;
	[tilespmem:$0x1F800] =	vst v63  }
0xad: {  	_ =	swait.ge [sflag:s14], $0xA0  }
0xae: {  	[sflag:s14] =	ssyncset.done $0x0  }
0xaf: {  	[sflag:s14] =	ssyncadd.s32 $0xFFFFFF60  }
0xb0: {  	_ =	swait.ge [sflag:s14], $0x50  }
0xb1: {  	[sflag:s14] =	ssyncset.done $0x0  }
0xb2: {  	[sflag:s14] =	ssyncadd.s32 $0xFFFFFFB0  }
0xb3: {  	_ =	swait.ge [sflag:s14], $0x50  }
0xb4: {  	[sflag:s14] =	ssyncset.done $0x0  }
0xb5: {  	[sflag:s14] =	ssyncadd.s32 $0xFFFFFFB0  }
0xb6: {  	[tilespmem:s17], [sflag:$0x3] =	stream.indirect.gather [hbm4b:s10+s16], $0x80, s3, s16, $0xb8;
	[tilespmem:$0x1F800] =	vst v63  }
0xb7: {  	_ = 	snop  }
0xb8: {  	[tilespmem:s18], [sflag:$0x3] =	stream.indirect.gather [hbm4b:s10+s16], $0x80, s16, s16, $0xb8;
	[tilespmem:$0x1F800] =	vst v63  }
0xb9: {  	_ =	swait.ge [sflag:s26], $0x2800  }
0xba: {  	[sflag:s26] =	ssyncset.done $0x0  }
0xbb: {  	[sflag:s26] =	ssyncadd.s32 $0xFFFFD800  }
0xbc: {  	_ =	swait.ge [sflag:s26], $0x2800  }
0xbd: {  	[sflag:s26] =	ssyncset.done $0x0  }
0xbe: {  	[sflag:s26] =	ssyncadd.s32 $0xFFFFD800  }
0xbf: {  	[spmem:s1] =	stream.indirect.scatter.add.f32 [tilespmem:s20], [sflag:$0x5], $0x80, s12, s16, $0xb8;
	[tilespmem:$0x1F800] =	vst v63  }
0xc0: {  	_ =	swait.ge [sflag:s7], $0x2800  }
0xc1: {  	[sflag:s7] =	ssyncset.done $0x0  }
0xc2: {  	[sflag:s7] =	ssyncadd.s32 $0xFFFFD800  }
0xc3: {  	[spmem:s1] =	stream.indirect.scatter.add.f32 [tilespmem:s22], [sflag:$0x5], $0x80, s13, s16, $0xb8;
	[tilespmem:$0x1F800] =	vst v63  }
0xc4: {  	_ =	swait.ge [sflag:s7], $0x2800  }
0xc5: {  	[sflag:s7] =	ssyncset.done $0x0  }
0xc6: {  	s29 =	sadd.s32 $0x3C, s29;
	[sflag:s7] =	ssyncadd.s32 $0xFFFFD800  }
0xc7: {  	[tilespmem:s11], [sflag:$0x2] =	stream.linear.gather [hbm4b:s29+s3], $0xA0, $0x38;
	[tilespmem:$0x1F800] =	vst v63  }
0xc8: {  	s29 =	sadd.s32 $0x3C, s31  }
0xc9: {  	[tilespmem:s12], [sflag:$0x2] =	stream.linear.gather [hbm4b:s29+s3], $0x50, $0x38;
	[tilespmem:$0x1F800] =	vst v63  }
0xca: {  	s30 =	sadd.s32 $0x46, s31;
	s29 =	simm.s32 $0x28  }
.LBB2_4:
0xcb: {  	[tilespmem:s13], [sflag:$0x2] =	stream.linear.gather [hbm4b:s30+s3], $0x50, $0x38;
	[tilespmem:$0x1F800] =	vst v63  }
0xcc: {  	s30 =	smov.u32 s29  }
0xcd: {  	p0 =	sne.s32 s29, $0x960;
	s29 =	sadd.s32 $0x28, s29;
	_ =	swait.ge [sflag:s19], $0xA0  }
0xce: {  	[sflag:s19] =	ssyncset.done $0x0  }
0xcf: {  	[sflag:s19] =	ssyncadd.s32 $0xFFFFFF60  }
0xd0: {  	_ =	swait.ge [sflag:s19], $0x50  }
0xd1: {  	[sflag:s19] =	ssyncset.done $0x0  }
0xd2: {  	[sflag:s19] =	ssyncadd.s32 $0xFFFFFFB0  }
0xd3: {  	_ =	swait.ge [sflag:s19], $0x50  }
0xd4: {  	[sflag:s19] =	ssyncset.done $0x0  }
0xd5: {  	[sflag:s19] =	ssyncadd.s32 $0xFFFFFFB0  }
0xd6: {  	[tilespmem:s20], [sflag:$0x4] =	stream.indirect.gather [hbm4b:s10+s16], $0x80, s11, s16, $0xb8;
	[tilespmem:$0x1F800] =	vst v63  }
0xd7: {  	_ = 	snop  }
0xd8: {  	[tilespmem:s22], [sflag:$0x4] =	stream.indirect.gather [hbm4b:s10+s16], $0x80, s21, s16, $0xb8;
	[tilespmem:$0x1F800] =	vst v63  }
0xd9: {  	_ =	swait.ge [sflag:s25], $0x2800  }
0xda: {  	[sflag:s25] =	ssyncset.done $0x0  }
0xdb: {  	[sflag:s25] =	ssyncadd.s32 $0xFFFFD800  }
0xdc: {  	_ =	swait.ge [sflag:s25], $0x2800  }
0xdd: {  	[sflag:s25] =	ssyncset.done $0x0  }
0xde: {  	[sflag:s25] =	ssyncadd.s32 $0xFFFFD800  }
0xdf: {  	[spmem:s1] =	stream.indirect.scatter.add.f32 [tilespmem:s17], [sflag:$0x5], $0x80, s8, s16, $0xb8;
	[tilespmem:$0x1F800] =	vst v63  }
0xe0: {  	_ =	swait.ge [sflag:s7], $0x2800  }
0xe1: {  	[sflag:s7] =	ssyncset.done $0x0  }
0xe2: {  	[sflag:s7] =	ssyncadd.s32 $0xFFFFD800  }
0xe3: {  	[spmem:s1] =	stream.indirect.scatter.add.f32 [tilespmem:s18], [sflag:$0x5], $0x80, s9, s16, $0xb8;
	[tilespmem:$0x1F800] =	vst v63  }
0xe4: {  	_ =	swait.ge [sflag:s7], $0x2800  }
0xe5: {  	s31 =	sadd.s32 s30, s24;
	[sflag:s7] =	ssyncset.done $0x0  }
0xe6: {  	s30 =	sadd.s32 s30, s23;
	s0 =	sadd.s32 $0x28, s31;
	[sflag:s7] =	ssyncadd.s32 $0xFFFFD800  }
0xe7: {  	[tilespmem:s3], [sflag:$0x1] =	stream.linear.gather [hbm4b:s0+s3], $0xA0, $0x38;
	[tilespmem:$0x1F800] =	vst v63  }
0xe8: {  	s0 =	sadd.s32 $0x28, s30  }
0xe9: {  	[tilespmem:s8], [sflag:$0x1] =	stream.linear.gather [hbm4b:s0+s3], $0x50, $0x38;
	[tilespmem:$0x1F800] =	vst v63  }
0xea: {  	s0 =	sadd.s32 $0x32, s30  }
0xeb: {  	[tilespmem:s9], [sflag:$0x1] =	stream.linear.gather [hbm4b:s0+s3], $0x50, $0x38;
	[tilespmem:$0x1F800] =	vst v63  }
0xec: {  	_ =	swait.ge [sflag:s14], $0xA0  }
0xed: {  	[sflag:s14] =	ssyncset.done $0x0  }
0xee: {  	[sflag:s14] =	ssyncadd.s32 $0xFFFFFF60  }
0xef: {  	_ =	swait.ge [sflag:s14], $0x50  }
0xf0: {  	[sflag:s14] =	ssyncset.done $0x0  }
0xf1: {  	[sflag:s14] =	ssyncadd.s32 $0xFFFFFFB0  }
0xf2: {  	_ =	swait.ge [sflag:s14], $0x50  }
0xf3: {  	[sflag:s14] =	ssyncset.done $0x0  }
0xf4: {  	[sflag:s14] =	ssyncadd.s32 $0xFFFFFFB0  }
0xf5: {  	[tilespmem:s17], [sflag:$0x3] =	stream.indirect.gather [hbm4b:s10+s16], $0x80, s3, s16, $0xb8;
	[tilespmem:$0x1F800] =	vst v63  }
0xf6: {  	_ = 	snop  }
0xf7: {  	[tilespmem:s18], [sflag:$0x3] =	stream.indirect.gather [hbm4b:s10+s16], $0x80, s16, s16, $0xb8;
	[tilespmem:$0x1F800] =	vst v63  }
0xf8: {  	_ =	swait.ge [sflag:s26], $0x2800  }
0xf9: {  	[sflag:s26] =	ssyncset.done $0x0  }
0xfa: {  	[sflag:s26] =	ssyncadd.s32 $0xFFFFD800  }
0xfb: {  	_ =	swait.ge [sflag:s26], $0x2800  }
0xfc: {  	[sflag:s26] =	ssyncset.done $0x0  }
0xfd: {  	[sflag:s26] =	ssyncadd.s32 $0xFFFFD800  }
0xfe: {  	[spmem:s1] =	stream.indirect.scatter.add.f32 [tilespmem:s20], [sflag:$0x5], $0x80, s12, s16, $0xb8;
	[tilespmem:$0x1F800] =	vst v63  }
0xff: {  	_ =	swait.ge [sflag:s7], $0x2800  }
0x100: {  	[sflag:s7] =	ssyncset.done $0x0  }
0x101: {  	[sflag:s7] =	ssyncadd.s32 $0xFFFFD800  }
0x102: {  	[spmem:s1] =	stream.indirect.scatter.add.f32 [tilespmem:s22], [sflag:$0x5], $0x80, s13, s16, $0xb8;
	[tilespmem:$0x1F800] =	vst v63  }
0x103: {  	_ =	swait.ge [sflag:s7], $0x2800  }
0x104: {  	[sflag:s7] =	ssyncset.done $0x0  }
.Ltmp1:
0x105: {  	s0 =	sadd.s32 $0x3C, s31;
	[sflag:s7] =	ssyncadd.s32 $0xFFFFD800;
	(pc) =	sbr.rel @p0 .LBB2_4-.Ltmp1, $4  }
0x106: {  	[tilespmem:s11], [sflag:$0x2] =	stream.linear.gather [hbm4b:s0+s3], $0xA0, $0x38;
	[tilespmem:$0x1F800] =	vst v63  }
0x107: {  	s0 =	sadd.s32 $0x3C, s30  }
0x108: {  	[tilespmem:s12], [sflag:$0x2] =	stream.linear.gather [hbm4b:s0+s3], $0x50, $0x38;
	[tilespmem:$0x1F800] =	vst v63  }
0x109: {  	s30 =	sadd.s32 $0x46, s30  }
0x10a: {  	[tilespmem:s13], [sflag:$0x2] =	stream.linear.gather [hbm4b:s30+s3], $0x50, $0x38;
	[tilespmem:$0x1F800] =	vst v63  }
0x10b: {  	_ =	swait.ge [sflag:s19], $0xA0  }
0x10c: {  	[sflag:s19] =	ssyncset.done $0x0  }
0x10d: {  	[sflag:s19] =	ssyncadd.s32 $0xFFFFFF60  }
0x10e: {  	_ =	swait.ge [sflag:s19], $0x50  }
0x10f: {  	[sflag:s19] =	ssyncset.done $0x0  }
0x110: {  	[sflag:s19] =	ssyncadd.s32 $0xFFFFFFB0  }
0x111: {  	_ =	swait.ge [sflag:s19], $0x50  }
0x112: {  	[sflag:s19] =	ssyncset.done $0x0  }
0x113: {  	[sflag:s19] =	ssyncadd.s32 $0xFFFFFFB0  }
0x114: {  	[tilespmem:s20], [sflag:$0x4] =	stream.indirect.gather [hbm4b:s10+s16], $0x80, s11, s16, $0xb8;
	[tilespmem:$0x1F800] =	vst v63  }
0x115: {  	_ = 	snop  }
0x116: {  	[tilespmem:s22], [sflag:$0x4] =	stream.indirect.gather [hbm4b:s10+s16], $0x80, s21, s16, $0xb8;
	[tilespmem:$0x1F800] =	vst v63  }
0x117: {  	_ =	swait.ge [sflag:s25], $0x2800  }
0x118: {  	[sflag:s25] =	ssyncset.done $0x0  }
0x119: {  	[sflag:s25] =	ssyncadd.s32 $0xFFFFD800  }
0x11a: {  	_ =	swait.ge [sflag:s25], $0x2800  }
0x11b: {  	[sflag:s25] =	ssyncset.done $0x0  }
0x11c: {  	[sflag:s25] =	ssyncadd.s32 $0xFFFFD800  }
0x11d: {  	[spmem:s1] =	stream.indirect.scatter.add.f32 [tilespmem:s17], [sflag:$0x5], $0x80, s8, s16, $0xb8;
	[tilespmem:$0x1F800] =	vst v63  }
0x11e: {  	_ =	swait.ge [sflag:s7], $0x2800  }
0x11f: {  	[sflag:s7] =	ssyncset.done $0x0  }
0x120: {  	[sflag:s7] =	ssyncadd.s32 $0xFFFFD800  }
0x121: {  	[spmem:s1] =	stream.indirect.scatter.add.f32 [tilespmem:s18], [sflag:$0x5], $0x80, s9, s16, $0xb8;
	[tilespmem:$0x1F800] =	vst v63  }
0x122: {  	_ =	swait.ge [sflag:s7], $0x2800  }
0x123: {  	[sflag:s7] =	ssyncset.done $0x0  }
0x124: {  	s0 =	rddreg [dreg:$0x8];
	[sflag:s7] =	ssyncadd.s32 $0xFFFFD800  }
0x125: {  	[tilespmem:s3], [sflag:$0x1] =	stream.linear.gather [hbm4b:s0+s3], $0xA0, $0x38;
	[tilespmem:$0x1F800] =	vst v63  }
0x126: {  	s31 =	rddreg [dreg:$0x9]  }
0x127: {  	[tilespmem:s8], [sflag:$0x1] =	stream.linear.gather [hbm4b:s31+s3], $0x50, $0x38;
	[tilespmem:$0x1F800] =	vst v63  }
0x128: {  	s29 =	rddreg [dreg:$0xa]  }
0x129: {  	[tilespmem:s9], [sflag:$0x1] =	stream.linear.gather [hbm4b:s29+s3], $0x50, $0x38;
	[tilespmem:$0x1F800] =	vst v63  }
0x12a: {  	_ =	swait.ge [sflag:s14], $0xA0  }
0x12b: {  	[sflag:s14] =	ssyncset.done $0x0  }
0x12c: {  	[sflag:s14] =	ssyncadd.s32 $0xFFFFFF60  }
0x12d: {  	_ =	swait.ge [sflag:s14], $0x50  }
0x12e: {  	[sflag:s14] =	ssyncset.done $0x0  }
0x12f: {  	[sflag:s14] =	ssyncadd.s32 $0xFFFFFFB0  }
0x130: {  	_ =	swait.ge [sflag:s14], $0x50  }
0x131: {  	[sflag:s14] =	ssyncset.done $0x0  }
0x132: {  	[sflag:s14] =	ssyncadd.s32 $0xFFFFFFB0  }
0x133: {  	[tilespmem:s17], [sflag:$0x3] =	stream.indirect.gather [hbm4b:s10+s16], $0x80, s3, s16, $0xb8;
	[tilespmem:$0x1F800] =	vst v63  }
0x134: {  	_ = 	snop  }
0x135: {  	[tilespmem:s18], [sflag:$0x3] =	stream.indirect.gather [hbm4b:s10+s16], $0x80, s16, s16, $0xb8;
	[tilespmem:$0x1F800] =	vst v63  }
0x136: {  	_ =	swait.ge [sflag:s26], $0x2800  }
0x137: {  	[sflag:s26] =	ssyncset.done $0x0  }
0x138: {  	[sflag:s26] =	ssyncadd.s32 $0xFFFFD800  }
0x139: {  	_ =	swait.ge [sflag:s26], $0x2800  }
0x13a: {  	[sflag:s26] =	ssyncset.done $0x0  }
0x13b: {  	[sflag:s26] =	ssyncadd.s32 $0xFFFFD800  }
0x13c: {  	[spmem:s1] =	stream.indirect.scatter.add.f32 [tilespmem:s20], [sflag:$0x5], $0x80, s12, s16, $0xb8;
	[tilespmem:$0x1F800] =	vst v63  }
0x13d: {  	_ =	swait.ge [sflag:s7], $0x2800  }
0x13e: {  	[sflag:s7] =	ssyncset.done $0x0  }
0x13f: {  	[sflag:s7] =	ssyncadd.s32 $0xFFFFD800  }
0x140: {  	[spmem:s1] =	stream.indirect.scatter.add.f32 [tilespmem:s22], [sflag:$0x5], $0x80, s13, s16, $0xb8;
	[tilespmem:$0x1F800] =	vst v63  }
0x141: {  	_ =	swait.ge [sflag:s7], $0x2800  }
0x142: {  	[sflag:s7] =	ssyncset.done $0x0  }
0x143: {  	[sflag:s7] =	ssyncadd.s32 $0xFFFFD800  }
0x144: {  	_ =	swait.ge [sflag:s25], $0x2800  }
0x145: {  	[sflag:s25] =	ssyncset.done $0x0  }
0x146: {  	[sflag:s25] =	ssyncadd.s32 $0xFFFFD800  }
0x147: {  	_ =	swait.ge [sflag:s25], $0x2800  }
0x148: {  	[sflag:s25] =	ssyncset.done $0x0  }
0x149: {  	[sflag:s25] =	ssyncadd.s32 $0xFFFFD800  }
0x14a: {  	[spmem:s1] =	stream.indirect.scatter.add.f32 [tilespmem:s17], [sflag:$0x5], $0x80, s8, s16, $0xb8;
	[tilespmem:$0x1F800] =	vst v63  }
0x14b: {  	_ =	swait.ge [sflag:s7], $0x2800  }
0x14c: {  	[sflag:s7] =	ssyncset.done $0x0  }
0x14d: {  	[sflag:s7] =	ssyncadd.s32 $0xFFFFD800  }
0x14e: {  	[spmem:s1] =	stream.indirect.scatter.add.f32 [tilespmem:s18], [sflag:$0x5], $0x80, s9, s16, $0xb8;
	[tilespmem:$0x1F800] =	vst v63  }
0x14f: {  	_ =	swait.ge [sflag:s7], $0x2800  }
0x150: {  	[sflag:s7] =	ssyncset.done $0x0  }
0x151: {  	s30 =	stileid.u32;
	[sflag:s7] =	ssyncadd.s32 $0xFFFFD800  }
0x152: {  	s0 =	sshll.u32 s30, $0x6;
	[bflag:$0x0] =	sbarrier.arrive $0xFFFF  }
0x153: {  	s0 =	sor.u32 $0x1C05, s0;
	s29 =	sshrl.u32 s15, $0x3;
	s31 =	rddreg [dreg:$0xb]  }
0x154: {  	[hbm:s31], [sflag:s0] =	dma.local [spmem:s29], $0x2800  }
0x155: {  	_ =	swait.ge [sflag:s7], $0x2800  }
0x156: {  	s28 =	sadd.s32 $0x1, s28;
	s31 =	rddreg [dreg:$0xc]  }
0x157: {  	p0 =	sne.s32 s28, s31  }
.Ltmp2:
0x158: {  	_ = 	snop;
	(pc) =	sbr.rel @p0 .LBB2_1-.Ltmp2, $3  }
0x159: {  	_ =	sdelay $0x1  }
0x15a: {  	[sflag:s7] =	ssyncset.done $0x0  }
0x15b: {  	[sflag:s7] =	ssyncadd.s32 $0xFFFFD800  }
0x15c: {  	_ =	sfence.sel $0x180000  }
0x15d: {  	[bflag:$0x0] =	sbarrier.arrive $0xFFFF  }
0x15e: {  	_ =	strace $0x9000004D  }
0x15f: {  	s0 =	stileid.u32;
	[bflag:$0x2] =	sbarrier.arrive $0xFFFF  }
0x160: {  	p0 =	sne.s32 s0, $0x0;
	s0 =	rddreg [dreg:$0x2]  }
0x161: {  	s0 =	sadd.s32 @!p0 $0x100000, s0  }
0x162: {  	[sflag:s0] =	ssyncadd.tile.s32 @!p0 $0x1;
	_ =	shalt  }
.Lfunc_end2:
_tile_overlayer_lowered:
.L_overlay_start_2:
0x163: {  	(tag) =	ssettag $0x2  }
0x164: {  	s0 =	rddreg [dreg:$0x0];
	s2 =	stileid.u32  }
0x165: {  	s1 =	rddreg [dreg:$0x1];
	p0 =	sne.s32 s2, $0x0  }
0x166: {  	s3 =	rddreg [dreg:$0x2];
	[bflag:$0x3] =	sbarrier.arrive $0xFFFF;
	s2 =	simm.s32 @!p0 $0x1C05  }
0x167: {  	[timem:s3], [sflag:s2] =	dma.local @!p0 [hbm:s0], s1  }
0x168: {  	s0 =	simm.s32 @!p0 $0x5  }
0x169: {  	_ =	swait.ge @!p0 [sflag:s0], s1  }
0x16a: {  	s1 =	ssub.s32 @!p0 $0x0, s1;
	[sflag:s0] =	ssyncset.done @!p0 $0x0  }
0x16b: {  	[sflag:s0] =	ssyncadd.s32 @!p0 s1  }
0x16c: {  	[bflag:$0x3] =	sbarrier.arrive $0xFFFF  }
0x16d: {  	_ =	shalt  }

// kernel: kernel.19.cloned.1.call-start
scs
__scs_entry_jumppad:
0x0: {  	(pc) =	sbr.rel $0x88, $3  }
0x1: {  	(tag) =	ssettag $0x0;
	lr =	simm.s32 $0x1  }
0x2: {  	[smem:$0x3F93] =	sst lr;
	_ =	strace $0xD0000000  }
0x3: {  	_ = 	snop  }
0x4: {  	_ = 	snop  }
0x5: {  	_ = 	snop  }
0x6: {  	_ = 	snop  }
0x7: {  	_ = 	snop  }
__scs_overlays_trampoline_lowered:
0x8: {  	[smem:$0x3FA2] =	sst s0  }
0x9: {  	[smem:$0x3FA3] =	sst s1  }
0xa: {  	[smem:$0x3FA4] =	sst s2  }
0xb: {  	[smem:$0x3FA5] =	sst s3  }
0xc: {  	[smem:$0x3FA6] =	sst s4  }
0xd: {  	[smem:$0x3FA7] =	sst s5  }
0xe: {  	[smem:$0x3FA8] =	sst s6  }
0xf: {  	[smem:$0x3FA9] =	sst s7  }
0x10: {  	[smem:$0x3FAA] =	sst s8  }
0x11: {  	[smem:$0x3FAB] =	sst s9;
	s0 =	simm.s32 @!p0 $0x0  }
0x12: {  	s1 =	sld [smem:$0x3F91];
	s0 =	simm.s32 @p0 $0x1  }
0x13: {  	[smem:$0x3FAC] =	sst s0;
	s0 =	simm.s32 @!p1 $0x0  }
0x14: {  	s2 =	sld [smem:$0x3F90];
	s0 =	simm.s32 @p1 $0x1  }
0x15: {  	[smem:$0x3FAD] =	sst s0;
	s0 =	simm.s32 @!p2 $0x0  }
0x16: {  	s3 =	sld [smem:$0x3FDB];
	s0 =	simm.s32 @p2 $0x1  }
0x17: {  	s4 =	simm.s32 $0x1BF5;
	[smem:$0x3FAF] =	sst s0  }
0x18: {  	s0 =	sld [smem:$0x3F92];
	_ =	swait.ge [sflag:s4], $0x0  }
0x19: {  	s7 =	sld [smem:$0x3F93]  }
0x1a: {  	s8 =	sadd.s32 $0xFFFFE003, lr  }
0x1b: {  	s9 =	sadd.s32 $0xFFFFFEF7, lr;
	s5 =	simm.s32 $0xFFFFFFFF;
	p2 =	slt.u32 s8, $0xFFFFF086  }
0x1c: {  	p1 =	slt.u32 s9, $0xF7A;
	s5 =	simm.s32 @!p2 $0x0  }
0x1d: {  	s5 =	simm.s32 @p1 $0x1;
	p0 =	seq.s32 s7, s2  }
0x1e: {  	s7 =	smul.u32 @!p0 $0xF7A, s2;
	p2 =	seq.s32 @!p0 s5, $0x0  }
0x1f: {  	s9 =	smul.u32 $0xF7A, s1;
	s8 =	simm.s32 @!p0 $0x1BF5;
	p2 =	por !p2, p0  }
0x20: {  	[sflag:s8] =	ssyncset.s32 @!p0 $0xFFFFF086;
	s6 =	sadd.s32 @!p0 s3, s7;
	s7 =	simm.s32 @!p0 $0x108  }
0x21: {  	s3 =	sadd.s32 s3, s9;
	s6 =	sadd.s32 @!p0 $0x88, s6;
	s7 =	simm.s32 @p2 $0x1082  }
0x22: {  	[simem:s7], [sflag:s8] =	dma.local @!p0 [hbm:s6], $0xF7A  }
0x23: {  	s9 =	sor.u32 $0xD0000000, s2;
	s6 =	simm.s32 $0x108;
	_ =	swait.ge @!p0 [sflag:s8], $0x0  }
0x24: {  	s3 =	sadd.s32 $0x88, s3;
	s6 =	simm.s32 @!p1 $0x1082;
	[sflag:s4] =	ssyncset.s32 $0xFFFFF086  }
0x25: {  	[simem:s6], [sflag:s4] =	dma.local [hbm:s3], $0xF7A  }
0x26: {  	[smem:$0x3F93] =	sst s1;
	(tag) =	ssettag s2;
	_ =	strace s9  }
0x27: {  	s1 =	sld [smem:$0x3FA3]  }
0x28: {  	s2 =	sld [smem:$0x3FA4]  }
0x29: {  	s4 =	sld [smem:$0x3FA6]  }
0x2a: {  	p0 =	seq.s32 s5, $0x0;
	s5 =	sld [smem:$0x3FA7]  }
0x2b: {  	s6 =	sld [smem:$0x3FA8]  }
0x2c: {  	s7 =	sld [smem:$0x3FA9]  }
0x2d: {  	s3 =	simm.s32 $0x108;
	s8 =	sld [smem:$0x3FAA]  }
0x2e: {  	s3 =	simm.s32 @!p0 $0x1082;
	s9 =	sld [smem:$0x3FAB]  }
0x2f: {  	lr =	sadd.s32 s0, s3;
	s0 =	sld [smem:$0x3FA2]  }
0x30: {  	s3 =	sld [smem:$0x3FA5]  }
0x31: {  	[smem:$0x3FAE] =	sst s10  }
0x32: {  	s10 =	sld [smem:$0x3FAC];
	_ =	sdelay $0x3  }
0x33: {  	p0 =	seq.s32 s10, $0x1;
	s10 =	sld [smem:$0x3FAE];
	_ =	sdelay $0x3  }
0x34: {  	[smem:$0x3FAE] =	sst s10  }
0x35: {  	s10 =	sld [smem:$0x3FAD];
	_ =	sdelay $0x3  }
0x36: {  	p1 =	seq.s32 s10, $0x1;
	s10 =	sld [smem:$0x3FAE];
	_ =	sdelay $0x3  }
0x37: {  	[smem:$0x3FAE] =	sst s10  }
0x38: {  	s10 =	sld [smem:$0x3FAF]  }
0x39: {  	_ = 	snop;
	(pc) =	sbr.ind lr, $3  }
0x3a: {  	_ = 	snop  }
0x3b: {  	_ = 	snop  }
0x3c: {  	p2 =	seq.s32 s10, $0x1;
	s10 =	sld [smem:$0x3FAE]  }
0x3d: {  	_ =	shalt  }
0x3e: {  	_ =	shalt  }
0x3f: {  	_ =	shalt  }
0x40: {  	_ =	shalt  }
0x41: {  	_ =	shalt  }
0x42: {  	_ =	shalt  }
0x43: {  	_ =	shalt  }
0x44: {  	_ =	shalt  }
0x45: {  	_ =	shalt  }
0x46: {  	_ =	shalt  }
0x47: {  	_ =	shalt  }
0x48: {  	_ =	shalt  }
0x49: {  	_ =	shalt  }
0x4a: {  	_ =	shalt  }
0x4b: {  	_ =	shalt  }
0x4c: {  	_ =	shalt  }
0x4d: {  	_ =	shalt  }
0x4e: {  	_ =	shalt  }
0x4f: {  	_ =	shalt  }
0x50: {  	_ =	shalt  }
0x51: {  	_ =	shalt  }
0x52: {  	_ =	shalt  }
0x53: {  	_ =	shalt  }
0x54: {  	_ =	shalt  }
0x55: {  	_ =	shalt  }
0x56: {  	_ =	shalt  }
0x57: {  	_ =	shalt  }
0x58: {  	_ =	shalt  }
0x59: {  	_ =	shalt  }
0x5a: {  	_ =	shalt  }
0x5b: {  	_ =	shalt  }
0x5c: {  	_ =	shalt  }
0x5d: {  	_ =	shalt  }
0x5e: {  	_ =	shalt  }
0x5f: {  	_ =	shalt  }
0x60: {  	_ =	shalt  }
0x61: {  	_ =	shalt  }
0x62: {  	_ =	shalt  }
0x63: {  	_ =	shalt  }
0x64: {  	_ =	shalt  }
0x65: {  	_ =	shalt  }
0x66: {  	_ =	shalt  }
0x67: {  	_ =	shalt  }
0x68: {  	_ =	shalt  }
0x69: {  	_ =	shalt  }
0x6a: {  	_ =	shalt  }
0x6b: {  	_ =	shalt  }
0x6c: {  	_ =	shalt  }
0x6d: {  	_ =	shalt  }
0x6e: {  	_ =	shalt  }
0x6f: {  	_ =	shalt  }
0x70: {  	_ =	shalt  }
0x71: {  	_ =	shalt  }
0x72: {  	_ =	shalt  }
0x73: {  	_ =	shalt  }
0x74: {  	_ =	shalt  }
0x75: {  	_ =	shalt  }
0x76: {  	_ =	shalt  }
0x77: {  	_ =	shalt  }
0x78: {  	_ =	shalt  }
0x79: {  	_ =	shalt  }
0x7a: {  	_ =	shalt  }
0x7b: {  	_ =	shalt  }
0x7c: {  	_ =	shalt  }
0x7d: {  	_ =	shalt  }
0x7e: {  	_ =	shalt  }
0x7f: {  	_ =	shalt  }
0x80: {  	_ =	shalt  }
0x81: {  	_ =	shalt  }
0x82: {  	_ =	shalt  }
0x83: {  	_ =	shalt  }
0x84: {  	_ =	shalt  }
0x85: {  	_ =	shalt  }
0x86: {  	_ =	shalt  }
0x87: {  	_ =	shalt  }
.Lfunc_end0:
.L_simem_size_0:
called_computation.3_lowered:
.L_overlay_start_0:
0x88: {  	s2 =	sld [smem:$0x3FD9]  }
0x89: {  	s3 =	sld [smem:$0x3FFE];
	_ =	sdelay $0x1  }
0x8a: {  	s1 =	srdreg.scid  }
0x8b: {  	s0 =	sand.u32 $0x1, s1  }
0x8c: {  	s16 =	sshll.u32 s0, $0xA;
	s2 =	sadd.s32 s3, s2  }
0x8d: {  	s2 =	sadd.s32 s2, s16  }
0x8e: {  	[smem:$0x3FBA] =	sst s2  }
0x8f: {  	_ = 	snop  }
0x90: {  	(tm) =	ssettm $0x1  }
0x91: {  	s17 =	sld [smem:$0x3FFB];
	_ =	sdelay $0x3  }
0x92: {  	_ =	strace s17  }
0x93: {  	s2 =	sld [smem:$0x3FFC];
	_ =	sdelay $0x3  }
0x94: {  	_ =	strace s2  }
0x95: {  	s2 =	sld [smem:$0x3FFD];
	_ =	sdelay $0x3  }
0x96: {  	_ =	strace s2  }
0x97: {  	_ =	strace $0x8FFFFFFF  }
0x98: {  	s18 =	sld [smem:$0x3FDB];
	_ =	sdelay $0x1  }
0x99: {  	s19 =	simm.s32 $_scs_section_size  }
0x9a: {  	s4 =	simm.s32 $_size__tile_overlayer_lowered;
	s5 =	simm.s32 $_tile_overlayer_lowered  }
0x9b: {  	s22 =	simm.s32 $0x1BFF;
	s21 =	sshll.u32 s5, $0x1;
	s2 =	sadd.s32 s19, s18  }
0x9c: {  	s6 =	simm.s32 $0x0;
	s20 =	sshll.u32 s4, $0x1;
	s4 =	sadd.s32 s21, s2  }
0x9d: {  	[timem:s6], [sflag:s22] =	dma.local [hbm:s4], s20  }
0x9e: {  	_ =	swait.ge [sflag:s22], s20  }
0x9f: {  	s3 =	ssub.s32 $0x0, s20;
	[sflag:s22] =	ssyncset.done $0x0  }
0xa0: {  	[sflag:s22] =	ssyncadd.s32 s3;
	_ =	sdelay $0x1  }
0xa1: {  	s23 =	simm.s32 $0x1B8B  }
0xa2: {  	_ =	swait.ge [sflag:s23], $0x1  }
0xa3: {  	[sflag:s23] =	ssyncset.done $0x0  }
0xa4: {  	s25 =	simm.s32 $0x1B8E;
	s24 =	sld [smem:$0x3FFE];
	[sflag:s23] =	ssyncadd.s32 $0xFFFFFFFF  }
0xa5: {  	s26 =	simm.s32 $execute0_lowered;
	[smem:$0x3FD2] =	sst s25  }
0xa6: {  	s4 =	sshll.u32 s26, $0x1;
	_ =	strace $0x8000004F;
	[dreg:$0x1] =	wrdreg $0xFFFFFFFF  }
0xa7: {  	s28 =	simm.s32 $_size_execute0_lowered;
	s2 =	sadd.s32 s2, s4;
	[dreg:$0x0] =	wrdreg $0x0  }
0xa8: {  	s4 =	sshll.u32 s28, $0x1;
	[dreg:$0x2] =	wrdreg s2  }
0xa9: {  	[dreg:$0x3] =	wrdreg s4  }
0xaa: {  	[dreg:$0x4] =	wrdreg $0xC0  }
0xab: {  	_ =	task [dreg:s6], $0x5FFFF  }
0xac: {  	[dreg:$0x1] =	wrdreg $0xFFFFFFFF  }
0xad: {  	[dreg:$0x0] =	wrdreg $0x60  }
0xae: {  	[dreg:$0x2] =	wrdreg s24  }
0xaf: {  	[dreg:$0x3] =	wrdreg $0xB8000  }
0xb0: {  	[dreg:$0x4] =	wrdreg $0x9  }
0xb1: {  	_ =	task.clear_ibuf [dreg:s6], $0x5FFFF;
	_ =	strace $0x9000004F  }
0xb2: {  	s29 =	simm.s32 $0x9;
	_ =	strace $0x80000051  }
0xb3: {  	_ =	swait.ge [sflag:s29], $0x1  }
0xb4: {  	[sflag:s29] =	ssyncadd.s32 $0xFFFFFFFF  }
0xb5: {  	_ =	strace $0x90000051  }
0xb6: {  	_ =	sfence  }
0xb7: {  	s30 =	sld [smem:$0x0];
	_ =	sdelay $0x2  }
0xb8: {  	s31 =	sshll.u32 s1, $0xD;
	s1 =	sshrl.u32 s1, $0x2  }
0xb9: {  	s3 =	sand.u32 $0x4000, s31;
	s1 =	sadd.s32 s1, s30  }
0xba: {  	s0 =	sor.u32 s3, s0;
	s1 =	sshll.u32 s1, $0x11  }
0xbb: {  	s0 =	sor.u32 s1, s0  }
0xbc: {  	s0 =	sadd.s32 $0x8F2B, s0  }
0xbd: {  	[sflag:s0] =	ssyncadd.remote.s32 $0x1  }
0xbe: {  	_ =	sfence.sel $0xFFFF  }
0xbf: {  	[dreg:$0x0] =	wrdreg $0xFFFFFFFF;
	(pc) =	sbr.abs _section_cstart, $3  }
0xc0: {  	[dreg:$0x1] =	wrdreg $0xFFFFFFFF  }
0xc1: {  	_ =	task.clear_ibuf [dreg:s6], $0x2FFFF;
	_ =	strace $0x9FFFFFFF  }
0xc2: {  	(tm) =	ssettm $0x7FFFFFFF  }
0xc3: {  	_ =	shalt  }
tec
execute0_lowered:
.L_overlay_start_1:
0x0: {  	(tag) =	ssettag $0x1  }
0x1: {  	s0 =	rddreg [dreg:$0x0]  }
0x2: {  	s1 =	rddreg [dreg:$0x1];
	s3 =	simm.s32 $0x0  }
0x3: {  	s2 =	srdreg.scid;
	s11 =	stileid.u32;
	s28 =	simm.s32 $0x0  }
0x4: {  	[smem:$0x7FF] =	sst s3;
	s2 =	sand.u32 $0x1, s2;
	s7 =	smul.u32 $0x14000, s11  }
0x5: {  	s4 =	sadd.s32 $0xCC00, s0;
	s5 =	sadd.s32 $0x2E00, s0;
	s23 =	smul.u32 $0x50000, s11  }
0x6: {  	s6 =	smul.u32 $0x140000, s2;
	_ =	strace $0x80000050;
	s8 =	sshll.u32 s2, $0x4  }
0x7: {  	s9 =	ssub.s32 $0x2, s2;
	s2 =	smul.u32 $0x27100, s2;
	s30 =	sshrl.u32 s23, $0x2  }
0x8: {  	s8 =	sor.u32 s11, s8;
	s10 =	sshrl.u32 s9, $0x1;
	s16 =	sadd.s32 s30, s1  }
0x9: {  	s11 =	smul.u32 $0x2710, s11;
	s21 =	ssub.s32 s9, s10;
	s9 =	sadd.s32 $0x2800, s16  }
0xa: {  	s7 =	sadd.s32 s7, s6;
	s17 =	sadd.s32 $0x6400, s16;
	[dreg:$0x12] =	wrdreg s9  }
0xb: {  	s8 =	smul.u32 $0x2710, s8;
	s19 =	sadd.s32 $0x7800, s16;
	[dreg:$0x15] =	wrdreg s17  }
0xc: {  	s6 =	sadd.s32 $0x16A00, s0;
	s20 =	sadd.s32 $0x8C00, s16;
	[dreg:$0x16] =	wrdreg s19  }
0xd: {  	s7 =	sshrl.u32 s7, $0x3;
	s23 =	sadd.s32 $0xC800, s16;
	[dreg:$0x17] =	wrdreg s20  }
0xe: {  	s2 =	sadd.s32 s11, s2;
	s30 =	sadd.s32 $0x11800, s16;
	[dreg:$0x1a] =	wrdreg s23  }
0xf: {  	s0 =	sadd.s32 s7, s0;
	s7 =	smax.u32 s21, $0x1;
	[dreg:$0x1e] =	wrdreg s30  }
0x10: {  	s8 =	sshrl.u32 s8, $0x3;
	s21 =	sadd.s32 $0xA000, s16;
	[dreg:$0x10] =	wrdreg s7  }
0x11: {  	s31 =	sadd.s32 $0x1E0, s2;
	s22 =	sadd.s32 s4, s8;
	[dreg:$0x18] =	wrdreg s21  }
0x12: {  	s9 =	simm.s32 $0xA400;
	s12 =	sadd.s32 s5, s8;
	[dreg:$0x7] =	wrdreg s22  }
0x13: {  	s17 =	simm.s32 $0x1;
	s0 =	sadd.s32 $0x3EA00, s0;
	[dreg:$0x8] =	wrdreg s12  }
0x14: {  	s25 =	sadd.s32 $0x14, s8;
	s24 =	sadd.s32 $0xA, s12;
	[dreg:$0xf] =	wrdreg s0  }
0x15: {  	s19 =	simm.s32 $0x400;
	s13 =	sadd.s32 s4, s25;
	[dreg:$0x9] =	wrdreg s24  }
0x16: {  	s20 =	simm.s32 $0x2C00;
	s10 =	sadd.s32 s5, s25;
	[dreg:$0xa] =	wrdreg s13  }
0x17: {  	s8 =	sadd.s32 $0x4D8, s8;
	s26 =	sadd.s32 $0x1E, s12;
	[dreg:$0xb] =	wrdreg s10  }
0x18: {  	s23 =	simm.s32 $0x7C00;
	s29 =	sadd.s32 s4, s8;
	[dreg:$0xc] =	wrdreg s26  }
0x19: {  	s21 =	simm.s32 $0x2;
	s8 =	sadd.s32 s5, s8;
	[dreg:$0xd] =	wrdreg s29  }
0x1a: {  	s0 =	sshrl.u32 s31, $0x3;
	s22 =	sadd.s32 $0xB400, s16;
	[dreg:$0xe] =	wrdreg s8  }
0x1b: {  	s12 =	sadd.s32 $0x230, s2;
	s31 =	sadd.s32 $0x12C00, s16;
	[dreg:$0x19] =	wrdreg s22  }
0x1c: {  	s25 =	sadd.s32 $0x140, s2;
	s8 =	sadd.s32 $0x1400, s16;
	[dreg:$0x1f] =	wrdreg s31  }
0x1d: {  	s10 =	sadd.s32 $0x3C00, s16;
	s11 =	sadd.s32 s0, s5;
	[dreg:$0x11] =	wrdreg s8  }
0x1e: {  	s0 =	sadd.s32 s0, s4;
	s7 =	sshrl.u32 s12, $0x3;
	[dreg:$0x13] =	wrdreg s10  }
0x1f: {  	s13 =	sadd.s32 $0x190, s2;
	s24 =	sadd.s32 $0xDC00, s16;
	[dreg:$0x3] =	wrdreg s11  }
0x20: {  	s26 =	sadd.s32 $0xF000, s16;
	s29 =	sadd.s32 $0x10400, s16;
	[dreg:$0x4] =	wrdreg s0  }
0x21: {  	s12 =	simm.s32 $0x280;
	s22 =	simm.s32 $0x150;
	[dreg:$0x1b] =	wrdreg s24  }
0x22: {  	s8 =	sadd.s32 $0x5000, s16;
	s14 =	sadd.s32 s7, s5;
	[dreg:$0x1c] =	wrdreg s26  }
0x23: {  	s15 =	sshrl.u32 s13, $0x3;
	[dreg:$0x1d] =	wrdreg s29;
	s10 =	simm.s32 $0x5  }
0x24: {  	s11 =	simm.s32 $0x200;
	s13 =	simm.s32 $0x100;
	[dreg:$0x14] =	wrdreg s8  }
0x25: {  	s24 =	simm.s32 $0x3;
	s26 =	simm.s32 $0x4;
	[dreg:$0x5] =	wrdreg s14  }
0x26: {  	s18 =	sadd.s32 s15, s5;
	s14 =	simm.s32 $0x300;
	s15 =	simm.s32 $0x380  }
0x27: {  	v0 =	vimm.f32 $0.0e+00;
	s8 =	simm.s32 $0x5400;
	[dreg:$0x6] =	wrdreg s18;
	s18 =	simm.s32 $0x50  }
.LBB2_1:
0x28: {  	s29 =	simm.s32 $0x70;
	s30 =	simm.s32 $0x3C0  }
.LBB2_2:
0x29: {  	p0 =	sne.s32 s30, $0x4FC0;
	[tilespmem:s29+$0xA400] =	vst v0  }
0x2a: {  	[tilespmem:s29+$0xA390] =	vst v0  }
0x2b: {  	[tilespmem:s29+$0xA3A0] =	vst v0  }
.Ltmp0:
0x2c: {  	[tilespmem:s29+$0xA3B0] =	vst v0;
	(pc) =	sbr.rel @p0 .LBB2_2-.Ltmp0, $4  }
0x2d: {  	[tilespmem:s29+$0xA3C0] =	vst v0  }
0x2e: {  	[tilespmem:s29+$0xA3D0] =	vst v0  }
0x2f: {  	[tilespmem:s29+$0xA3E0] =	vst v0  }
0x30: {  	[tilespmem:s29+$0xA3F0] =	vst v0;
	s29 =	sshra.s32 s30, $0x2;
	s30 =	sadd.s32 $0x200, s30  }
0x31: {  	[tilespmem:s29+$0xA400] =	vst v0  }
0x32: {  	[tilespmem:s29+$0xA390] =	vst v0  }
0x33: {  	[tilespmem:s29+$0xA3A0] =	vst v0  }
0x34: {  	[tilespmem:s29+$0xA3B0] =	vst v0  }
0x35: {  	[tilespmem:s29+$0xA3C0] =	vst v0  }
0x36: {  	[tilespmem:s29+$0xA3D0] =	vst v0  }
0x37: {  	[tilespmem:s29+$0xA3E0] =	vst v0  }
0x38: {  	[tilespmem:s29+$0xA3F0] =	vst v0  }
0x39: {  	[spmem:s16] =	stream.linear.scatter [tilespmem:s9], [sflag:$0x5], $0x1400, $0x38;
	[tilespmem:$0x1F800] =	vst v63  }
0x3a: {  	_ =	swait.ge [sflag:s10], $0x1400  }
0x3b: {  	[sflag:s10] =	ssyncset.done $0x0  }
0x3c: {  	s0 =	rddreg [dreg:$0x11];
	[sflag:s10] =	ssyncadd.s32 $0xFFFFEC00  }
0x3d: {  	[spmem:s0] =	stream.linear.scatter [tilespmem:s9], [sflag:$0x5], $0x1400, $0x38;
	[tilespmem:$0x1F800] =	vst v63  }
0x3e: {  	_ =	swait.ge [sflag:s10], $0x1400  }
0x3f: {  	[sflag:s10] =	ssyncset.done $0x0  }
0x40: {  	s2 =	rddreg [dreg:$0x12];
	[sflag:s10] =	ssyncadd.s32 $0xFFFFEC00  }
0x41: {  	[spmem:s2] =	stream.linear.scatter [tilespmem:s9], [sflag:$0x5], $0x1400, $0x38;
	[tilespmem:$0x1F800] =	vst v63  }
0x42: {  	_ =	swait.ge [sflag:s10], $0x1400  }
0x43: {  	[sflag:s10] =	ssyncset.done $0x0  }
0x44: {  	s7 =	rddreg [dreg:$0x13];
	[sflag:s10] =	ssyncadd.s32 $0xFFFFEC00  }
0x45: {  	[spmem:s7] =	stream.linear.scatter [tilespmem:s9], [sflag:$0x5], $0x1400, $0x38;
	[tilespmem:$0x1F800] =	vst v63  }
0x46: {  	_ =	swait.ge [sflag:s10], $0x1400  }
0x47: {  	[sflag:s10] =	ssyncset.done $0x0  }
0x48: {  	s2 =	rddreg [dreg:$0x14];
	[sflag:s10] =	ssyncadd.s32 $0xFFFFEC00  }
0x49: {  	[spmem:s2] =	stream.linear.scatter [tilespmem:s9], [sflag:$0x5], $0x1400, $0x38;
	[tilespmem:$0x1F800] =	vst v63  }
0x4a: {  	_ =	swait.ge [sflag:s10], $0x1400  }
0x4b: {  	[sflag:s10] =	ssyncset.done $0x0  }
0x4c: {  	s7 =	rddreg [dreg:$0x15];
	[sflag:s10] =	ssyncadd.s32 $0xFFFFEC00  }
0x4d: {  	[spmem:s7] =	stream.linear.scatter [tilespmem:s9], [sflag:$0x5], $0x1400, $0x38;
	[tilespmem:$0x1F800] =	vst v63  }
0x4e: {  	_ =	swait.ge [sflag:s10], $0x1400  }
0x4f: {  	[sflag:s10] =	ssyncset.done $0x0  }
0x50: {  	s2 =	rddreg [dreg:$0x16];
	[sflag:s10] =	ssyncadd.s32 $0xFFFFEC00  }
0x51: {  	[spmem:s2] =	stream.linear.scatter [tilespmem:s9], [sflag:$0x5], $0x1400, $0x38;
	[tilespmem:$0x1F800] =	vst v63  }
0x52: {  	_ =	swait.ge [sflag:s10], $0x1400  }
0x53: {  	[sflag:s10] =	ssyncset.done $0x0  }
0x54: {  	s7 =	rddreg [dreg:$0x17];
	[sflag:s10] =	ssyncadd.s32 $0xFFFFEC00  }
0x55: {  	[spmem:s7] =	stream.linear.scatter [tilespmem:s9], [sflag:$0x5], $0x1400, $0x38;
	[tilespmem:$0x1F800] =	vst v63  }
0x56: {  	_ =	swait.ge [sflag:s10], $0x1400  }
0x57: {  	[sflag:s10] =	ssyncset.done $0x0  }
0x58: {  	s2 =	rddreg [dreg:$0x18];
	[sflag:s10] =	ssyncadd.s32 $0xFFFFEC00  }
0x59: {  	[spmem:s2] =	stream.linear.scatter [tilespmem:s9], [sflag:$0x5], $0x1400, $0x38;
	[tilespmem:$0x1F800] =	vst v63  }
0x5a: {  	_ =	swait.ge [sflag:s10], $0x1400  }
0x5b: {  	[sflag:s10] =	ssyncset.done $0x0  }
0x5c: {  	s7 =	rddreg [dreg:$0x19];
	[sflag:s10] =	ssyncadd.s32 $0xFFFFEC00  }
0x5d: {  	[spmem:s7] =	stream.linear.scatter [tilespmem:s9], [sflag:$0x5], $0x1400, $0x38;
	[tilespmem:$0x1F800] =	vst v63  }
0x5e: {  	_ =	swait.ge [sflag:s10], $0x1400  }
0x5f: {  	[sflag:s10] =	ssyncset.done $0x0  }
0x60: {  	s2 =	rddreg [dreg:$0x1a];
	[sflag:s10] =	ssyncadd.s32 $0xFFFFEC00  }
0x61: {  	[spmem:s2] =	stream.linear.scatter [tilespmem:s9], [sflag:$0x5], $0x1400, $0x38;
	[tilespmem:$0x1F800] =	vst v63  }
0x62: {  	_ =	swait.ge [sflag:s10], $0x1400  }
0x63: {  	[sflag:s10] =	ssyncset.done $0x0  }
0x64: {  	s7 =	rddreg [dreg:$0x1b];
	[sflag:s10] =	ssyncadd.s32 $0xFFFFEC00  }
0x65: {  	[spmem:s7] =	stream.linear.scatter [tilespmem:s9], [sflag:$0x5], $0x1400, $0x38;
	[tilespmem:$0x1F800] =	vst v63  }
0x66: {  	_ =	swait.ge [sflag:s10], $0x1400  }
0x67: {  	[sflag:s10] =	ssyncset.done $0x0  }
0x68: {  	s2 =	rddreg [dreg:$0x1c];
	[sflag:s10] =	ssyncadd.s32 $0xFFFFEC00  }
0x69: {  	[spmem:s2] =	stream.linear.scatter [tilespmem:s9], [sflag:$0x5], $0x1400, $0x38;
	[tilespmem:$0x1F800] =	vst v63  }
0x6a: {  	_ =	swait.ge [sflag:s10], $0x1400  }
0x6b: {  	[sflag:s10] =	ssyncset.done $0x0  }
0x6c: {  	s7 =	rddreg [dreg:$0x1d];
	[sflag:s10] =	ssyncadd.s32 $0xFFFFEC00  }
0x6d: {  	[spmem:s7] =	stream.linear.scatter [tilespmem:s9], [sflag:$0x5], $0x1400, $0x38;
	[tilespmem:$0x1F800] =	vst v63  }
0x6e: {  	_ =	swait.ge [sflag:s10], $0x1400  }
0x6f: {  	[sflag:s10] =	ssyncset.done $0x0  }
0x70: {  	s2 =	rddreg [dreg:$0x1e];
	[sflag:s10] =	ssyncadd.s32 $0xFFFFEC00  }
0x71: {  	[spmem:s2] =	stream.linear.scatter [tilespmem:s9], [sflag:$0x5], $0x1400, $0x38;
	[tilespmem:$0x1F800] =	vst v63  }
0x72: {  	_ =	swait.ge [sflag:s10], $0x1400  }
0x73: {  	[sflag:s10] =	ssyncset.done $0x0  }
0x74: {  	s7 =	rddreg [dreg:$0x1f];
	[sflag:s10] =	ssyncadd.s32 $0xFFFFEC00  }
0x75: {  	[spmem:s7] =	stream.linear.scatter [tilespmem:s9], [sflag:$0x5], $0x1400, $0x38;
	[tilespmem:$0x1F800] =	vst v63  }
0x76: {  	_ =	swait.ge [sflag:s10], $0x1400  }
0x77: {  	[sflag:s10] =	ssyncset.done $0x0  }
0x78: {  	[sflag:s10] =	ssyncadd.s32 $0xFFFFEC00  }
0x79: {  	[bflag:$0x0] =	sbarrier.arrive $0xFFFF  }
0x7a: {  	s29 =	simm.s32 $0x0;
	s2 =	rddreg [dreg:$0x7]  }
0x7b: {  	[tilespmem:s29], [sflag:$0x1] =	stream.linear.gather [hbm4b:s2+s29], $0xA0, $0x38;
	[tilespmem:$0x1F800] =	vst v63  }
0x7c: {  	s7 =	rddreg [dreg:$0x8]  }
0x7d: {  	[tilespmem:s11], [sflag:$0x1] =	stream.linear.gather [hbm4b:s7+s29], $0x50, $0x38;
	[tilespmem:$0x1F800] =	vst v63  }
0x7e: {  	s2 =	rddreg [dreg:$0x9]  }
0x7f: {  	[tilespmem:s12], [sflag:$0x1] =	stream.linear.gather [hbm4b:s2+s29], $0x50, $0x38;
	[tilespmem:$0x1F800] =	vst v63  }
0x80: {  	s7 =	rddreg [dreg:$0xa]  }
0x81: {  	[tilespmem:s13], [sflag:$0x2] =	stream.linear.gather [hbm4b:s7+s29], $0xA0, $0x38;
	[tilespmem:$0x1F800] =	vst v63  }
0x82: {  	s2 =	rddreg [dreg:$0xb]  }
0x83: {  	[tilespmem:s14], [sflag:$0x2] =	stream.linear.gather [hbm4b:s2+s29], $0x50, $0x38;
	[tilespmem:$0x1F800] =	vst v63  }
0x84: {  	s7 =	rddreg [dreg:$0xc]  }
0x85: {  	[tilespmem:s15], [sflag:$0x2] =	stream.linear.gather [hbm4b:s7+s29], $0x50, $0x38;
	[tilespmem:$0x1F800] =	vst v63  }
0x86: {  	_ =	swait.ge [sflag:s17], $0xA0  }
0x87: {  	[sflag:s17] =	ssyncset.done $0x0  }
0x88: {  	[sflag:s17] =	ssyncadd.s32 $0xFFFFFF60  }
0x89: {  	_ =	swait.ge [sflag:s17], $0x50  }
0x8a: {  	[sflag:s17] =	ssyncset.done $0x0  }
0x8b: {  	[sflag:s17] =	ssyncadd.s32 $0xFFFFFFB0  }
0x8c: {  	_ =	swait.ge [sflag:s17], $0x50  }
0x8d: {  	[sflag:s17] =	ssyncset.done $0x0  }
0x8e: {  	[sflag:s17] =	ssyncadd.s32 $0xFFFFFFB0  }
0x8f: {  	[tilespmem:s19], [sflag:$0x3] =	stream.indirect.gather [hbm4b:s6+s18], $0x80, s29, s18, $0xb8;
	[tilespmem:$0x1F800] =	vst v63  }
0x90: {  	_ = 	snop  }
0x91: {  	[tilespmem:s20], [sflag:$0x3] =	stream.indirect.gather [hbm4b:s6+s18], $0x80, s18, s18, $0xb8;
	[tilespmem:$0x1F800] =	vst v63  }
0x92: {  	_ =	swait.ge [sflag:s21], $0xA0  }
0x93: {  	[sflag:s21] =	ssyncset.done $0x0  }
0x94: {  	[sflag:s21] =	ssyncadd.s32 $0xFFFFFF60  }
0x95: {  	_ =	swait.ge [sflag:s21], $0x50  }
0x96: {  	[sflag:s21] =	ssyncset.done $0x0  }
0x97: {  	[sflag:s21] =	ssyncadd.s32 $0xFFFFFFB0  }
0x98: {  	_ =	swait.ge [sflag:s21], $0x50  }
0x99: {  	[sflag:s21] =	ssyncset.done $0x0  }
0x9a: {  	[sflag:s21] =	ssyncadd.s32 $0xFFFFFFB0  }
0x9b: {  	[tilespmem:s8], [sflag:$0x4] =	stream.indirect.gather [hbm4b:s6+s18], $0x80, s13, s18, $0xb8;
	[tilespmem:$0x1F800] =	vst v63  }
0x9c: {  	_ = 	snop  }
0x9d: {  	[tilespmem:s23], [sflag:$0x4] =	stream.indirect.gather [hbm4b:s6+s18], $0x80, s22, s18, $0xb8;
	[tilespmem:$0x1F800] =	vst v63  }
0x9e: {  	_ =	swait.ge [sflag:s24], $0x2800  }
0x9f: {  	[sflag:s24] =	ssyncset.done $0x0  }
0xa0: {  	[sflag:s24] =	ssyncadd.s32 $0xFFFFD800  }
0xa1: {  	_ =	swait.ge [sflag:s24], $0x2800  }
0xa2: {  	[sflag:s24] =	ssyncset.done $0x0  }
0xa3: {  	[sflag:s24] =	ssyncadd.s32 $0xFFFFD800  }
0xa4: {  	[spmem:s1] =	stream.indirect.scatter.add.f32 [tilespmem:s19], [sflag:$0x5], $0x80, s11, s18, $0xb8;
	[tilespmem:$0x1F800] =	vst v63  }
0xa5: {  	_ =	swait.ge [sflag:s10], $0x2800  }
0xa6: {  	[sflag:s10] =	ssyncset.done $0x0  }
0xa7: {  	[sflag:s10] =	ssyncadd.s32 $0xFFFFD800  }
0xa8: {  	[spmem:s1] =	stream.indirect.scatter.add.f32 [tilespmem:s20], [sflag:$0x5], $0x80, s12, s18, $0xb8;
	[tilespmem:$0x1F800] =	vst v63  }
0xa9: {  	_ =	swait.ge [sflag:s10], $0x2800  }
0xaa: {  	s29 =	sshrl.u32 s25, $0x3;
	[sflag:s10] =	ssyncset.done $0x0  }
0xab: {  	s30 =	sadd.s32 s4, s29;
	[sflag:s10] =	ssyncadd.s32 $0xFFFFD800  }
0xac: {  	[tilespmem:s3], [sflag:$0x1] =	stream.linear.gather [hbm4b:s30+s3], $0xA0, $0x38;
	[tilespmem:$0x1F800] =	vst v63  }
0xad: {  	s29 =	sadd.s32 s5, s29;
	s31 =	rddreg [dreg:$0x6]  }
0xae: {  	[tilespmem:s11], [sflag:$0x1] =	stream.linear.gather [hbm4b:s29+s3], $0x50, $0x38;
	[tilespmem:$0x1F800] =	vst v63  }
0xaf: {  	s29 =	sadd.s32 $0x0, s31  }
0xb0: {  	[tilespmem:s12], [sflag:$0x1] =	stream.linear.gather [hbm4b:s29+s3], $0x50, $0x38;
	[tilespmem:$0x1F800] =	vst v63  }
0xb1: {  	_ =	swait.ge [sflag:s17], $0xA0  }
0xb2: {  	[sflag:s17] =	ssyncset.done $0x0  }
0xb3: {  	[sflag:s17] =	ssyncadd.s32 $0xFFFFFF60  }
0xb4: {  	_ =	swait.ge [sflag:s17], $0x50  }
0xb5: {  	[sflag:s17] =	ssyncset.done $0x0  }
0xb6: {  	[sflag:s17] =	ssyncadd.s32 $0xFFFFFFB0  }
0xb7: {  	_ =	swait.ge [sflag:s17], $0x50  }
0xb8: {  	[sflag:s17] =	ssyncset.done $0x0  }
0xb9: {  	[sflag:s17] =	ssyncadd.s32 $0xFFFFFFB0  }
0xba: {  	[tilespmem:s19], [sflag:$0x3] =	stream.indirect.gather [hbm4b:s6+s18], $0x80, s3, s18, $0xb8;
	[tilespmem:$0x1F800] =	vst v63  }
0xbb: {  	_ = 	snop  }
0xbc: {  	[tilespmem:s20], [sflag:$0x3] =	stream.indirect.gather [hbm4b:s6+s18], $0x80, s18, s18, $0xb8;
	[tilespmem:$0x1F800] =	vst v63  }
0xbd: {  	_ =	swait.ge [sflag:s26], $0x2800  }
0xbe: {  	[sflag:s26] =	ssyncset.done $0x0  }
0xbf: {  	[sflag:s26] =	ssyncadd.s32 $0xFFFFD800  }
0xc0: {  	_ =	swait.ge [sflag:s26], $0x2800  }
0xc1: {  	[sflag:s26] =	ssyncset.done $0x0  }
0xc2: {  	[sflag:s26] =	ssyncadd.s32 $0xFFFFD800  }
0xc3: {  	[spmem:s1] =	stream.indirect.scatter.add.f32 [tilespmem:s8], [sflag:$0x5], $0x80, s14, s18, $0xb8;
	[tilespmem:$0x1F800] =	vst v63  }
0xc4: {  	_ =	swait.ge [sflag:s10], $0x2800  }
0xc5: {  	[sflag:s10] =	ssyncset.done $0x0  }
0xc6: {  	[sflag:s10] =	ssyncadd.s32 $0xFFFFD800  }
0xc7: {  	[spmem:s1] =	stream.indirect.scatter.add.f32 [tilespmem:s23], [sflag:$0x5], $0x80, s15, s18, $0xb8;
	[tilespmem:$0x1F800] =	vst v63  }
0xc8: {  	_ =	swait.ge [sflag:s10], $0x2800  }
0xc9: {  	s29 =	rddreg [dreg:$0x4];
	[sflag:s10] =	ssyncset.done $0x0  }
0xca: {  	s30 =	rddreg [dreg:$0x3];
	[sflag:s10] =	ssyncadd.s32 $0xFFFFD800;
	s29 =	sadd.s32 $0x0, s29  }
0xcb: {  	[tilespmem:s13], [sflag:$0x2] =	stream.linear.gather [hbm4b:s29+s3], $0xA0, $0x38;
	[tilespmem:$0x1F800] =	vst v63  }
0xcc: {  	s31 =	rddreg [dreg:$0x5];
	s29 =	sadd.s32 $0x0, s30  }
0xcd: {  	[tilespmem:s14], [sflag:$0x2] =	stream.linear.gather [hbm4b:s29+s3], $0x50, $0x38;
	[tilespmem:$0x1F800] =	vst v63  }
0xce: {  	s31 =	sadd.s32 $0x0, s31;
	s30 =	sadd.s32 $0x140, s25;
	s29 =	simm.s32 $0x28  }
.LBB2_4:
0xcf: {  	[tilespmem:s15], [sflag:$0x2] =	stream.linear.gather [hbm4b:s31+s3], $0x50, $0x38;
	[tilespmem:$0x1F800] =	vst v63  }
0xd0: {  	_ =	swait.ge [sflag:s21], $0xA0  }
0xd1: {  	[sflag:s21] =	ssyncset.done $0x0  }
0xd2: {  	[sflag:s21] =	ssyncadd.s32 $0xFFFFFF60  }
0xd3: {  	_ =	swait.ge [sflag:s21], $0x50  }
0xd4: {  	[sflag:s21] =	ssyncset.done $0x0  }
0xd5: {  	[sflag:s21] =	ssyncadd.s32 $0xFFFFFFB0  }
0xd6: {  	_ =	swait.ge [sflag:s21], $0x50  }
0xd7: {  	[sflag:s21] =	ssyncset.done $0x0  }
0xd8: {  	[sflag:s21] =	ssyncadd.s32 $0xFFFFFFB0  }
0xd9: {  	[tilespmem:s8], [sflag:$0x4] =	stream.indirect.gather [hbm4b:s6+s18], $0x80, s13, s18, $0xb8;
	[tilespmem:$0x1F800] =	vst v63  }
0xda: {  	_ = 	snop  }
0xdb: {  	[tilespmem:s23], [sflag:$0x4] =	stream.indirect.gather [hbm4b:s6+s18], $0x80, s22, s18, $0xb8;
	[tilespmem:$0x1F800] =	vst v63  }
0xdc: {  	_ =	swait.ge [sflag:s24], $0x2800  }
0xdd: {  	[sflag:s24] =	ssyncset.done $0x0  }
0xde: {  	[sflag:s24] =	ssyncadd.s32 $0xFFFFD800  }
0xdf: {  	_ =	swait.ge [sflag:s24], $0x2800  }
0xe0: {  	[sflag:s24] =	ssyncset.done $0x0  }
0xe1: {  	[sflag:s24] =	ssyncadd.s32 $0xFFFFD800  }
0xe2: {  	[spmem:s1] =	stream.indirect.scatter.add.f32 [tilespmem:s19], [sflag:$0x5], $0x80, s11, s18, $0xb8;
	[tilespmem:$0x1F800] =	vst v63  }
0xe3: {  	_ =	swait.ge [sflag:s10], $0x2800  }
0xe4: {  	[sflag:s10] =	ssyncset.done $0x0  }
0xe5: {  	[sflag:s10] =	ssyncadd.s32 $0xFFFFD800  }
0xe6: {  	[spmem:s1] =	stream.indirect.scatter.add.f32 [tilespmem:s20], [sflag:$0x5], $0x80, s12, s18, $0xb8;
	[tilespmem:$0x1F800] =	vst v63  }
0xe7: {  	_ =	swait.ge [sflag:s10], $0x2800  }
0xe8: {  	s0 =	sshrl.u32 s30, $0x3;
	[sflag:s10] =	ssyncset.done $0x0  }
0xe9: {  	s2 =	sadd.s32 s4, s0;
	[sflag:s10] =	ssyncadd.s32 $0xFFFFD800  }
0xea: {  	[tilespmem:s3], [sflag:$0x1] =	stream.linear.gather [hbm4b:s2+s3], $0xA0, $0x38;
	[tilespmem:$0x1F800] =	vst v63  }
0xeb: {  	s31 =	smov.u32 s29;
	s0 =	sadd.s32 s5, s0;
	s7 =	rddreg [dreg:$0x6]  }
0xec: {  	[tilespmem:s11], [sflag:$0x1] =	stream.linear.gather [hbm4b:s0+s3], $0x50, $0x38;
	[tilespmem:$0x1F800] =	vst v63  }
0xed: {  	s7 =	sadd.s32 s31, s7  }
0xee: {  	[tilespmem:s12], [sflag:$0x1] =	stream.linear.gather [hbm4b:s7+s3], $0x50, $0x38;
	[tilespmem:$0x1F800] =	vst v63  }
0xef: {  	_ =	swait.ge [sflag:s17], $0xA0  }
0xf0: {  	[sflag:s17] =	ssyncset.done $0x0  }
0xf1: {  	[sflag:s17] =	ssyncadd.s32 $0xFFFFFF60  }
0xf2: {  	_ =	swait.ge [sflag:s17], $0x50  }
0xf3: {  	[sflag:s17] =	ssyncset.done $0x0  }
0xf4: {  	[sflag:s17] =	ssyncadd.s32 $0xFFFFFFB0  }
0xf5: {  	_ =	swait.ge [sflag:s17], $0x50  }
0xf6: {  	[sflag:s17] =	ssyncset.done $0x0  }
0xf7: {  	[sflag:s17] =	ssyncadd.s32 $0xFFFFFFB0  }
0xf8: {  	[tilespmem:s19], [sflag:$0x3] =	stream.indirect.gather [hbm4b:s6+s18], $0x80, s3, s18, $0xb8;
	[tilespmem:$0x1F800] =	vst v63  }
0xf9: {  	_ = 	snop  }
0xfa: {  	[tilespmem:s20], [sflag:$0x3] =	stream.indirect.gather [hbm4b:s6+s18], $0x80, s18, s18, $0xb8;
	[tilespmem:$0x1F800] =	vst v63  }
0xfb: {  	_ =	swait.ge [sflag:s26], $0x2800  }
0xfc: {  	[sflag:s26] =	ssyncset.done $0x0  }
0xfd: {  	[sflag:s26] =	ssyncadd.s32 $0xFFFFD800  }
0xfe: {  	_ =	swait.ge [sflag:s26], $0x2800  }
0xff: {  	[sflag:s26] =	ssyncset.done $0x0  }
0x100: {  	[sflag:s26] =	ssyncadd.s32 $0xFFFFD800  }
0x101: {  	[spmem:s1] =	stream.indirect.scatter.add.f32 [tilespmem:s8], [sflag:$0x5], $0x80, s14, s18, $0xb8;
	[tilespmem:$0x1F800] =	vst v63  }
0x102: {  	_ =	swait.ge [sflag:s10], $0x2800  }
0x103: {  	[sflag:s10] =	ssyncset.done $0x0  }
0x104: {  	[sflag:s10] =	ssyncadd.s32 $0xFFFFD800  }
0x105: {  	[spmem:s1] =	stream.indirect.scatter.add.f32 [tilespmem:s23], [sflag:$0x5], $0x80, s15, s18, $0xb8;
	[tilespmem:$0x1F800] =	vst v63  }
0x106: {  	_ =	swait.ge [sflag:s10], $0x2800  }
0x107: {  	p0 =	sne.s32 s29, $0x488;
	s29 =	sadd.s32 $0x28, s29;
	s0 =	rddreg [dreg:$0x4]  }
.Ltmp1:
0x108: {  	s2 =	rddreg [dreg:$0x3];
	[sflag:s10] =	ssyncset.done $0x0;
	(pc) =	sbr.rel @p0 .LBB2_4-.Ltmp1, $4  }
0x109: {  	s7 =	rddreg [dreg:$0x5];
	[sflag:s10] =	ssyncadd.s32 $0xFFFFD800;
	s0 =	sadd.s32 s31, s0  }
0x10a: {  	[tilespmem:s13], [sflag:$0x2] =	stream.linear.gather [hbm4b:s0+s3], $0xA0, $0x38;
	[tilespmem:$0x1F800] =	vst v63  }
0x10b: {  	s30 =	sadd.s32 $0x140, s30;
	s2 =	sadd.s32 s31, s2;
	s31 =	sadd.s32 s31, s7  }
0x10c: {  	[tilespmem:s14], [sflag:$0x2] =	stream.linear.gather [hbm4b:s2+s3], $0x50, $0x38;
	[tilespmem:$0x1F800] =	vst v63  }
0x10d: {  	[tilespmem:s15], [sflag:$0x2] =	stream.linear.gather [hbm4b:s31+s3], $0x50, $0x38;
	[tilespmem:$0x1F800] =	vst v63  }
0x10e: {  	_ =	swait.ge [sflag:s21], $0xA0  }
0x10f: {  	[sflag:s21] =	ssyncset.done $0x0  }
0x110: {  	[sflag:s21] =	ssyncadd.s32 $0xFFFFFF60  }
0x111: {  	_ =	swait.ge [sflag:s21], $0x50  }
0x112: {  	[sflag:s21] =	ssyncset.done $0x0  }
0x113: {  	[sflag:s21] =	ssyncadd.s32 $0xFFFFFFB0  }
0x114: {  	_ =	swait.ge [sflag:s21], $0x50  }
0x115: {  	[sflag:s21] =	ssyncset.done $0x0  }
0x116: {  	[sflag:s21] =	ssyncadd.s32 $0xFFFFFFB0  }
0x117: {  	[tilespmem:s8], [sflag:$0x4] =	stream.indirect.gather [hbm4b:s6+s18], $0x80, s13, s18, $0xb8;
	[tilespmem:$0x1F800] =	vst v63  }
0x118: {  	_ = 	snop  }
0x119: {  	[tilespmem:s23], [sflag:$0x4] =	stream.indirect.gather [hbm4b:s6+s18], $0x80, s22, s18, $0xb8;
	[tilespmem:$0x1F800] =	vst v63  }
0x11a: {  	_ =	swait.ge [sflag:s24], $0x2800  }
0x11b: {  	[sflag:s24] =	ssyncset.done $0x0  }
0x11c: {  	[sflag:s24] =	ssyncadd.s32 $0xFFFFD800  }
0x11d: {  	_ =	swait.ge [sflag:s24], $0x2800  }
0x11e: {  	[sflag:s24] =	ssyncset.done $0x0  }
0x11f: {  	[sflag:s24] =	ssyncadd.s32 $0xFFFFD800  }
0x120: {  	[spmem:s1] =	stream.indirect.scatter.add.f32 [tilespmem:s19], [sflag:$0x5], $0x80, s11, s18, $0xb8;
	[tilespmem:$0x1F800] =	vst v63  }
0x121: {  	_ =	swait.ge [sflag:s10], $0x2800  }
0x122: {  	[sflag:s10] =	ssyncset.done $0x0  }
0x123: {  	[sflag:s10] =	ssyncadd.s32 $0xFFFFD800  }
0x124: {  	[spmem:s1] =	stream.indirect.scatter.add.f32 [tilespmem:s20], [sflag:$0x5], $0x80, s12, s18, $0xb8;
	[tilespmem:$0x1F800] =	vst v63  }
0x125: {  	_ =	swait.ge [sflag:s10], $0x2800  }
0x126: {  	[sflag:s10] =	ssyncset.done $0x0  }
0x127: {  	[sflag:s10] =	ssyncadd.s32 $0xFFFFD800  }
0x128: {  	_ =	swait.ge [sflag:s26], $0x2800  }
0x129: {  	[sflag:s26] =	ssyncset.done $0x0  }
0x12a: {  	[sflag:s26] =	ssyncadd.s32 $0xFFFFD800  }
0x12b: {  	_ =	swait.ge [sflag:s26], $0x2800  }
0x12c: {  	[sflag:s26] =	ssyncset.done $0x0  }
0x12d: {  	[sflag:s26] =	ssyncadd.s32 $0xFFFFD800  }
0x12e: {  	[spmem:s1] =	stream.indirect.scatter.add.f32 [tilespmem:s8], [sflag:$0x5], $0x80, s14, s18, $0xb8;
	[tilespmem:$0x1F800] =	vst v63  }
0x12f: {  	_ =	swait.ge [sflag:s10], $0x2800  }
0x130: {  	[sflag:s10] =	ssyncset.done $0x0  }
0x131: {  	[sflag:s10] =	ssyncadd.s32 $0xFFFFD800  }
0x132: {  	[spmem:s1] =	stream.indirect.scatter.add.f32 [tilespmem:s23], [sflag:$0x5], $0x80, s15, s18, $0xb8;
	[tilespmem:$0x1F800] =	vst v63  }
0x133: {  	_ =	swait.ge [sflag:s10], $0x2800  }
0x134: {  	[sflag:s10] =	ssyncset.done $0x0  }
0x135: {  	s0 =	rddreg [dreg:$0xd];
	[sflag:s10] =	ssyncadd.s32 $0xFFFFD800  }
0x136: {  	[tilespmem:s3], [sflag:$0x5] =	stream.linear.gather [hbm4b:s0+s3], $0x50, $0x38;
	[tilespmem:$0x1F800] =	vst v63  }
0x137: {  	_ =	swait.ge [sflag:s10], $0x50  }
0x138: {  	[sflag:s10] =	ssyncset.done $0x0  }
0x139: {  	s29 =	rddreg [dreg:$0xe];
	[sflag:s10] =	ssyncadd.s32 $0xFFFFFFB0  }
0x13a: {  	[tilespmem:s11], [sflag:$0x5] =	stream.linear.gather [hbm4b:s29+s3], $0x50, $0x38;
	[tilespmem:$0x1F800] =	vst v63  }
0x13b: {  	_ =	swait.ge [sflag:s10], $0x50  }
0x13c: {  	[sflag:s10] =	ssyncset.done $0x0  }
0x13d: {  	[sflag:s10] =	ssyncadd.s32 $0xFFFFFFB0  }
0x13e: {  	[tilespmem:s19], [sflag:$0x5] =	stream.indirect.gather [hbm4b:s6+s18], $0x80, s3, s18, $0xb8;
	[tilespmem:$0x1F800] =	vst v63  }
0x13f: {  	_ =	swait.ge [sflag:s10], $0x2800  }
0x140: {  	[sflag:s10] =	ssyncset.done $0x0  }
0x141: {  	[sflag:s10] =	ssyncadd.s32 $0xFFFFD800  }
0x142: {  	[spmem:s1] =	stream.indirect.scatter.add.f32 [tilespmem:s19], [sflag:$0x5], $0x80, s11, s18, $0xb8;
	[tilespmem:$0x1F800] =	vst v63  }
0x143: {  	_ =	swait.ge [sflag:s10], $0x2800  }
0x144: {  	[sflag:s10] =	ssyncset.done $0x0  }
0x145: {  	s30 =	stileid.u32;
	[sflag:s10] =	ssyncadd.s32 $0xFFFFD800  }
0x146: {  	s0 =	sshll.u32 s30, $0x6;
	[bflag:$0x0] =	sbarrier.arrive $0xFFFF  }
0x147: {  	s2 =	sshrl.u32 s16, $0x3;
	s0 =	sor.u32 $0x1C05, s0;
	s7 =	rddreg [dreg:$0xf]  }
0x148: {  	[hbm:s7], [sflag:s0] =	dma.local [spmem:s2], $0x2800  }
0x149: {  	_ =	swait.ge [sflag:s10], $0x2800  }
0x14a: {  	s28 =	sadd.s32 $0x1, s28;
	s31 =	rddreg [dreg:$0x10]  }
0x14b: {  	p0 =	sne.s32 s28, s31  }
.Ltmp2:
0x14c: {  	_ = 	snop;
	(pc) =	sbr.rel @p0 .LBB2_1-.Ltmp2, $3  }
0x14d: {  	_ =	sdelay $0x1  }
0x14e: {  	[sflag:s10] =	ssyncset.done $0x0  }
0x14f: {  	[sflag:s10] =	ssyncadd.s32 $0xFFFFD800  }
0x150: {  	_ =	sfence.sel $0x180000  }
0x151: {  	[bflag:$0x0] =	sbarrier.arrive $0xFFFF  }
0x152: {  	_ =	strace $0x90000050  }
0x153: {  	s0 =	stileid.u32;
	[bflag:$0x2] =	sbarrier.arrive $0xFFFF  }
0x154: {  	p0 =	sne.s32 s0, $0x0;
	s0 =	rddreg [dreg:$0x2]  }
0x155: {  	s0 =	sadd.s32 @!p0 $0x100000, s0  }
0x156: {  	[sflag:s0] =	ssyncadd.tile.s32 @!p0 $0x1;
	_ =	shalt  }
.Lfunc_end2:
_tile_overlayer_lowered:
.L_overlay_start_2:
0x157: {  	(tag) =	ssettag $0x2  }
0x158: {  	s0 =	rddreg [dreg:$0x0];
	s2 =	stileid.u32  }
0x159: {  	s1 =	rddreg [dreg:$0x1];
	p0 =	sne.s32 s2, $0x0  }
0x15a: {  	s3 =	rddreg [dreg:$0x2];
	[bflag:$0x3] =	sbarrier.arrive $0xFFFF;
	s2 =	simm.s32 @!p0 $0x1C05  }
0x15b: {  	[timem:s3], [sflag:s2] =	dma.local @!p0 [hbm:s0], s1  }
0x15c: {  	s0 =	simm.s32 @!p0 $0x5  }
0x15d: {  	_ =	swait.ge @!p0 [sflag:s0], s1  }
0x15e: {  	s1 =	ssub.s32 @!p0 $0x0, s1;
	[sflag:s0] =	ssyncset.done @!p0 $0x0  }
0x15f: {  	[sflag:s0] =	ssyncadd.s32 @!p0 s1  }
0x160: {  	[bflag:$0x3] =	sbarrier.arrive $0xFFFF  }
0x161: {  	_ =	shalt  }

</sc_bundles>
